<compile_context>
chip_gen: v7x
topology: tpu7x:2x2x1
jax: 0.10.2.dev20260603
libtpu: 0.0.44.dev20260713+nightly
codegen_flags: <defaults>
</compile_context>

<pallas_src>
import functools

import jax
import jax.numpy as jnp
from jax import lax
from jax.experimental import pallas as pl
from jax.experimental.pallas import tpu as pltpu
from jax.experimental.pallas import tpu_sc as plsc

VOCAB = 1000000
EMBED_DIM = 32
BATCH = 16384
HIST = 50
B = BATCH * HIST

NUM_CORES = 2
NUM_SUBCORES = 16
NW = NUM_CORES * NUM_SUBCORES
BPW = B // NW

CHUNK = 1024
NCHUNK = BPW // CHUNK

_mesh = plsc.VectorSubcoreMesh(core_axis_name="c", subcore_axis_name="s")


@functools.partial(
    pl.kernel,
    out_type=jax.ShapeDtypeStruct((B // 4, 4, EMBED_DIM), jnp.float32),
    mesh=_mesh,
    scratch_types=[
        pltpu.VMEM((BPW,), jnp.int32),
        [pltpu.VMEM((CHUNK, EMBED_DIM), jnp.float32) for _ in range(2)],
        [pltpu.SemaphoreType.DMA for _ in range(2)],
        [pltpu.SemaphoreType.DMA for _ in range(2)],
    ],
    compiler_params=pltpu.CompilerParams(use_tc_tiling_on_sc=False),
)
def _sc_gather(idx_hbm, table_hbm, out_hbm, idx_v, rows, gsem, wsem):
    wid = lax.axis_index("s") * NUM_CORES + lax.axis_index("c")
    base = wid * BPW

    pltpu.sync_copy(idx_hbm.at[pl.ds(base, BPW)], idx_v)

    def out_slice(c):
        run = wid * NCHUNK + c
        return out_hbm.at[pl.ds((run // 4) * CHUNK, CHUNK), run % 4]

    def fire_gather(c):
        p = c % 2
        pltpu.async_copy(
            table_hbm.at[idx_v.at[pl.ds(c * CHUNK, CHUNK)]], rows[p], gsem[p])

    def wait_gather(c):
        p = c % 2
        pltpu.make_async_copy(
            table_hbm.at[idx_v.at[pl.ds(c * CHUNK, CHUNK)]], rows[p],
            gsem[p]).wait()

    def fire_write(c):
        p = c % 2
        pltpu.async_copy(rows[p], out_slice(c), wsem[p])

    def wait_write(c):
        p = c % 2
        pltpu.make_async_copy(rows[p], out_slice(c), wsem[p]).wait()

    fire_gather(0)
    fire_gather(1)
    for c in range(NCHUNK):
        wait_gather(c)
        fire_write(c)
        if c + 2 < NCHUNK:
            wait_write(c)
            fire_gather(c + 2)
    wait_write(NCHUNK - 2)
    wait_write(NCHUNK - 1)


GB = 4096
GR = GB // 4


def _tc_relayout_kernel(x_ref, out_ref):
    x = x_ref[...].reshape(GR, 128)
    y = x.T
    for q in range(4):
        z = y[32 * q:32 * (q + 1), :]
        for t in range(GR // 128):
            out_ref[0, :, (GR // 128) * q + t, :, :] = (
                z[:, 128 * t:128 * (t + 1)].reshape(4, 8, 128))


_tc_relayout = pl.pallas_call(
    _tc_relayout_kernel,
    grid=(HIST, BATCH // GB),
    in_specs=[pl.BlockSpec((GB * EMBED_DIM,),
                           lambda h, g: ((BATCH // GB) * h + g,))],
    out_specs=pl.BlockSpec((1, 4, GB // 128, 8, 128),
                           lambda h, g: (h, 0, g, 0, 0)),
    out_shape=jax.ShapeDtypeStruct((HIST, 4, BATCH // 128, 8, 128),
                                   jnp.float32),
)


TVB = 8192
TGRID = pl.cdiv(VOCAB, TVB)
VOCAB_P = TGRID * TVB


def _tc_table_kernel(x_ref, o_ref):
    y = x_ref[...].T
    o_ref[...] = jnp.concatenate(
        [y[2048 * j:2048 * (j + 1), :] for j in range(4)], axis=1)


_tc_table = pl.pallas_call(
    _tc_table_kernel,
    grid=(TGRID,),
    in_specs=[pl.BlockSpec((EMBED_DIM, TVB), lambda g: (0, g))],
    out_specs=pl.BlockSpec((TVB // 4, 128), lambda g: (g, 0)),
    out_shape=jax.ShapeDtypeStruct((VOCAB_P // 4, 128), jnp.float32),
)


def kernel(input, table):
    v = input
    vr = (v & -8192) + ((v & 2047) * 4) + ((v & 8191) // 2048)
    idx = vr.T.reshape(-1)
    tbl = _tc_table(table.T).reshape(VOCAB_P, EMBED_DIM)
    inter = _sc_gather(idx, tbl)
    out5 = _tc_relayout(inter.reshape(-1))
    return out5.transpose(2, 4, 0, 1, 3).reshape(BATCH, HIST, EMBED_DIM)

# --- scband reference (transcript-rebuilt; emitter-appended) ---
"""Pipeline reference for scband-smallfry-embedding-87162066305578 (READ-ONLY COPY).

The authoritative reference and input builder live on the scoring server;
editing this copy changes nothing except your own understanding.
"""

import jax, jax.numpy as jnp
import numpy as np

VOCAB = 1000000
EMBED_DIM = 32
BATCH = 16384
HIST = 50

def setup_inputs(seed: int = 0) -> dict:
    key = jax.random.key(seed)
    k_idx, k_tab = jax.random.split(key)
    indices = jax.random.randint(k_idx, (BATCH, HIST), 0, VOCAB, dtype=jnp.int64 if jax.config.jax_enable_x64 else jnp.int32)
    # 'table' models the decoded output of the compressed Smallfry codebook:
    # sfry.decode(idx) is functionally equivalent to a dense embedding lookup.
    table = jax.random.normal(k_tab, (VOCAB, EMBED_DIM), dtype=jnp.float32) * 0.05
    return {"input": indices, "table": table}

def reference(input, table):
    # SmallfryEmbedding.forward: decode(indices) -> per-index embedding rows.
    # Faithful functional equivalent: row gather from the (decoded) table.
    return jnp.take(table, input, axis=0)

if __name__ == "__main__":
    import jax
    _d = setup_inputs()
    print(jax.jit(kernel)(*tuple(_d.values())))

</pallas_src>

<mosaic_0001>
#map = affine_map<(d0, d1) -> (0)>
#map1 = affine_map<(d0, d1) -> (0, 0)>
#map2 = affine_map<(d0, d1) -> (0, 0, 0)>
module attributes {stable_mosaic.version = 14 : i64} {
  func.func @_sc_gather(%arg0: i32, %arg1: i32, %arg2: memref<819200xi32, #tpu.memory_space<hbm>>, %arg3: memref<1007616x32xf32, #tpu.memory_space<hbm>>, %arg4: memref<204800x4x32xf32, #tpu.memory_space<hbm>>, %arg5: memref<25600xi32, #tpu.memory_space<vmem>>, %arg6: memref<1024x32xf32, #tpu.memory_space<vmem>>, %arg7: memref<1024x32xf32, #tpu.memory_space<vmem>>, %arg8: memref<!tpu.dma_semaphore, #tpu.memory_space<semaphore_mem>>, %arg9: memref<!tpu.dma_semaphore, #tpu.memory_space<semaphore_mem>>, %arg10: memref<!tpu.dma_semaphore, #tpu.memory_space<semaphore_mem>>, %arg11: memref<!tpu.dma_semaphore, #tpu.memory_space<semaphore_mem>>) attributes {dimension_semantics = [#tpu.dimension_semantics<core_parallel>, #tpu.dimension_semantics<subcore_parallel>], iteration_bounds = array<i64: 2, 16>, scalar_prefetch = 0 : i64, scratch_operands = 7 : i64, tpu.core_type = #tpu.core_type<sc_vector_subcore>, window_params = [{transform_indices = #map}, {transform_indices = #map1}, {transform_indices = #map2}]} {
    %mul3A = arith.constant 2 : i32
    %mul3A_0 = arith.muli %arg1, %mul3A : i32
    %add3A = arith.addi %mul3A_0, %arg0 : i32
    %mul3A_1 = arith.constant 25600 : i32
    %mul3A_2 = arith.muli %add3A, %mul3A_1 : i32
    "tpu.region"() ({
      %run_scoped3A = tpu.sem_alloc : memref<!tpu.dma_semaphore, #tpu.memory_space<semaphore_mem>>
      %dma_start3A_2841 = tpu.memref_slice %arg2[%mul3A_2] : memref<819200xi32, #tpu.memory_space<hbm>> -> memref<25600xi32, #tpu.memory_space<hbm>>
      %dma_start3A_2842 = tpu.memref_slice %arg2[%mul3A_2] : memref<819200xi32, #tpu.memory_space<hbm>> -> memref<25600xi32, #tpu.memory_space<hbm>>
      tpu.enqueue_dma source(%dma_start3A_2842 : memref<25600xi32, #tpu.memory_space<hbm>>) target(%arg5 : memref<25600xi32, #tpu.memory_space<vmem>>) target_semaphore(%run_scoped3A : memref<!tpu.dma_semaphore, #tpu.memory_space<semaphore_mem>>)
      %dma_wait3A_2843 = tpu.memref_slice %arg2[%mul3A_2] : memref<819200xi32, #tpu.memory_space<hbm>> -> memref<25600xi32, #tpu.memory_space<hbm>>
      %dma_wait3A_2844 = tpu.memref_slice %arg2[%mul3A_2] : memref<819200xi32, #tpu.memory_space<hbm>> -> memref<25600xi32, #tpu.memory_space<hbm>>
      tpu.wait_dma2 semaphore(%run_scoped3A : memref<!tpu.dma_semaphore, #tpu.memory_space<semaphore_mem>>) src(%dma_wait3A_2844 : memref<25600xi32, #tpu.memory_space<hbm>>) dst(%arg5 : memref<25600xi32, #tpu.memory_space<vmem>>)
      tpu.yield
    }) : () -> ()
    %dma_start3A = arith.constant 0 : i32
    %dma_start3A_3 = tpu.memref_slice %arg5[%dma_start3A] : memref<25600xi32, #tpu.memory_space<vmem>> -> memref<1024xi32, #tpu.memory_space<vmem>>
    %dma_start3A_4 = arith.constant 0 : i32
    %dma_start3A_5 = arith.constant 0 : i32
    %dma_start3A_6 = tpu.memref_slice %arg3[%dma_start3A_4, %dma_start3A_5] : memref<1007616x32xf32, #tpu.memory_space<hbm>> -> memref<1007616x32xf32, #tpu.memory_space<hbm>>
    tpu.enqueue_indirect_dma source(%dma_start3A_6 : memref<1007616x32xf32, #tpu.memory_space<hbm>>) target(%arg6 : memref<1024x32xf32, #tpu.memory_space<vmem>>) offsets(%dma_start3A_3 : memref<1024xi32, #tpu.memory_space<vmem>>) semaphore(%arg8 : memref<!tpu.dma_semaphore, #tpu.memory_space<semaphore_mem>>)
    %dma_start3A_7 = arith.constant 1024 : i32
    %dma_start3A_8 = tpu.memref_slice %arg5[%dma_start3A_7] : memref<25600xi32, #tpu.memory_space<vmem>> -> memref<1024xi32, #tpu.memory_space<vmem>>
    %dma_start3A_9 = arith.constant 0 : i32
    %dma_start3A_10 = arith.constant 0 : i32
    %dma_start3A_11 = tpu.memref_slice %arg3[%dma_start3A_9, %dma_start3A_10] : memref<1007616x32xf32, #tpu.memory_space<hbm>> -> memref<1007616x32xf32, #tpu.memory_space<hbm>>
    tpu.enqueue_indirect_dma source(%dma_start3A_11 : memref<1007616x32xf32, #tpu.memory_space<hbm>>) target(%arg7 : memref<1024x32xf32, #tpu.memory_space<vmem>>) offsets(%dma_start3A_8 : memref<1024xi32, #tpu.memory_space<vmem>>) semaphore(%arg9 : memref<!tpu.dma_semaphore, #tpu.memory_space<semaphore_mem>>)
    %dma_wait3A = arith.constant 0 : i32
    %dma_wait3A_12 = tpu.memref_slice %arg5[%dma_wait3A] : memref<25600xi32, #tpu.memory_space<vmem>> -> memref<1024xi32, #tpu.memory_space<vmem>>
    %dma_wait3A_13 = arith.constant 0 : i32
    %dma_wait3A_14 = arith.constant 0 : i32
    %dma_wait3A_15 = tpu.memref_slice %arg3[%dma_wait3A_13, %dma_wait3A_14] : memref<1007616x32xf32, #tpu.memory_space<hbm>> -> memref<1007616x32xf32, #tpu.memory_space<hbm>>
    tpu.wait_indirect_dma semaphore(%arg8 : memref<!tpu.dma_semaphore, #tpu.memory_space<semaphore_mem>>) src(%dma_wait3A_15 : memref<1007616x32xf32, #tpu.memory_space<hbm>>) dst(%arg6 : memref<1024x32xf32, #tpu.memory_space<vmem>>)
    %mul3A_16 = arith.constant 25 : i32
    %mul3A_17 = arith.muli %add3A, %mul3A_16 : i32
    %add3A_18 = arith.constant 0 : i32
    %add3A_19 = arith.addi %mul3A_17, %add3A_18 : i32
    %jit3A = arith.constant 4 : i32
    %div3A = arith.divsi %add3A_19, %jit3A : i32
    %sign3A = arith.constant 0 : i32
    %sign3A_20 = arith.cmpi sgt, %add3A_19, %sign3A : i32
    %sign3A_21 = arith.extui %sign3A_20 : i1 to i32
    %sign3A_22 = arith.constant 0 : i32
    %sign3A_23 = arith.cmpi slt, %add3A_19, %sign3A_22 : i32
    %sign3A_24 = arith.extui %sign3A_23 : i1 to i32
    %sign3A_25 = arith.subi %sign3A_21, %sign3A_24 : i32
    %sign3A_26 = arith.constant 0 : i32
    %sign3A_27 = arith.cmpi sgt, %jit3A, %sign3A_26 : i32
    %sign3A_28 = arith.extui %sign3A_27 : i1 to i32
    %sign3A_29 = arith.constant 0 : i32
    %sign3A_30 = arith.cmpi slt, %jit3A, %sign3A_29 : i32
    %sign3A_31 = arith.extui %sign3A_30 : i1 to i32
    %sign3A_32 = arith.subi %sign3A_28, %sign3A_31 : i32
    %ne3A = arith.cmpi ne, %sign3A_25, %sign3A_32 : i32
    %rem3A = arith.remsi %add3A_19, %jit3A : i32
    %ne3A_33 = arith.constant 0 : i32
    %ne3A_34 = arith.cmpi ne, %rem3A, %ne3A_33 : i32
    %and3A = arith.andi %ne3A, %ne3A_34 : i1
    %sub3A = arith.constant 1 : i32
    %sub3A_35 = arith.subi %div3A, %sub3A : i32
    %select_n3A = arith.select %and3A, %sub3A_35, %div3A : i32
    %mul3A_36 = arith.constant 1024 : i32
    %mul3A_37 = arith.muli %select_n3A, %mul3A_36 : i32
    %jit3A_38 = arith.constant 4 : i32
    %eq3A = arith.constant 0 : i32
    %eq3A_39 = arith.cmpi eq, %jit3A_38, %eq3A : i32
    %jit3A_40 = arith.constant 1 : i32
    %select_n3A_41 = arith.select %eq3A_39, %jit3A_40, %jit3A_38 : i32
    %rem3A_42 = arith.remsi %add3A_19, %select_n3A_41 : i32
    %ne3A_43 = arith.constant 0 : i32
    %ne3A_44 = arith.cmpi ne, %rem3A_42, %ne3A_43 : i32
    %lt3A = arith.constant 0 : i32
    %lt3A_45 = arith.cmpi slt, %rem3A_42, %lt3A : i32
    %lt3A_46 = arith.constant 0 : i32
    %lt3A_47 = arith.cmpi slt, %select_n3A_41, %lt3A_46 : i32
    %ne3A_48 = arith.xori %lt3A_45, %lt3A_47 : i1
    %and3A_49 = arith.andi %ne3A_48, %ne3A_44 : i1
    %add3A_50 = arith.addi %rem3A_42, %select_n3A_41 : i32
    %select_n3A_51 = arith.select %and3A_49, %add3A_50, %rem3A_42 : i32
    %dma_start3A_52 = arith.constant 0 : i32
    %dma_start3A_53 = tpu.memref_slice %arg4[%mul3A_37, %select_n3A_51, %dma_start3A_52] : memref<204800x4x32xf32, #tpu.memory_space<hbm>> -> memref<1024x1x32xf32, #tpu.memory_space<hbm>>
    %dma_start3A_54 = tpu.memref_squeeze %dma_start3A_53 : memref<1024x1x32xf32, #tpu.memory_space<hbm>> -> memref<1024x32xf32, #tpu.memory_space<hbm>>
    %dma_start3A_55 = arith.constant 0 : i32
    %dma_start3A_56 = tpu.memref_slice %arg4[%mul3A_37, %select_n3A_51, %dma_start3A_55] : memref<204800x4x32xf32, #tpu.memory_space<hbm>> -> memref<1024x1x32xf32, #tpu.memory_space<hbm>>
    %dma_start3A_57 = tpu.memref_squeeze %dma_start3A_56 : memref<1024x1x32xf32, #tpu.memory_space<hbm>> -> memref<1024x32xf32, #tpu.memory_space<hbm>>
    tpu.enqueue_dma source(%arg6 : memref<1024x32xf32, #tpu.memory_space<vmem>>) target(%dma_start3A_57 : memref<1024x32xf32, #tpu.memory_space<hbm>>) target_semaphore(%arg10 : memref<!tpu.dma_semaphore, #tpu.memory_space<semaphore_mem>>)
    %mul3A_58 = arith.constant 25 : i32
    %mul3A_59 = arith.muli %add3A, %mul3A_58 : i32
    %add3A_60 = arith.constant 0 : i32
    %add3A_61 = arith.addi %mul3A_59, %add3A_60 : i32
    %jit3A_62 = arith.constant 4 : i32
    %div3A_63 = arith.divsi %add3A_61, %jit3A_62 : i32
    %sign3A_64 = arith.constant 0 : i32
    %sign3A_65 = arith.cmpi sgt, %add3A_61, %sign3A_64 : i32
    %sign3A_66 = arith.extui %sign3A_65 : i1 to i32
    %sign3A_67 = arith.constant 0 : i32
    %sign3A_68 = arith.cmpi slt, %add3A_61, %sign3A_67 : i32
    %sign3A_69 = arith.extui %sign3A_68 : i1 to i32
    %sign3A_70 = arith.subi %sign3A_66, %sign3A_69 : i32
    %sign3A_71 = arith.constant 0 : i32
    %sign3A_72 = arith.cmpi sgt, %jit3A_62, %sign3A_71 : i32
    %sign3A_73 = arith.extui %sign3A_72 : i1 to i32
    %sign3A_74 = arith.constant 0 : i32
    %sign3A_75 = arith.cmpi slt, %jit3A_62, %sign3A_74 : i32
    %sign3A_76 = arith.extui %sign3A_75 : i1 to i32
    %sign3A_77 = arith.subi %sign3A_73, %sign3A_76 : i32
    %ne3A_78 = arith.cmpi ne, %sign3A_70, %sign3A_77 : i32
    %rem3A_79 = arith.remsi %add3A_61, %jit3A_62 : i32
    %ne3A_80 = arith.constant 0 : i32
    %ne3A_81 = arith.cmpi ne, %rem3A_79, %ne3A_80 : i32
    %and3A_82 = arith.andi %ne3A_78, %ne3A_81 : i1
    %sub3A_83 = arith.constant 1 : i32
    %sub3A_84 = arith.subi %div3A_63, %sub3A_83 : i32
    %select_n3A_85 = arith.select %and3A_82, %sub3A_84, %div3A_63 : i32
    %mul3A_86 = arith.constant 1024 : i32
    %mul3A_87 = arith.muli %select_n3A_85, %mul3A_86 : i32
    %jit3A_88 = arith.constant 4 : i32
    %eq3A_89 = arith.constant 0 : i32
    %eq3A_90 = arith.cmpi eq, %jit3A_88, %eq3A_89 : i32
    %jit3A_91 = arith.constant 1 : i32
    %select_n3A_92 = arith.select %eq3A_90, %jit3A_91, %jit3A_88 : i32
    %rem3A_93 = arith.remsi %add3A_61, %select_n3A_92 : i32
    %ne3A_94 = arith.constant 0 : i32
    %ne3A_95 = arith.cmpi ne, %rem3A_93, %ne3A_94 : i32
    %lt3A_96 = arith.constant 0 : i32
    %lt3A_97 = arith.cmpi slt, %rem3A_93, %lt3A_96 : i32
    %lt3A_98 = arith.constant 0 : i32
    %lt3A_99 = arith.cmpi slt, %select_n3A_92, %lt3A_98 : i32
    %ne3A_100 = arith.xori %lt3A_97, %lt3A_99 : i1
    %and3A_101 = arith.andi %ne3A_100, %ne3A_95 : i1
    %add3A_102 = arith.addi %rem3A_93, %select_n3A_92 : i32
    %select_n3A_103 = arith.select %and3A_101, %add3A_102, %rem3A_93 : i32
    %dma_wait3A_104 = arith.constant 0 : i32
    %dma_wait3A_105 = tpu.memref_slice %arg4[%mul3A_87, %select_n3A_103, %dma_wait3A_104] : memref<204800x4x32xf32, #tpu.memory_space<hbm>> -> memref<1024x1x32xf32, #tpu.memory_space<hbm>>
    %dma_wait3A_106 = tpu.memref_squeeze %dma_wait3A_105 : memref<1024x1x32xf32, #tpu.memory_space<hbm>> -> memref<1024x32xf32, #tpu.memory_space<hbm>>
    %dma_wait3A_107 = arith.constant 0 : i32
    %dma_wait3A_108 = tpu.memref_slice %arg4[%mul3A_87, %select_n3A_103, %dma_wait3A_107] : memref<204800x4x32xf32, #tpu.memory_space<hbm>> -> memref<1024x1x32xf32, #tpu.memory_space<hbm>>
    %dma_wait3A_109 = tpu.memref_squeeze %dma_wait3A_108 : memref<1024x1x32xf32, #tpu.memory_space<hbm>> -> memref<1024x32xf32, #tpu.memory_space<hbm>>
    tpu.wait_dma2 semaphore(%arg10 : memref<!tpu.dma_semaphore, #tpu.memory_space<semaphore_mem>>) src(%arg6 : memref<1024x32xf32, #tpu.memory_space<vmem>>) dst(%dma_wait3A_109 : memref<1024x32xf32, #tpu.memory_space<hbm>>)
    %dma_start3A_110 = arith.constant 2048 : i32
    %dma_start3A_111 = tpu.memref_slice %arg5[%dma_start3A_110] : memref<25600xi32, #tpu.memory_space<vmem>> -> memref<1024xi32, #tpu.memory_space<vmem>>
    %dma_start3A_112 = arith.constant 0 : i32
    %dma_start3A_113 = arith.constant 0 : i32
    %dma_start3A_114 = tpu.memref_slice %arg3[%dma_start3A_112, %dma_start3A_113] : memref<1007616x32xf32, #tpu.memory_space<hbm>> -> memref<1007616x32xf32, #tpu.memory_space<hbm>>
    tpu.enqueue_indirect_dma source(%dma_start3A_114 : memref<1007616x32xf32, #tpu.memory_space<hbm>>) target(%arg6 : memref<1024x32xf32, #tpu.memory_space<vmem>>) offsets(%dma_start3A_111 : memref<1024xi32, #tpu.memory_space<vmem>>) semaphore(%arg8 : memref<!tpu.dma_semaphore, #tpu.memory_space<semaphore_mem>>)
    %dma_wait3A_115 = arith.constant 1024 : i32
    %dma_wait3A_116 = tpu.memref_slice %arg5[%dma_wait3A_115] : memref<25600xi32, #tpu.memory_space<vmem>> -> memref<1024xi32, #tpu.memory_space<vmem>>
    %dma_wait3A_117 = arith.constant 0 : i32
    %dma_wait3A_118 = arith.constant 0 : i32
    %dma_wait3A_119 = tpu.memref_slice %arg3[%dma_wait3A_117, %dma_wait3A_118] : memref<1007616x32xf32, #tpu.memory_space<hbm>> -> memref<1007616x32xf32, #tpu.memory_space<hbm>>
    tpu.wait_indirect_dma semaphore(%arg9 : memref<!tpu.dma_semaphore, #tpu.memory_space<semaphore_mem>>) src(%dma_wait3A_119 : memref<1007616x32xf32, #tpu.memory_space<hbm>>) dst(%arg7 : memref<1024x32xf32, #tpu.memory_space<vmem>>)
    %mul3A_120 = arith.constant 25 : i32
    %mul3A_121 = arith.muli %add3A, %mul3A_120 : i32
    %add3A_122 = arith.constant 1 : i32
    %add3A_123 = arith.addi %mul3A_121, %add3A_122 : i32
    %jit3A_124 = arith.constant 4 : i32
    %div3A_125 = arith.divsi %add3A_123, %jit3A_124 : i32
    %sign3A_126 = arith.constant 0 : i32
    %sign3A_127 = arith.cmpi sgt, %add3A_123, %sign3A_126 : i32
    %sign3A_128 = arith.extui %sign3A_127 : i1 to i32
    %sign3A_129 = arith.constant 0 : i32
    %sign3A_130 = arith.cmpi slt, %add3A_123, %sign3A_129 : i32
    %sign3A_131 = arith.extui %sign3A_130 : i1 to i32
    %sign3A_132 = arith.subi %sign3A_128, %sign3A_131 : i32
    %sign3A_133 = arith.constant 0 : i32
    %sign3A_134 = arith.cmpi sgt, %jit3A_124, %sign3A_133 : i32
    %sign3A_135 = arith.extui %sign3A_134 : i1 to i32
    %sign3A_136 = arith.constant 0 : i32
    %sign3A_137 = arith.cmpi slt, %jit3A_124, %sign3A_136 : i32
    %sign3A_138 = arith.extui %sign3A_137 : i1 to i32
    %sign3A_139 = arith.subi %sign3A_135, %sign3A_138 : i32
    %ne3A_140 = arith.cmpi ne, %sign3A_132, %sign3A_139 : i32
    %rem3A_141 = arith.remsi %add3A_123, %jit3A_124 : i32
    %ne3A_142 = arith.constant 0 : i32
    %ne3A_143 = arith.cmpi ne, %rem3A_141, %ne3A_142 : i32
    %and3A_144 = arith.andi %ne3A_140, %ne3A_143 : i1
    %sub3A_145 = arith.constant 1 : i32
    %sub3A_146 = arith.subi %div3A_125, %sub3A_145 : i32
    %select_n3A_147 = arith.select %and3A_144, %sub3A_146, %div3A_125 : i32
    %mul3A_148 = arith.constant 1024 : i32
    %mul3A_149 = arith.muli %select_n3A_147, %mul3A_148 : i32
    %jit3A_150 = arith.constant 4 : i32
    %eq3A_151 = arith.constant 0 : i32
    %eq3A_152 = arith.cmpi eq, %jit3A_150, %eq3A_151 : i32
    %jit3A_153 = arith.constant 1 : i32
    %select_n3A_154 = arith.select %eq3A_152, %jit3A_153, %jit3A_150 : i32
    %rem3A_155 = arith.remsi %add3A_123, %select_n3A_154 : i32
    %ne3A_156 = arith.constant 0 : i32
    %ne3A_157 = arith.cmpi ne, %rem3A_155, %ne3A_156 : i32
    %lt3A_158 = arith.constant 0 : i32
    %lt3A_159 = arith.cmpi slt, %rem3A_155, %lt3A_158 : i32
    %lt3A_160 = arith.constant 0 : i32
    %lt3A_161 = arith.cmpi slt, %select_n3A_154, %lt3A_160 : i32
    %ne3A_162 = arith.xori %lt3A_159, %lt3A_161 : i1
    %and3A_163 = arith.andi %ne3A_162, %ne3A_157 : i1
    %add3A_164 = arith.addi %rem3A_155, %select_n3A_154 : i32
    %select_n3A_165 = arith.select %and3A_163, %add3A_164, %rem3A_155 : i32
    %dma_start3A_166 = arith.constant 0 : i32
    %dma_start3A_167 = tpu.memref_slice %arg4[%mul3A_149, %select_n3A_165, %dma_start3A_166] : memref<204800x4x32xf32, #tpu.memory_space<hbm>> -> memref<1024x1x32xf32, #tpu.memory_space<hbm>>
    %dma_start3A_168 = tpu.memref_squeeze %dma_start3A_167 : memref<1024x1x32xf32, #tpu.memory_space<hbm>> -> memref<1024x32xf32, #tpu.memory_space<hbm>>
    %dma_start3A_169 = arith.constant 0 : i32
    %dma_start3A_170 = tpu.memref_slice %arg4[%mul3A_149, %select_n3A_165, %dma_start3A_169] : memref<204800x4x32xf32, #tpu.memory_space<hbm>> -> memref<1024x1x32xf32, #tpu.memory_space<hbm>>
    %dma_start3A_171 = tpu.memref_squeeze %dma_start3A_170 : memref<1024x1x32xf32, #tpu.memory_space<hbm>> -> memref<1024x32xf32, #tpu.memory_space<hbm>>
    tpu.enqueue_dma source(%arg7 : memref<1024x32xf32, #tpu.memory_space<vmem>>) target(%dma_start3A_171 : memref<1024x32xf32, #tpu.memory_space<hbm>>) target_semaphore(%arg11 : memref<!tpu.dma_semaphore, #tpu.memory_space<semaphore_mem>>)
    %mul3A_172 = arith.constant 25 : i32
    %mul3A_173 = arith.muli %add3A, %mul3A_172 : i32
    %add3A_174 = arith.constant 1 : i32
    %add3A_175 = arith.addi %mul3A_173, %add3A_174 : i32
    %jit3A_176 = arith.constant 4 : i32
    %div3A_177 = arith.divsi %add3A_175, %jit3A_176 : i32
    %sign3A_178 = arith.constant 0 : i32
    %sign3A_179 = arith.cmpi sgt, %add3A_175, %sign3A_178 : i32
    %sign3A_180 = arith.extui %sign3A_179 : i1 to i32
    %sign3A_181 = arith.constant 0 : i32
    %sign3A_182 = arith.cmpi slt, %add3A_175, %sign3A_181 : i32
    %sign3A_183 = arith.extui %sign3A_182 : i1 to i32
    %sign3A_184 = arith.subi %sign3A_180, %sign3A_183 : i32
    %sign3A_185 = arith.constant 0 : i32
    %sign3A_186 = arith.cmpi sgt, %jit3A_176, %sign3A_185 : i32
    %sign3A_187 = arith.extui %sign3A_186 : i1 to i32
    %sign3A_188 = arith.constant 0 : i32
    %sign3A_189 = arith.cmpi slt, %jit3A_176, %sign3A_188 : i32
    %sign3A_190 = arith.extui %sign3A_189 : i1 to i32
    %sign3A_191 = arith.subi %sign3A_187, %sign3A_190 : i32
    %ne3A_192 = arith.cmpi ne, %sign3A_184, %sign3A_191 : i32
    %rem3A_193 = arith.remsi %add3A_175, %jit3A_176 : i32
    %ne3A_194 = arith.constant 0 : i32
    %ne3A_195 = arith.cmpi ne, %rem3A_193, %ne3A_194 : i32
    %and3A_196 = arith.andi %ne3A_192, %ne3A_195 : i1
    %sub3A_197 = arith.constant 1 : i32
    %sub3A_198 = arith.subi %div3A_177, %sub3A_197 : i32
    %select_n3A_199 = arith.select %and3A_196, %sub3A_198, %div3A_177 : i32
    %mul3A_200 = arith.constant 1024 : i32
    %mul3A_201 = arith.muli %select_n3A_199, %mul3A_200 : i32
    %jit3A_202 = arith.constant 4 : i32
    %eq3A_203 = arith.constant 0 : i32
    %eq3A_204 = arith.cmpi eq, %jit3A_202, %eq3A_203 : i32
    %jit3A_205 = arith.constant 1 : i32
    %select_n3A_206 = arith.select %eq3A_204, %jit3A_205, %jit3A_202 : i32
    %rem3A_207 = arith.remsi %add3A_175, %select_n3A_206 : i32
    %ne3A_208 = arith.constant 0 : i32
    %ne3A_209 = arith.cmpi ne, %rem3A_207, %ne3A_208 : i32
    %lt3A_210 = arith.constant 0 : i32
    %lt3A_211 = arith.cmpi slt, %rem3A_207, %lt3A_210 : i32
    %lt3A_212 = arith.constant 0 : i32
    %lt3A_213 = arith.cmpi slt, %select_n3A_206, %lt3A_212 : i32
    %ne3A_214 = arith.xori %lt3A_211, %lt3A_213 : i1
    %and3A_215 = arith.andi %ne3A_214, %ne3A_209 : i1
    %add3A_216 = arith.addi %rem3A_207, %select_n3A_206 : i32
    %select_n3A_217 = arith.select %and3A_215, %add3A_216, %rem3A_207 : i32
    %dma_wait3A_218 = arith.constant 0 : i32
    %dma_wait3A_219 = tpu.memref_slice %arg4[%mul3A_201, %select_n3A_217, %dma_wait3A_218] : memref<204800x4x32xf32, #tpu.memory_space<hbm>> -> memref<1024x1x32xf32, #tpu.memory_space<hbm>>
    %dma_wait3A_220 = tpu.memref_squeeze %dma_wait3A_219 : memref<1024x1x32xf32, #tpu.memory_space<hbm>> -> memref<1024x32xf32, #tpu.memory_space<hbm>>
    %dma_wait3A_221 = arith.constant 0 : i32
    %dma_wait3A_222 = tpu.memref_slice %arg4[%mul3A_201, %select_n3A_217, %dma_wait3A_221] : memref<204800x4x32xf32, #tpu.memory_space<hbm>> -> memref<1024x1x32xf32, #tpu.memory_space<hbm>>
    %dma_wait3A_223 = tpu.memref_squeeze %dma_wait3A_222 : memref<1024x1x32xf32, #tpu.memory_space<hbm>> -> memref<1024x32xf32, #tpu.memory_space<hbm>>
    tpu.wait_dma2 semaphore(%arg11 : memref<!tpu.dma_semaphore, #tpu.memory_space<semaphore_mem>>) src(%arg7 : memref<1024x32xf32, #tpu.memory_space<vmem>>) dst(%dma_wait3A_223 : memref<1024x32xf32, #tpu.memory_space<hbm>>)
    %dma_start3A_224 = arith.constant 3072 : i32
    %dma_start3A_225 = tpu.memref_slice %arg5[%dma_start3A_224] : memref<25600xi32, #tpu.memory_space<vmem>> -> memref<1024xi32, #tpu.memory_space<vmem>>
    %dma_start3A_226 = arith.constant 0 : i32
    %dma_start3A_227 = arith.constant 0 : i32
    %dma_start3A_228 = tpu.memref_slice %arg3[%dma_start3A_226, %dma_start3A_227] : memref<1007616x32xf32, #tpu.memory_space<hbm>> -> memref<1007616x32xf32, #tpu.memory_space<hbm>>
    tpu.enqueue_indirect_dma source(%dma_start3A_228 : memref<1007616x32xf32, #tpu.memory_space<hbm>>) target(%arg7 : memref<1024x32xf32, #tpu.memory_space<vmem>>) offsets(%dma_start3A_225 : memref<1024xi32, #tpu.memory_space<vmem>>) semaphore(%arg9 : memref<!tpu.dma_semaphore, #tpu.memory_space<semaphore_mem>>)
    %dma_wait3A_229 = arith.constant 2048 : i32
    %dma_wait3A_230 = tpu.memref_slice %arg5[%dma_wait3A_229] : memref<25600xi32, #tpu.memory_space<vmem>> -> memref<1024xi32, #tpu.memory_space<vmem>>
    %dma_wait3A_231 = arith.constant 0 : i32
    %dma_wait3A_232 = arith.constant 0 : i32
    %dma_wait3A_233 = tpu.memref_slice %arg3[%dma_wait3A_231, %dma_wait3A_232] : memref<1007616x32xf32, #tpu.memory_space<hbm>> -> memref<1007616x32xf32, #tpu.memory_space<hbm>>
    tpu.wait_indirect_dma semaphore(%arg8 : memref<!tpu.dma_semaphore, #tpu.memory_space<semaphore_mem>>) src(%dma_wait3A_233 : memref<1007616x32xf32, #tpu.memory_space<hbm>>) dst(%arg6 : memref<1024x32xf32, #tpu.memory_space<vmem>>)
    %mul3A_234 = arith.constant 25 : i32
    %mul3A_235 = arith.muli %add3A, %mul3A_234 : i32
    %add3A_236 = arith.constant 2 : i32
    %add3A_237 = arith.addi %mul3A_235, %add3A_236 : i32
    %jit3A_238 = arith.constant 4 : i32
    %div3A_239 = arith.divsi %add3A_237, %jit3A_238 : i32
    %sign3A_240 = arith.constant 0 : i32
    %sign3A_241 = arith.cmpi sgt, %add3A_237, %sign3A_240 : i32
    %sign3A_242 = arith.extui %sign3A_241 : i1 to i32
    %sign3A_243 = arith.constant 0 : i32
    %sign3A_244 = arith.cmpi slt, %add3A_237, %sign3A_243 : i32
    %sign3A_245 = arith.extui %sign3A_244 : i1 to i32
    %sign3A_246 = arith.subi %sign3A_242, %sign3A_245 : i32
    %sign3A_247 = arith.constant 0 : i32
    %sign3A_248 = arith.cmpi sgt, %jit3A_238, %sign3A_247 : i32
    %sign3A_249 = arith.extui %sign3A_248 : i1 to i32
    %sign3A_250 = arith.constant 0 : i32
    %sign3A_251 = arith.cmpi slt, %jit3A_238, %sign3A_250 : i32
    %sign3A_252 = arith.extui %sign3A_251 : i1 to i32
    %sign3A_253 = arith.subi %sign3A_249, %sign3A_252 : i32
    %ne3A_254 = arith.cmpi ne, %sign3A_246, %sign3A_253 : i32
    %rem3A_255 = arith.remsi %add3A_237, %jit3A_238 : i32
    %ne3A_256 = arith.constant 0 : i32
    %ne3A_257 = arith.cmpi ne, %rem3A_255, %ne3A_256 : i32
    %and3A_258 = arith.andi %ne3A_254, %ne3A_257 : i1
    %sub3A_259 = arith.constant 1 : i32
    %sub3A_260 = arith.subi %div3A_239, %sub3A_259 : i32
    %select_n3A_261 = arith.select %and3A_258, %sub3A_260, %div3A_239 : i32
    %mul3A_262 = arith.constant 1024 : i32
    %mul3A_263 = arith.muli %select_n3A_261, %mul3A_262 : i32
    %jit3A_264 = arith.constant 4 : i32
    %eq3A_265 = arith.constant 0 : i32
    %eq3A_266 = arith.cmpi eq, %jit3A_264, %eq3A_265 : i32
    %jit3A_267 = arith.constant 1 : i32
    %select_n3A_268 = arith.select %eq3A_266, %jit3A_267, %jit3A_264 : i32
    %rem3A_269 = arith.remsi %add3A_237, %select_n3A_268 : i32
    %ne3A_270 = arith.constant 0 : i32
    %ne3A_271 = arith.cmpi ne, %rem3A_269, %ne3A_270 : i32
    %lt3A_272 = arith.constant 0 : i32
    %lt3A_273 = arith.cmpi slt, %rem3A_269, %lt3A_272 : i32
    %lt3A_274 = arith.constant 0 : i32
    %lt3A_275 = arith.cmpi slt, %select_n3A_268, %lt3A_274 : i32
    %ne3A_276 = arith.xori %lt3A_273, %lt3A_275 : i1
    %and3A_277 = arith.andi %ne3A_276, %ne3A_271 : i1
    %add3A_278 = arith.addi %rem3A_269, %select_n3A_268 : i32
    %select_n3A_279 = arith.select %and3A_277, %add3A_278, %rem3A_269 : i32
    %dma_start3A_280 = arith.constant 0 : i32
    %dma_start3A_281 = tpu.memref_slice %arg4[%mul3A_263, %select_n3A_279, %dma_start3A_280] : memref<204800x4x32xf32, #tpu.memory_space<hbm>> -> memref<1024x1x32xf32, #tpu.memory_space<hbm>>
    %dma_start3A_282 = tpu.memref_squeeze %dma_start3A_281 : memref<1024x1x32xf32, #tpu.memory_space<hbm>> -> memref<1024x32xf32, #tpu.memory_space<hbm>>
    %dma_start3A_283 = arith.constant 0 : i32
    %dma_start3A_284 = tpu.memref_slice %arg4[%mul3A_263, %select_n3A_279, %dma_start3A_283] : memref<204800x4x32xf32, #tpu.memory_space<hbm>> -> memref<1024x1x32xf32, #tpu.memory_space<hbm>>
    %dma_start3A_285 = tpu.memref_squeeze %dma_start3A_284 : memref<1024x1x32xf32, #tpu.memory_space<hbm>> -> memref<1024x32xf32, #tpu.memory_space<hbm>>
    tpu.enqueue_dma source(%arg6 : memref<1024x32xf32, #tpu.memory_space<vmem>>) target(%dma_start3A_285 : memref<1024x32xf32, #tpu.memory_space<hbm>>) target_semaphore(%arg10 : memref<!tpu.dma_semaphore, #tpu.memory_space<semaphore_mem>>)
    %mul3A_286 = arith.constant 25 : i32
    %mul3A_287 = arith.muli %add3A, %mul3A_286 : i32
    %add3A_288 = arith.constant 2 : i32
    %add3A_289 = arith.addi %mul3A_287, %add3A_288 : i32
    %jit3A_290 = arith.constant 4 : i32
    %div3A_291 = arith.divsi %add3A_289, %jit3A_290 : i32
    %sign3A_292 = arith.constant 0 : i32
    %sign3A_293 = arith.cmpi sgt, %add3A_289, %sign3A_292 : i32
    %sign3A_294 = arith.extui %sign3A_293 : i1 to i32
    %sign3A_295 = arith.constant 0 : i32
    %sign3A_296 = arith.cmpi slt, %add3A_289, %sign3A_295 : i32
    %sign3A_297 = arith.extui %sign3A_296 : i1 to i32
    %sign3A_298 = arith.subi %sign3A_294, %sign3A_297 : i32
    %sign3A_299 = arith.constant 0 : i32
    %sign3A_300 = arith.cmpi sgt, %jit3A_290, %sign3A_299 : i32
    %sign3A_301 = arith.extui %sign3A_300 : i1 to i32
    %sign3A_302 = arith.constant 0 : i32
    %sign3A_303 = arith.cmpi slt, %jit3A_290, %sign3A_302 : i32
    %sign3A_304 = arith.extui %sign3A_303 : i1 to i32
    %sign3A_305 = arith.subi %sign3A_301, %sign3A_304 : i32
    %ne3A_306 = arith.cmpi ne, %sign3A_298, %sign3A_305 : i32
    %rem3A_307 = arith.remsi %add3A_289, %jit3A_290 : i32
    %ne3A_308 = arith.constant 0 : i32
    %ne3A_309 = arith.cmpi ne, %rem3A_307, %ne3A_308 : i32
    %and3A_310 = arith.andi %ne3A_306, %ne3A_309 : i1
    %sub3A_311 = arith.constant 1 : i32
    %sub3A_312 = arith.subi %div3A_291, %sub3A_311 : i32
    %select_n3A_313 = arith.select %and3A_310, %sub3A_312, %div3A_291 : i32
    %mul3A_314 = arith.constant 1024 : i32
    %mul3A_315 = arith.muli %select_n3A_313, %mul3A_314 : i32
    %jit3A_316 = arith.constant 4 : i32
    %eq3A_317 = arith.constant 0 : i32
    %eq3A_318 = arith.cmpi eq, %jit3A_316, %eq3A_317 : i32
    %jit3A_319 = arith.constant 1 : i32
    %select_n3A_320 = arith.select %eq3A_318, %jit3A_319, %jit3A_316 : i32
    %rem3A_321 = arith.remsi %add3A_289, %select_n3A_320 : i32
    %ne3A_322 = arith.constant 0 : i32
    %ne3A_323 = arith.cmpi ne, %rem3A_321, %ne3A_322 : i32
    %lt3A_324 = arith.constant 0 : i32
    %lt3A_325 = arith.cmpi slt, %rem3A_321, %lt3A_324 : i32
    %lt3A_326 = arith.constant 0 : i32
    %lt3A_327 = arith.cmpi slt, %select_n3A_320, %lt3A_326 : i32
    %ne3A_328 = arith.xori %lt3A_325, %lt3A_327 : i1
    %and3A_329 = arith.andi %ne3A_328, %ne3A_323 : i1
    %add3A_330 = arith.addi %rem3A_321, %select_n3A_320 : i32
    %select_n3A_331 = arith.select %and3A_329, %add3A_330, %rem3A_321 : i32
    %dma_wait3A_332 = arith.constant 0 : i32
    %dma_wait3A_333 = tpu.memref_slice %arg4[%mul3A_315, %select_n3A_331, %dma_wait3A_332] : memref<204800x4x32xf32, #tpu.memory_space<hbm>> -> memref<1024x1x32xf32, #tpu.memory_space<hbm>>
    %dma_wait3A_334 = tpu.memref_squeeze %dma_wait3A_333 : memref<1024x1x32xf32, #tpu.memory_space<hbm>> -> memref<1024x32xf32, #tpu.memory_space<hbm>>
    %dma_wait3A_335 = arith.constant 0 : i32
    %dma_wait3A_336 = tpu.memref_slice %arg4[%mul3A_315, %select_n3A_331, %dma_wait3A_335] : memref<204800x4x32xf32, #tpu.memory_space<hbm>> -> memref<1024x1x32xf32, #tpu.memory_space<hbm>>
    %dma_wait3A_337 = tpu.memref_squeeze %dma_wait3A_336 : memref<1024x1x32xf32, #tpu.memory_space<hbm>> -> memref<1024x32xf32, #tpu.memory_space<hbm>>
    tpu.wait_dma2 semaphore(%arg10 : memref<!tpu.dma_semaphore, #tpu.memory_space<semaphore_mem>>) src(%arg6 : memref<1024x32xf32, #tpu.memory_space<vmem>>) dst(%dma_wait3A_337 : memref<1024x32xf32, #tpu.memory_space<hbm>>)
    %dma_start3A_338 = arith.constant 4096 : i32
    %dma_start3A_339 = tpu.memref_slice %arg5[%dma_start3A_338] : memref<25600xi32, #tpu.memory_space<vmem>> -> memref<1024xi32, #tpu.memory_space<vmem>>
    %dma_start3A_340 = arith.constant 0 : i32
    %dma_start3A_341 = arith.constant 0 : i32
    %dma_start3A_342 = tpu.memref_slice %arg3[%dma_start3A_340, %dma_start3A_341] : memref<1007616x32xf32, #tpu.memory_space<hbm>> -> memref<1007616x32xf32, #tpu.memory_space<hbm>>
    tpu.enqueue_indirect_dma source(%dma_start3A_342 : memref<1007616x32xf32, #tpu.memory_space<hbm>>) target(%arg6 : memref<1024x32xf32, #tpu.memory_space<vmem>>) offsets(%dma_start3A_339 : memref<1024xi32, #tpu.memory_space<vmem>>) semaphore(%arg8 : memref<!tpu.dma_semaphore, #tpu.memory_space<semaphore_mem>>)
    %dma_wait3A_343 = arith.constant 3072 : i32
    %dma_wait3A_344 = tpu.memref_slice %arg5[%dma_wait3A_343] : memref<25600xi32, #tpu.memory_space<vmem>> -> memref<1024xi32, #tpu.memory_space<vmem>>
    %dma_wait3A_345 = arith.constant 0 : i32
    %dma_wait3A_346 = arith.constant 0 : i32
    %dma_wait3A_347 = tpu.memref_slice %arg3[%dma_wait3A_345, %dma_wait3A_346] : memref<1007616x32xf32, #tpu.memory_space<hbm>> -> memref<1007616x32xf32, #tpu.memory_space<hbm>>
    tpu.wait_indirect_dma semaphore(%arg9 : memref<!tpu.dma_semaphore, #tpu.memory_space<semaphore_mem>>) src(%dma_wait3A_347 : memref<1007616x32xf32, #tpu.memory_space<hbm>>) dst(%arg7 : memref<1024x32xf32, #tpu.memory_space<vmem>>)
    %mul3A_348 = arith.constant 25 : i32
    %mul3A_349 = arith.muli %add3A, %mul3A_348 : i32
    %add3A_350 = arith.constant 3 : i32
    %add3A_351 = arith.addi %mul3A_349, %add3A_350 : i32
    %jit3A_352 = arith.constant 4 : i32
    %div3A_353 = arith.divsi %add3A_351, %jit3A_352 : i32
    %sign3A_354 = arith.constant 0 : i32
    %sign3A_355 = arith.cmpi sgt, %add3A_351, %sign3A_354 : i32
    %sign3A_356 = arith.extui %sign3A_355 : i1 to i32
    %sign3A_357 = arith.constant 0 : i32
    %sign3A_358 = arith.cmpi slt, %add3A_351, %sign3A_357 : i32
    %sign3A_359 = arith.extui %sign3A_358 : i1 to i32
    %sign3A_360 = arith.subi %sign3A_356, %sign3A_359 : i32
    %sign3A_361 = arith.constant 0 : i32
    %sign3A_362 = arith.cmpi sgt, %jit3A_352, %sign3A_361 : i32
    %sign3A_363 = arith.extui %sign3A_362 : i1 to i32
    %sign3A_364 = arith.constant 0 : i32
    %sign3A_365 = arith.cmpi slt, %jit3A_352, %sign3A_364 : i32
    %sign3A_366 = arith.extui %sign3A_365 : i1 to i32
    %sign3A_367 = arith.subi %sign3A_363, %sign3A_366 : i32
    %ne3A_368 = arith.cmpi ne, %sign3A_360, %sign3A_367 : i32
    %rem3A_369 = arith.remsi %add3A_351, %jit3A_352 : i32
    %ne3A_370 = arith.constant 0 : i32
    %ne3A_371 = arith.cmpi ne, %rem3A_369, %ne3A_370 : i32
    %and3A_372 = arith.andi %ne3A_368, %ne3A_371 : i1
    %sub3A_373 = arith.constant 1 : i32
    %sub3A_374 = arith.subi %div3A_353, %sub3A_373 : i32
    %select_n3A_375 = arith.select %and3A_372, %sub3A_374, %div3A_353 : i32
    %mul3A_376 = arith.constant 1024 : i32
    %mul3A_377 = arith.muli %select_n3A_375, %mul3A_376 : i32
    %jit3A_378 = arith.constant 4 : i32
    %eq3A_379 = arith.constant 0 : i32
    %eq3A_380 = arith.cmpi eq, %jit3A_378, %eq3A_379 : i32
    %jit3A_381 = arith.constant 1 : i32
    %select_n3A_382 = arith.select %eq3A_380, %jit3A_381, %jit3A_378 : i32
    %rem3A_383 = arith.remsi %add3A_351, %select_n3A_382 : i32
    %ne3A_384 = arith.constant 0 : i32
    %ne3A_385 = arith.cmpi ne, %rem3A_383, %ne3A_384 : i32
    %lt3A_386 = arith.constant 0 : i32
    %lt3A_387 = arith.cmpi slt, %rem3A_383, %lt3A_386 : i32
    %lt3A_388 = arith.constant 0 : i32
    %lt3A_389 = arith.cmpi slt, %select_n3A_382, %lt3A_388 : i32
    %ne3A_390 = arith.xori %lt3A_387, %lt3A_389 : i1
    %and3A_391 = arith.andi %ne3A_390, %ne3A_385 : i1
    %add3A_392 = arith.addi %rem3A_383, %select_n3A_382 : i32
    %select_n3A_393 = arith.select %and3A_391, %add3A_392, %rem3A_383 : i32
    %dma_start3A_394 = arith.constant 0 : i32
    %dma_start3A_395 = tpu.memref_slice %arg4[%mul3A_377, %select_n3A_393, %dma_start3A_394] : memref<204800x4x32xf32, #tpu.memory_space<hbm>> -> memref<1024x1x32xf32, #tpu.memory_space<hbm>>
    %dma_start3A_396 = tpu.memref_squeeze %dma_start3A_395 : memref<1024x1x32xf32, #tpu.memory_space<hbm>> -> memref<1024x32xf32, #tpu.memory_space<hbm>>
    %dma_start3A_397 = arith.constant 0 : i32
    %dma_start3A_398 = tpu.memref_slice %arg4[%mul3A_377, %select_n3A_393, %dma_start3A_397] : memref<204800x4x32xf32, #tpu.memory_space<hbm>> -> memref<1024x1x32xf32, #tpu.memory_space<hbm>>
    %dma_start3A_399 = tpu.memref_squeeze %dma_start3A_398 : memref<1024x1x32xf32, #tpu.memory_space<hbm>> -> memref<1024x32xf32, #tpu.memory_space<hbm>>
    tpu.enqueue_dma source(%arg7 : memref<1024x32xf32, #tpu.memory_space<vmem>>) target(%dma_start3A_399 : memref<1024x32xf32, #tpu.memory_space<hbm>>) target_semaphore(%arg11 : memref<!tpu.dma_semaphore, #tpu.memory_space<semaphore_mem>>)
    %mul3A_400 = arith.constant 25 : i32
    %mul3A_401 = arith.muli %add3A, %mul3A_400 : i32
    %add3A_402 = arith.constant 3 : i32
    %add3A_403 = arith.addi %mul3A_401, %add3A_402 : i32
    %jit3A_404 = arith.constant 4 : i32
    %div3A_405 = arith.divsi %add3A_403, %jit3A_404 : i32
    %sign3A_406 = arith.constant 0 : i32
    %sign3A_407 = arith.cmpi sgt, %add3A_403, %sign3A_406 : i32
    %sign3A_408 = arith.extui %sign3A_407 : i1 to i32
    %sign3A_409 = arith.constant 0 : i32
    %sign3A_410 = arith.cmpi slt, %add3A_403, %sign3A_409 : i32
    %sign3A_411 = arith.extui %sign3A_410 : i1 to i32
    %sign3A_412 = arith.subi %sign3A_408, %sign3A_411 : i32
    %sign3A_413 = arith.constant 0 : i32
    %sign3A_414 = arith.cmpi sgt, %jit3A_404, %sign3A_413 : i32
    %sign3A_415 = arith.extui %sign3A_414 : i1 to i32
    %sign3A_416 = arith.constant 0 : i32
    %sign3A_417 = arith.cmpi slt, %jit3A_404, %sign3A_416 : i32
    %sign3A_418 = arith.extui %sign3A_417 : i1 to i32
    %sign3A_419 = arith.subi %sign3A_415, %sign3A_418 : i32
    %ne3A_420 = arith.cmpi ne, %sign3A_412, %sign3A_419 : i32
    %rem3A_421 = arith.remsi %add3A_403, %jit3A_404 : i32
    %ne3A_422 = arith.constant 0 : i32
    %ne3A_423 = arith.cmpi ne, %rem3A_421, %ne3A_422 : i32
    %and3A_424 = arith.andi %ne3A_420, %ne3A_423 : i1
    %sub3A_425 = arith.constant 1 : i32
    %sub3A_426 = arith.subi %div3A_405, %sub3A_425 : i32
    %select_n3A_427 = arith.select %and3A_424, %sub3A_426, %div3A_405 : i32
    %mul3A_428 = arith.constant 1024 : i32
    %mul3A_429 = arith.muli %select_n3A_427, %mul3A_428 : i32
    %jit3A_430 = arith.constant 4 : i32
    %eq3A_431 = arith.constant 0 : i32
    %eq3A_432 = arith.cmpi eq, %jit3A_430, %eq3A_431 : i32
    %jit3A_433 = arith.constant 1 : i32
    %select_n3A_434 = arith.select %eq3A_432, %jit3A_433, %jit3A_430 : i32
    %rem3A_435 = arith.remsi %add3A_403, %select_n3A_434 : i32
    %ne3A_436 = arith.constant 0 : i32
    %ne3A_437 = arith.cmpi ne, %rem3A_435, %ne3A_436 : i32
    %lt3A_438 = arith.constant 0 : i32
    %lt3A_439 = arith.cmpi slt, %rem3A_435, %lt3A_438 : i32
    %lt3A_440 = arith.constant 0 : i32
    %lt3A_441 = arith.cmpi slt, %select_n3A_434, %lt3A_440 : i32
    %ne3A_442 = arith.xori %lt3A_439, %lt3A_441 : i1
    %and3A_443 = arith.andi %ne3A_442, %ne3A_437 : i1
    %add3A_444 = arith.addi %rem3A_435, %select_n3A_434 : i32
    %select_n3A_445 = arith.select %and3A_443, %add3A_444, %rem3A_435 : i32
    %dma_wait3A_446 = arith.constant 0 : i32
    %dma_wait3A_447 = tpu.memref_slice %arg4[%mul3A_429, %select_n3A_445, %dma_wait3A_446] : memref<204800x4x32xf32, #tpu.memory_space<hbm>> -> memref<1024x1x32xf32, #tpu.memory_space<hbm>>
    %dma_wait3A_448 = tpu.memref_squeeze %dma_wait3A_447 : memref<1024x1x32xf32, #tpu.memory_space<hbm>> -> memref<1024x32xf32, #tpu.memory_space<hbm>>
    %dma_wait3A_449 = arith.constant 0 : i32
    %dma_wait3A_450 = tpu.memref_slice %arg4[%mul3A_429, %select_n3A_445, %dma_wait3A_449] : memref<204800x4x32xf32, #tpu.memory_space<hbm>> -> memref<1024x1x32xf32, #tpu.memory_space<hbm>>
    %dma_wait3A_451 = tpu.memref_squeeze %dma_wait3A_450 : memref<1024x1x32xf32, #tpu.memory_space<hbm>> -> memref<1024x32xf32, #tpu.memory_space<hbm>>
    tpu.wait_dma2 semaphore(%arg11 : memref<!tpu.dma_semaphore, #tpu.memory_space<semaphore_mem>>) src(%arg7 : memref<1024x32xf32, #tpu.memory_space<vmem>>) dst(%dma_wait3A_451 : memref<1024x32xf32, #tpu.memory_space<hbm>>)
    %dma_start3A_452 = arith.constant 5120 : i32
    %dma_start3A_453 = tpu.memref_slice %arg5[%dma_start3A_452] : memref<25600xi32, #tpu.memory_space<vmem>> -> memref<1024xi32, #tpu.memory_space<vmem>>
    %dma_start3A_454 = arith.constant 0 : i32
    %dma_start3A_455 = arith.constant 0 : i32
    %dma_start3A_456 = tpu.memref_slice %arg3[%dma_start3A_454, %dma_start3A_455] : memref<1007616x32xf32, #tpu.memory_space<hbm>> -> memref<1007616x32xf32, #tpu.memory_space<hbm>>
    tpu.enqueue_indirect_dma source(%dma_start3A_456 : memref<1007616x32xf32, #tpu.memory_space<hbm>>) target(%arg7 : memref<1024x32xf32, #tpu.memory_space<vmem>>) offsets(%dma_start3A_453 : memref<1024xi32, #tpu.memory_space<vmem>>) semaphore(%arg9 : memref<!tpu.dma_semaphore, #tpu.memory_space<semaphore_mem>>)
    %dma_wait3A_457 = arith.constant 4096 : i32
    %dma_wait3A_458 = tpu.memref_slice %arg5[%dma_wait3A_457] : memref<25600xi32, #tpu.memory_space<vmem>> -> memref<1024xi32, #tpu.memory_space<vmem>>
    %dma_wait3A_459 = arith.constant 0 : i32
    %dma_wait3A_460 = arith.constant 0 : i32
    %dma_wait3A_461 = tpu.memref_slice %arg3[%dma_wait3A_459, %dma_wait3A_460] : memref<1007616x32xf32, #tpu.memory_space<hbm>> -> memref<1007616x32xf32, #tpu.memory_space<hbm>>
    tpu.wait_indirect_dma semaphore(%arg8 : memref<!tpu.dma_semaphore, #tpu.memory_space<semaphore_mem>>) src(%dma_wait3A_461 : memref<1007616x32xf32, #tpu.memory_space<hbm>>) dst(%arg6 : memref<1024x32xf32, #tpu.memory_space<vmem>>)
    %mul3A_462 = arith.constant 25 : i32
    %mul3A_463 = arith.muli %add3A, %mul3A_462 : i32
    %add3A_464 = arith.constant 4 : i32
    %add3A_465 = arith.addi %mul3A_463, %add3A_464 : i32
    %jit3A_466 = arith.constant 4 : i32
    %div3A_467 = arith.divsi %add3A_465, %jit3A_466 : i32
    %sign3A_468 = arith.constant 0 : i32
    %sign3A_469 = arith.cmpi sgt, %add3A_465, %sign3A_468 : i32
    %sign3A_470 = arith.extui %sign3A_469 : i1 to i32
    %sign3A_471 = arith.constant 0 : i32
    %sign3A_472 = arith.cmpi slt, %add3A_465, %sign3A_471 : i32
    %sign3A_473 = arith.extui %sign3A_472 : i1 to i32
    %sign3A_474 = arith.subi %sign3A_470, %sign3A_473 : i32
    %sign3A_475 = arith.constant 0 : i32
    %sign3A_476 = arith.cmpi sgt, %jit3A_466, %sign3A_475 : i32
    %sign3A_477 = arith.extui %sign3A_476 : i1 to i32
    %sign3A_478 = arith.constant 0 : i32
    %sign3A_479 = arith.cmpi slt, %jit3A_466, %sign3A_478 : i32
    %sign3A_480 = arith.extui %sign3A_479 : i1 to i32
    %sign3A_481 = arith.subi %sign3A_477, %sign3A_480 : i32
    %ne3A_482 = arith.cmpi ne, %sign3A_474, %sign3A_481 : i32
    %rem3A_483 = arith.remsi %add3A_465, %jit3A_466 : i32
    %ne3A_484 = arith.constant 0 : i32
    %ne3A_485 = arith.cmpi ne, %rem3A_483, %ne3A_484 : i32
    %and3A_486 = arith.andi %ne3A_482, %ne3A_485 : i1
    %sub3A_487 = arith.constant 1 : i32
    %sub3A_488 = arith.subi %div3A_467, %sub3A_487 : i32
    %select_n3A_489 = arith.select %and3A_486, %sub3A_488, %div3A_467 : i32
    %mul3A_490 = arith.constant 1024 : i32
    %mul3A_491 = arith.muli %select_n3A_489, %mul3A_490 : i32
    %jit3A_492 = arith.constant 4 : i32
    %eq3A_493 = arith.constant 0 : i32
    %eq3A_494 = arith.cmpi eq, %jit3A_492, %eq3A_493 : i32
    %jit3A_495 = arith.constant 1 : i32
    %select_n3A_496 = arith.select %eq3A_494, %jit3A_495, %jit3A_492 : i32
    %rem3A_497 = arith.remsi %add3A_465, %select_n3A_496 : i32
    %ne3A_498 = arith.constant 0 : i32
    %ne3A_499 = arith.cmpi ne, %rem3A_497, %ne3A_498 : i32
    %lt3A_500 = arith.constant 0 : i32
    %lt3A_501 = arith.cmpi slt, %rem3A_497, %lt3A_500 : i32
    %lt3A_502 = arith.constant 0 : i32
    %lt3A_503 = arith.cmpi slt, %select_n3A_496, %lt3A_502 : i32
    %ne3A_504 = arith.xori %lt3A_501, %lt3A_503 : i1
    %and3A_505 = arith.andi %ne3A_504, %ne3A_499 : i1
    %add3A_506 = arith.addi %rem3A_497, %select_n3A_496 : i32
    %select_n3A_507 = arith.select %and3A_505, %add3A_506, %rem3A_497 : i32
    %dma_start3A_508 = arith.constant 0 : i32
    %dma_start3A_509 = tpu.memref_slice %arg4[%mul3A_491, %select_n3A_507, %dma_start3A_508] : memref<204800x4x32xf32, #tpu.memory_space<hbm>> -> memref<1024x1x32xf32, #tpu.memory_space<hbm>>
    %dma_start3A_510 = tpu.memref_squeeze %dma_start3A_509 : memref<1024x1x32xf32, #tpu.memory_space<hbm>> -> memref<1024x32xf32, #tpu.memory_space<hbm>>
    %dma_start3A_511 = arith.constant 0 : i32
    %dma_start3A_512 = tpu.memref_slice %arg4[%mul3A_491, %select_n3A_507, %dma_start3A_511] : memref<204800x4x32xf32, #tpu.memory_space<hbm>> -> memref<1024x1x32xf32, #tpu.memory_space<hbm>>
    %dma_start3A_513 = tpu.memref_squeeze %dma_start3A_512 : memref<1024x1x32xf32, #tpu.memory_space<hbm>> -> memref<1024x32xf32, #tpu.memory_space<hbm>>
    tpu.enqueue_dma source(%arg6 : memref<1024x32xf32, #tpu.memory_space<vmem>>) target(%dma_start3A_513 : memref<1024x32xf32, #tpu.memory_space<hbm>>) target_semaphore(%arg10 : memref<!tpu.dma_semaphore, #tpu.memory_space<semaphore_mem>>)
    %mul3A_514 = arith.constant 25 : i32
    %mul3A_515 = arith.muli %add3A, %mul3A_514 : i32
    %add3A_516 = arith.constant 4 : i32
    %add3A_517 = arith.addi %mul3A_515, %add3A_516 : i32
    %jit3A_518 = arith.constant 4 : i32
    %div3A_519 = arith.divsi %add3A_517, %jit3A_518 : i32
    %sign3A_520 = arith.constant 0 : i32
    %sign3A_521 = arith.cmpi sgt, %add3A_517, %sign3A_520 : i32
    %sign3A_522 = arith.extui %sign3A_521 : i1 to i32
    %sign3A_523 = arith.constant 0 : i32
    %sign3A_524 = arith.cmpi slt, %add3A_517, %sign3A_523 : i32
    %sign3A_525 = arith.extui %sign3A_524 : i1 to i32
    %sign3A_526 = arith.subi %sign3A_522, %sign3A_525 : i32
    %sign3A_527 = arith.constant 0 : i32
    %sign3A_528 = arith.cmpi sgt, %jit3A_518, %sign3A_527 : i32
    %sign3A_529 = arith.extui %sign3A_528 : i1 to i32
    %sign3A_530 = arith.constant 0 : i32
    %sign3A_531 = arith.cmpi slt, %jit3A_518, %sign3A_530 : i32
    %sign3A_532 = arith.extui %sign3A_531 : i1 to i32
    %sign3A_533 = arith.subi %sign3A_529, %sign3A_532 : i32
    %ne3A_534 = arith.cmpi ne, %sign3A_526, %sign3A_533 : i32
    %rem3A_535 = arith.remsi %add3A_517, %jit3A_518 : i32
    %ne3A_536 = arith.constant 0 : i32
    %ne3A_537 = arith.cmpi ne, %rem3A_535, %ne3A_536 : i32
    %and3A_538 = arith.andi %ne3A_534, %ne3A_537 : i1
    %sub3A_539 = arith.constant 1 : i32
    %sub3A_540 = arith.subi %div3A_519, %sub3A_539 : i32
    %select_n3A_541 = arith.select %and3A_538, %sub3A_540, %div3A_519 : i32
    %mul3A_542 = arith.constant 1024 : i32
    %mul3A_543 = arith.muli %select_n3A_541, %mul3A_542 : i32
    %jit3A_544 = arith.constant 4 : i32
    %eq3A_545 = arith.constant 0 : i32
    %eq3A_546 = arith.cmpi eq, %jit3A_544, %eq3A_545 : i32
    %jit3A_547 = arith.constant 1 : i32
    %select_n3A_548 = arith.select %eq3A_546, %jit3A_547, %jit3A_544 : i32
    %rem3A_549 = arith.remsi %add3A_517, %select_n3A_548 : i32
    %ne3A_550 = arith.constant 0 : i32
    %ne3A_551 = arith.cmpi ne, %rem3A_549, %ne3A_550 : i32
    %lt3A_552 = arith.constant 0 : i32
    %lt3A_553 = arith.cmpi slt, %rem3A_549, %lt3A_552 : i32
    %lt3A_554 = arith.constant 0 : i32
    %lt3A_555 = arith.cmpi slt, %select_n3A_548, %lt3A_554 : i32
    %ne3A_556 = arith.xori %lt3A_553, %lt3A_555 : i1
    %and3A_557 = arith.andi %ne3A_556, %ne3A_551 : i1
    %add3A_558 = arith.addi %rem3A_549, %select_n3A_548 : i32
    %select_n3A_559 = arith.select %and3A_557, %add3A_558, %rem3A_549 : i32
    %dma_wait3A_560 = arith.constant 0 : i32
    %dma_wait3A_561 = tpu.memref_slice %arg4[%mul3A_543, %select_n3A_559, %dma_wait3A_560] : memref<204800x4x32xf32, #tpu.memory_space<hbm>> -> memref<1024x1x32xf32, #tpu.memory_space<hbm>>
    %dma_wait3A_562 = tpu.memref_squeeze %dma_wait3A_561 : memref<1024x1x32xf32, #tpu.memory_space<hbm>> -> memref<1024x32xf32, #tpu.memory_space<hbm>>
    %dma_wait3A_563 = arith.constant 0 : i32
    %dma_wait3A_564 = tpu.memref_slice %arg4[%mul3A_543, %select_n3A_559, %dma_wait3A_563] : memref<204800x4x32xf32, #tpu.memory_space<hbm>> -> memref<1024x1x32xf32, #tpu.memory_space<hbm>>
    %dma_wait3A_565 = tpu.memref_squeeze %dma_wait3A_564 : memref<1024x1x32xf32, #tpu.memory_space<hbm>> -> memref<1024x32xf32, #tpu.memory_space<hbm>>
    tpu.wait_dma2 semaphore(%arg10 : memref<!tpu.dma_semaphore, #tpu.memory_space<semaphore_mem>>) src(%arg6 : memref<1024x32xf32, #tpu.memory_space<vmem>>) dst(%dma_wait3A_565 : memref<1024x32xf32, #tpu.memory_space<hbm>>)
    %dma_start3A_566 = arith.constant 6144 : i32
    %dma_start3A_567 = tpu.memref_slice %arg5[%dma_start3A_566] : memref<25600xi32, #tpu.memory_space<vmem>> -> memref<1024xi32, #tpu.memory_space<vmem>>
    %dma_start3A_568 = arith.constant 0 : i32
    %dma_start3A_569 = arith.constant 0 : i32
    %dma_start3A_570 = tpu.memref_slice %arg3[%dma_start3A_568, %dma_start3A_569] : memref<1007616x32xf32, #tpu.memory_space<hbm>> -> memref<1007616x32xf32, #tpu.memory_space<hbm>>
    tpu.enqueue_indirect_dma source(%dma_start3A_570 : memref<1007616x32xf32, #tpu.memory_space<hbm>>) target(%arg6 : memref<1024x32xf32, #tpu.memory_space<vmem>>) offsets(%dma_start3A_567 : memref<1024xi32, #tpu.memory_space<vmem>>) semaphore(%arg8 : memref<!tpu.dma_semaphore, #tpu.memory_space<semaphore_mem>>)
    %dma_wait3A_571 = arith.constant 5120 : i32
    %dma_wait3A_572 = tpu.memref_slice %arg5[%dma_wait3A_571] : memref<25600xi32, #tpu.memory_space<vmem>> -> memref<1024xi32, #tpu.memory_space<vmem>>
    %dma_wait3A_573 = arith.constant 0 : i32
    %dma_wait3A_574 = arith.constant 0 : i32
    %dma_wait3A_575 = tpu.memref_slice %arg3[%dma_wait3A_573, %dma_wait3A_574] : memref<1007616x32xf32, #tpu.memory_space<hbm>> -> memref<1007616x32xf32, #tpu.memory_space<hbm>>
    tpu.wait_indirect_dma semaphore(%arg9 : memref<!tpu.dma_semaphore, #tpu.memory_space<semaphore_mem>>) src(%dma_wait3A_575 : memref<1007616x32xf32, #tpu.memory_space<hbm>>) dst(%arg7 : memref<1024x32xf32, #tpu.memory_space<vmem>>)
    %mul3A_576 = arith.constant 25 : i32
    %mul3A_577 = arith.muli %add3A, %mul3A_576 : i32
    %add3A_578 = arith.constant 5 : i32
    %add3A_579 = arith.addi %mul3A_577, %add3A_578 : i32
    %jit3A_580 = arith.constant 4 : i32
    %div3A_581 = arith.divsi %add3A_579, %jit3A_580 : i32
    %sign3A_582 = arith.constant 0 : i32
    %sign3A_583 = arith.cmpi sgt, %add3A_579, %sign3A_582 : i32
    %sign3A_584 = arith.extui %sign3A_583 : i1 to i32
    %sign3A_585 = arith.constant 0 : i32
    %sign3A_586 = arith.cmpi slt, %add3A_579, %sign3A_585 : i32
    %sign3A_587 = arith.extui %sign3A_586 : i1 to i32
    %sign3A_588 = arith.subi %sign3A_584, %sign3A_587 : i32
    %sign3A_589 = arith.constant 0 : i32
    %sign3A_590 = arith.cmpi sgt, %jit3A_580, %sign3A_589 : i32
    %sign3A_591 = arith.extui %sign3A_590 : i1 to i32
    %sign3A_592 = arith.constant 0 : i32
    %sign3A_593 = arith.cmpi slt, %jit3A_580, %sign3A_592 : i32
    %sign3A_594 = arith.extui %sign3A_593 : i1 to i32
    %sign3A_595 = arith.subi %sign3A_591, %sign3A_594 : i32
    %ne3A_596 = arith.cmpi ne, %sign3A_588, %sign3A_595 : i32
    %rem3A_597 = arith.remsi %add3A_579, %jit3A_580 : i32
    %ne3A_598 = arith.constant 0 : i32
    %ne3A_599 = arith.cmpi ne, %rem3A_597, %ne3A_598 : i32
    %and3A_600 = arith.andi %ne3A_596, %ne3A_599 : i1
    %sub3A_601 = arith.constant 1 : i32
    %sub3A_602 = arith.subi %div3A_581, %sub3A_601 : i32
    %select_n3A_603 = arith.select %and3A_600, %sub3A_602, %div3A_581 : i32
    %mul3A_604 = arith.constant 1024 : i32
    %mul3A_605 = arith.muli %select_n3A_603, %mul3A_604 : i32
    %jit3A_606 = arith.constant 4 : i32
    %eq3A_607 = arith.constant 0 : i32
    %eq3A_608 = arith.cmpi eq, %jit3A_606, %eq3A_607 : i32
    %jit3A_609 = arith.constant 1 : i32
    %select_n3A_610 = arith.select %eq3A_608, %jit3A_609, %jit3A_606 : i32
    %rem3A_611 = arith.remsi %add3A_579, %select_n3A_610 : i32
    %ne3A_612 = arith.constant 0 : i32
    %ne3A_613 = arith.cmpi ne, %rem3A_611, %ne3A_612 : i32
    %lt3A_614 = arith.constant 0 : i32
    %lt3A_615 = arith.cmpi slt, %rem3A_611, %lt3A_614 : i32
    %lt3A_616 = arith.constant 0 : i32
    %lt3A_617 = arith.cmpi slt, %select_n3A_610, %lt3A_616 : i32
    %ne3A_618 = arith.xori %lt3A_615, %lt3A_617 : i1
    %and3A_619 = arith.andi %ne3A_618, %ne3A_613 : i1
    %add3A_620 = arith.addi %rem3A_611, %select_n3A_610 : i32
    %select_n3A_621 = arith.select %and3A_619, %add3A_620, %rem3A_611 : i32
    %dma_start3A_622 = arith.constant 0 : i32
    %dma_start3A_623 = tpu.memref_slice %arg4[%mul3A_605, %select_n3A_621, %dma_start3A_622] : memref<204800x4x32xf32, #tpu.memory_space<hbm>> -> memref<1024x1x32xf32, #tpu.memory_space<hbm>>
    %dma_start3A_624 = tpu.memref_squeeze %dma_start3A_623 : memref<1024x1x32xf32, #tpu.memory_space<hbm>> -> memref<1024x32xf32, #tpu.memory_space<hbm>>
    %dma_start3A_625 = arith.constant 0 : i32
    %dma_start3A_626 = tpu.memref_slice %arg4[%mul3A_605, %select_n3A_621, %dma_start3A_625] : memref<204800x4x32xf32, #tpu.memory_space<hbm>> -> memref<1024x1x32xf32, #tpu.memory_space<hbm>>
    %dma_start3A_627 = tpu.memref_squeeze %dma_start3A_626 : memref<1024x1x32xf32, #tpu.memory_space<hbm>> -> memref<1024x32xf32, #tpu.memory_space<hbm>>
    tpu.enqueue_dma source(%arg7 : memref<1024x32xf32, #tpu.memory_space<vmem>>) target(%dma_start3A_627 : memref<1024x32xf32, #tpu.memory_space<hbm>>) target_semaphore(%arg11 : memref<!tpu.dma_semaphore, #tpu.memory_space<semaphore_mem>>)
    %mul3A_628 = arith.constant 25 : i32
    %mul3A_629 = arith.muli %add3A, %mul3A_628 : i32
    %add3A_630 = arith.constant 5 : i32
    %add3A_631 = arith.addi %mul3A_629, %add3A_630 : i32
    %jit3A_632 = arith.constant 4 : i32
    %div3A_633 = arith.divsi %add3A_631, %jit3A_632 : i32
    %sign3A_634 = arith.constant 0 : i32
    %sign3A_635 = arith.cmpi sgt, %add3A_631, %sign3A_634 : i32
    %sign3A_636 = arith.extui %sign3A_635 : i1 to i32
    %sign3A_637 = arith.constant 0 : i32
    %sign3A_638 = arith.cmpi slt, %add3A_631, %sign3A_637 : i32
    %sign3A_639 = arith.extui %sign3A_638 : i1 to i32
    %sign3A_640 = arith.subi %sign3A_636, %sign3A_639 : i32
    %sign3A_641 = arith.constant 0 : i32
    %sign3A_642 = arith.cmpi sgt, %jit3A_632, %sign3A_641 : i32
    %sign3A_643 = arith.extui %sign3A_642 : i1 to i32
    %sign3A_644 = arith.constant 0 : i32
    %sign3A_645 = arith.cmpi slt, %jit3A_632, %sign3A_644 : i32
    %sign3A_646 = arith.extui %sign3A_645 : i1 to i32
    %sign3A_647 = arith.subi %sign3A_643, %sign3A_646 : i32
    %ne3A_648 = arith.cmpi ne, %sign3A_640, %sign3A_647 : i32
    %rem3A_649 = arith.remsi %add3A_631, %jit3A_632 : i32
    %ne3A_650 = arith.constant 0 : i32
    %ne3A_651 = arith.cmpi ne, %rem3A_649, %ne3A_650 : i32
    %and3A_652 = arith.andi %ne3A_648, %ne3A_651 : i1
    %sub3A_653 = arith.constant 1 : i32
    %sub3A_654 = arith.subi %div3A_633, %sub3A_653 : i32
    %select_n3A_655 = arith.select %and3A_652, %sub3A_654, %div3A_633 : i32
    %mul3A_656 = arith.constant 1024 : i32
    %mul3A_657 = arith.muli %select_n3A_655, %mul3A_656 : i32
    %jit3A_658 = arith.constant 4 : i32
    %eq3A_659 = arith.constant 0 : i32
    %eq3A_660 = arith.cmpi eq, %jit3A_658, %eq3A_659 : i32
    %jit3A_661 = arith.constant 1 : i32
    %select_n3A_662 = arith.select %eq3A_660, %jit3A_661, %jit3A_658 : i32
    %rem3A_663 = arith.remsi %add3A_631, %select_n3A_662 : i32
    %ne3A_664 = arith.constant 0 : i32
    %ne3A_665 = arith.cmpi ne, %rem3A_663, %ne3A_664 : i32
    %lt3A_666 = arith.constant 0 : i32
    %lt3A_667 = arith.cmpi slt, %rem3A_663, %lt3A_666 : i32
    %lt3A_668 = arith.constant 0 : i32
    %lt3A_669 = arith.cmpi slt, %select_n3A_662, %lt3A_668 : i32
    %ne3A_670 = arith.xori %lt3A_667, %lt3A_669 : i1
    %and3A_671 = arith.andi %ne3A_670, %ne3A_665 : i1
    %add3A_672 = arith.addi %rem3A_663, %select_n3A_662 : i32
    %select_n3A_673 = arith.select %and3A_671, %add3A_672, %rem3A_663 : i32
    %dma_wait3A_674 = arith.constant 0 : i32
    %dma_wait3A_675 = tpu.memref_slice %arg4[%mul3A_657, %select_n3A_673, %dma_wait3A_674] : memref<204800x4x32xf32, #tpu.memory_space<hbm>> -> memref<1024x1x32xf32, #tpu.memory_space<hbm>>
    %dma_wait3A_676 = tpu.memref_squeeze %dma_wait3A_675 : memref<1024x1x32xf32, #tpu.memory_space<hbm>> -> memref<1024x32xf32, #tpu.memory_space<hbm>>
    %dma_wait3A_677 = arith.constant 0 : i32
    %dma_wait3A_678 = tpu.memref_slice %arg4[%mul3A_657, %select_n3A_673, %dma_wait3A_677] : memref<204800x4x32xf32, #tpu.memory_space<hbm>> -> memref<1024x1x32xf32, #tpu.memory_space<hbm>>
    %dma_wait3A_679 = tpu.memref_squeeze %dma_wait3A_678 : memref<1024x1x32xf32, #tpu.memory_space<hbm>> -> memref<1024x32xf32, #tpu.memory_space<hbm>>
    tpu.wait_dma2 semaphore(%arg11 : memref<!tpu.dma_semaphore, #tpu.memory_space<semaphore_mem>>) src(%arg7 : memref<1024x32xf32, #tpu.memory_space<vmem>>) dst(%dma_wait3A_679 : memref<1024x32xf32, #tpu.memory_space<hbm>>)
    %dma_start3A_680 = arith.constant 7168 : i32
    %dma_start3A_681 = tpu.memref_slice %arg5[%dma_start3A_680] : memref<25600xi32, #tpu.memory_space<vmem>> -> memref<1024xi32, #tpu.memory_space<vmem>>
    %dma_start3A_682 = arith.constant 0 : i32
    %dma_start3A_683 = arith.constant 0 : i32
    %dma_start3A_684 = tpu.memref_slice %arg3[%dma_start3A_682, %dma_start3A_683] : memref<1007616x32xf32, #tpu.memory_space<hbm>> -> memref<1007616x32xf32, #tpu.memory_space<hbm>>
    tpu.enqueue_indirect_dma source(%dma_start3A_684 : memref<1007616x32xf32, #tpu.memory_space<hbm>>) target(%arg7 : memref<1024x32xf32, #tpu.memory_space<vmem>>) offsets(%dma_start3A_681 : memref<1024xi32, #tpu.memory_space<vmem>>) semaphore(%arg9 : memref<!tpu.dma_semaphore, #tpu.memory_space<semaphore_mem>>)
    %dma_wait3A_685 = arith.constant 6144 : i32
    %dma_wait3A_686 = tpu.memref_slice %arg5[%dma_wait3A_685] : memref<25600xi32, #tpu.memory_space<vmem>> -> memref<1024xi32, #tpu.memory_space<vmem>>
    %dma_wait3A_687 = arith.constant 0 : i32
    %dma_wait3A_688 = arith.constant 0 : i32
    %dma_wait3A_689 = tpu.memref_slice %arg3[%dma_wait3A_687, %dma_wait3A_688] : memref<1007616x32xf32, #tpu.memory_space<hbm>> -> memref<1007616x32xf32, #tpu.memory_space<hbm>>
    tpu.wait_indirect_dma semaphore(%arg8 : memref<!tpu.dma_semaphore, #tpu.memory_space<semaphore_mem>>) src(%dma_wait3A_689 : memref<1007616x32xf32, #tpu.memory_space<hbm>>) dst(%arg6 : memref<1024x32xf32, #tpu.memory_space<vmem>>)
    %mul3A_690 = arith.constant 25 : i32
    %mul3A_691 = arith.muli %add3A, %mul3A_690 : i32
    %add3A_692 = arith.constant 6 : i32
    %add3A_693 = arith.addi %mul3A_691, %add3A_692 : i32
    %jit3A_694 = arith.constant 4 : i32
    %div3A_695 = arith.divsi %add3A_693, %jit3A_694 : i32
    %sign3A_696 = arith.constant 0 : i32
    %sign3A_697 = arith.cmpi sgt, %add3A_693, %sign3A_696 : i32
    %sign3A_698 = arith.extui %sign3A_697 : i1 to i32
    %sign3A_699 = arith.constant 0 : i32
    %sign3A_700 = arith.cmpi slt, %add3A_693, %sign3A_699 : i32
    %sign3A_701 = arith.extui %sign3A_700 : i1 to i32
    %sign3A_702 = arith.subi %sign3A_698, %sign3A_701 : i32
    %sign3A_703 = arith.constant 0 : i32
    %sign3A_704 = arith.cmpi sgt, %jit3A_694, %sign3A_703 : i32
    %sign3A_705 = arith.extui %sign3A_704 : i1 to i32
    %sign3A_706 = arith.constant 0 : i32
    %sign3A_707 = arith.cmpi slt, %jit3A_694, %sign3A_706 : i32
    %sign3A_708 = arith.extui %sign3A_707 : i1 to i32
    %sign3A_709 = arith.subi %sign3A_705, %sign3A_708 : i32
    %ne3A_710 = arith.cmpi ne, %sign3A_702, %sign3A_709 : i32
    %rem3A_711 = arith.remsi %add3A_693, %jit3A_694 : i32
    %ne3A_712 = arith.constant 0 : i32
    %ne3A_713 = arith.cmpi ne, %rem3A_711, %ne3A_712 : i32
    %and3A_714 = arith.andi %ne3A_710, %ne3A_713 : i1
    %sub3A_715 = arith.constant 1 : i32
    %sub3A_716 = arith.subi %div3A_695, %sub3A_715 : i32
    %select_n3A_717 = arith.select %and3A_714, %sub3A_716, %div3A_695 : i32
    %mul3A_718 = arith.constant 1024 : i32
    %mul3A_719 = arith.muli %select_n3A_717, %mul3A_718 : i32
    %jit3A_720 = arith.constant 4 : i32
    %eq3A_721 = arith.constant 0 : i32
    %eq3A_722 = arith.cmpi eq, %jit3A_720, %eq3A_721 : i32
    %jit3A_723 = arith.constant 1 : i32
    %select_n3A_724 = arith.select %eq3A_722, %jit3A_723, %jit3A_720 : i32
    %rem3A_725 = arith.remsi %add3A_693, %select_n3A_724 : i32
    %ne3A_726 = arith.constant 0 : i32
    %ne3A_727 = arith.cmpi ne, %rem3A_725, %ne3A_726 : i32
    %lt3A_728 = arith.constant 0 : i32
    %lt3A_729 = arith.cmpi slt, %rem3A_725, %lt3A_728 : i32
    %lt3A_730 = arith.constant 0 : i32
    %lt3A_731 = arith.cmpi slt, %select_n3A_724, %lt3A_730 : i32
    %ne3A_732 = arith.xori %lt3A_729, %lt3A_731 : i1
    %and3A_733 = arith.andi %ne3A_732, %ne3A_727 : i1
    %add3A_734 = arith.addi %rem3A_725, %select_n3A_724 : i32
    %select_n3A_735 = arith.select %and3A_733, %add3A_734, %rem3A_725 : i32
    %dma_start3A_736 = arith.constant 0 : i32
    %dma_start3A_737 = tpu.memref_slice %arg4[%mul3A_719, %select_n3A_735, %dma_start3A_736] : memref<204800x4x32xf32, #tpu.memory_space<hbm>> -> memref<1024x1x32xf32, #tpu.memory_space<hbm>>
    %dma_start3A_738 = tpu.memref_squeeze %dma_start3A_737 : memref<1024x1x32xf32, #tpu.memory_space<hbm>> -> memref<1024x32xf32, #tpu.memory_space<hbm>>
    %dma_start3A_739 = arith.constant 0 : i32
    %dma_start3A_740 = tpu.memref_slice %arg4[%mul3A_719, %select_n3A_735, %dma_start3A_739] : memref<204800x4x32xf32, #tpu.memory_space<hbm>> -> memref<1024x1x32xf32, #tpu.memory_space<hbm>>
    %dma_start3A_741 = tpu.memref_squeeze %dma_start3A_740 : memref<1024x1x32xf32, #tpu.memory_space<hbm>> -> memref<1024x32xf32, #tpu.memory_space<hbm>>
    tpu.enqueue_dma source(%arg6 : memref<1024x32xf32, #tpu.memory_space<vmem>>) target(%dma_start3A_741 : memref<1024x32xf32, #tpu.memory_space<hbm>>) target_semaphore(%arg10 : memref<!tpu.dma_semaphore, #tpu.memory_space<semaphore_mem>>)
    %mul3A_742 = arith.constant 25 : i32
    %mul3A_743 = arith.muli %add3A, %mul3A_742 : i32
    %add3A_744 = arith.constant 6 : i32
    %add3A_745 = arith.addi %mul3A_743, %add3A_744 : i32
    %jit3A_746 = arith.constant 4 : i32
    %div3A_747 = arith.divsi %add3A_745, %jit3A_746 : i32
    %sign3A_748 = arith.constant 0 : i32
    %sign3A_749 = arith.cmpi sgt, %add3A_745, %sign3A_748 : i32
    %sign3A_750 = arith.extui %sign3A_749 : i1 to i32
    %sign3A_751 = arith.constant 0 : i32
    %sign3A_752 = arith.cmpi slt, %add3A_745, %sign3A_751 : i32
    %sign3A_753 = arith.extui %sign3A_752 : i1 to i32
    %sign3A_754 = arith.subi %sign3A_750, %sign3A_753 : i32
    %sign3A_755 = arith.constant 0 : i32
    %sign3A_756 = arith.cmpi sgt, %jit3A_746, %sign3A_755 : i32
    %sign3A_757 = arith.extui %sign3A_756 : i1 to i32
    %sign3A_758 = arith.constant 0 : i32
    %sign3A_759 = arith.cmpi slt, %jit3A_746, %sign3A_758 : i32
    %sign3A_760 = arith.extui %sign3A_759 : i1 to i32
    %sign3A_761 = arith.subi %sign3A_757, %sign3A_760 : i32
    %ne3A_762 = arith.cmpi ne, %sign3A_754, %sign3A_761 : i32
    %rem3A_763 = arith.remsi %add3A_745, %jit3A_746 : i32
    %ne3A_764 = arith.constant 0 : i32
    %ne3A_765 = arith.cmpi ne, %rem3A_763, %ne3A_764 : i32
    %and3A_766 = arith.andi %ne3A_762, %ne3A_765 : i1
    %sub3A_767 = arith.constant 1 : i32
    %sub3A_768 = arith.subi %div3A_747, %sub3A_767 : i32
    %select_n3A_769 = arith.select %and3A_766, %sub3A_768, %div3A_747 : i32
    %mul3A_770 = arith.constant 1024 : i32
    %mul3A_771 = arith.muli %select_n3A_769, %mul3A_770 : i32
    %jit3A_772 = arith.constant 4 : i32
    %eq3A_773 = arith.constant 0 : i32
    %eq3A_774 = arith.cmpi eq, %jit3A_772, %eq3A_773 : i32
    %jit3A_775 = arith.constant 1 : i32
    %select_n3A_776 = arith.select %eq3A_774, %jit3A_775, %jit3A_772 : i32
    %rem3A_777 = arith.remsi %add3A_745, %select_n3A_776 : i32
    %ne3A_778 = arith.constant 0 : i32
    %ne3A_779 = arith.cmpi ne, %rem3A_777, %ne3A_778 : i32
    %lt3A_780 = arith.constant 0 : i32
    %lt3A_781 = arith.cmpi slt, %rem3A_777, %lt3A_780 : i32
    %lt3A_782 = arith.constant 0 : i32
    %lt3A_783 = arith.cmpi slt, %select_n3A_776, %lt3A_782 : i32
    %ne3A_784 = arith.xori %lt3A_781, %lt3A_783 : i1
    %and3A_785 = arith.andi %ne3A_784, %ne3A_779 : i1
    %add3A_786 = arith.addi %rem3A_777, %select_n3A_776 : i32
    %select_n3A_787 = arith.select %and3A_785, %add3A_786, %rem3A_777 : i32
    %dma_wait3A_788 = arith.constant 0 : i32
    %dma_wait3A_789 = tpu.memref_slice %arg4[%mul3A_771, %select_n3A_787, %dma_wait3A_788] : memref<204800x4x32xf32, #tpu.memory_space<hbm>> -> memref<1024x1x32xf32, #tpu.memory_space<hbm>>
    %dma_wait3A_790 = tpu.memref_squeeze %dma_wait3A_789 : memref<1024x1x32xf32, #tpu.memory_space<hbm>> -> memref<1024x32xf32, #tpu.memory_space<hbm>>
    %dma_wait3A_791 = arith.constant 0 : i32
    %dma_wait3A_792 = tpu.memref_slice %arg4[%mul3A_771, %select_n3A_787, %dma_wait3A_791] : memref<204800x4x32xf32, #tpu.memory_space<hbm>> -> memref<1024x1x32xf32, #tpu.memory_space<hbm>>
    %dma_wait3A_793 = tpu.memref_squeeze %dma_wait3A_792 : memref<1024x1x32xf32, #tpu.memory_space<hbm>> -> memref<1024x32xf32, #tpu.memory_space<hbm>>
    tpu.wait_dma2 semaphore(%arg10 : memref<!tpu.dma_semaphore, #tpu.memory_space<semaphore_mem>>) src(%arg6 : memref<1024x32xf32, #tpu.memory_space<vmem>>) dst(%dma_wait3A_793 : memref<1024x32xf32, #tpu.memory_space<hbm>>)
    %dma_start3A_794 = arith.constant 8192 : i32
    %dma_start3A_795 = tpu.memref_slice %arg5[%dma_start3A_794] : memref<25600xi32, #tpu.memory_space<vmem>> -> memref<1024xi32, #tpu.memory_space<vmem>>
    %dma_start3A_796 = arith.constant 0 : i32
    %dma_start3A_797 = arith.constant 0 : i32
    %dma_start3A_798 = tpu.memref_slice %arg3[%dma_start3A_796, %dma_start3A_797] : memref<1007616x32xf32, #tpu.memory_space<hbm>> -> memref<1007616x32xf32, #tpu.memory_space<hbm>>
    tpu.enqueue_indirect_dma source(%dma_start3A_798 : memref<1007616x32xf32, #tpu.memory_space<hbm>>) target(%arg6 : memref<1024x32xf32, #tpu.memory_space<vmem>>) offsets(%dma_start3A_795 : memref<1024xi32, #tpu.memory_space<vmem>>) semaphore(%arg8 : memref<!tpu.dma_semaphore, #tpu.memory_space<semaphore_mem>>)
    %dma_wait3A_799 = arith.constant 7168 : i32
    %dma_wait3A_800 = tpu.memref_slice %arg5[%dma_wait3A_799] : memref<25600xi32, #tpu.memory_space<vmem>> -> memref<1024xi32, #tpu.memory_space<vmem>>
    %dma_wait3A_801 = arith.constant 0 : i32
    %dma_wait3A_802 = arith.constant 0 : i32
    %dma_wait3A_803 = tpu.memref_slice %arg3[%dma_wait3A_801, %dma_wait3A_802] : memref<1007616x32xf32, #tpu.memory_space<hbm>> -> memref<1007616x32xf32, #tpu.memory_space<hbm>>
    tpu.wait_indirect_dma semaphore(%arg9 : memref<!tpu.dma_semaphore, #tpu.memory_space<semaphore_mem>>) src(%dma_wait3A_803 : memref<1007616x32xf32, #tpu.memory_space<hbm>>) dst(%arg7 : memref<1024x32xf32, #tpu.memory_space<vmem>>)
    %mul3A_804 = arith.constant 25 : i32
    %mul3A_805 = arith.muli %add3A, %mul3A_804 : i32
    %add3A_806 = arith.constant 7 : i32
    %add3A_807 = arith.addi %mul3A_805, %add3A_806 : i32
    %jit3A_808 = arith.constant 4 : i32
    %div3A_809 = arith.divsi %add3A_807, %jit3A_808 : i32
    %sign3A_810 = arith.constant 0 : i32
    %sign3A_811 = arith.cmpi sgt, %add3A_807, %sign3A_810 : i32
    %sign3A_812 = arith.extui %sign3A_811 : i1 to i32
    %sign3A_813 = arith.constant 0 : i32
    %sign3A_814 = arith.cmpi slt, %add3A_807, %sign3A_813 : i32
    %sign3A_815 = arith.extui %sign3A_814 : i1 to i32
    %sign3A_816 = arith.subi %sign3A_812, %sign3A_815 : i32
    %sign3A_817 = arith.constant 0 : i32
    %sign3A_818 = arith.cmpi sgt, %jit3A_808, %sign3A_817 : i32
    %sign3A_819 = arith.extui %sign3A_818 : i1 to i32
    %sign3A_820 = arith.constant 0 : i32
    %sign3A_821 = arith.cmpi slt, %jit3A_808, %sign3A_820 : i32
    %sign3A_822 = arith.extui %sign3A_821 : i1 to i32
    %sign3A_823 = arith.subi %sign3A_819, %sign3A_822 : i32
    %ne3A_824 = arith.cmpi ne, %sign3A_816, %sign3A_823 : i32
    %rem3A_825 = arith.remsi %add3A_807, %jit3A_808 : i32
    %ne3A_826 = arith.constant 0 : i32
    %ne3A_827 = arith.cmpi ne, %rem3A_825, %ne3A_826 : i32
    %and3A_828 = arith.andi %ne3A_824, %ne3A_827 : i1
    %sub3A_829 = arith.constant 1 : i32
    %sub3A_830 = arith.subi %div3A_809, %sub3A_829 : i32
    %select_n3A_831 = arith.select %and3A_828, %sub3A_830, %div3A_809 : i32
    %mul3A_832 = arith.constant 1024 : i32
    %mul3A_833 = arith.muli %select_n3A_831, %mul3A_832 : i32
    %jit3A_834 = arith.constant 4 : i32
    %eq3A_835 = arith.constant 0 : i32
    %eq3A_836 = arith.cmpi eq, %jit3A_834, %eq3A_835 : i32
    %jit3A_837 = arith.constant 1 : i32
    %select_n3A_838 = arith.select %eq3A_836, %jit3A_837, %jit3A_834 : i32
    %rem3A_839 = arith.remsi %add3A_807, %select_n3A_838 : i32
    %ne3A_840 = arith.constant 0 : i32
    %ne3A_841 = arith.cmpi ne, %rem3A_839, %ne3A_840 : i32
    %lt3A_842 = arith.constant 0 : i32
    %lt3A_843 = arith.cmpi slt, %rem3A_839, %lt3A_842 : i32
    %lt3A_844 = arith.constant 0 : i32
    %lt3A_845 = arith.cmpi slt, %select_n3A_838, %lt3A_844 : i32
    %ne3A_846 = arith.xori %lt3A_843, %lt3A_845 : i1
    %and3A_847 = arith.andi %ne3A_846, %ne3A_841 : i1
    %add3A_848 = arith.addi %rem3A_839, %select_n3A_838 : i32
    %select_n3A_849 = arith.select %and3A_847, %add3A_848, %rem3A_839 : i32
    %dma_start3A_850 = arith.constant 0 : i32
    %dma_start3A_851 = tpu.memref_slice %arg4[%mul3A_833, %select_n3A_849, %dma_start3A_850] : memref<204800x4x32xf32, #tpu.memory_space<hbm>> -> memref<1024x1x32xf32, #tpu.memory_space<hbm>>
    %dma_start3A_852 = tpu.memref_squeeze %dma_start3A_851 : memref<1024x1x32xf32, #tpu.memory_space<hbm>> -> memref<1024x32xf32, #tpu.memory_space<hbm>>
    %dma_start3A_853 = arith.constant 0 : i32
    %dma_start3A_854 = tpu.memref_slice %arg4[%mul3A_833, %select_n3A_849, %dma_start3A_853] : memref<204800x4x32xf32, #tpu.memory_space<hbm>> -> memref<1024x1x32xf32, #tpu.memory_space<hbm>>
    %dma_start3A_855 = tpu.memref_squeeze %dma_start3A_854 : memref<1024x1x32xf32, #tpu.memory_space<hbm>> -> memref<1024x32xf32, #tpu.memory_space<hbm>>
    tpu.enqueue_dma source(%arg7 : memref<1024x32xf32, #tpu.memory_space<vmem>>) target(%dma_start3A_855 : memref<1024x32xf32, #tpu.memory_space<hbm>>) target_semaphore(%arg11 : memref<!tpu.dma_semaphore, #tpu.memory_space<semaphore_mem>>)
    %mul3A_856 = arith.constant 25 : i32
    %mul3A_857 = arith.muli %add3A, %mul3A_856 : i32
    %add3A_858 = arith.constant 7 : i32
    %add3A_859 = arith.addi %mul3A_857, %add3A_858 : i32
    %jit3A_860 = arith.constant 4 : i32
    %div3A_861 = arith.divsi %add3A_859, %jit3A_860 : i32
    %sign3A_862 = arith.constant 0 : i32
    %sign3A_863 = arith.cmpi sgt, %add3A_859, %sign3A_862 : i32
    %sign3A_864 = arith.extui %sign3A_863 : i1 to i32
    %sign3A_865 = arith.constant 0 : i32
    %sign3A_866 = arith.cmpi slt, %add3A_859, %sign3A_865 : i32
    %sign3A_867 = arith.extui %sign3A_866 : i1 to i32
    %sign3A_868 = arith.subi %sign3A_864, %sign3A_867 : i32
    %sign3A_869 = arith.constant 0 : i32
    %sign3A_870 = arith.cmpi sgt, %jit3A_860, %sign3A_869 : i32
    %sign3A_871 = arith.extui %sign3A_870 : i1 to i32
    %sign3A_872 = arith.constant 0 : i32
    %sign3A_873 = arith.cmpi slt, %jit3A_860, %sign3A_872 : i32
    %sign3A_874 = arith.extui %sign3A_873 : i1 to i32
    %sign3A_875 = arith.subi %sign3A_871, %sign3A_874 : i32
    %ne3A_876 = arith.cmpi ne, %sign3A_868, %sign3A_875 : i32
    %rem3A_877 = arith.remsi %add3A_859, %jit3A_860 : i32
    %ne3A_878 = arith.constant 0 : i32
    %ne3A_879 = arith.cmpi ne, %rem3A_877, %ne3A_878 : i32
    %and3A_880 = arith.andi %ne3A_876, %ne3A_879 : i1
    %sub3A_881 = arith.constant 1 : i32
    %sub3A_882 = arith.subi %div3A_861, %sub3A_881 : i32
    %select_n3A_883 = arith.select %and3A_880, %sub3A_882, %div3A_861 : i32
    %mul3A_884 = arith.constant 1024 : i32
    %mul3A_885 = arith.muli %select_n3A_883, %mul3A_884 : i32
    %jit3A_886 = arith.constant 4 : i32
    %eq3A_887 = arith.constant 0 : i32
    %eq3A_888 = arith.cmpi eq, %jit3A_886, %eq3A_887 : i32
    %jit3A_889 = arith.constant 1 : i32
    %select_n3A_890 = arith.select %eq3A_888, %jit3A_889, %jit3A_886 : i32
    %rem3A_891 = arith.remsi %add3A_859, %select_n3A_890 : i32
    %ne3A_892 = arith.constant 0 : i32
    %ne3A_893 = arith.cmpi ne, %rem3A_891, %ne3A_892 : i32
    %lt3A_894 = arith.constant 0 : i32
    %lt3A_895 = arith.cmpi slt, %rem3A_891, %lt3A_894 : i32
    %lt3A_896 = arith.constant 0 : i32
    %lt3A_897 = arith.cmpi slt, %select_n3A_890, %lt3A_896 : i32
    %ne3A_898 = arith.xori %lt3A_895, %lt3A_897 : i1
    %and3A_899 = arith.andi %ne3A_898, %ne3A_893 : i1
    %add3A_900 = arith.addi %rem3A_891, %select_n3A_890 : i32
    %select_n3A_901 = arith.select %and3A_899, %add3A_900, %rem3A_891 : i32
    %dma_wait3A_902 = arith.constant 0 : i32
    %dma_wait3A_903 = tpu.memref_slice %arg4[%mul3A_885, %select_n3A_901, %dma_wait3A_902] : memref<204800x4x32xf32, #tpu.memory_space<hbm>> -> memref<1024x1x32xf32, #tpu.memory_space<hbm>>
    %dma_wait3A_904 = tpu.memref_squeeze %dma_wait3A_903 : memref<1024x1x32xf32, #tpu.memory_space<hbm>> -> memref<1024x32xf32, #tpu.memory_space<hbm>>
    %dma_wait3A_905 = arith.constant 0 : i32
    %dma_wait3A_906 = tpu.memref_slice %arg4[%mul3A_885, %select_n3A_901, %dma_wait3A_905] : memref<204800x4x32xf32, #tpu.memory_space<hbm>> -> memref<1024x1x32xf32, #tpu.memory_space<hbm>>
    %dma_wait3A_907 = tpu.memref_squeeze %dma_wait3A_906 : memref<1024x1x32xf32, #tpu.memory_space<hbm>> -> memref<1024x32xf32, #tpu.memory_space<hbm>>
    tpu.wait_dma2 semaphore(%arg11 : memref<!tpu.dma_semaphore, #tpu.memory_space<semaphore_mem>>) src(%arg7 : memref<1024x32xf32, #tpu.memory_space<vmem>>) dst(%dma_wait3A_907 : memref<1024x32xf32, #tpu.memory_space<hbm>>)
    %dma_start3A_908 = arith.constant 9216 : i32
    %dma_start3A_909 = tpu.memref_slice %arg5[%dma_start3A_908] : memref<25600xi32, #tpu.memory_space<vmem>> -> memref<1024xi32, #tpu.memory_space<vmem>>
    %dma_start3A_910 = arith.constant 0 : i32
    %dma_start3A_911 = arith.constant 0 : i32
    %dma_start3A_912 = tpu.memref_slice %arg3[%dma_start3A_910, %dma_start3A_911] : memref<1007616x32xf32, #tpu.memory_space<hbm>> -> memref<1007616x32xf32, #tpu.memory_space<hbm>>
    tpu.enqueue_indirect_dma source(%dma_start3A_912 : memref<1007616x32xf32, #tpu.memory_space<hbm>>) target(%arg7 : memref<1024x32xf32, #tpu.memory_space<vmem>>) offsets(%dma_start3A_909 : memref<1024xi32, #tpu.memory_space<vmem>>) semaphore(%arg9 : memref<!tpu.dma_semaphore, #tpu.memory_space<semaphore_mem>>)
    %dma_wait3A_913 = arith.constant 8192 : i32
    %dma_wait3A_914 = tpu.memref_slice %arg5[%dma_wait3A_913] : memref<25600xi32, #tpu.memory_space<vmem>> -> memref<1024xi32, #tpu.memory_space<vmem>>
    %dma_wait3A_915 = arith.constant 0 : i32
    %dma_wait3A_916 = arith.constant 0 : i32
    %dma_wait3A_917 = tpu.memref_slice %arg3[%dma_wait3A_915, %dma_wait3A_916] : memref<1007616x32xf32, #tpu.memory_space<hbm>> -> memref<1007616x32xf32, #tpu.memory_space<hbm>>
    tpu.wait_indirect_dma semaphore(%arg8 : memref<!tpu.dma_semaphore, #tpu.memory_space<semaphore_mem>>) src(%dma_wait3A_917 : memref<1007616x32xf32, #tpu.memory_space<hbm>>) dst(%arg6 : memref<1024x32xf32, #tpu.memory_space<vmem>>)
    %mul3A_918 = arith.constant 25 : i32
    %mul3A_919 = arith.muli %add3A, %mul3A_918 : i32
    %add3A_920 = arith.constant 8 : i32
    %add3A_921 = arith.addi %mul3A_919, %add3A_920 : i32
    %jit3A_922 = arith.constant 4 : i32
    %div3A_923 = arith.divsi %add3A_921, %jit3A_922 : i32
    %sign3A_924 = arith.constant 0 : i32
    %sign3A_925 = arith.cmpi sgt, %add3A_921, %sign3A_924 : i32
    %sign3A_926 = arith.extui %sign3A_925 : i1 to i32
    %sign3A_927 = arith.constant 0 : i32
    %sign3A_928 = arith.cmpi slt, %add3A_921, %sign3A_927 : i32
    %sign3A_929 = arith.extui %sign3A_928 : i1 to i32
    %sign3A_930 = arith.subi %sign3A_926, %sign3A_929 : i32
    %sign3A_931 = arith.constant 0 : i32
    %sign3A_932 = arith.cmpi sgt, %jit3A_922, %sign3A_931 : i32
    %sign3A_933 = arith.extui %sign3A_932 : i1 to i32
    %sign3A_934 = arith.constant 0 : i32
    %sign3A_935 = arith.cmpi slt, %jit3A_922, %sign3A_934 : i32
    %sign3A_936 = arith.extui %sign3A_935 : i1 to i32
    %sign3A_937 = arith.subi %sign3A_933, %sign3A_936 : i32
    %ne3A_938 = arith.cmpi ne, %sign3A_930, %sign3A_937 : i32
    %rem3A_939 = arith.remsi %add3A_921, %jit3A_922 : i32
    %ne3A_940 = arith.constant 0 : i32
    %ne3A_941 = arith.cmpi ne, %rem3A_939, %ne3A_940 : i32
    %and3A_942 = arith.andi %ne3A_938, %ne3A_941 : i1
    %sub3A_943 = arith.constant 1 : i32
    %sub3A_944 = arith.subi %div3A_923, %sub3A_943 : i32
    %select_n3A_945 = arith.select %and3A_942, %sub3A_944, %div3A_923 : i32
    %mul3A_946 = arith.constant 1024 : i32
    %mul3A_947 = arith.muli %select_n3A_945, %mul3A_946 : i32
    %jit3A_948 = arith.constant 4 : i32
    %eq3A_949 = arith.constant 0 : i32
    %eq3A_950 = arith.cmpi eq, %jit3A_948, %eq3A_949 : i32
    %jit3A_951 = arith.constant 1 : i32
    %select_n3A_952 = arith.select %eq3A_950, %jit3A_951, %jit3A_948 : i32
    %rem3A_953 = arith.remsi %add3A_921, %select_n3A_952 : i32
    %ne3A_954 = arith.constant 0 : i32
    %ne3A_955 = arith.cmpi ne, %rem3A_953, %ne3A_954 : i32
    %lt3A_956 = arith.constant 0 : i32
    %lt3A_957 = arith.cmpi slt, %rem3A_953, %lt3A_956 : i32
    %lt3A_958 = arith.constant 0 : i32
    %lt3A_959 = arith.cmpi slt, %select_n3A_952, %lt3A_958 : i32
    %ne3A_960 = arith.xori %lt3A_957, %lt3A_959 : i1
    %and3A_961 = arith.andi %ne3A_960, %ne3A_955 : i1
    %add3A_962 = arith.addi %rem3A_953, %select_n3A_952 : i32
    %select_n3A_963 = arith.select %and3A_961, %add3A_962, %rem3A_953 : i32
    %dma_start3A_964 = arith.constant 0 : i32
    %dma_start3A_965 = tpu.memref_slice %arg4[%mul3A_947, %select_n3A_963, %dma_start3A_964] : memref<204800x4x32xf32, #tpu.memory_space<hbm>> -> memref<1024x1x32xf32, #tpu.memory_space<hbm>>
    %dma_start3A_966 = tpu.memref_squeeze %dma_start3A_965 : memref<1024x1x32xf32, #tpu.memory_space<hbm>> -> memref<1024x32xf32, #tpu.memory_space<hbm>>
    %dma_start3A_967 = arith.constant 0 : i32
    %dma_start3A_968 = tpu.memref_slice %arg4[%mul3A_947, %select_n3A_963, %dma_start3A_967] : memref<204800x4x32xf32, #tpu.memory_space<hbm>> -> memref<1024x1x32xf32, #tpu.memory_space<hbm>>
    %dma_start3A_969 = tpu.memref_squeeze %dma_start3A_968 : memref<1024x1x32xf32, #tpu.memory_space<hbm>> -> memref<1024x32xf32, #tpu.memory_space<hbm>>
    tpu.enqueue_dma source(%arg6 : memref<1024x32xf32, #tpu.memory_space<vmem>>) target(%dma_start3A_969 : memref<1024x32xf32, #tpu.memory_space<hbm>>) target_semaphore(%arg10 : memref<!tpu.dma_semaphore, #tpu.memory_space<semaphore_mem>>)
    %mul3A_970 = arith.constant 25 : i32
    %mul3A_971 = arith.muli %add3A, %mul3A_970 : i32
    %add3A_972 = arith.constant 8 : i32
    %add3A_973 = arith.addi %mul3A_971, %add3A_972 : i32
    %jit3A_974 = arith.constant 4 : i32
    %div3A_975 = arith.divsi %add3A_973, %jit3A_974 : i32
    %sign3A_976 = arith.constant 0 : i32
    %sign3A_977 = arith.cmpi sgt, %add3A_973, %sign3A_976 : i32
    %sign3A_978 = arith.extui %sign3A_977 : i1 to i32
    %sign3A_979 = arith.constant 0 : i32
    %sign3A_980 = arith.cmpi slt, %add3A_973, %sign3A_979 : i32
    %sign3A_981 = arith.extui %sign3A_980 : i1 to i32
    %sign3A_982 = arith.subi %sign3A_978, %sign3A_981 : i32
    %sign3A_983 = arith.constant 0 : i32
    %sign3A_984 = arith.cmpi sgt, %jit3A_974, %sign3A_983 : i32
    %sign3A_985 = arith.extui %sign3A_984 : i1 to i32
    %sign3A_986 = arith.constant 0 : i32
    %sign3A_987 = arith.cmpi slt, %jit3A_974, %sign3A_986 : i32
    %sign3A_988 = arith.extui %sign3A_987 : i1 to i32
    %sign3A_989 = arith.subi %sign3A_985, %sign3A_988 : i32
    %ne3A_990 = arith.cmpi ne, %sign3A_982, %sign3A_989 : i32
    %rem3A_991 = arith.remsi %add3A_973, %jit3A_974 : i32
    %ne3A_992 = arith.constant 0 : i32
    %ne3A_993 = arith.cmpi ne, %rem3A_991, %ne3A_992 : i32
    %and3A_994 = arith.andi %ne3A_990, %ne3A_993 : i1
    %sub3A_995 = arith.constant 1 : i32
    %sub3A_996 = arith.subi %div3A_975, %sub3A_995 : i32
    %select_n3A_997 = arith.select %and3A_994, %sub3A_996, %div3A_975 : i32
    %mul3A_998 = arith.constant 1024 : i32
    %mul3A_999 = arith.muli %select_n3A_997, %mul3A_998 : i32
    %jit3A_1000 = arith.constant 4 : i32
    %eq3A_1001 = arith.constant 0 : i32
    %eq3A_1002 = arith.cmpi eq, %jit3A_1000, %eq3A_1001 : i32
    %jit3A_1003 = arith.constant 1 : i32
    %select_n3A_1004 = arith.select %eq3A_1002, %jit3A_1003, %jit3A_1000 : i32
    %rem3A_1005 = arith.remsi %add3A_973, %select_n3A_1004 : i32
    %ne3A_1006 = arith.constant 0 : i32
    %ne3A_1007 = arith.cmpi ne, %rem3A_1005, %ne3A_1006 : i32
    %lt3A_1008 = arith.constant 0 : i32
    %lt3A_1009 = arith.cmpi slt, %rem3A_1005, %lt3A_1008 : i32
    %lt3A_1010 = arith.constant 0 : i32
    %lt3A_1011 = arith.cmpi slt, %select_n3A_1004, %lt3A_1010 : i32
    %ne3A_1012 = arith.xori %lt3A_1009, %lt3A_1011 : i1
    %and3A_1013 = arith.andi %ne3A_1012, %ne3A_1007 : i1
    %add3A_1014 = arith.addi %rem3A_1005, %select_n3A_1004 : i32
    %select_n3A_1015 = arith.select %and3A_1013, %add3A_1014, %rem3A_1005 : i32
    %dma_wait3A_1016 = arith.constant 0 : i32
    %dma_wait3A_1017 = tpu.memref_slice %arg4[%mul3A_999, %select_n3A_1015, %dma_wait3A_1016] : memref<204800x4x32xf32, #tpu.memory_space<hbm>> -> memref<1024x1x32xf32, #tpu.memory_space<hbm>>
    %dma_wait3A_1018 = tpu.memref_squeeze %dma_wait3A_1017 : memref<1024x1x32xf32, #tpu.memory_space<hbm>> -> memref<1024x32xf32, #tpu.memory_space<hbm>>
    %dma_wait3A_1019 = arith.constant 0 : i32
    %dma_wait3A_1020 = tpu.memref_slice %arg4[%mul3A_999, %select_n3A_1015, %dma_wait3A_1019] : memref<204800x4x32xf32, #tpu.memory_space<hbm>> -> memref<1024x1x32xf32, #tpu.memory_space<hbm>>
    %dma_wait3A_1021 = tpu.memref_squeeze %dma_wait3A_1020 : memref<1024x1x32xf32, #tpu.memory_space<hbm>> -> memref<1024x32xf32, #tpu.memory_space<hbm>>
    tpu.wait_dma2 semaphore(%arg10 : memref<!tpu.dma_semaphore, #tpu.memory_space<semaphore_mem>>) src(%arg6 : memref<1024x32xf32, #tpu.memory_space<vmem>>) dst(%dma_wait3A_1021 : memref<1024x32xf32, #tpu.memory_space<hbm>>)
    %dma_start3A_1022 = arith.constant 10240 : i32
    %dma_start3A_1023 = tpu.memref_slice %arg5[%dma_start3A_1022] : memref<25600xi32, #tpu.memory_space<vmem>> -> memref<1024xi32, #tpu.memory_space<vmem>>
    %dma_start3A_1024 = arith.constant 0 : i32
    %dma_start3A_1025 = arith.constant 0 : i32
    %dma_start3A_1026 = tpu.memref_slice %arg3[%dma_start3A_1024, %dma_start3A_1025] : memref<1007616x32xf32, #tpu.memory_space<hbm>> -> memref<1007616x32xf32, #tpu.memory_space<hbm>>
    tpu.enqueue_indirect_dma source(%dma_start3A_1026 : memref<1007616x32xf32, #tpu.memory_space<hbm>>) target(%arg6 : memref<1024x32xf32, #tpu.memory_space<vmem>>) offsets(%dma_start3A_1023 : memref<1024xi32, #tpu.memory_space<vmem>>) semaphore(%arg8 : memref<!tpu.dma_semaphore, #tpu.memory_space<semaphore_mem>>)
    %dma_wait3A_1027 = arith.constant 9216 : i32
    %dma_wait3A_1028 = tpu.memref_slice %arg5[%dma_wait3A_1027] : memref<25600xi32, #tpu.memory_space<vmem>> -> memref<1024xi32, #tpu.memory_space<vmem>>
    %dma_wait3A_1029 = arith.constant 0 : i32
    %dma_wait3A_1030 = arith.constant 0 : i32
    %dma_wait3A_1031 = tpu.memref_slice %arg3[%dma_wait3A_1029, %dma_wait3A_1030] : memref<1007616x32xf32, #tpu.memory_space<hbm>> -> memref<1007616x32xf32, #tpu.memory_space<hbm>>
    tpu.wait_indirect_dma semaphore(%arg9 : memref<!tpu.dma_semaphore, #tpu.memory_space<semaphore_mem>>) src(%dma_wait3A_1031 : memref<1007616x32xf32, #tpu.memory_space<hbm>>) dst(%arg7 : memref<1024x32xf32, #tpu.memory_space<vmem>>)
    %mul3A_1032 = arith.constant 25 : i32
    %mul3A_1033 = arith.muli %add3A, %mul3A_1032 : i32
    %add3A_1034 = arith.constant 9 : i32
    %add3A_1035 = arith.addi %mul3A_1033, %add3A_1034 : i32
    %jit3A_1036 = arith.constant 4 : i32
    %div3A_1037 = arith.divsi %add3A_1035, %jit3A_1036 : i32
    %sign3A_1038 = arith.constant 0 : i32
    %sign3A_1039 = arith.cmpi sgt, %add3A_1035, %sign3A_1038 : i32
    %sign3A_1040 = arith.extui %sign3A_1039 : i1 to i32
    %sign3A_1041 = arith.constant 0 : i32
    %sign3A_1042 = arith.cmpi slt, %add3A_1035, %sign3A_1041 : i32
    %sign3A_1043 = arith.extui %sign3A_1042 : i1 to i32
    %sign3A_1044 = arith.subi %sign3A_1040, %sign3A_1043 : i32
    %sign3A_1045 = arith.constant 0 : i32
    %sign3A_1046 = arith.cmpi sgt, %jit3A_1036, %sign3A_1045 : i32
    %sign3A_1047 = arith.extui %sign3A_1046 : i1 to i32
    %sign3A_1048 = arith.constant 0 : i32
    %sign3A_1049 = arith.cmpi slt, %jit3A_1036, %sign3A_1048 : i32
    %sign3A_1050 = arith.extui %sign3A_1049 : i1 to i32
    %sign3A_1051 = arith.subi %sign3A_1047, %sign3A_1050 : i32
    %ne3A_1052 = arith.cmpi ne, %sign3A_1044, %sign3A_1051 : i32
    %rem3A_1053 = arith.remsi %add3A_1035, %jit3A_1036 : i32
    %ne3A_1054 = arith.constant 0 : i32
    %ne3A_1055 = arith.cmpi ne, %rem3A_1053, %ne3A_1054 : i32
    %and3A_1056 = arith.andi %ne3A_1052, %ne3A_1055 : i1
    %sub3A_1057 = arith.constant 1 : i32
    %sub3A_1058 = arith.subi %div3A_1037, %sub3A_1057 : i32
    %select_n3A_1059 = arith.select %and3A_1056, %sub3A_1058, %div3A_1037 : i32
    %mul3A_1060 = arith.constant 1024 : i32
    %mul3A_1061 = arith.muli %select_n3A_1059, %mul3A_1060 : i32
    %jit3A_1062 = arith.constant 4 : i32
    %eq3A_1063 = arith.constant 0 : i32
    %eq3A_1064 = arith.cmpi eq, %jit3A_1062, %eq3A_1063 : i32
    %jit3A_1065 = arith.constant 1 : i32
    %select_n3A_1066 = arith.select %eq3A_1064, %jit3A_1065, %jit3A_1062 : i32
    %rem3A_1067 = arith.remsi %add3A_1035, %select_n3A_1066 : i32
    %ne3A_1068 = arith.constant 0 : i32
    %ne3A_1069 = arith.cmpi ne, %rem3A_1067, %ne3A_1068 : i32
    %lt3A_1070 = arith.constant 0 : i32
    %lt3A_1071 = arith.cmpi slt, %rem3A_1067, %lt3A_1070 : i32
    %lt3A_1072 = arith.constant 0 : i32
    %lt3A_1073 = arith.cmpi slt, %select_n3A_1066, %lt3A_1072 : i32
    %ne3A_1074 = arith.xori %lt3A_1071, %lt3A_1073 : i1
    %and3A_1075 = arith.andi %ne3A_1074, %ne3A_1069 : i1
    %add3A_1076 = arith.addi %rem3A_1067, %select_n3A_1066 : i32
    %select_n3A_1077 = arith.select %and3A_1075, %add3A_1076, %rem3A_1067 : i32
    %dma_start3A_1078 = arith.constant 0 : i32
    %dma_start3A_1079 = tpu.memref_slice %arg4[%mul3A_1061, %select_n3A_1077, %dma_start3A_1078] : memref<204800x4x32xf32, #tpu.memory_space<hbm>> -> memref<1024x1x32xf32, #tpu.memory_space<hbm>>
    %dma_start3A_1080 = tpu.memref_squeeze %dma_start3A_1079 : memref<1024x1x32xf32, #tpu.memory_space<hbm>> -> memref<1024x32xf32, #tpu.memory_space<hbm>>
    %dma_start3A_1081 = arith.constant 0 : i32
    %dma_start3A_1082 = tpu.memref_slice %arg4[%mul3A_1061, %select_n3A_1077, %dma_start3A_1081] : memref<204800x4x32xf32, #tpu.memory_space<hbm>> -> memref<1024x1x32xf32, #tpu.memory_space<hbm>>
    %dma_start3A_1083 = tpu.memref_squeeze %dma_start3A_1082 : memref<1024x1x32xf32, #tpu.memory_space<hbm>> -> memref<1024x32xf32, #tpu.memory_space<hbm>>
    tpu.enqueue_dma source(%arg7 : memref<1024x32xf32, #tpu.memory_space<vmem>>) target(%dma_start3A_1083 : memref<1024x32xf32, #tpu.memory_space<hbm>>) target_semaphore(%arg11 : memref<!tpu.dma_semaphore, #tpu.memory_space<semaphore_mem>>)
    %mul3A_1084 = arith.constant 25 : i32
    %mul3A_1085 = arith.muli %add3A, %mul3A_1084 : i32
    %add3A_1086 = arith.constant 9 : i32
    %add3A_1087 = arith.addi %mul3A_1085, %add3A_1086 : i32
    %jit3A_1088 = arith.constant 4 : i32
    %div3A_1089 = arith.divsi %add3A_1087, %jit3A_1088 : i32
    %sign3A_1090 = arith.constant 0 : i32
    %sign3A_1091 = arith.cmpi sgt, %add3A_1087, %sign3A_1090 : i32
    %sign3A_1092 = arith.extui %sign3A_1091 : i1 to i32
    %sign3A_1093 = arith.constant 0 : i32
    %sign3A_1094 = arith.cmpi slt, %add3A_1087, %sign3A_1093 : i32
    %sign3A_1095 = arith.extui %sign3A_1094 : i1 to i32
    %sign3A_1096 = arith.subi %sign3A_1092, %sign3A_1095 : i32
    %sign3A_1097 = arith.constant 0 : i32
    %sign3A_1098 = arith.cmpi sgt, %jit3A_1088, %sign3A_1097 : i32
    %sign3A_1099 = arith.extui %sign3A_1098 : i1 to i32
    %sign3A_1100 = arith.constant 0 : i32
    %sign3A_1101 = arith.cmpi slt, %jit3A_1088, %sign3A_1100 : i32
    %sign3A_1102 = arith.extui %sign3A_1101 : i1 to i32
    %sign3A_1103 = arith.subi %sign3A_1099, %sign3A_1102 : i32
    %ne3A_1104 = arith.cmpi ne, %sign3A_1096, %sign3A_1103 : i32
    %rem3A_1105 = arith.remsi %add3A_1087, %jit3A_1088 : i32
    %ne3A_1106 = arith.constant 0 : i32
    %ne3A_1107 = arith.cmpi ne, %rem3A_1105, %ne3A_1106 : i32
    %and3A_1108 = arith.andi %ne3A_1104, %ne3A_1107 : i1
    %sub3A_1109 = arith.constant 1 : i32
    %sub3A_1110 = arith.subi %div3A_1089, %sub3A_1109 : i32
    %select_n3A_1111 = arith.select %and3A_1108, %sub3A_1110, %div3A_1089 : i32
    %mul3A_1112 = arith.constant 1024 : i32
    %mul3A_1113 = arith.muli %select_n3A_1111, %mul3A_1112 : i32
    %jit3A_1114 = arith.constant 4 : i32
    %eq3A_1115 = arith.constant 0 : i32
    %eq3A_1116 = arith.cmpi eq, %jit3A_1114, %eq3A_1115 : i32
    %jit3A_1117 = arith.constant 1 : i32
    %select_n3A_1118 = arith.select %eq3A_1116, %jit3A_1117, %jit3A_1114 : i32
    %rem3A_1119 = arith.remsi %add3A_1087, %select_n3A_1118 : i32
    %ne3A_1120 = arith.constant 0 : i32
    %ne3A_1121 = arith.cmpi ne, %rem3A_1119, %ne3A_1120 : i32
    %lt3A_1122 = arith.constant 0 : i32
    %lt3A_1123 = arith.cmpi slt, %rem3A_1119, %lt3A_1122 : i32
    %lt3A_1124 = arith.constant 0 : i32
    %lt3A_1125 = arith.cmpi slt, %select_n3A_1118, %lt3A_1124 : i32
    %ne3A_1126 = arith.xori %lt3A_1123, %lt3A_1125 : i1
    %and3A_1127 = arith.andi %ne3A_1126, %ne3A_1121 : i1
    %add3A_1128 = arith.addi %rem3A_1119, %select_n3A_1118 : i32
    %select_n3A_1129 = arith.select %and3A_1127, %add3A_1128, %rem3A_1119 : i32
    %dma_wait3A_1130 = arith.constant 0 : i32
    %dma_wait3A_1131 = tpu.memref_slice %arg4[%mul3A_1113, %select_n3A_1129, %dma_wait3A_1130] : memref<204800x4x32xf32, #tpu.memory_space<hbm>> -> memref<1024x1x32xf32, #tpu.memory_space<hbm>>
    %dma_wait3A_1132 = tpu.memref_squeeze %dma_wait3A_1131 : memref<1024x1x32xf32, #tpu.memory_space<hbm>> -> memref<1024x32xf32, #tpu.memory_space<hbm>>
    %dma_wait3A_1133 = arith.constant 0 : i32
    %dma_wait3A_1134 = tpu.memref_slice %arg4[%mul3A_1113, %select_n3A_1129, %dma_wait3A_1133] : memref<204800x4x32xf32, #tpu.memory_space<hbm>> -> memref<1024x1x32xf32, #tpu.memory_space<hbm>>
    %dma_wait3A_1135 = tpu.memref_squeeze %dma_wait3A_1134 : memref<1024x1x32xf32, #tpu.memory_space<hbm>> -> memref<1024x32xf32, #tpu.memory_space<hbm>>
    tpu.wait_dma2 semaphore(%arg11 : memref<!tpu.dma_semaphore, #tpu.memory_space<semaphore_mem>>) src(%arg7 : memref<1024x32xf32, #tpu.memory_space<vmem>>) dst(%dma_wait3A_1135 : memref<1024x32xf32, #tpu.memory_space<hbm>>)
    %dma_start3A_1136 = arith.constant 11264 : i32
    %dma_start3A_1137 = tpu.memref_slice %arg5[%dma_start3A_1136] : memref<25600xi32, #tpu.memory_space<vmem>> -> memref<1024xi32, #tpu.memory_space<vmem>>
    %dma_start3A_1138 = arith.constant 0 : i32
    %dma_start3A_1139 = arith.constant 0 : i32
    %dma_start3A_1140 = tpu.memref_slice %arg3[%dma_start3A_1138, %dma_start3A_1139] : memref<1007616x32xf32, #tpu.memory_space<hbm>> -> memref<1007616x32xf32, #tpu.memory_space<hbm>>
    tpu.enqueue_indirect_dma source(%dma_start3A_1140 : memref<1007616x32xf32, #tpu.memory_space<hbm>>) target(%arg7 : memref<1024x32xf32, #tpu.memory_space<vmem>>) offsets(%dma_start3A_1137 : memref<1024xi32, #tpu.memory_space<vmem>>) semaphore(%arg9 : memref<!tpu.dma_semaphore, #tpu.memory_space<semaphore_mem>>)
    %dma_wait3A_1141 = arith.constant 10240 : i32
    %dma_wait3A_1142 = tpu.memref_slice %arg5[%dma_wait3A_1141] : memref<25600xi32, #tpu.memory_space<vmem>> -> memref<1024xi32, #tpu.memory_space<vmem>>
    %dma_wait3A_1143 = arith.constant 0 : i32
    %dma_wait3A_1144 = arith.constant 0 : i32
    %dma_wait3A_1145 = tpu.memref_slice %arg3[%dma_wait3A_1143, %dma_wait3A_1144] : memref<1007616x32xf32, #tpu.memory_space<hbm>> -> memref<1007616x32xf32, #tpu.memory_space<hbm>>
    tpu.wait_indirect_dma semaphore(%arg8 : memref<!tpu.dma_semaphore, #tpu.memory_space<semaphore_mem>>) src(%dma_wait3A_1145 : memref<1007616x32xf32, #tpu.memory_space<hbm>>) dst(%arg6 : memref<1024x32xf32, #tpu.memory_space<vmem>>)
    %mul3A_1146 = arith.constant 25 : i32
    %mul3A_1147 = arith.muli %add3A, %mul3A_1146 : i32
    %add3A_1148 = arith.constant 10 : i32
    %add3A_1149 = arith.addi %mul3A_1147, %add3A_1148 : i32
    %jit3A_1150 = arith.constant 4 : i32
    %div3A_1151 = arith.divsi %add3A_1149, %jit3A_1150 : i32
    %sign3A_1152 = arith.constant 0 : i32
    %sign3A_1153 = arith.cmpi sgt, %add3A_1149, %sign3A_1152 : i32
    %sign3A_1154 = arith.extui %sign3A_1153 : i1 to i32
    %sign3A_1155 = arith.constant 0 : i32
    %sign3A_1156 = arith.cmpi slt, %add3A_1149, %sign3A_1155 : i32
    %sign3A_1157 = arith.extui %sign3A_1156 : i1 to i32
    %sign3A_1158 = arith.subi %sign3A_1154, %sign3A_1157 : i32
    %sign3A_1159 = arith.constant 0 : i32
    %sign3A_1160 = arith.cmpi sgt, %jit3A_1150, %sign3A_1159 : i32
    %sign3A_1161 = arith.extui %sign3A_1160 : i1 to i32
    %sign3A_1162 = arith.constant 0 : i32
    %sign3A_1163 = arith.cmpi slt, %jit3A_1150, %sign3A_1162 : i32
    %sign3A_1164 = arith.extui %sign3A_1163 : i1 to i32
    %sign3A_1165 = arith.subi %sign3A_1161, %sign3A_1164 : i32
    %ne3A_1166 = arith.cmpi ne, %sign3A_1158, %sign3A_1165 : i32
    %rem3A_1167 = arith.remsi %add3A_1149, %jit3A_1150 : i32
    %ne3A_1168 = arith.constant 0 : i32
    %ne3A_1169 = arith.cmpi ne, %rem3A_1167, %ne3A_1168 : i32
    %and3A_1170 = arith.andi %ne3A_1166, %ne3A_1169 : i1
    %sub3A_1171 = arith.constant 1 : i32
    %sub3A_1172 = arith.subi %div3A_1151, %sub3A_1171 : i32
    %select_n3A_1173 = arith.select %and3A_1170, %sub3A_1172, %div3A_1151 : i32
    %mul3A_1174 = arith.constant 1024 : i32
    %mul3A_1175 = arith.muli %select_n3A_1173, %mul3A_1174 : i32
    %jit3A_1176 = arith.constant 4 : i32
    %eq3A_1177 = arith.constant 0 : i32
    %eq3A_1178 = arith.cmpi eq, %jit3A_1176, %eq3A_1177 : i32
    %jit3A_1179 = arith.constant 1 : i32
    %select_n3A_1180 = arith.select %eq3A_1178, %jit3A_1179, %jit3A_1176 : i32
    %rem3A_1181 = arith.remsi %add3A_1149, %select_n3A_1180 : i32
    %ne3A_1182 = arith.constant 0 : i32
    %ne3A_1183 = arith.cmpi ne, %rem3A_1181, %ne3A_1182 : i32
    %lt3A_1184 = arith.constant 0 : i32
    %lt3A_1185 = arith.cmpi slt, %rem3A_1181, %lt3A_1184 : i32
    %lt3A_1186 = arith.constant 0 : i32
    %lt3A_1187 = arith.cmpi slt, %select_n3A_1180, %lt3A_1186 : i32
    %ne3A_1188 = arith.xori %lt3A_1185, %lt3A_1187 : i1
    %and3A_1189 = arith.andi %ne3A_1188, %ne3A_1183 : i1
    %add3A_1190 = arith.addi %rem3A_1181, %select_n3A_1180 : i32
    %select_n3A_1191 = arith.select %and3A_1189, %add3A_1190, %rem3A_1181 : i32
    %dma_start3A_1192 = arith.constant 0 : i32
    %dma_start3A_1193 = tpu.memref_slice %arg4[%mul3A_1175, %select_n3A_1191, %dma_start3A_1192] : memref<204800x4x32xf32, #tpu.memory_space<hbm>> -> memref<1024x1x32xf32, #tpu.memory_space<hbm>>
    %dma_start3A_1194 = tpu.memref_squeeze %dma_start3A_1193 : memref<1024x1x32xf32, #tpu.memory_space<hbm>> -> memref<1024x32xf32, #tpu.memory_space<hbm>>
    %dma_start3A_1195 = arith.constant 0 : i32
    %dma_start3A_1196 = tpu.memref_slice %arg4[%mul3A_1175, %select_n3A_1191, %dma_start3A_1195] : memref<204800x4x32xf32, #tpu.memory_space<hbm>> -> memref<1024x1x32xf32, #tpu.memory_space<hbm>>
    %dma_start3A_1197 = tpu.memref_squeeze %dma_start3A_1196 : memref<1024x1x32xf32, #tpu.memory_space<hbm>> -> memref<1024x32xf32, #tpu.memory_space<hbm>>
    tpu.enqueue_dma source(%arg6 : memref<1024x32xf32, #tpu.memory_space<vmem>>) target(%dma_start3A_1197 : memref<1024x32xf32, #tpu.memory_space<hbm>>) target_semaphore(%arg10 : memref<!tpu.dma_semaphore, #tpu.memory_space<semaphore_mem>>)
    %mul3A_1198 = arith.constant 25 : i32
    %mul3A_1199 = arith.muli %add3A, %mul3A_1198 : i32
    %add3A_1200 = arith.constant 10 : i32
    %add3A_1201 = arith.addi %mul3A_1199, %add3A_1200 : i32
    %jit3A_1202 = arith.constant 4 : i32
    %div3A_1203 = arith.divsi %add3A_1201, %jit3A_1202 : i32
    %sign3A_1204 = arith.constant 0 : i32
    %sign3A_1205 = arith.cmpi sgt, %add3A_1201, %sign3A_1204 : i32
    %sign3A_1206 = arith.extui %sign3A_1205 : i1 to i32
    %sign3A_1207 = arith.constant 0 : i32
    %sign3A_1208 = arith.cmpi slt, %add3A_1201, %sign3A_1207 : i32
    %sign3A_1209 = arith.extui %sign3A_1208 : i1 to i32
    %sign3A_1210 = arith.subi %sign3A_1206, %sign3A_1209 : i32
    %sign3A_1211 = arith.constant 0 : i32
    %sign3A_1212 = arith.cmpi sgt, %jit3A_1202, %sign3A_1211 : i32
    %sign3A_1213 = arith.extui %sign3A_1212 : i1 to i32
    %sign3A_1214 = arith.constant 0 : i32
    %sign3A_1215 = arith.cmpi slt, %jit3A_1202, %sign3A_1214 : i32
    %sign3A_1216 = arith.extui %sign3A_1215 : i1 to i32
    %sign3A_1217 = arith.subi %sign3A_1213, %sign3A_1216 : i32
    %ne3A_1218 = arith.cmpi ne, %sign3A_1210, %sign3A_1217 : i32
    %rem3A_1219 = arith.remsi %add3A_1201, %jit3A_1202 : i32
    %ne3A_1220 = arith.constant 0 : i32
    %ne3A_1221 = arith.cmpi ne, %rem3A_1219, %ne3A_1220 : i32
    %and3A_1222 = arith.andi %ne3A_1218, %ne3A_1221 : i1
    %sub3A_1223 = arith.constant 1 : i32
    %sub3A_1224 = arith.subi %div3A_1203, %sub3A_1223 : i32
    %select_n3A_1225 = arith.select %and3A_1222, %sub3A_1224, %div3A_1203 : i32
    %mul3A_1226 = arith.constant 1024 : i32
    %mul3A_1227 = arith.muli %select_n3A_1225, %mul3A_1226 : i32
    %jit3A_1228 = arith.constant 4 : i32
    %eq3A_1229 = arith.constant 0 : i32
    %eq3A_1230 = arith.cmpi eq, %jit3A_1228, %eq3A_1229 : i32
    %jit3A_1231 = arith.constant 1 : i32
    %select_n3A_1232 = arith.select %eq3A_1230, %jit3A_1231, %jit3A_1228 : i32
    %rem3A_1233 = arith.remsi %add3A_1201, %select_n3A_1232 : i32
    %ne3A_1234 = arith.constant 0 : i32
    %ne3A_1235 = arith.cmpi ne, %rem3A_1233, %ne3A_1234 : i32
    %lt3A_1236 = arith.constant 0 : i32
    %lt3A_1237 = arith.cmpi slt, %rem3A_1233, %lt3A_1236 : i32
    %lt3A_1238 = arith.constant 0 : i32
    %lt3A_1239 = arith.cmpi slt, %select_n3A_1232, %lt3A_1238 : i32
    %ne3A_1240 = arith.xori %lt3A_1237, %lt3A_1239 : i1
    %and3A_1241 = arith.andi %ne3A_1240, %ne3A_1235 : i1
    %add3A_1242 = arith.addi %rem3A_1233, %select_n3A_1232 : i32
    %select_n3A_1243 = arith.select %and3A_1241, %add3A_1242, %rem3A_1233 : i32
    %dma_wait3A_1244 = arith.constant 0 : i32
    %dma_wait3A_1245 = tpu.memref_slice %arg4[%mul3A_1227, %select_n3A_1243, %dma_wait3A_1244] : memref<204800x4x32xf32, #tpu.memory_space<hbm>> -> memref<1024x1x32xf32, #tpu.memory_space<hbm>>
    %dma_wait3A_1246 = tpu.memref_squeeze %dma_wait3A_1245 : memref<1024x1x32xf32, #tpu.memory_space<hbm>> -> memref<1024x32xf32, #tpu.memory_space<hbm>>
    %dma_wait3A_1247 = arith.constant 0 : i32
    %dma_wait3A_1248 = tpu.memref_slice %arg4[%mul3A_1227, %select_n3A_1243, %dma_wait3A_1247] : memref<204800x4x32xf32, #tpu.memory_space<hbm>> -> memref<1024x1x32xf32, #tpu.memory_space<hbm>>
    %dma_wait3A_1249 = tpu.memref_squeeze %dma_wait3A_1248 : memref<1024x1x32xf32, #tpu.memory_space<hbm>> -> memref<1024x32xf32, #tpu.memory_space<hbm>>
    tpu.wait_dma2 semaphore(%arg10 : memref<!tpu.dma_semaphore, #tpu.memory_space<semaphore_mem>>) src(%arg6 : memref<1024x32xf32, #tpu.memory_space<vmem>>) dst(%dma_wait3A_1249 : memref<1024x32xf32, #tpu.memory_space<hbm>>)
    %dma_start3A_1250 = arith.constant 12288 : i32
    %dma_start3A_1251 = tpu.memref_slice %arg5[%dma_start3A_1250] : memref<25600xi32, #tpu.memory_space<vmem>> -> memref<1024xi32, #tpu.memory_space<vmem>>
    %dma_start3A_1252 = arith.constant 0 : i32
    %dma_start3A_1253 = arith.constant 0 : i32
    %dma_start3A_1254 = tpu.memref_slice %arg3[%dma_start3A_1252, %dma_start3A_1253] : memref<1007616x32xf32, #tpu.memory_space<hbm>> -> memref<1007616x32xf32, #tpu.memory_space<hbm>>
    tpu.enqueue_indirect_dma source(%dma_start3A_1254 : memref<1007616x32xf32, #tpu.memory_space<hbm>>) target(%arg6 : memref<1024x32xf32, #tpu.memory_space<vmem>>) offsets(%dma_start3A_1251 : memref<1024xi32, #tpu.memory_space<vmem>>) semaphore(%arg8 : memref<!tpu.dma_semaphore, #tpu.memory_space<semaphore_mem>>)
    %dma_wait3A_1255 = arith.constant 11264 : i32
    %dma_wait3A_1256 = tpu.memref_slice %arg5[%dma_wait3A_1255] : memref<25600xi32, #tpu.memory_space<vmem>> -> memref<1024xi32, #tpu.memory_space<vmem>>
    %dma_wait3A_1257 = arith.constant 0 : i32
    %dma_wait3A_1258 = arith.constant 0 : i32
    %dma_wait3A_1259 = tpu.memref_slice %arg3[%dma_wait3A_1257, %dma_wait3A_1258] : memref<1007616x32xf32, #tpu.memory_space<hbm>> -> memref<1007616x32xf32, #tpu.memory_space<hbm>>
    tpu.wait_indirect_dma semaphore(%arg9 : memref<!tpu.dma_semaphore, #tpu.memory_space<semaphore_mem>>) src(%dma_wait3A_1259 : memref<1007616x32xf32, #tpu.memory_space<hbm>>) dst(%arg7 : memref<1024x32xf32, #tpu.memory_space<vmem>>)
    %mul3A_1260 = arith.constant 25 : i32
    %mul3A_1261 = arith.muli %add3A, %mul3A_1260 : i32
    %add3A_1262 = arith.constant 11 : i32
    %add3A_1263 = arith.addi %mul3A_1261, %add3A_1262 : i32
    %jit3A_1264 = arith.constant 4 : i32
    %div3A_1265 = arith.divsi %add3A_1263, %jit3A_1264 : i32
    %sign3A_1266 = arith.constant 0 : i32
    %sign3A_1267 = arith.cmpi sgt, %add3A_1263, %sign3A_1266 : i32
    %sign3A_1268 = arith.extui %sign3A_1267 : i1 to i32
    %sign3A_1269 = arith.constant 0 : i32
    %sign3A_1270 = arith.cmpi slt, %add3A_1263, %sign3A_1269 : i32
    %sign3A_1271 = arith.extui %sign3A_1270 : i1 to i32
    %sign3A_1272 = arith.subi %sign3A_1268, %sign3A_1271 : i32
    %sign3A_1273 = arith.constant 0 : i32
    %sign3A_1274 = arith.cmpi sgt, %jit3A_1264, %sign3A_1273 : i32
    %sign3A_1275 = arith.extui %sign3A_1274 : i1 to i32
    %sign3A_1276 = arith.constant 0 : i32
    %sign3A_1277 = arith.cmpi slt, %jit3A_1264, %sign3A_1276 : i32
    %sign3A_1278 = arith.extui %sign3A_1277 : i1 to i32
    %sign3A_1279 = arith.subi %sign3A_1275, %sign3A_1278 : i32
    %ne3A_1280 = arith.cmpi ne, %sign3A_1272, %sign3A_1279 : i32
    %rem3A_1281 = arith.remsi %add3A_1263, %jit3A_1264 : i32
    %ne3A_1282 = arith.constant 0 : i32
    %ne3A_1283 = arith.cmpi ne, %rem3A_1281, %ne3A_1282 : i32
    %and3A_1284 = arith.andi %ne3A_1280, %ne3A_1283 : i1
    %sub3A_1285 = arith.constant 1 : i32
    %sub3A_1286 = arith.subi %div3A_1265, %sub3A_1285 : i32
    %select_n3A_1287 = arith.select %and3A_1284, %sub3A_1286, %div3A_1265 : i32
    %mul3A_1288 = arith.constant 1024 : i32
    %mul3A_1289 = arith.muli %select_n3A_1287, %mul3A_1288 : i32
    %jit3A_1290 = arith.constant 4 : i32
    %eq3A_1291 = arith.constant 0 : i32
    %eq3A_1292 = arith.cmpi eq, %jit3A_1290, %eq3A_1291 : i32
    %jit3A_1293 = arith.constant 1 : i32
    %select_n3A_1294 = arith.select %eq3A_1292, %jit3A_1293, %jit3A_1290 : i32
    %rem3A_1295 = arith.remsi %add3A_1263, %select_n3A_1294 : i32
    %ne3A_1296 = arith.constant 0 : i32
    %ne3A_1297 = arith.cmpi ne, %rem3A_1295, %ne3A_1296 : i32
    %lt3A_1298 = arith.constant 0 : i32
    %lt3A_1299 = arith.cmpi slt, %rem3A_1295, %lt3A_1298 : i32
    %lt3A_1300 = arith.constant 0 : i32
    %lt3A_1301 = arith.cmpi slt, %select_n3A_1294, %lt3A_1300 : i32
    %ne3A_1302 = arith.xori %lt3A_1299, %lt3A_1301 : i1
    %and3A_1303 = arith.andi %ne3A_1302, %ne3A_1297 : i1
    %add3A_1304 = arith.addi %rem3A_1295, %select_n3A_1294 : i32
    %select_n3A_1305 = arith.select %and3A_1303, %add3A_1304, %rem3A_1295 : i32
    %dma_start3A_1306 = arith.constant 0 : i32
    %dma_start3A_1307 = tpu.memref_slice %arg4[%mul3A_1289, %select_n3A_1305, %dma_start3A_1306] : memref<204800x4x32xf32, #tpu.memory_space<hbm>> -> memref<1024x1x32xf32, #tpu.memory_space<hbm>>
    %dma_start3A_1308 = tpu.memref_squeeze %dma_start3A_1307 : memref<1024x1x32xf32, #tpu.memory_space<hbm>> -> memref<1024x32xf32, #tpu.memory_space<hbm>>
    %dma_start3A_1309 = arith.constant 0 : i32
    %dma_start3A_1310 = tpu.memref_slice %arg4[%mul3A_1289, %select_n3A_1305, %dma_start3A_1309] : memref<204800x4x32xf32, #tpu.memory_space<hbm>> -> memref<1024x1x32xf32, #tpu.memory_space<hbm>>
    %dma_start3A_1311 = tpu.memref_squeeze %dma_start3A_1310 : memref<1024x1x32xf32, #tpu.memory_space<hbm>> -> memref<1024x32xf32, #tpu.memory_space<hbm>>
    tpu.enqueue_dma source(%arg7 : memref<1024x32xf32, #tpu.memory_space<vmem>>) target(%dma_start3A_1311 : memref<1024x32xf32, #tpu.memory_space<hbm>>) target_semaphore(%arg11 : memref<!tpu.dma_semaphore, #tpu.memory_space<semaphore_mem>>)
    %mul3A_1312 = arith.constant 25 : i32
    %mul3A_1313 = arith.muli %add3A, %mul3A_1312 : i32
    %add3A_1314 = arith.constant 11 : i32
    %add3A_1315 = arith.addi %mul3A_1313, %add3A_1314 : i32
    %jit3A_1316 = arith.constant 4 : i32
    %div3A_1317 = arith.divsi %add3A_1315, %jit3A_1316 : i32
    %sign3A_1318 = arith.constant 0 : i32
    %sign3A_1319 = arith.cmpi sgt, %add3A_1315, %sign3A_1318 : i32
    %sign3A_1320 = arith.extui %sign3A_1319 : i1 to i32
    %sign3A_1321 = arith.constant 0 : i32
    %sign3A_1322 = arith.cmpi slt, %add3A_1315, %sign3A_1321 : i32
    %sign3A_1323 = arith.extui %sign3A_1322 : i1 to i32
    %sign3A_1324 = arith.subi %sign3A_1320, %sign3A_1323 : i32
    %sign3A_1325 = arith.constant 0 : i32
    %sign3A_1326 = arith.cmpi sgt, %jit3A_1316, %sign3A_1325 : i32
    %sign3A_1327 = arith.extui %sign3A_1326 : i1 to i32
    %sign3A_1328 = arith.constant 0 : i32
    %sign3A_1329 = arith.cmpi slt, %jit3A_1316, %sign3A_1328 : i32
    %sign3A_1330 = arith.extui %sign3A_1329 : i1 to i32
    %sign3A_1331 = arith.subi %sign3A_1327, %sign3A_1330 : i32
    %ne3A_1332 = arith.cmpi ne, %sign3A_1324, %sign3A_1331 : i32
    %rem3A_1333 = arith.remsi %add3A_1315, %jit3A_1316 : i32
    %ne3A_1334 = arith.constant 0 : i32
    %ne3A_1335 = arith.cmpi ne, %rem3A_1333, %ne3A_1334 : i32
    %and3A_1336 = arith.andi %ne3A_1332, %ne3A_1335 : i1
    %sub3A_1337 = arith.constant 1 : i32
    %sub3A_1338 = arith.subi %div3A_1317, %sub3A_1337 : i32
    %select_n3A_1339 = arith.select %and3A_1336, %sub3A_1338, %div3A_1317 : i32
    %mul3A_1340 = arith.constant 1024 : i32
    %mul3A_1341 = arith.muli %select_n3A_1339, %mul3A_1340 : i32
    %jit3A_1342 = arith.constant 4 : i32
    %eq3A_1343 = arith.constant 0 : i32
    %eq3A_1344 = arith.cmpi eq, %jit3A_1342, %eq3A_1343 : i32
    %jit3A_1345 = arith.constant 1 : i32
    %select_n3A_1346 = arith.select %eq3A_1344, %jit3A_1345, %jit3A_1342 : i32
    %rem3A_1347 = arith.remsi %add3A_1315, %select_n3A_1346 : i32
    %ne3A_1348 = arith.constant 0 : i32
    %ne3A_1349 = arith.cmpi ne, %rem3A_1347, %ne3A_1348 : i32
    %lt3A_1350 = arith.constant 0 : i32
    %lt3A_1351 = arith.cmpi slt, %rem3A_1347, %lt3A_1350 : i32
    %lt3A_1352 = arith.constant 0 : i32
    %lt3A_1353 = arith.cmpi slt, %select_n3A_1346, %lt3A_1352 : i32
    %ne3A_1354 = arith.xori %lt3A_1351, %lt3A_1353 : i1
    %and3A_1355 = arith.andi %ne3A_1354, %ne3A_1349 : i1
    %add3A_1356 = arith.addi %rem3A_1347, %select_n3A_1346 : i32
    %select_n3A_1357 = arith.select %and3A_1355, %add3A_1356, %rem3A_1347 : i32
    %dma_wait3A_1358 = arith.constant 0 : i32
    %dma_wait3A_1359 = tpu.memref_slice %arg4[%mul3A_1341, %select_n3A_1357, %dma_wait3A_1358] : memref<204800x4x32xf32, #tpu.memory_space<hbm>> -> memref<1024x1x32xf32, #tpu.memory_space<hbm>>
    %dma_wait3A_1360 = tpu.memref_squeeze %dma_wait3A_1359 : memref<1024x1x32xf32, #tpu.memory_space<hbm>> -> memref<1024x32xf32, #tpu.memory_space<hbm>>
    %dma_wait3A_1361 = arith.constant 0 : i32
    %dma_wait3A_1362 = tpu.memref_slice %arg4[%mul3A_1341, %select_n3A_1357, %dma_wait3A_1361] : memref<204800x4x32xf32, #tpu.memory_space<hbm>> -> memref<1024x1x32xf32, #tpu.memory_space<hbm>>
    %dma_wait3A_1363 = tpu.memref_squeeze %dma_wait3A_1362 : memref<1024x1x32xf32, #tpu.memory_space<hbm>> -> memref<1024x32xf32, #tpu.memory_space<hbm>>
    tpu.wait_dma2 semaphore(%arg11 : memref<!tpu.dma_semaphore, #tpu.memory_space<semaphore_mem>>) src(%arg7 : memref<1024x32xf32, #tpu.memory_space<vmem>>) dst(%dma_wait3A_1363 : memref<1024x32xf32, #tpu.memory_space<hbm>>)
    %dma_start3A_1364 = arith.constant 13312 : i32
    %dma_start3A_1365 = tpu.memref_slice %arg5[%dma_start3A_1364] : memref<25600xi32, #tpu.memory_space<vmem>> -> memref<1024xi32, #tpu.memory_space<vmem>>
    %dma_start3A_1366 = arith.constant 0 : i32
    %dma_start3A_1367 = arith.constant 0 : i32
    %dma_start3A_1368 = tpu.memref_slice %arg3[%dma_start3A_1366, %dma_start3A_1367] : memref<1007616x32xf32, #tpu.memory_space<hbm>> -> memref<1007616x32xf32, #tpu.memory_space<hbm>>
    tpu.enqueue_indirect_dma source(%dma_start3A_1368 : memref<1007616x32xf32, #tpu.memory_space<hbm>>) target(%arg7 : memref<1024x32xf32, #tpu.memory_space<vmem>>) offsets(%dma_start3A_1365 : memref<1024xi32, #tpu.memory_space<vmem>>) semaphore(%arg9 : memref<!tpu.dma_semaphore, #tpu.memory_space<semaphore_mem>>)
    %dma_wait3A_1369 = arith.constant 12288 : i32
    %dma_wait3A_1370 = tpu.memref_slice %arg5[%dma_wait3A_1369] : memref<25600xi32, #tpu.memory_space<vmem>> -> memref<1024xi32, #tpu.memory_space<vmem>>
    %dma_wait3A_1371 = arith.constant 0 : i32
    %dma_wait3A_1372 = arith.constant 0 : i32
    %dma_wait3A_1373 = tpu.memref_slice %arg3[%dma_wait3A_1371, %dma_wait3A_1372] : memref<1007616x32xf32, #tpu.memory_space<hbm>> -> memref<1007616x32xf32, #tpu.memory_space<hbm>>
    tpu.wait_indirect_dma semaphore(%arg8 : memref<!tpu.dma_semaphore, #tpu.memory_space<semaphore_mem>>) src(%dma_wait3A_1373 : memref<1007616x32xf32, #tpu.memory_space<hbm>>) dst(%arg6 : memref<1024x32xf32, #tpu.memory_space<vmem>>)
    %mul3A_1374 = arith.constant 25 : i32
    %mul3A_1375 = arith.muli %add3A, %mul3A_1374 : i32
    %add3A_1376 = arith.constant 12 : i32
    %add3A_1377 = arith.addi %mul3A_1375, %add3A_1376 : i32
    %jit3A_1378 = arith.constant 4 : i32
    %div3A_1379 = arith.divsi %add3A_1377, %jit3A_1378 : i32
    %sign3A_1380 = arith.constant 0 : i32
    %sign3A_1381 = arith.cmpi sgt, %add3A_1377, %sign3A_1380 : i32
    %sign3A_1382 = arith.extui %sign3A_1381 : i1 to i32
    %sign3A_1383 = arith.constant 0 : i32
    %sign3A_1384 = arith.cmpi slt, %add3A_1377, %sign3A_1383 : i32
    %sign3A_1385 = arith.extui %sign3A_1384 : i1 to i32
    %sign3A_1386 = arith.subi %sign3A_1382, %sign3A_1385 : i32
    %sign3A_1387 = arith.constant 0 : i32
    %sign3A_1388 = arith.cmpi sgt, %jit3A_1378, %sign3A_1387 : i32
    %sign3A_1389 = arith.extui %sign3A_1388 : i1 to i32
    %sign3A_1390 = arith.constant 0 : i32
    %sign3A_1391 = arith.cmpi slt, %jit3A_1378, %sign3A_1390 : i32
    %sign3A_1392 = arith.extui %sign3A_1391 : i1 to i32
    %sign3A_1393 = arith.subi %sign3A_1389, %sign3A_1392 : i32
    %ne3A_1394 = arith.cmpi ne, %sign3A_1386, %sign3A_1393 : i32
    %rem3A_1395 = arith.remsi %add3A_1377, %jit3A_1378 : i32
    %ne3A_1396 = arith.constant 0 : i32
    %ne3A_1397 = arith.cmpi ne, %rem3A_1395, %ne3A_1396 : i32
    %and3A_1398 = arith.andi %ne3A_1394, %ne3A_1397 : i1
    %sub3A_1399 = arith.constant 1 : i32
    %sub3A_1400 = arith.subi %div3A_1379, %sub3A_1399 : i32
    %select_n3A_1401 = arith.select %and3A_1398, %sub3A_1400, %div3A_1379 : i32
    %mul3A_1402 = arith.constant 1024 : i32
    %mul3A_1403 = arith.muli %select_n3A_1401, %mul3A_1402 : i32
    %jit3A_1404 = arith.constant 4 : i32
    %eq3A_1405 = arith.constant 0 : i32
    %eq3A_1406 = arith.cmpi eq, %jit3A_1404, %eq3A_1405 : i32
    %jit3A_1407 = arith.constant 1 : i32
    %select_n3A_1408 = arith.select %eq3A_1406, %jit3A_1407, %jit3A_1404 : i32
    %rem3A_1409 = arith.remsi %add3A_1377, %select_n3A_1408 : i32
    %ne3A_1410 = arith.constant 0 : i32
    %ne3A_1411 = arith.cmpi ne, %rem3A_1409, %ne3A_1410 : i32
    %lt3A_1412 = arith.constant 0 : i32
    %lt3A_1413 = arith.cmpi slt, %rem3A_1409, %lt3A_1412 : i32
    %lt3A_1414 = arith.constant 0 : i32
    %lt3A_1415 = arith.cmpi slt, %select_n3A_1408, %lt3A_1414 : i32
    %ne3A_1416 = arith.xori %lt3A_1413, %lt3A_1415 : i1
    %and3A_1417 = arith.andi %ne3A_1416, %ne3A_1411 : i1
    %add3A_1418 = arith.addi %rem3A_1409, %select_n3A_1408 : i32
    %select_n3A_1419 = arith.select %and3A_1417, %add3A_1418, %rem3A_1409 : i32
    %dma_start3A_1420 = arith.constant 0 : i32
    %dma_start3A_1421 = tpu.memref_slice %arg4[%mul3A_1403, %select_n3A_1419, %dma_start3A_1420] : memref<204800x4x32xf32, #tpu.memory_space<hbm>> -> memref<1024x1x32xf32, #tpu.memory_space<hbm>>
    %dma_start3A_1422 = tpu.memref_squeeze %dma_start3A_1421 : memref<1024x1x32xf32, #tpu.memory_space<hbm>> -> memref<1024x32xf32, #tpu.memory_space<hbm>>
    %dma_start3A_1423 = arith.constant 0 : i32
    %dma_start3A_1424 = tpu.memref_slice %arg4[%mul3A_1403, %select_n3A_1419, %dma_start3A_1423] : memref<204800x4x32xf32, #tpu.memory_space<hbm>> -> memref<1024x1x32xf32, #tpu.memory_space<hbm>>
    %dma_start3A_1425 = tpu.memref_squeeze %dma_start3A_1424 : memref<1024x1x32xf32, #tpu.memory_space<hbm>> -> memref<1024x32xf32, #tpu.memory_space<hbm>>
    tpu.enqueue_dma source(%arg6 : memref<1024x32xf32, #tpu.memory_space<vmem>>) target(%dma_start3A_1425 : memref<1024x32xf32, #tpu.memory_space<hbm>>) target_semaphore(%arg10 : memref<!tpu.dma_semaphore, #tpu.memory_space<semaphore_mem>>)
    %mul3A_1426 = arith.constant 25 : i32
    %mul3A_1427 = arith.muli %add3A, %mul3A_1426 : i32
    %add3A_1428 = arith.constant 12 : i32
    %add3A_1429 = arith.addi %mul3A_1427, %add3A_1428 : i32
    %jit3A_1430 = arith.constant 4 : i32
    %div3A_1431 = arith.divsi %add3A_1429, %jit3A_1430 : i32
    %sign3A_1432 = arith.constant 0 : i32
    %sign3A_1433 = arith.cmpi sgt, %add3A_1429, %sign3A_1432 : i32
    %sign3A_1434 = arith.extui %sign3A_1433 : i1 to i32
    %sign3A_1435 = arith.constant 0 : i32
    %sign3A_1436 = arith.cmpi slt, %add3A_1429, %sign3A_1435 : i32
    %sign3A_1437 = arith.extui %sign3A_1436 : i1 to i32
    %sign3A_1438 = arith.subi %sign3A_1434, %sign3A_1437 : i32
    %sign3A_1439 = arith.constant 0 : i32
    %sign3A_1440 = arith.cmpi sgt, %jit3A_1430, %sign3A_1439 : i32
    %sign3A_1441 = arith.extui %sign3A_1440 : i1 to i32
    %sign3A_1442 = arith.constant 0 : i32
    %sign3A_1443 = arith.cmpi slt, %jit3A_1430, %sign3A_1442 : i32
    %sign3A_1444 = arith.extui %sign3A_1443 : i1 to i32
    %sign3A_1445 = arith.subi %sign3A_1441, %sign3A_1444 : i32
    %ne3A_1446 = arith.cmpi ne, %sign3A_1438, %sign3A_1445 : i32
    %rem3A_1447 = arith.remsi %add3A_1429, %jit3A_1430 : i32
    %ne3A_1448 = arith.constant 0 : i32
    %ne3A_1449 = arith.cmpi ne, %rem3A_1447, %ne3A_1448 : i32
    %and3A_1450 = arith.andi %ne3A_1446, %ne3A_1449 : i1
    %sub3A_1451 = arith.constant 1 : i32
    %sub3A_1452 = arith.subi %div3A_1431, %sub3A_1451 : i32
    %select_n3A_1453 = arith.select %and3A_1450, %sub3A_1452, %div3A_1431 : i32
    %mul3A_1454 = arith.constant 1024 : i32
    %mul3A_1455 = arith.muli %select_n3A_1453, %mul3A_1454 : i32
    %jit3A_1456 = arith.constant 4 : i32
    %eq3A_1457 = arith.constant 0 : i32
    %eq3A_1458 = arith.cmpi eq, %jit3A_1456, %eq3A_1457 : i32
    %jit3A_1459 = arith.constant 1 : i32
    %select_n3A_1460 = arith.select %eq3A_1458, %jit3A_1459, %jit3A_1456 : i32
    %rem3A_1461 = arith.remsi %add3A_1429, %select_n3A_1460 : i32
    %ne3A_1462 = arith.constant 0 : i32
    %ne3A_1463 = arith.cmpi ne, %rem3A_1461, %ne3A_1462 : i32
    %lt3A_1464 = arith.constant 0 : i32
    %lt3A_1465 = arith.cmpi slt, %rem3A_1461, %lt3A_1464 : i32
    %lt3A_1466 = arith.constant 0 : i32
    %lt3A_1467 = arith.cmpi slt, %select_n3A_1460, %lt3A_1466 : i32
    %ne3A_1468 = arith.xori %lt3A_1465, %lt3A_1467 : i1
    %and3A_1469 = arith.andi %ne3A_1468, %ne3A_1463 : i1
    %add3A_1470 = arith.addi %rem3A_1461, %select_n3A_1460 : i32
    %select_n3A_1471 = arith.select %and3A_1469, %add3A_1470, %rem3A_1461 : i32
    %dma_wait3A_1472 = arith.constant 0 : i32
    %dma_wait3A_1473 = tpu.memref_slice %arg4[%mul3A_1455, %select_n3A_1471, %dma_wait3A_1472] : memref<204800x4x32xf32, #tpu.memory_space<hbm>> -> memref<1024x1x32xf32, #tpu.memory_space<hbm>>
    %dma_wait3A_1474 = tpu.memref_squeeze %dma_wait3A_1473 : memref<1024x1x32xf32, #tpu.memory_space<hbm>> -> memref<1024x32xf32, #tpu.memory_space<hbm>>
    %dma_wait3A_1475 = arith.constant 0 : i32
    %dma_wait3A_1476 = tpu.memref_slice %arg4[%mul3A_1455, %select_n3A_1471, %dma_wait3A_1475] : memref<204800x4x32xf32, #tpu.memory_space<hbm>> -> memref<1024x1x32xf32, #tpu.memory_space<hbm>>
    %dma_wait3A_1477 = tpu.memref_squeeze %dma_wait3A_1476 : memref<1024x1x32xf32, #tpu.memory_space<hbm>> -> memref<1024x32xf32, #tpu.memory_space<hbm>>
    tpu.wait_dma2 semaphore(%arg10 : memref<!tpu.dma_semaphore, #tpu.memory_space<semaphore_mem>>) src(%arg6 : memref<1024x32xf32, #tpu.memory_space<vmem>>) dst(%dma_wait3A_1477 : memref<1024x32xf32, #tpu.memory_space<hbm>>)
    %dma_start3A_1478 = arith.constant 14336 : i32
    %dma_start3A_1479 = tpu.memref_slice %arg5[%dma_start3A_1478] : memref<25600xi32, #tpu.memory_space<vmem>> -> memref<1024xi32, #tpu.memory_space<vmem>>
    %dma_start3A_1480 = arith.constant 0 : i32
    %dma_start3A_1481 = arith.constant 0 : i32
    %dma_start3A_1482 = tpu.memref_slice %arg3[%dma_start3A_1480, %dma_start3A_1481] : memref<1007616x32xf32, #tpu.memory_space<hbm>> -> memref<1007616x32xf32, #tpu.memory_space<hbm>>
    tpu.enqueue_indirect_dma source(%dma_start3A_1482 : memref<1007616x32xf32, #tpu.memory_space<hbm>>) target(%arg6 : memref<1024x32xf32, #tpu.memory_space<vmem>>) offsets(%dma_start3A_1479 : memref<1024xi32, #tpu.memory_space<vmem>>) semaphore(%arg8 : memref<!tpu.dma_semaphore, #tpu.memory_space<semaphore_mem>>)
    %dma_wait3A_1483 = arith.constant 13312 : i32
    %dma_wait3A_1484 = tpu.memref_slice %arg5[%dma_wait3A_1483] : memref<25600xi32, #tpu.memory_space<vmem>> -> memref<1024xi32, #tpu.memory_space<vmem>>
    %dma_wait3A_1485 = arith.constant 0 : i32
    %dma_wait3A_1486 = arith.constant 0 : i32
    %dma_wait3A_1487 = tpu.memref_slice %arg3[%dma_wait3A_1485, %dma_wait3A_1486] : memref<1007616x32xf32, #tpu.memory_space<hbm>> -> memref<1007616x32xf32, #tpu.memory_space<hbm>>
    tpu.wait_indirect_dma semaphore(%arg9 : memref<!tpu.dma_semaphore, #tpu.memory_space<semaphore_mem>>) src(%dma_wait3A_1487 : memref<1007616x32xf32, #tpu.memory_space<hbm>>) dst(%arg7 : memref<1024x32xf32, #tpu.memory_space<vmem>>)
    %mul3A_1488 = arith.constant 25 : i32
    %mul3A_1489 = arith.muli %add3A, %mul3A_1488 : i32
    %add3A_1490 = arith.constant 13 : i32
    %add3A_1491 = arith.addi %mul3A_1489, %add3A_1490 : i32
    %jit3A_1492 = arith.constant 4 : i32
    %div3A_1493 = arith.divsi %add3A_1491, %jit3A_1492 : i32
    %sign3A_1494 = arith.constant 0 : i32
    %sign3A_1495 = arith.cmpi sgt, %add3A_1491, %sign3A_1494 : i32
    %sign3A_1496 = arith.extui %sign3A_1495 : i1 to i32
    %sign3A_1497 = arith.constant 0 : i32
    %sign3A_1498 = arith.cmpi slt, %add3A_1491, %sign3A_1497 : i32
    %sign3A_1499 = arith.extui %sign3A_1498 : i1 to i32
    %sign3A_1500 = arith.subi %sign3A_1496, %sign3A_1499 : i32
    %sign3A_1501 = arith.constant 0 : i32
    %sign3A_1502 = arith.cmpi sgt, %jit3A_1492, %sign3A_1501 : i32
    %sign3A_1503 = arith.extui %sign3A_1502 : i1 to i32
    %sign3A_1504 = arith.constant 0 : i32
    %sign3A_1505 = arith.cmpi slt, %jit3A_1492, %sign3A_1504 : i32
    %sign3A_1506 = arith.extui %sign3A_1505 : i1 to i32
    %sign3A_1507 = arith.subi %sign3A_1503, %sign3A_1506 : i32
    %ne3A_1508 = arith.cmpi ne, %sign3A_1500, %sign3A_1507 : i32
    %rem3A_1509 = arith.remsi %add3A_1491, %jit3A_1492 : i32
    %ne3A_1510 = arith.constant 0 : i32
    %ne3A_1511 = arith.cmpi ne, %rem3A_1509, %ne3A_1510 : i32
    %and3A_1512 = arith.andi %ne3A_1508, %ne3A_1511 : i1
    %sub3A_1513 = arith.constant 1 : i32
    %sub3A_1514 = arith.subi %div3A_1493, %sub3A_1513 : i32
    %select_n3A_1515 = arith.select %and3A_1512, %sub3A_1514, %div3A_1493 : i32
    %mul3A_1516 = arith.constant 1024 : i32
    %mul3A_1517 = arith.muli %select_n3A_1515, %mul3A_1516 : i32
    %jit3A_1518 = arith.constant 4 : i32
    %eq3A_1519 = arith.constant 0 : i32
    %eq3A_1520 = arith.cmpi eq, %jit3A_1518, %eq3A_1519 : i32
    %jit3A_1521 = arith.constant 1 : i32
    %select_n3A_1522 = arith.select %eq3A_1520, %jit3A_1521, %jit3A_1518 : i32
    %rem3A_1523 = arith.remsi %add3A_1491, %select_n3A_1522 : i32
    %ne3A_1524 = arith.constant 0 : i32
    %ne3A_1525 = arith.cmpi ne, %rem3A_1523, %ne3A_1524 : i32
    %lt3A_1526 = arith.constant 0 : i32
    %lt3A_1527 = arith.cmpi slt, %rem3A_1523, %lt3A_1526 : i32
    %lt3A_1528 = arith.constant 0 : i32
    %lt3A_1529 = arith.cmpi slt, %select_n3A_1522, %lt3A_1528 : i32
    %ne3A_1530 = arith.xori %lt3A_1527, %lt3A_1529 : i1
    %and3A_1531 = arith.andi %ne3A_1530, %ne3A_1525 : i1
    %add3A_1532 = arith.addi %rem3A_1523, %select_n3A_1522 : i32
    %select_n3A_1533 = arith.select %and3A_1531, %add3A_1532, %rem3A_1523 : i32
    %dma_start3A_1534 = arith.constant 0 : i32
    %dma_start3A_1535 = tpu.memref_slice %arg4[%mul3A_1517, %select_n3A_1533, %dma_start3A_1534] : memref<204800x4x32xf32, #tpu.memory_space<hbm>> -> memref<1024x1x32xf32, #tpu.memory_space<hbm>>
    %dma_start3A_1536 = tpu.memref_squeeze %dma_start3A_1535 : memref<1024x1x32xf32, #tpu.memory_space<hbm>> -> memref<1024x32xf32, #tpu.memory_space<hbm>>
    %dma_start3A_1537 = arith.constant 0 : i32
    %dma_start3A_1538 = tpu.memref_slice %arg4[%mul3A_1517, %select_n3A_1533, %dma_start3A_1537] : memref<204800x4x32xf32, #tpu.memory_space<hbm>> -> memref<1024x1x32xf32, #tpu.memory_space<hbm>>
    %dma_start3A_1539 = tpu.memref_squeeze %dma_start3A_1538 : memref<1024x1x32xf32, #tpu.memory_space<hbm>> -> memref<1024x32xf32, #tpu.memory_space<hbm>>
    tpu.enqueue_dma source(%arg7 : memref<1024x32xf32, #tpu.memory_space<vmem>>) target(%dma_start3A_1539 : memref<1024x32xf32, #tpu.memory_space<hbm>>) target_semaphore(%arg11 : memref<!tpu.dma_semaphore, #tpu.memory_space<semaphore_mem>>)
    %mul3A_1540 = arith.constant 25 : i32
    %mul3A_1541 = arith.muli %add3A, %mul3A_1540 : i32
    %add3A_1542 = arith.constant 13 : i32
    %add3A_1543 = arith.addi %mul3A_1541, %add3A_1542 : i32
    %jit3A_1544 = arith.constant 4 : i32
    %div3A_1545 = arith.divsi %add3A_1543, %jit3A_1544 : i32
    %sign3A_1546 = arith.constant 0 : i32
    %sign3A_1547 = arith.cmpi sgt, %add3A_1543, %sign3A_1546 : i32
    %sign3A_1548 = arith.extui %sign3A_1547 : i1 to i32
    %sign3A_1549 = arith.constant 0 : i32
    %sign3A_1550 = arith.cmpi slt, %add3A_1543, %sign3A_1549 : i32
    %sign3A_1551 = arith.extui %sign3A_1550 : i1 to i32
    %sign3A_1552 = arith.subi %sign3A_1548, %sign3A_1551 : i32
    %sign3A_1553 = arith.constant 0 : i32
    %sign3A_1554 = arith.cmpi sgt, %jit3A_1544, %sign3A_1553 : i32
    %sign3A_1555 = arith.extui %sign3A_1554 : i1 to i32
    %sign3A_1556 = arith.constant 0 : i32
    %sign3A_1557 = arith.cmpi slt, %jit3A_1544, %sign3A_1556 : i32
    %sign3A_1558 = arith.extui %sign3A_1557 : i1 to i32
    %sign3A_1559 = arith.subi %sign3A_1555, %sign3A_1558 : i32
    %ne3A_1560 = arith.cmpi ne, %sign3A_1552, %sign3A_1559 : i32
    %rem3A_1561 = arith.remsi %add3A_1543, %jit3A_1544 : i32
    %ne3A_1562 = arith.constant 0 : i32
    %ne3A_1563 = arith.cmpi ne, %rem3A_1561, %ne3A_1562 : i32
    %and3A_1564 = arith.andi %ne3A_1560, %ne3A_1563 : i1
    %sub3A_1565 = arith.constant 1 : i32
    %sub3A_1566 = arith.subi %div3A_1545, %sub3A_1565 : i32
    %select_n3A_1567 = arith.select %and3A_1564, %sub3A_1566, %div3A_1545 : i32
    %mul3A_1568 = arith.constant 1024 : i32
    %mul3A_1569 = arith.muli %select_n3A_1567, %mul3A_1568 : i32
    %jit3A_1570 = arith.constant 4 : i32
    %eq3A_1571 = arith.constant 0 : i32
    %eq3A_1572 = arith.cmpi eq, %jit3A_1570, %eq3A_1571 : i32
    %jit3A_1573 = arith.constant 1 : i32
    %select_n3A_1574 = arith.select %eq3A_1572, %jit3A_1573, %jit3A_1570 : i32
    %rem3A_1575 = arith.remsi %add3A_1543, %select_n3A_1574 : i32
    %ne3A_1576 = arith.constant 0 : i32
    %ne3A_1577 = arith.cmpi ne, %rem3A_1575, %ne3A_1576 : i32
    %lt3A_1578 = arith.constant 0 : i32
    %lt3A_1579 = arith.cmpi slt, %rem3A_1575, %lt3A_1578 : i32
    %lt3A_1580 = arith.constant 0 : i32
    %lt3A_1581 = arith.cmpi slt, %select_n3A_1574, %lt3A_1580 : i32
    %ne3A_1582 = arith.xori %lt3A_1579, %lt3A_1581 : i1
    %and3A_1583 = arith.andi %ne3A_1582, %ne3A_1577 : i1
    %add3A_1584 = arith.addi %rem3A_1575, %select_n3A_1574 : i32
    %select_n3A_1585 = arith.select %and3A_1583, %add3A_1584, %rem3A_1575 : i32
    %dma_wait3A_1586 = arith.constant 0 : i32
    %dma_wait3A_1587 = tpu.memref_slice %arg4[%mul3A_1569, %select_n3A_1585, %dma_wait3A_1586] : memref<204800x4x32xf32, #tpu.memory_space<hbm>> -> memref<1024x1x32xf32, #tpu.memory_space<hbm>>
    %dma_wait3A_1588 = tpu.memref_squeeze %dma_wait3A_1587 : memref<1024x1x32xf32, #tpu.memory_space<hbm>> -> memref<1024x32xf32, #tpu.memory_space<hbm>>
    %dma_wait3A_1589 = arith.constant 0 : i32
    %dma_wait3A_1590 = tpu.memref_slice %arg4[%mul3A_1569, %select_n3A_1585, %dma_wait3A_1589] : memref<204800x4x32xf32, #tpu.memory_space<hbm>> -> memref<1024x1x32xf32, #tpu.memory_space<hbm>>
    %dma_wait3A_1591 = tpu.memref_squeeze %dma_wait3A_1590 : memref<1024x1x32xf32, #tpu.memory_space<hbm>> -> memref<1024x32xf32, #tpu.memory_space<hbm>>
    tpu.wait_dma2 semaphore(%arg11 : memref<!tpu.dma_semaphore, #tpu.memory_space<semaphore_mem>>) src(%arg7 : memref<1024x32xf32, #tpu.memory_space<vmem>>) dst(%dma_wait3A_1591 : memref<1024x32xf32, #tpu.memory_space<hbm>>)
    %dma_start3A_1592 = arith.constant 15360 : i32
    %dma_start3A_1593 = tpu.memref_slice %arg5[%dma_start3A_1592] : memref<25600xi32, #tpu.memory_space<vmem>> -> memref<1024xi32, #tpu.memory_space<vmem>>
    %dma_start3A_1594 = arith.constant 0 : i32
    %dma_start3A_1595 = arith.constant 0 : i32
    %dma_start3A_1596 = tpu.memref_slice %arg3[%dma_start3A_1594, %dma_start3A_1595] : memref<1007616x32xf32, #tpu.memory_space<hbm>> -> memref<1007616x32xf32, #tpu.memory_space<hbm>>
    tpu.enqueue_indirect_dma source(%dma_start3A_1596 : memref<1007616x32xf32, #tpu.memory_space<hbm>>) target(%arg7 : memref<1024x32xf32, #tpu.memory_space<vmem>>) offsets(%dma_start3A_1593 : memref<1024xi32, #tpu.memory_space<vmem>>) semaphore(%arg9 : memref<!tpu.dma_semaphore, #tpu.memory_space<semaphore_mem>>)
    %dma_wait3A_1597 = arith.constant 14336 : i32
    %dma_wait3A_1598 = tpu.memref_slice %arg5[%dma_wait3A_1597] : memref<25600xi32, #tpu.memory_space<vmem>> -> memref<1024xi32, #tpu.memory_space<vmem>>
    %dma_wait3A_1599 = arith.constant 0 : i32
    %dma_wait3A_1600 = arith.constant 0 : i32
    %dma_wait3A_1601 = tpu.memref_slice %arg3[%dma_wait3A_1599, %dma_wait3A_1600] : memref<1007616x32xf32, #tpu.memory_space<hbm>> -> memref<1007616x32xf32, #tpu.memory_space<hbm>>
    tpu.wait_indirect_dma semaphore(%arg8 : memref<!tpu.dma_semaphore, #tpu.memory_space<semaphore_mem>>) src(%dma_wait3A_1601 : memref<1007616x32xf32, #tpu.memory_space<hbm>>) dst(%arg6 : memref<1024x32xf32, #tpu.memory_space<vmem>>)
    %mul3A_1602 = arith.constant 25 : i32
    %mul3A_1603 = arith.muli %add3A, %mul3A_1602 : i32
    %add3A_1604 = arith.constant 14 : i32
    %add3A_1605 = arith.addi %mul3A_1603, %add3A_1604 : i32
    %jit3A_1606 = arith.constant 4 : i32
    %div3A_1607 = arith.divsi %add3A_1605, %jit3A_1606 : i32
    %sign3A_1608 = arith.constant 0 : i32
    %sign3A_1609 = arith.cmpi sgt, %add3A_1605, %sign3A_1608 : i32
    %sign3A_1610 = arith.extui %sign3A_1609 : i1 to i32
    %sign3A_1611 = arith.constant 0 : i32
    %sign3A_1612 = arith.cmpi slt, %add3A_1605, %sign3A_1611 : i32
    %sign3A_1613 = arith.extui %sign3A_1612 : i1 to i32
    %sign3A_1614 = arith.subi %sign3A_1610, %sign3A_1613 : i32
    %sign3A_1615 = arith.constant 0 : i32
    %sign3A_1616 = arith.cmpi sgt, %jit3A_1606, %sign3A_1615 : i32
    %sign3A_1617 = arith.extui %sign3A_1616 : i1 to i32
    %sign3A_1618 = arith.constant 0 : i32
    %sign3A_1619 = arith.cmpi slt, %jit3A_1606, %sign3A_1618 : i32
    %sign3A_1620 = arith.extui %sign3A_1619 : i1 to i32
    %sign3A_1621 = arith.subi %sign3A_1617, %sign3A_1620 : i32
    %ne3A_1622 = arith.cmpi ne, %sign3A_1614, %sign3A_1621 : i32
    %rem3A_1623 = arith.remsi %add3A_1605, %jit3A_1606 : i32
    %ne3A_1624 = arith.constant 0 : i32
    %ne3A_1625 = arith.cmpi ne, %rem3A_1623, %ne3A_1624 : i32
    %and3A_1626 = arith.andi %ne3A_1622, %ne3A_1625 : i1
    %sub3A_1627 = arith.constant 1 : i32
    %sub3A_1628 = arith.subi %div3A_1607, %sub3A_1627 : i32
    %select_n3A_1629 = arith.select %and3A_1626, %sub3A_1628, %div3A_1607 : i32
    %mul3A_1630 = arith.constant 1024 : i32
    %mul3A_1631 = arith.muli %select_n3A_1629, %mul3A_1630 : i32
    %jit3A_1632 = arith.constant 4 : i32
    %eq3A_1633 = arith.constant 0 : i32
    %eq3A_1634 = arith.cmpi eq, %jit3A_1632, %eq3A_1633 : i32
    %jit3A_1635 = arith.constant 1 : i32
    %select_n3A_1636 = arith.select %eq3A_1634, %jit3A_1635, %jit3A_1632 : i32
    %rem3A_1637 = arith.remsi %add3A_1605, %select_n3A_1636 : i32
    %ne3A_1638 = arith.constant 0 : i32
    %ne3A_1639 = arith.cmpi ne, %rem3A_1637, %ne3A_1638 : i32
    %lt3A_1640 = arith.constant 0 : i32
    %lt3A_1641 = arith.cmpi slt, %rem3A_1637, %lt3A_1640 : i32
    %lt3A_1642 = arith.constant 0 : i32
    %lt3A_1643 = arith.cmpi slt, %select_n3A_1636, %lt3A_1642 : i32
    %ne3A_1644 = arith.xori %lt3A_1641, %lt3A_1643 : i1
    %and3A_1645 = arith.andi %ne3A_1644, %ne3A_1639 : i1
    %add3A_1646 = arith.addi %rem3A_1637, %select_n3A_1636 : i32
    %select_n3A_1647 = arith.select %and3A_1645, %add3A_1646, %rem3A_1637 : i32
    %dma_start3A_1648 = arith.constant 0 : i32
    %dma_start3A_1649 = tpu.memref_slice %arg4[%mul3A_1631, %select_n3A_1647, %dma_start3A_1648] : memref<204800x4x32xf32, #tpu.memory_space<hbm>> -> memref<1024x1x32xf32, #tpu.memory_space<hbm>>
    %dma_start3A_1650 = tpu.memref_squeeze %dma_start3A_1649 : memref<1024x1x32xf32, #tpu.memory_space<hbm>> -> memref<1024x32xf32, #tpu.memory_space<hbm>>
    %dma_start3A_1651 = arith.constant 0 : i32
    %dma_start3A_1652 = tpu.memref_slice %arg4[%mul3A_1631, %select_n3A_1647, %dma_start3A_1651] : memref<204800x4x32xf32, #tpu.memory_space<hbm>> -> memref<1024x1x32xf32, #tpu.memory_space<hbm>>
    %dma_start3A_1653 = tpu.memref_squeeze %dma_start3A_1652 : memref<1024x1x32xf32, #tpu.memory_space<hbm>> -> memref<1024x32xf32, #tpu.memory_space<hbm>>
    tpu.enqueue_dma source(%arg6 : memref<1024x32xf32, #tpu.memory_space<vmem>>) target(%dma_start3A_1653 : memref<1024x32xf32, #tpu.memory_space<hbm>>) target_semaphore(%arg10 : memref<!tpu.dma_semaphore, #tpu.memory_space<semaphore_mem>>)
    %mul3A_1654 = arith.constant 25 : i32
    %mul3A_1655 = arith.muli %add3A, %mul3A_1654 : i32
    %add3A_1656 = arith.constant 14 : i32
    %add3A_1657 = arith.addi %mul3A_1655, %add3A_1656 : i32
    %jit3A_1658 = arith.constant 4 : i32
    %div3A_1659 = arith.divsi %add3A_1657, %jit3A_1658 : i32
    %sign3A_1660 = arith.constant 0 : i32
    %sign3A_1661 = arith.cmpi sgt, %add3A_1657, %sign3A_1660 : i32
    %sign3A_1662 = arith.extui %sign3A_1661 : i1 to i32
    %sign3A_1663 = arith.constant 0 : i32
    %sign3A_1664 = arith.cmpi slt, %add3A_1657, %sign3A_1663 : i32
    %sign3A_1665 = arith.extui %sign3A_1664 : i1 to i32
    %sign3A_1666 = arith.subi %sign3A_1662, %sign3A_1665 : i32
    %sign3A_1667 = arith.constant 0 : i32
    %sign3A_1668 = arith.cmpi sgt, %jit3A_1658, %sign3A_1667 : i32
    %sign3A_1669 = arith.extui %sign3A_1668 : i1 to i32
    %sign3A_1670 = arith.constant 0 : i32
    %sign3A_1671 = arith.cmpi slt, %jit3A_1658, %sign3A_1670 : i32
    %sign3A_1672 = arith.extui %sign3A_1671 : i1 to i32
    %sign3A_1673 = arith.subi %sign3A_1669, %sign3A_1672 : i32
    %ne3A_1674 = arith.cmpi ne, %sign3A_1666, %sign3A_1673 : i32
    %rem3A_1675 = arith.remsi %add3A_1657, %jit3A_1658 : i32
    %ne3A_1676 = arith.constant 0 : i32
    %ne3A_1677 = arith.cmpi ne, %rem3A_1675, %ne3A_1676 : i32
    %and3A_1678 = arith.andi %ne3A_1674, %ne3A_1677 : i1
    %sub3A_1679 = arith.constant 1 : i32
    %sub3A_1680 = arith.subi %div3A_1659, %sub3A_1679 : i32
    %select_n3A_1681 = arith.select %and3A_1678, %sub3A_1680, %div3A_1659 : i32
    %mul3A_1682 = arith.constant 1024 : i32
    %mul3A_1683 = arith.muli %select_n3A_1681, %mul3A_1682 : i32
    %jit3A_1684 = arith.constant 4 : i32
    %eq3A_1685 = arith.constant 0 : i32
    %eq3A_1686 = arith.cmpi eq, %jit3A_1684, %eq3A_1685 : i32
    %jit3A_1687 = arith.constant 1 : i32
    %select_n3A_1688 = arith.select %eq3A_1686, %jit3A_1687, %jit3A_1684 : i32
    %rem3A_1689 = arith.remsi %add3A_1657, %select_n3A_1688 : i32
    %ne3A_1690 = arith.constant 0 : i32
    %ne3A_1691 = arith.cmpi ne, %rem3A_1689, %ne3A_1690 : i32
    %lt3A_1692 = arith.constant 0 : i32
    %lt3A_1693 = arith.cmpi slt, %rem3A_1689, %lt3A_1692 : i32
    %lt3A_1694 = arith.constant 0 : i32
    %lt3A_1695 = arith.cmpi slt, %select_n3A_1688, %lt3A_1694 : i32
    %ne3A_1696 = arith.xori %lt3A_1693, %lt3A_1695 : i1
    %and3A_1697 = arith.andi %ne3A_1696, %ne3A_1691 : i1
    %add3A_1698 = arith.addi %rem3A_1689, %select_n3A_1688 : i32
    %select_n3A_1699 = arith.select %and3A_1697, %add3A_1698, %rem3A_1689 : i32
    %dma_wait3A_1700 = arith.constant 0 : i32
    %dma_wait3A_1701 = tpu.memref_slice %arg4[%mul3A_1683, %select_n3A_1699, %dma_wait3A_1700] : memref<204800x4x32xf32, #tpu.memory_space<hbm>> -> memref<1024x1x32xf32, #tpu.memory_space<hbm>>
    %dma_wait3A_1702 = tpu.memref_squeeze %dma_wait3A_1701 : memref<1024x1x32xf32, #tpu.memory_space<hbm>> -> memref<1024x32xf32, #tpu.memory_space<hbm>>
    %dma_wait3A_1703 = arith.constant 0 : i32
    %dma_wait3A_1704 = tpu.memref_slice %arg4[%mul3A_1683, %select_n3A_1699, %dma_wait3A_1703] : memref<204800x4x32xf32, #tpu.memory_space<hbm>> -> memref<1024x1x32xf32, #tpu.memory_space<hbm>>
    %dma_wait3A_1705 = tpu.memref_squeeze %dma_wait3A_1704 : memref<1024x1x32xf32, #tpu.memory_space<hbm>> -> memref<1024x32xf32, #tpu.memory_space<hbm>>
    tpu.wait_dma2 semaphore(%arg10 : memref<!tpu.dma_semaphore, #tpu.memory_space<semaphore_mem>>) src(%arg6 : memref<1024x32xf32, #tpu.memory_space<vmem>>) dst(%dma_wait3A_1705 : memref<1024x32xf32, #tpu.memory_space<hbm>>)
    %dma_start3A_1706 = arith.constant 16384 : i32
    %dma_start3A_1707 = tpu.memref_slice %arg5[%dma_start3A_1706] : memref<25600xi32, #tpu.memory_space<vmem>> -> memref<1024xi32, #tpu.memory_space<vmem>>
    %dma_start3A_1708 = arith.constant 0 : i32
    %dma_start3A_1709 = arith.constant 0 : i32
    %dma_start3A_1710 = tpu.memref_slice %arg3[%dma_start3A_1708, %dma_start3A_1709] : memref<1007616x32xf32, #tpu.memory_space<hbm>> -> memref<1007616x32xf32, #tpu.memory_space<hbm>>
    tpu.enqueue_indirect_dma source(%dma_start3A_1710 : memref<1007616x32xf32, #tpu.memory_space<hbm>>) target(%arg6 : memref<1024x32xf32, #tpu.memory_space<vmem>>) offsets(%dma_start3A_1707 : memref<1024xi32, #tpu.memory_space<vmem>>) semaphore(%arg8 : memref<!tpu.dma_semaphore, #tpu.memory_space<semaphore_mem>>)
    %dma_wait3A_1711 = arith.constant 15360 : i32
    %dma_wait3A_1712 = tpu.memref_slice %arg5[%dma_wait3A_1711] : memref<25600xi32, #tpu.memory_space<vmem>> -> memref<1024xi32, #tpu.memory_space<vmem>>
    %dma_wait3A_1713 = arith.constant 0 : i32
    %dma_wait3A_1714 = arith.constant 0 : i32
    %dma_wait3A_1715 = tpu.memref_slice %arg3[%dma_wait3A_1713, %dma_wait3A_1714] : memref<1007616x32xf32, #tpu.memory_space<hbm>> -> memref<1007616x32xf32, #tpu.memory_space<hbm>>
    tpu.wait_indirect_dma semaphore(%arg9 : memref<!tpu.dma_semaphore, #tpu.memory_space<semaphore_mem>>) src(%dma_wait3A_1715 : memref<1007616x32xf32, #tpu.memory_space<hbm>>) dst(%arg7 : memref<1024x32xf32, #tpu.memory_space<vmem>>)
    %mul3A_1716 = arith.constant 25 : i32
    %mul3A_1717 = arith.muli %add3A, %mul3A_1716 : i32
    %add3A_1718 = arith.constant 15 : i32
    %add3A_1719 = arith.addi %mul3A_1717, %add3A_1718 : i32
    %jit3A_1720 = arith.constant 4 : i32
    %div3A_1721 = arith.divsi %add3A_1719, %jit3A_1720 : i32
    %sign3A_1722 = arith.constant 0 : i32
    %sign3A_1723 = arith.cmpi sgt, %add3A_1719, %sign3A_1722 : i32
    %sign3A_1724 = arith.extui %sign3A_1723 : i1 to i32
    %sign3A_1725 = arith.constant 0 : i32
    %sign3A_1726 = arith.cmpi slt, %add3A_1719, %sign3A_1725 : i32
    %sign3A_1727 = arith.extui %sign3A_1726 : i1 to i32
    %sign3A_1728 = arith.subi %sign3A_1724, %sign3A_1727 : i32
    %sign3A_1729 = arith.constant 0 : i32
    %sign3A_1730 = arith.cmpi sgt, %jit3A_1720, %sign3A_1729 : i32
    %sign3A_1731 = arith.extui %sign3A_1730 : i1 to i32
    %sign3A_1732 = arith.constant 0 : i32
    %sign3A_1733 = arith.cmpi slt, %jit3A_1720, %sign3A_1732 : i32
    %sign3A_1734 = arith.extui %sign3A_1733 : i1 to i32
    %sign3A_1735 = arith.subi %sign3A_1731, %sign3A_1734 : i32
    %ne3A_1736 = arith.cmpi ne, %sign3A_1728, %sign3A_1735 : i32
    %rem3A_1737 = arith.remsi %add3A_1719, %jit3A_1720 : i32
    %ne3A_1738 = arith.constant 0 : i32
    %ne3A_1739 = arith.cmpi ne, %rem3A_1737, %ne3A_1738 : i32
    %and3A_1740 = arith.andi %ne3A_1736, %ne3A_1739 : i1
    %sub3A_1741 = arith.constant 1 : i32
    %sub3A_1742 = arith.subi %div3A_1721, %sub3A_1741 : i32
    %select_n3A_1743 = arith.select %and3A_1740, %sub3A_1742, %div3A_1721 : i32
    %mul3A_1744 = arith.constant 1024 : i32
    %mul3A_1745 = arith.muli %select_n3A_1743, %mul3A_1744 : i32
    %jit3A_1746 = arith.constant 4 : i32
    %eq3A_1747 = arith.constant 0 : i32
    %eq3A_1748 = arith.cmpi eq, %jit3A_1746, %eq3A_1747 : i32
    %jit3A_1749 = arith.constant 1 : i32
    %select_n3A_1750 = arith.select %eq3A_1748, %jit3A_1749, %jit3A_1746 : i32
    %rem3A_1751 = arith.remsi %add3A_1719, %select_n3A_1750 : i32
    %ne3A_1752 = arith.constant 0 : i32
    %ne3A_1753 = arith.cmpi ne, %rem3A_1751, %ne3A_1752 : i32
    %lt3A_1754 = arith.constant 0 : i32
    %lt3A_1755 = arith.cmpi slt, %rem3A_1751, %lt3A_1754 : i32
    %lt3A_1756 = arith.constant 0 : i32
    %lt3A_1757 = arith.cmpi slt, %select_n3A_1750, %lt3A_1756 : i32
    %ne3A_1758 = arith.xori %lt3A_1755, %lt3A_1757 : i1
    %and3A_1759 = arith.andi %ne3A_1758, %ne3A_1753 : i1
    %add3A_1760 = arith.addi %rem3A_1751, %select_n3A_1750 : i32
    %select_n3A_1761 = arith.select %and3A_1759, %add3A_1760, %rem3A_1751 : i32
    %dma_start3A_1762 = arith.constant 0 : i32
    %dma_start3A_1763 = tpu.memref_slice %arg4[%mul3A_1745, %select_n3A_1761, %dma_start3A_1762] : memref<204800x4x32xf32, #tpu.memory_space<hbm>> -> memref<1024x1x32xf32, #tpu.memory_space<hbm>>
    %dma_start3A_1764 = tpu.memref_squeeze %dma_start3A_1763 : memref<1024x1x32xf32, #tpu.memory_space<hbm>> -> memref<1024x32xf32, #tpu.memory_space<hbm>>
    %dma_start3A_1765 = arith.constant 0 : i32
    %dma_start3A_1766 = tpu.memref_slice %arg4[%mul3A_1745, %select_n3A_1761, %dma_start3A_1765] : memref<204800x4x32xf32, #tpu.memory_space<hbm>> -> memref<1024x1x32xf32, #tpu.memory_space<hbm>>
    %dma_start3A_1767 = tpu.memref_squeeze %dma_start3A_1766 : memref<1024x1x32xf32, #tpu.memory_space<hbm>> -> memref<1024x32xf32, #tpu.memory_space<hbm>>
    tpu.enqueue_dma source(%arg7 : memref<1024x32xf32, #tpu.memory_space<vmem>>) target(%dma_start3A_1767 : memref<1024x32xf32, #tpu.memory_space<hbm>>) target_semaphore(%arg11 : memref<!tpu.dma_semaphore, #tpu.memory_space<semaphore_mem>>)
    %mul3A_1768 = arith.constant 25 : i32
    %mul3A_1769 = arith.muli %add3A, %mul3A_1768 : i32
    %add3A_1770 = arith.constant 15 : i32
    %add3A_1771 = arith.addi %mul3A_1769, %add3A_1770 : i32
    %jit3A_1772 = arith.constant 4 : i32
    %div3A_1773 = arith.divsi %add3A_1771, %jit3A_1772 : i32
    %sign3A_1774 = arith.constant 0 : i32
    %sign3A_1775 = arith.cmpi sgt, %add3A_1771, %sign3A_1774 : i32
    %sign3A_1776 = arith.extui %sign3A_1775 : i1 to i32
    %sign3A_1777 = arith.constant 0 : i32
    %sign3A_1778 = arith.cmpi slt, %add3A_1771, %sign3A_1777 : i32
    %sign3A_1779 = arith.extui %sign3A_1778 : i1 to i32
    %sign3A_1780 = arith.subi %sign3A_1776, %sign3A_1779 : i32
    %sign3A_1781 = arith.constant 0 : i32
    %sign3A_1782 = arith.cmpi sgt, %jit3A_1772, %sign3A_1781 : i32
    %sign3A_1783 = arith.extui %sign3A_1782 : i1 to i32
    %sign3A_1784 = arith.constant 0 : i32
    %sign3A_1785 = arith.cmpi slt, %jit3A_1772, %sign3A_1784 : i32
    %sign3A_1786 = arith.extui %sign3A_1785 : i1 to i32
    %sign3A_1787 = arith.subi %sign3A_1783, %sign3A_1786 : i32
    %ne3A_1788 = arith.cmpi ne, %sign3A_1780, %sign3A_1787 : i32
    %rem3A_1789 = arith.remsi %add3A_1771, %jit3A_1772 : i32
    %ne3A_1790 = arith.constant 0 : i32
    %ne3A_1791 = arith.cmpi ne, %rem3A_1789, %ne3A_1790 : i32
    %and3A_1792 = arith.andi %ne3A_1788, %ne3A_1791 : i1
    %sub3A_1793 = arith.constant 1 : i32
    %sub3A_1794 = arith.subi %div3A_1773, %sub3A_1793 : i32
    %select_n3A_1795 = arith.select %and3A_1792, %sub3A_1794, %div3A_1773 : i32
    %mul3A_1796 = arith.constant 1024 : i32
    %mul3A_1797 = arith.muli %select_n3A_1795, %mul3A_1796 : i32
    %jit3A_1798 = arith.constant 4 : i32
    %eq3A_1799 = arith.constant 0 : i32
    %eq3A_1800 = arith.cmpi eq, %jit3A_1798, %eq3A_1799 : i32
    %jit3A_1801 = arith.constant 1 : i32
    %select_n3A_1802 = arith.select %eq3A_1800, %jit3A_1801, %jit3A_1798 : i32
    %rem3A_1803 = arith.remsi %add3A_1771, %select_n3A_1802 : i32
    %ne3A_1804 = arith.constant 0 : i32
    %ne3A_1805 = arith.cmpi ne, %rem3A_1803, %ne3A_1804 : i32
    %lt3A_1806 = arith.constant 0 : i32
    %lt3A_1807 = arith.cmpi slt, %rem3A_1803, %lt3A_1806 : i32
    %lt3A_1808 = arith.constant 0 : i32
    %lt3A_1809 = arith.cmpi slt, %select_n3A_1802, %lt3A_1808 : i32
    %ne3A_1810 = arith.xori %lt3A_1807, %lt3A_1809 : i1
    %and3A_1811 = arith.andi %ne3A_1810, %ne3A_1805 : i1
    %add3A_1812 = arith.addi %rem3A_1803, %select_n3A_1802 : i32
    %select_n3A_1813 = arith.select %and3A_1811, %add3A_1812, %rem3A_1803 : i32
    %dma_wait3A_1814 = arith.constant 0 : i32
    %dma_wait3A_1815 = tpu.memref_slice %arg4[%mul3A_1797, %select_n3A_1813, %dma_wait3A_1814] : memref<204800x4x32xf32, #tpu.memory_space<hbm>> -> memref<1024x1x32xf32, #tpu.memory_space<hbm>>
    %dma_wait3A_1816 = tpu.memref_squeeze %dma_wait3A_1815 : memref<1024x1x32xf32, #tpu.memory_space<hbm>> -> memref<1024x32xf32, #tpu.memory_space<hbm>>
    %dma_wait3A_1817 = arith.constant 0 : i32
    %dma_wait3A_1818 = tpu.memref_slice %arg4[%mul3A_1797, %select_n3A_1813, %dma_wait3A_1817] : memref<204800x4x32xf32, #tpu.memory_space<hbm>> -> memref<1024x1x32xf32, #tpu.memory_space<hbm>>
    %dma_wait3A_1819 = tpu.memref_squeeze %dma_wait3A_1818 : memref<1024x1x32xf32, #tpu.memory_space<hbm>> -> memref<1024x32xf32, #tpu.memory_space<hbm>>
    tpu.wait_dma2 semaphore(%arg11 : memref<!tpu.dma_semaphore, #tpu.memory_space<semaphore_mem>>) src(%arg7 : memref<1024x32xf32, #tpu.memory_space<vmem>>) dst(%dma_wait3A_1819 : memref<1024x32xf32, #tpu.memory_space<hbm>>)
    %dma_start3A_1820 = arith.constant 17408 : i32
    %dma_start3A_1821 = tpu.memref_slice %arg5[%dma_start3A_1820] : memref<25600xi32, #tpu.memory_space<vmem>> -> memref<1024xi32, #tpu.memory_space<vmem>>
    %dma_start3A_1822 = arith.constant 0 : i32
    %dma_start3A_1823 = arith.constant 0 : i32
    %dma_start3A_1824 = tpu.memref_slice %arg3[%dma_start3A_1822, %dma_start3A_1823] : memref<1007616x32xf32, #tpu.memory_space<hbm>> -> memref<1007616x32xf32, #tpu.memory_space<hbm>>
    tpu.enqueue_indirect_dma source(%dma_start3A_1824 : memref<1007616x32xf32, #tpu.memory_space<hbm>>) target(%arg7 : memref<1024x32xf32, #tpu.memory_space<vmem>>) offsets(%dma_start3A_1821 : memref<1024xi32, #tpu.memory_space<vmem>>) semaphore(%arg9 : memref<!tpu.dma_semaphore, #tpu.memory_space<semaphore_mem>>)
    %dma_wait3A_1825 = arith.constant 16384 : i32
    %dma_wait3A_1826 = tpu.memref_slice %arg5[%dma_wait3A_1825] : memref<25600xi32, #tpu.memory_space<vmem>> -> memref<1024xi32, #tpu.memory_space<vmem>>
    %dma_wait3A_1827 = arith.constant 0 : i32
    %dma_wait3A_1828 = arith.constant 0 : i32
    %dma_wait3A_1829 = tpu.memref_slice %arg3[%dma_wait3A_1827, %dma_wait3A_1828] : memref<1007616x32xf32, #tpu.memory_space<hbm>> -> memref<1007616x32xf32, #tpu.memory_space<hbm>>
    tpu.wait_indirect_dma semaphore(%arg8 : memref<!tpu.dma_semaphore, #tpu.memory_space<semaphore_mem>>) src(%dma_wait3A_1829 : memref<1007616x32xf32, #tpu.memory_space<hbm>>) dst(%arg6 : memref<1024x32xf32, #tpu.memory_space<vmem>>)
    %mul3A_1830 = arith.constant 25 : i32
    %mul3A_1831 = arith.muli %add3A, %mul3A_1830 : i32
    %add3A_1832 = arith.constant 16 : i32
    %add3A_1833 = arith.addi %mul3A_1831, %add3A_1832 : i32
    %jit3A_1834 = arith.constant 4 : i32
    %div3A_1835 = arith.divsi %add3A_1833, %jit3A_1834 : i32
    %sign3A_1836 = arith.constant 0 : i32
    %sign3A_1837 = arith.cmpi sgt, %add3A_1833, %sign3A_1836 : i32
    %sign3A_1838 = arith.extui %sign3A_1837 : i1 to i32
    %sign3A_1839 = arith.constant 0 : i32
    %sign3A_1840 = arith.cmpi slt, %add3A_1833, %sign3A_1839 : i32
    %sign3A_1841 = arith.extui %sign3A_1840 : i1 to i32
    %sign3A_1842 = arith.subi %sign3A_1838, %sign3A_1841 : i32
    %sign3A_1843 = arith.constant 0 : i32
    %sign3A_1844 = arith.cmpi sgt, %jit3A_1834, %sign3A_1843 : i32
    %sign3A_1845 = arith.extui %sign3A_1844 : i1 to i32
    %sign3A_1846 = arith.constant 0 : i32
    %sign3A_1847 = arith.cmpi slt, %jit3A_1834, %sign3A_1846 : i32
    %sign3A_1848 = arith.extui %sign3A_1847 : i1 to i32
    %sign3A_1849 = arith.subi %sign3A_1845, %sign3A_1848 : i32
    %ne3A_1850 = arith.cmpi ne, %sign3A_1842, %sign3A_1849 : i32
    %rem3A_1851 = arith.remsi %add3A_1833, %jit3A_1834 : i32
    %ne3A_1852 = arith.constant 0 : i32
    %ne3A_1853 = arith.cmpi ne, %rem3A_1851, %ne3A_1852 : i32
    %and3A_1854 = arith.andi %ne3A_1850, %ne3A_1853 : i1
    %sub3A_1855 = arith.constant 1 : i32
    %sub3A_1856 = arith.subi %div3A_1835, %sub3A_1855 : i32
    %select_n3A_1857 = arith.select %and3A_1854, %sub3A_1856, %div3A_1835 : i32
    %mul3A_1858 = arith.constant 1024 : i32
    %mul3A_1859 = arith.muli %select_n3A_1857, %mul3A_1858 : i32
    %jit3A_1860 = arith.constant 4 : i32
    %eq3A_1861 = arith.constant 0 : i32
    %eq3A_1862 = arith.cmpi eq, %jit3A_1860, %eq3A_1861 : i32
    %jit3A_1863 = arith.constant 1 : i32
    %select_n3A_1864 = arith.select %eq3A_1862, %jit3A_1863, %jit3A_1860 : i32
    %rem3A_1865 = arith.remsi %add3A_1833, %select_n3A_1864 : i32
    %ne3A_1866 = arith.constant 0 : i32
    %ne3A_1867 = arith.cmpi ne, %rem3A_1865, %ne3A_1866 : i32
    %lt3A_1868 = arith.constant 0 : i32
    %lt3A_1869 = arith.cmpi slt, %rem3A_1865, %lt3A_1868 : i32
    %lt3A_1870 = arith.constant 0 : i32
    %lt3A_1871 = arith.cmpi slt, %select_n3A_1864, %lt3A_1870 : i32
    %ne3A_1872 = arith.xori %lt3A_1869, %lt3A_1871 : i1
    %and3A_1873 = arith.andi %ne3A_1872, %ne3A_1867 : i1
    %add3A_1874 = arith.addi %rem3A_1865, %select_n3A_1864 : i32
    %select_n3A_1875 = arith.select %and3A_1873, %add3A_1874, %rem3A_1865 : i32
    %dma_start3A_1876 = arith.constant 0 : i32
    %dma_start3A_1877 = tpu.memref_slice %arg4[%mul3A_1859, %select_n3A_1875, %dma_start3A_1876] : memref<204800x4x32xf32, #tpu.memory_space<hbm>> -> memref<1024x1x32xf32, #tpu.memory_space<hbm>>
    %dma_start3A_1878 = tpu.memref_squeeze %dma_start3A_1877 : memref<1024x1x32xf32, #tpu.memory_space<hbm>> -> memref<1024x32xf32, #tpu.memory_space<hbm>>
    %dma_start3A_1879 = arith.constant 0 : i32
    %dma_start3A_1880 = tpu.memref_slice %arg4[%mul3A_1859, %select_n3A_1875, %dma_start3A_1879] : memref<204800x4x32xf32, #tpu.memory_space<hbm>> -> memref<1024x1x32xf32, #tpu.memory_space<hbm>>
    %dma_start3A_1881 = tpu.memref_squeeze %dma_start3A_1880 : memref<1024x1x32xf32, #tpu.memory_space<hbm>> -> memref<1024x32xf32, #tpu.memory_space<hbm>>
    tpu.enqueue_dma source(%arg6 : memref<1024x32xf32, #tpu.memory_space<vmem>>) target(%dma_start3A_1881 : memref<1024x32xf32, #tpu.memory_space<hbm>>) target_semaphore(%arg10 : memref<!tpu.dma_semaphore, #tpu.memory_space<semaphore_mem>>)
    %mul3A_1882 = arith.constant 25 : i32
    %mul3A_1883 = arith.muli %add3A, %mul3A_1882 : i32
    %add3A_1884 = arith.constant 16 : i32
    %add3A_1885 = arith.addi %mul3A_1883, %add3A_1884 : i32
    %jit3A_1886 = arith.constant 4 : i32
    %div3A_1887 = arith.divsi %add3A_1885, %jit3A_1886 : i32
    %sign3A_1888 = arith.constant 0 : i32
    %sign3A_1889 = arith.cmpi sgt, %add3A_1885, %sign3A_1888 : i32
    %sign3A_1890 = arith.extui %sign3A_1889 : i1 to i32
    %sign3A_1891 = arith.constant 0 : i32
    %sign3A_1892 = arith.cmpi slt, %add3A_1885, %sign3A_1891 : i32
    %sign3A_1893 = arith.extui %sign3A_1892 : i1 to i32
    %sign3A_1894 = arith.subi %sign3A_1890, %sign3A_1893 : i32
    %sign3A_1895 = arith.constant 0 : i32
    %sign3A_1896 = arith.cmpi sgt, %jit3A_1886, %sign3A_1895 : i32
    %sign3A_1897 = arith.extui %sign3A_1896 : i1 to i32
    %sign3A_1898 = arith.constant 0 : i32
    %sign3A_1899 = arith.cmpi slt, %jit3A_1886, %sign3A_1898 : i32
    %sign3A_1900 = arith.extui %sign3A_1899 : i1 to i32
    %sign3A_1901 = arith.subi %sign3A_1897, %sign3A_1900 : i32
    %ne3A_1902 = arith.cmpi ne, %sign3A_1894, %sign3A_1901 : i32
    %rem3A_1903 = arith.remsi %add3A_1885, %jit3A_1886 : i32
    %ne3A_1904 = arith.constant 0 : i32
    %ne3A_1905 = arith.cmpi ne, %rem3A_1903, %ne3A_1904 : i32
    %and3A_1906 = arith.andi %ne3A_1902, %ne3A_1905 : i1
    %sub3A_1907 = arith.constant 1 : i32
    %sub3A_1908 = arith.subi %div3A_1887, %sub3A_1907 : i32
    %select_n3A_1909 = arith.select %and3A_1906, %sub3A_1908, %div3A_1887 : i32
    %mul3A_1910 = arith.constant 1024 : i32
    %mul3A_1911 = arith.muli %select_n3A_1909, %mul3A_1910 : i32
    %jit3A_1912 = arith.constant 4 : i32
    %eq3A_1913 = arith.constant 0 : i32
    %eq3A_1914 = arith.cmpi eq, %jit3A_1912, %eq3A_1913 : i32
    %jit3A_1915 = arith.constant 1 : i32
    %select_n3A_1916 = arith.select %eq3A_1914, %jit3A_1915, %jit3A_1912 : i32
    %rem3A_1917 = arith.remsi %add3A_1885, %select_n3A_1916 : i32
    %ne3A_1918 = arith.constant 0 : i32
    %ne3A_1919 = arith.cmpi ne, %rem3A_1917, %ne3A_1918 : i32
    %lt3A_1920 = arith.constant 0 : i32
    %lt3A_1921 = arith.cmpi slt, %rem3A_1917, %lt3A_1920 : i32
    %lt3A_1922 = arith.constant 0 : i32
    %lt3A_1923 = arith.cmpi slt, %select_n3A_1916, %lt3A_1922 : i32
    %ne3A_1924 = arith.xori %lt3A_1921, %lt3A_1923 : i1
    %and3A_1925 = arith.andi %ne3A_1924, %ne3A_1919 : i1
    %add3A_1926 = arith.addi %rem3A_1917, %select_n3A_1916 : i32
    %select_n3A_1927 = arith.select %and3A_1925, %add3A_1926, %rem3A_1917 : i32
    %dma_wait3A_1928 = arith.constant 0 : i32
    %dma_wait3A_1929 = tpu.memref_slice %arg4[%mul3A_1911, %select_n3A_1927, %dma_wait3A_1928] : memref<204800x4x32xf32, #tpu.memory_space<hbm>> -> memref<1024x1x32xf32, #tpu.memory_space<hbm>>
    %dma_wait3A_1930 = tpu.memref_squeeze %dma_wait3A_1929 : memref<1024x1x32xf32, #tpu.memory_space<hbm>> -> memref<1024x32xf32, #tpu.memory_space<hbm>>
    %dma_wait3A_1931 = arith.constant 0 : i32
    %dma_wait3A_1932 = tpu.memref_slice %arg4[%mul3A_1911, %select_n3A_1927, %dma_wait3A_1931] : memref<204800x4x32xf32, #tpu.memory_space<hbm>> -> memref<1024x1x32xf32, #tpu.memory_space<hbm>>
    %dma_wait3A_1933 = tpu.memref_squeeze %dma_wait3A_1932 : memref<1024x1x32xf32, #tpu.memory_space<hbm>> -> memref<1024x32xf32, #tpu.memory_space<hbm>>
    tpu.wait_dma2 semaphore(%arg10 : memref<!tpu.dma_semaphore, #tpu.memory_space<semaphore_mem>>) src(%arg6 : memref<1024x32xf32, #tpu.memory_space<vmem>>) dst(%dma_wait3A_1933 : memref<1024x32xf32, #tpu.memory_space<hbm>>)
    %dma_start3A_1934 = arith.constant 18432 : i32
    %dma_start3A_1935 = tpu.memref_slice %arg5[%dma_start3A_1934] : memref<25600xi32, #tpu.memory_space<vmem>> -> memref<1024xi32, #tpu.memory_space<vmem>>
    %dma_start3A_1936 = arith.constant 0 : i32
    %dma_start3A_1937 = arith.constant 0 : i32
    %dma_start3A_1938 = tpu.memref_slice %arg3[%dma_start3A_1936, %dma_start3A_1937] : memref<1007616x32xf32, #tpu.memory_space<hbm>> -> memref<1007616x32xf32, #tpu.memory_space<hbm>>
    tpu.enqueue_indirect_dma source(%dma_start3A_1938 : memref<1007616x32xf32, #tpu.memory_space<hbm>>) target(%arg6 : memref<1024x32xf32, #tpu.memory_space<vmem>>) offsets(%dma_start3A_1935 : memref<1024xi32, #tpu.memory_space<vmem>>) semaphore(%arg8 : memref<!tpu.dma_semaphore, #tpu.memory_space<semaphore_mem>>)
    %dma_wait3A_1939 = arith.constant 17408 : i32
    %dma_wait3A_1940 = tpu.memref_slice %arg5[%dma_wait3A_1939] : memref<25600xi32, #tpu.memory_space<vmem>> -> memref<1024xi32, #tpu.memory_space<vmem>>
    %dma_wait3A_1941 = arith.constant 0 : i32
    %dma_wait3A_1942 = arith.constant 0 : i32
    %dma_wait3A_1943 = tpu.memref_slice %arg3[%dma_wait3A_1941, %dma_wait3A_1942] : memref<1007616x32xf32, #tpu.memory_space<hbm>> -> memref<1007616x32xf32, #tpu.memory_space<hbm>>
    tpu.wait_indirect_dma semaphore(%arg9 : memref<!tpu.dma_semaphore, #tpu.memory_space<semaphore_mem>>) src(%dma_wait3A_1943 : memref<1007616x32xf32, #tpu.memory_space<hbm>>) dst(%arg7 : memref<1024x32xf32, #tpu.memory_space<vmem>>)
    %mul3A_1944 = arith.constant 25 : i32
    %mul3A_1945 = arith.muli %add3A, %mul3A_1944 : i32
    %add3A_1946 = arith.constant 17 : i32
    %add3A_1947 = arith.addi %mul3A_1945, %add3A_1946 : i32
    %jit3A_1948 = arith.constant 4 : i32
    %div3A_1949 = arith.divsi %add3A_1947, %jit3A_1948 : i32
    %sign3A_1950 = arith.constant 0 : i32
    %sign3A_1951 = arith.cmpi sgt, %add3A_1947, %sign3A_1950 : i32
    %sign3A_1952 = arith.extui %sign3A_1951 : i1 to i32
    %sign3A_1953 = arith.constant 0 : i32
    %sign3A_1954 = arith.cmpi slt, %add3A_1947, %sign3A_1953 : i32
    %sign3A_1955 = arith.extui %sign3A_1954 : i1 to i32
    %sign3A_1956 = arith.subi %sign3A_1952, %sign3A_1955 : i32
    %sign3A_1957 = arith.constant 0 : i32
    %sign3A_1958 = arith.cmpi sgt, %jit3A_1948, %sign3A_1957 : i32
    %sign3A_1959 = arith.extui %sign3A_1958 : i1 to i32
    %sign3A_1960 = arith.constant 0 : i32
    %sign3A_1961 = arith.cmpi slt, %jit3A_1948, %sign3A_1960 : i32
    %sign3A_1962 = arith.extui %sign3A_1961 : i1 to i32
    %sign3A_1963 = arith.subi %sign3A_1959, %sign3A_1962 : i32
    %ne3A_1964 = arith.cmpi ne, %sign3A_1956, %sign3A_1963 : i32
    %rem3A_1965 = arith.remsi %add3A_1947, %jit3A_1948 : i32
    %ne3A_1966 = arith.constant 0 : i32
    %ne3A_1967 = arith.cmpi ne, %rem3A_1965, %ne3A_1966 : i32
    %and3A_1968 = arith.andi %ne3A_1964, %ne3A_1967 : i1
    %sub3A_1969 = arith.constant 1 : i32
    %sub3A_1970 = arith.subi %div3A_1949, %sub3A_1969 : i32
    %select_n3A_1971 = arith.select %and3A_1968, %sub3A_1970, %div3A_1949 : i32
    %mul3A_1972 = arith.constant 1024 : i32
    %mul3A_1973 = arith.muli %select_n3A_1971, %mul3A_1972 : i32
    %jit3A_1974 = arith.constant 4 : i32
    %eq3A_1975 = arith.constant 0 : i32
    %eq3A_1976 = arith.cmpi eq, %jit3A_1974, %eq3A_1975 : i32
    %jit3A_1977 = arith.constant 1 : i32
    %select_n3A_1978 = arith.select %eq3A_1976, %jit3A_1977, %jit3A_1974 : i32
    %rem3A_1979 = arith.remsi %add3A_1947, %select_n3A_1978 : i32
    %ne3A_1980 = arith.constant 0 : i32
    %ne3A_1981 = arith.cmpi ne, %rem3A_1979, %ne3A_1980 : i32
    %lt3A_1982 = arith.constant 0 : i32
    %lt3A_1983 = arith.cmpi slt, %rem3A_1979, %lt3A_1982 : i32
    %lt3A_1984 = arith.constant 0 : i32
    %lt3A_1985 = arith.cmpi slt, %select_n3A_1978, %lt3A_1984 : i32
    %ne3A_1986 = arith.xori %lt3A_1983, %lt3A_1985 : i1
    %and3A_1987 = arith.andi %ne3A_1986, %ne3A_1981 : i1
    %add3A_1988 = arith.addi %rem3A_1979, %select_n3A_1978 : i32
    %select_n3A_1989 = arith.select %and3A_1987, %add3A_1988, %rem3A_1979 : i32
    %dma_start3A_1990 = arith.constant 0 : i32
    %dma_start3A_1991 = tpu.memref_slice %arg4[%mul3A_1973, %select_n3A_1989, %dma_start3A_1990] : memref<204800x4x32xf32, #tpu.memory_space<hbm>> -> memref<1024x1x32xf32, #tpu.memory_space<hbm>>
    %dma_start3A_1992 = tpu.memref_squeeze %dma_start3A_1991 : memref<1024x1x32xf32, #tpu.memory_space<hbm>> -> memref<1024x32xf32, #tpu.memory_space<hbm>>
    %dma_start3A_1993 = arith.constant 0 : i32
    %dma_start3A_1994 = tpu.memref_slice %arg4[%mul3A_1973, %select_n3A_1989, %dma_start3A_1993] : memref<204800x4x32xf32, #tpu.memory_space<hbm>> -> memref<1024x1x32xf32, #tpu.memory_space<hbm>>
    %dma_start3A_1995 = tpu.memref_squeeze %dma_start3A_1994 : memref<1024x1x32xf32, #tpu.memory_space<hbm>> -> memref<1024x32xf32, #tpu.memory_space<hbm>>
    tpu.enqueue_dma source(%arg7 : memref<1024x32xf32, #tpu.memory_space<vmem>>) target(%dma_start3A_1995 : memref<1024x32xf32, #tpu.memory_space<hbm>>) target_semaphore(%arg11 : memref<!tpu.dma_semaphore, #tpu.memory_space<semaphore_mem>>)
    %mul3A_1996 = arith.constant 25 : i32
    %mul3A_1997 = arith.muli %add3A, %mul3A_1996 : i32
    %add3A_1998 = arith.constant 17 : i32
    %add3A_1999 = arith.addi %mul3A_1997, %add3A_1998 : i32
    %jit3A_2000 = arith.constant 4 : i32
    %div3A_2001 = arith.divsi %add3A_1999, %jit3A_2000 : i32
    %sign3A_2002 = arith.constant 0 : i32
    %sign3A_2003 = arith.cmpi sgt, %add3A_1999, %sign3A_2002 : i32
    %sign3A_2004 = arith.extui %sign3A_2003 : i1 to i32
    %sign3A_2005 = arith.constant 0 : i32
    %sign3A_2006 = arith.cmpi slt, %add3A_1999, %sign3A_2005 : i32
    %sign3A_2007 = arith.extui %sign3A_2006 : i1 to i32
    %sign3A_2008 = arith.subi %sign3A_2004, %sign3A_2007 : i32
    %sign3A_2009 = arith.constant 0 : i32
    %sign3A_2010 = arith.cmpi sgt, %jit3A_2000, %sign3A_2009 : i32
    %sign3A_2011 = arith.extui %sign3A_2010 : i1 to i32
    %sign3A_2012 = arith.constant 0 : i32
    %sign3A_2013 = arith.cmpi slt, %jit3A_2000, %sign3A_2012 : i32
    %sign3A_2014 = arith.extui %sign3A_2013 : i1 to i32
    %sign3A_2015 = arith.subi %sign3A_2011, %sign3A_2014 : i32
    %ne3A_2016 = arith.cmpi ne, %sign3A_2008, %sign3A_2015 : i32
    %rem3A_2017 = arith.remsi %add3A_1999, %jit3A_2000 : i32
    %ne3A_2018 = arith.constant 0 : i32
    %ne3A_2019 = arith.cmpi ne, %rem3A_2017, %ne3A_2018 : i32
    %and3A_2020 = arith.andi %ne3A_2016, %ne3A_2019 : i1
    %sub3A_2021 = arith.constant 1 : i32
    %sub3A_2022 = arith.subi %div3A_2001, %sub3A_2021 : i32
    %select_n3A_2023 = arith.select %and3A_2020, %sub3A_2022, %div3A_2001 : i32
    %mul3A_2024 = arith.constant 1024 : i32
    %mul3A_2025 = arith.muli %select_n3A_2023, %mul3A_2024 : i32
    %jit3A_2026 = arith.constant 4 : i32
    %eq3A_2027 = arith.constant 0 : i32
    %eq3A_2028 = arith.cmpi eq, %jit3A_2026, %eq3A_2027 : i32
    %jit3A_2029 = arith.constant 1 : i32
    %select_n3A_2030 = arith.select %eq3A_2028, %jit3A_2029, %jit3A_2026 : i32
    %rem3A_2031 = arith.remsi %add3A_1999, %select_n3A_2030 : i32
    %ne3A_2032 = arith.constant 0 : i32
    %ne3A_2033 = arith.cmpi ne, %rem3A_2031, %ne3A_2032 : i32
    %lt3A_2034 = arith.constant 0 : i32
    %lt3A_2035 = arith.cmpi slt, %rem3A_2031, %lt3A_2034 : i32
    %lt3A_2036 = arith.constant 0 : i32
    %lt3A_2037 = arith.cmpi slt, %select_n3A_2030, %lt3A_2036 : i32
    %ne3A_2038 = arith.xori %lt3A_2035, %lt3A_2037 : i1
    %and3A_2039 = arith.andi %ne3A_2038, %ne3A_2033 : i1
    %add3A_2040 = arith.addi %rem3A_2031, %select_n3A_2030 : i32
    %select_n3A_2041 = arith.select %and3A_2039, %add3A_2040, %rem3A_2031 : i32
    %dma_wait3A_2042 = arith.constant 0 : i32
    %dma_wait3A_2043 = tpu.memref_slice %arg4[%mul3A_2025, %select_n3A_2041, %dma_wait3A_2042] : memref<204800x4x32xf32, #tpu.memory_space<hbm>> -> memref<1024x1x32xf32, #tpu.memory_space<hbm>>
    %dma_wait3A_2044 = tpu.memref_squeeze %dma_wait3A_2043 : memref<1024x1x32xf32, #tpu.memory_space<hbm>> -> memref<1024x32xf32, #tpu.memory_space<hbm>>
    %dma_wait3A_2045 = arith.constant 0 : i32
    %dma_wait3A_2046 = tpu.memref_slice %arg4[%mul3A_2025, %select_n3A_2041, %dma_wait3A_2045] : memref<204800x4x32xf32, #tpu.memory_space<hbm>> -> memref<1024x1x32xf32, #tpu.memory_space<hbm>>
    %dma_wait3A_2047 = tpu.memref_squeeze %dma_wait3A_2046 : memref<1024x1x32xf32, #tpu.memory_space<hbm>> -> memref<1024x32xf32, #tpu.memory_space<hbm>>
    tpu.wait_dma2 semaphore(%arg11 : memref<!tpu.dma_semaphore, #tpu.memory_space<semaphore_mem>>) src(%arg7 : memref<1024x32xf32, #tpu.memory_space<vmem>>) dst(%dma_wait3A_2047 : memref<1024x32xf32, #tpu.memory_space<hbm>>)
    %dma_start3A_2048 = arith.constant 19456 : i32
    %dma_start3A_2049 = tpu.memref_slice %arg5[%dma_start3A_2048] : memref<25600xi32, #tpu.memory_space<vmem>> -> memref<1024xi32, #tpu.memory_space<vmem>>
    %dma_start3A_2050 = arith.constant 0 : i32
    %dma_start3A_2051 = arith.constant 0 : i32
    %dma_start3A_2052 = tpu.memref_slice %arg3[%dma_start3A_2050, %dma_start3A_2051] : memref<1007616x32xf32, #tpu.memory_space<hbm>> -> memref<1007616x32xf32, #tpu.memory_space<hbm>>
    tpu.enqueue_indirect_dma source(%dma_start3A_2052 : memref<1007616x32xf32, #tpu.memory_space<hbm>>) target(%arg7 : memref<1024x32xf32, #tpu.memory_space<vmem>>) offsets(%dma_start3A_2049 : memref<1024xi32, #tpu.memory_space<vmem>>) semaphore(%arg9 : memref<!tpu.dma_semaphore, #tpu.memory_space<semaphore_mem>>)
    %dma_wait3A_2053 = arith.constant 18432 : i32
    %dma_wait3A_2054 = tpu.memref_slice %arg5[%dma_wait3A_2053] : memref<25600xi32, #tpu.memory_space<vmem>> -> memref<1024xi32, #tpu.memory_space<vmem>>
    %dma_wait3A_2055 = arith.constant 0 : i32
    %dma_wait3A_2056 = arith.constant 0 : i32
    %dma_wait3A_2057 = tpu.memref_slice %arg3[%dma_wait3A_2055, %dma_wait3A_2056] : memref<1007616x32xf32, #tpu.memory_space<hbm>> -> memref<1007616x32xf32, #tpu.memory_space<hbm>>
    tpu.wait_indirect_dma semaphore(%arg8 : memref<!tpu.dma_semaphore, #tpu.memory_space<semaphore_mem>>) src(%dma_wait3A_2057 : memref<1007616x32xf32, #tpu.memory_space<hbm>>) dst(%arg6 : memref<1024x32xf32, #tpu.memory_space<vmem>>)
    %mul3A_2058 = arith.constant 25 : i32
    %mul3A_2059 = arith.muli %add3A, %mul3A_2058 : i32
    %add3A_2060 = arith.constant 18 : i32
    %add3A_2061 = arith.addi %mul3A_2059, %add3A_2060 : i32
    %jit3A_2062 = arith.constant 4 : i32
    %div3A_2063 = arith.divsi %add3A_2061, %jit3A_2062 : i32
    %sign3A_2064 = arith.constant 0 : i32
    %sign3A_2065 = arith.cmpi sgt, %add3A_2061, %sign3A_2064 : i32
    %sign3A_2066 = arith.extui %sign3A_2065 : i1 to i32
    %sign3A_2067 = arith.constant 0 : i32
    %sign3A_2068 = arith.cmpi slt, %add3A_2061, %sign3A_2067 : i32
    %sign3A_2069 = arith.extui %sign3A_2068 : i1 to i32
    %sign3A_2070 = arith.subi %sign3A_2066, %sign3A_2069 : i32
    %sign3A_2071 = arith.constant 0 : i32
    %sign3A_2072 = arith.cmpi sgt, %jit3A_2062, %sign3A_2071 : i32
    %sign3A_2073 = arith.extui %sign3A_2072 : i1 to i32
    %sign3A_2074 = arith.constant 0 : i32
    %sign3A_2075 = arith.cmpi slt, %jit3A_2062, %sign3A_2074 : i32
    %sign3A_2076 = arith.extui %sign3A_2075 : i1 to i32
    %sign3A_2077 = arith.subi %sign3A_2073, %sign3A_2076 : i32
    %ne3A_2078 = arith.cmpi ne, %sign3A_2070, %sign3A_2077 : i32
    %rem3A_2079 = arith.remsi %add3A_2061, %jit3A_2062 : i32
    %ne3A_2080 = arith.constant 0 : i32
    %ne3A_2081 = arith.cmpi ne, %rem3A_2079, %ne3A_2080 : i32
    %and3A_2082 = arith.andi %ne3A_2078, %ne3A_2081 : i1
    %sub3A_2083 = arith.constant 1 : i32
    %sub3A_2084 = arith.subi %div3A_2063, %sub3A_2083 : i32
    %select_n3A_2085 = arith.select %and3A_2082, %sub3A_2084, %div3A_2063 : i32
    %mul3A_2086 = arith.constant 1024 : i32
    %mul3A_2087 = arith.muli %select_n3A_2085, %mul3A_2086 : i32
    %jit3A_2088 = arith.constant 4 : i32
    %eq3A_2089 = arith.constant 0 : i32
    %eq3A_2090 = arith.cmpi eq, %jit3A_2088, %eq3A_2089 : i32
    %jit3A_2091 = arith.constant 1 : i32
    %select_n3A_2092 = arith.select %eq3A_2090, %jit3A_2091, %jit3A_2088 : i32
    %rem3A_2093 = arith.remsi %add3A_2061, %select_n3A_2092 : i32
    %ne3A_2094 = arith.constant 0 : i32
    %ne3A_2095 = arith.cmpi ne, %rem3A_2093, %ne3A_2094 : i32
    %lt3A_2096 = arith.constant 0 : i32
    %lt3A_2097 = arith.cmpi slt, %rem3A_2093, %lt3A_2096 : i32
    %lt3A_2098 = arith.constant 0 : i32
    %lt3A_2099 = arith.cmpi slt, %select_n3A_2092, %lt3A_2098 : i32
    %ne3A_2100 = arith.xori %lt3A_2097, %lt3A_2099 : i1
    %and3A_2101 = arith.andi %ne3A_2100, %ne3A_2095 : i1
    %add3A_2102 = arith.addi %rem3A_2093, %select_n3A_2092 : i32
    %select_n3A_2103 = arith.select %and3A_2101, %add3A_2102, %rem3A_2093 : i32
    %dma_start3A_2104 = arith.constant 0 : i32
    %dma_start3A_2105 = tpu.memref_slice %arg4[%mul3A_2087, %select_n3A_2103, %dma_start3A_2104] : memref<204800x4x32xf32, #tpu.memory_space<hbm>> -> memref<1024x1x32xf32, #tpu.memory_space<hbm>>
    %dma_start3A_2106 = tpu.memref_squeeze %dma_start3A_2105 : memref<1024x1x32xf32, #tpu.memory_space<hbm>> -> memref<1024x32xf32, #tpu.memory_space<hbm>>
    %dma_start3A_2107 = arith.constant 0 : i32
    %dma_start3A_2108 = tpu.memref_slice %arg4[%mul3A_2087, %select_n3A_2103, %dma_start3A_2107] : memref<204800x4x32xf32, #tpu.memory_space<hbm>> -> memref<1024x1x32xf32, #tpu.memory_space<hbm>>
    %dma_start3A_2109 = tpu.memref_squeeze %dma_start3A_2108 : memref<1024x1x32xf32, #tpu.memory_space<hbm>> -> memref<1024x32xf32, #tpu.memory_space<hbm>>
    tpu.enqueue_dma source(%arg6 : memref<1024x32xf32, #tpu.memory_space<vmem>>) target(%dma_start3A_2109 : memref<1024x32xf32, #tpu.memory_space<hbm>>) target_semaphore(%arg10 : memref<!tpu.dma_semaphore, #tpu.memory_space<semaphore_mem>>)
    %mul3A_2110 = arith.constant 25 : i32
    %mul3A_2111 = arith.muli %add3A, %mul3A_2110 : i32
    %add3A_2112 = arith.constant 18 : i32
    %add3A_2113 = arith.addi %mul3A_2111, %add3A_2112 : i32
    %jit3A_2114 = arith.constant 4 : i32
    %div3A_2115 = arith.divsi %add3A_2113, %jit3A_2114 : i32
    %sign3A_2116 = arith.constant 0 : i32
    %sign3A_2117 = arith.cmpi sgt, %add3A_2113, %sign3A_2116 : i32
    %sign3A_2118 = arith.extui %sign3A_2117 : i1 to i32
    %sign3A_2119 = arith.constant 0 : i32
    %sign3A_2120 = arith.cmpi slt, %add3A_2113, %sign3A_2119 : i32
    %sign3A_2121 = arith.extui %sign3A_2120 : i1 to i32
    %sign3A_2122 = arith.subi %sign3A_2118, %sign3A_2121 : i32
    %sign3A_2123 = arith.constant 0 : i32
    %sign3A_2124 = arith.cmpi sgt, %jit3A_2114, %sign3A_2123 : i32
    %sign3A_2125 = arith.extui %sign3A_2124 : i1 to i32
    %sign3A_2126 = arith.constant 0 : i32
    %sign3A_2127 = arith.cmpi slt, %jit3A_2114, %sign3A_2126 : i32
    %sign3A_2128 = arith.extui %sign3A_2127 : i1 to i32
    %sign3A_2129 = arith.subi %sign3A_2125, %sign3A_2128 : i32
    %ne3A_2130 = arith.cmpi ne, %sign3A_2122, %sign3A_2129 : i32
    %rem3A_2131 = arith.remsi %add3A_2113, %jit3A_2114 : i32
    %ne3A_2132 = arith.constant 0 : i32
    %ne3A_2133 = arith.cmpi ne, %rem3A_2131, %ne3A_2132 : i32
    %and3A_2134 = arith.andi %ne3A_2130, %ne3A_2133 : i1
    %sub3A_2135 = arith.constant 1 : i32
    %sub3A_2136 = arith.subi %div3A_2115, %sub3A_2135 : i32
    %select_n3A_2137 = arith.select %and3A_2134, %sub3A_2136, %div3A_2115 : i32
    %mul3A_2138 = arith.constant 1024 : i32
    %mul3A_2139 = arith.muli %select_n3A_2137, %mul3A_2138 : i32
    %jit3A_2140 = arith.constant 4 : i32
    %eq3A_2141 = arith.constant 0 : i32
    %eq3A_2142 = arith.cmpi eq, %jit3A_2140, %eq3A_2141 : i32
    %jit3A_2143 = arith.constant 1 : i32
    %select_n3A_2144 = arith.select %eq3A_2142, %jit3A_2143, %jit3A_2140 : i32
    %rem3A_2145 = arith.remsi %add3A_2113, %select_n3A_2144 : i32
    %ne3A_2146 = arith.constant 0 : i32
    %ne3A_2147 = arith.cmpi ne, %rem3A_2145, %ne3A_2146 : i32
    %lt3A_2148 = arith.constant 0 : i32
    %lt3A_2149 = arith.cmpi slt, %rem3A_2145, %lt3A_2148 : i32
    %lt3A_2150 = arith.constant 0 : i32
    %lt3A_2151 = arith.cmpi slt, %select_n3A_2144, %lt3A_2150 : i32
    %ne3A_2152 = arith.xori %lt3A_2149, %lt3A_2151 : i1
    %and3A_2153 = arith.andi %ne3A_2152, %ne3A_2147 : i1
    %add3A_2154 = arith.addi %rem3A_2145, %select_n3A_2144 : i32
    %select_n3A_2155 = arith.select %and3A_2153, %add3A_2154, %rem3A_2145 : i32
    %dma_wait3A_2156 = arith.constant 0 : i32
    %dma_wait3A_2157 = tpu.memref_slice %arg4[%mul3A_2139, %select_n3A_2155, %dma_wait3A_2156] : memref<204800x4x32xf32, #tpu.memory_space<hbm>> -> memref<1024x1x32xf32, #tpu.memory_space<hbm>>
    %dma_wait3A_2158 = tpu.memref_squeeze %dma_wait3A_2157 : memref<1024x1x32xf32, #tpu.memory_space<hbm>> -> memref<1024x32xf32, #tpu.memory_space<hbm>>
    %dma_wait3A_2159 = arith.constant 0 : i32
    %dma_wait3A_2160 = tpu.memref_slice %arg4[%mul3A_2139, %select_n3A_2155, %dma_wait3A_2159] : memref<204800x4x32xf32, #tpu.memory_space<hbm>> -> memref<1024x1x32xf32, #tpu.memory_space<hbm>>
    %dma_wait3A_2161 = tpu.memref_squeeze %dma_wait3A_2160 : memref<1024x1x32xf32, #tpu.memory_space<hbm>> -> memref<1024x32xf32, #tpu.memory_space<hbm>>
    tpu.wait_dma2 semaphore(%arg10 : memref<!tpu.dma_semaphore, #tpu.memory_space<semaphore_mem>>) src(%arg6 : memref<1024x32xf32, #tpu.memory_space<vmem>>) dst(%dma_wait3A_2161 : memref<1024x32xf32, #tpu.memory_space<hbm>>)
    %dma_start3A_2162 = arith.constant 20480 : i32
    %dma_start3A_2163 = tpu.memref_slice %arg5[%dma_start3A_2162] : memref<25600xi32, #tpu.memory_space<vmem>> -> memref<1024xi32, #tpu.memory_space<vmem>>
    %dma_start3A_2164 = arith.constant 0 : i32
    %dma_start3A_2165 = arith.constant 0 : i32
    %dma_start3A_2166 = tpu.memref_slice %arg3[%dma_start3A_2164, %dma_start3A_2165] : memref<1007616x32xf32, #tpu.memory_space<hbm>> -> memref<1007616x32xf32, #tpu.memory_space<hbm>>
    tpu.enqueue_indirect_dma source(%dma_start3A_2166 : memref<1007616x32xf32, #tpu.memory_space<hbm>>) target(%arg6 : memref<1024x32xf32, #tpu.memory_space<vmem>>) offsets(%dma_start3A_2163 : memref<1024xi32, #tpu.memory_space<vmem>>) semaphore(%arg8 : memref<!tpu.dma_semaphore, #tpu.memory_space<semaphore_mem>>)
    %dma_wait3A_2167 = arith.constant 19456 : i32
    %dma_wait3A_2168 = tpu.memref_slice %arg5[%dma_wait3A_2167] : memref<25600xi32, #tpu.memory_space<vmem>> -> memref<1024xi32, #tpu.memory_space<vmem>>
    %dma_wait3A_2169 = arith.constant 0 : i32
    %dma_wait3A_2170 = arith.constant 0 : i32
    %dma_wait3A_2171 = tpu.memref_slice %arg3[%dma_wait3A_2169, %dma_wait3A_2170] : memref<1007616x32xf32, #tpu.memory_space<hbm>> -> memref<1007616x32xf32, #tpu.memory_space<hbm>>
    tpu.wait_indirect_dma semaphore(%arg9 : memref<!tpu.dma_semaphore, #tpu.memory_space<semaphore_mem>>) src(%dma_wait3A_2171 : memref<1007616x32xf32, #tpu.memory_space<hbm>>) dst(%arg7 : memref<1024x32xf32, #tpu.memory_space<vmem>>)
    %mul3A_2172 = arith.constant 25 : i32
    %mul3A_2173 = arith.muli %add3A, %mul3A_2172 : i32
    %add3A_2174 = arith.constant 19 : i32
    %add3A_2175 = arith.addi %mul3A_2173, %add3A_2174 : i32
    %jit3A_2176 = arith.constant 4 : i32
    %div3A_2177 = arith.divsi %add3A_2175, %jit3A_2176 : i32
    %sign3A_2178 = arith.constant 0 : i32
    %sign3A_2179 = arith.cmpi sgt, %add3A_2175, %sign3A_2178 : i32
    %sign3A_2180 = arith.extui %sign3A_2179 : i1 to i32
    %sign3A_2181 = arith.constant 0 : i32
    %sign3A_2182 = arith.cmpi slt, %add3A_2175, %sign3A_2181 : i32
    %sign3A_2183 = arith.extui %sign3A_2182 : i1 to i32
    %sign3A_2184 = arith.subi %sign3A_2180, %sign3A_2183 : i32
    %sign3A_2185 = arith.constant 0 : i32
    %sign3A_2186 = arith.cmpi sgt, %jit3A_2176, %sign3A_2185 : i32
    %sign3A_2187 = arith.extui %sign3A_2186 : i1 to i32
    %sign3A_2188 = arith.constant 0 : i32
    %sign3A_2189 = arith.cmpi slt, %jit3A_2176, %sign3A_2188 : i32
    %sign3A_2190 = arith.extui %sign3A_2189 : i1 to i32
    %sign3A_2191 = arith.subi %sign3A_2187, %sign3A_2190 : i32
    %ne3A_2192 = arith.cmpi ne, %sign3A_2184, %sign3A_2191 : i32
    %rem3A_2193 = arith.remsi %add3A_2175, %jit3A_2176 : i32
    %ne3A_2194 = arith.constant 0 : i32
    %ne3A_2195 = arith.cmpi ne, %rem3A_2193, %ne3A_2194 : i32
    %and3A_2196 = arith.andi %ne3A_2192, %ne3A_2195 : i1
    %sub3A_2197 = arith.constant 1 : i32
    %sub3A_2198 = arith.subi %div3A_2177, %sub3A_2197 : i32
    %select_n3A_2199 = arith.select %and3A_2196, %sub3A_2198, %div3A_2177 : i32
    %mul3A_2200 = arith.constant 1024 : i32
    %mul3A_2201 = arith.muli %select_n3A_2199, %mul3A_2200 : i32
    %jit3A_2202 = arith.constant 4 : i32
    %eq3A_2203 = arith.constant 0 : i32
    %eq3A_2204 = arith.cmpi eq, %jit3A_2202, %eq3A_2203 : i32
    %jit3A_2205 = arith.constant 1 : i32
    %select_n3A_2206 = arith.select %eq3A_2204, %jit3A_2205, %jit3A_2202 : i32
    %rem3A_2207 = arith.remsi %add3A_2175, %select_n3A_2206 : i32
    %ne3A_2208 = arith.constant 0 : i32
    %ne3A_2209 = arith.cmpi ne, %rem3A_2207, %ne3A_2208 : i32
    %lt3A_2210 = arith.constant 0 : i32
    %lt3A_2211 = arith.cmpi slt, %rem3A_2207, %lt3A_2210 : i32
    %lt3A_2212 = arith.constant 0 : i32
    %lt3A_2213 = arith.cmpi slt, %select_n3A_2206, %lt3A_2212 : i32
    %ne3A_2214 = arith.xori %lt3A_2211, %lt3A_2213 : i1
    %and3A_2215 = arith.andi %ne3A_2214, %ne3A_2209 : i1
    %add3A_2216 = arith.addi %rem3A_2207, %select_n3A_2206 : i32
    %select_n3A_2217 = arith.select %and3A_2215, %add3A_2216, %rem3A_2207 : i32
    %dma_start3A_2218 = arith.constant 0 : i32
    %dma_start3A_2219 = tpu.memref_slice %arg4[%mul3A_2201, %select_n3A_2217, %dma_start3A_2218] : memref<204800x4x32xf32, #tpu.memory_space<hbm>> -> memref<1024x1x32xf32, #tpu.memory_space<hbm>>
    %dma_start3A_2220 = tpu.memref_squeeze %dma_start3A_2219 : memref<1024x1x32xf32, #tpu.memory_space<hbm>> -> memref<1024x32xf32, #tpu.memory_space<hbm>>
    %dma_start3A_2221 = arith.constant 0 : i32
    %dma_start3A_2222 = tpu.memref_slice %arg4[%mul3A_2201, %select_n3A_2217, %dma_start3A_2221] : memref<204800x4x32xf32, #tpu.memory_space<hbm>> -> memref<1024x1x32xf32, #tpu.memory_space<hbm>>
    %dma_start3A_2223 = tpu.memref_squeeze %dma_start3A_2222 : memref<1024x1x32xf32, #tpu.memory_space<hbm>> -> memref<1024x32xf32, #tpu.memory_space<hbm>>
    tpu.enqueue_dma source(%arg7 : memref<1024x32xf32, #tpu.memory_space<vmem>>) target(%dma_start3A_2223 : memref<1024x32xf32, #tpu.memory_space<hbm>>) target_semaphore(%arg11 : memref<!tpu.dma_semaphore, #tpu.memory_space<semaphore_mem>>)
    %mul3A_2224 = arith.constant 25 : i32
    %mul3A_2225 = arith.muli %add3A, %mul3A_2224 : i32
    %add3A_2226 = arith.constant 19 : i32
    %add3A_2227 = arith.addi %mul3A_2225, %add3A_2226 : i32
    %jit3A_2228 = arith.constant 4 : i32
    %div3A_2229 = arith.divsi %add3A_2227, %jit3A_2228 : i32
    %sign3A_2230 = arith.constant 0 : i32
    %sign3A_2231 = arith.cmpi sgt, %add3A_2227, %sign3A_2230 : i32
    %sign3A_2232 = arith.extui %sign3A_2231 : i1 to i32
    %sign3A_2233 = arith.constant 0 : i32
    %sign3A_2234 = arith.cmpi slt, %add3A_2227, %sign3A_2233 : i32
    %sign3A_2235 = arith.extui %sign3A_2234 : i1 to i32
    %sign3A_2236 = arith.subi %sign3A_2232, %sign3A_2235 : i32
    %sign3A_2237 = arith.constant 0 : i32
    %sign3A_2238 = arith.cmpi sgt, %jit3A_2228, %sign3A_2237 : i32
    %sign3A_2239 = arith.extui %sign3A_2238 : i1 to i32
    %sign3A_2240 = arith.constant 0 : i32
    %sign3A_2241 = arith.cmpi slt, %jit3A_2228, %sign3A_2240 : i32
    %sign3A_2242 = arith.extui %sign3A_2241 : i1 to i32
    %sign3A_2243 = arith.subi %sign3A_2239, %sign3A_2242 : i32
    %ne3A_2244 = arith.cmpi ne, %sign3A_2236, %sign3A_2243 : i32
    %rem3A_2245 = arith.remsi %add3A_2227, %jit3A_2228 : i32
    %ne3A_2246 = arith.constant 0 : i32
    %ne3A_2247 = arith.cmpi ne, %rem3A_2245, %ne3A_2246 : i32
    %and3A_2248 = arith.andi %ne3A_2244, %ne3A_2247 : i1
    %sub3A_2249 = arith.constant 1 : i32
    %sub3A_2250 = arith.subi %div3A_2229, %sub3A_2249 : i32
    %select_n3A_2251 = arith.select %and3A_2248, %sub3A_2250, %div3A_2229 : i32
    %mul3A_2252 = arith.constant 1024 : i32
    %mul3A_2253 = arith.muli %select_n3A_2251, %mul3A_2252 : i32
    %jit3A_2254 = arith.constant 4 : i32
    %eq3A_2255 = arith.constant 0 : i32
    %eq3A_2256 = arith.cmpi eq, %jit3A_2254, %eq3A_2255 : i32
    %jit3A_2257 = arith.constant 1 : i32
    %select_n3A_2258 = arith.select %eq3A_2256, %jit3A_2257, %jit3A_2254 : i32
    %rem3A_2259 = arith.remsi %add3A_2227, %select_n3A_2258 : i32
    %ne3A_2260 = arith.constant 0 : i32
    %ne3A_2261 = arith.cmpi ne, %rem3A_2259, %ne3A_2260 : i32
    %lt3A_2262 = arith.constant 0 : i32
    %lt3A_2263 = arith.cmpi slt, %rem3A_2259, %lt3A_2262 : i32
    %lt3A_2264 = arith.constant 0 : i32
    %lt3A_2265 = arith.cmpi slt, %select_n3A_2258, %lt3A_2264 : i32
    %ne3A_2266 = arith.xori %lt3A_2263, %lt3A_2265 : i1
    %and3A_2267 = arith.andi %ne3A_2266, %ne3A_2261 : i1
    %add3A_2268 = arith.addi %rem3A_2259, %select_n3A_2258 : i32
    %select_n3A_2269 = arith.select %and3A_2267, %add3A_2268, %rem3A_2259 : i32
    %dma_wait3A_2270 = arith.constant 0 : i32
    %dma_wait3A_2271 = tpu.memref_slice %arg4[%mul3A_2253, %select_n3A_2269, %dma_wait3A_2270] : memref<204800x4x32xf32, #tpu.memory_space<hbm>> -> memref<1024x1x32xf32, #tpu.memory_space<hbm>>
    %dma_wait3A_2272 = tpu.memref_squeeze %dma_wait3A_2271 : memref<1024x1x32xf32, #tpu.memory_space<hbm>> -> memref<1024x32xf32, #tpu.memory_space<hbm>>
    %dma_wait3A_2273 = arith.constant 0 : i32
    %dma_wait3A_2274 = tpu.memref_slice %arg4[%mul3A_2253, %select_n3A_2269, %dma_wait3A_2273] : memref<204800x4x32xf32, #tpu.memory_space<hbm>> -> memref<1024x1x32xf32, #tpu.memory_space<hbm>>
    %dma_wait3A_2275 = tpu.memref_squeeze %dma_wait3A_2274 : memref<1024x1x32xf32, #tpu.memory_space<hbm>> -> memref<1024x32xf32, #tpu.memory_space<hbm>>
    tpu.wait_dma2 semaphore(%arg11 : memref<!tpu.dma_semaphore, #tpu.memory_space<semaphore_mem>>) src(%arg7 : memref<1024x32xf32, #tpu.memory_space<vmem>>) dst(%dma_wait3A_2275 : memref<1024x32xf32, #tpu.memory_space<hbm>>)
    %dma_start3A_2276 = arith.constant 21504 : i32
    %dma_start3A_2277 = tpu.memref_slice %arg5[%dma_start3A_2276] : memref<25600xi32, #tpu.memory_space<vmem>> -> memref<1024xi32, #tpu.memory_space<vmem>>
    %dma_start3A_2278 = arith.constant 0 : i32
    %dma_start3A_2279 = arith.constant 0 : i32
    %dma_start3A_2280 = tpu.memref_slice %arg3[%dma_start3A_2278, %dma_start3A_2279] : memref<1007616x32xf32, #tpu.memory_space<hbm>> -> memref<1007616x32xf32, #tpu.memory_space<hbm>>
    tpu.enqueue_indirect_dma source(%dma_start3A_2280 : memref<1007616x32xf32, #tpu.memory_space<hbm>>) target(%arg7 : memref<1024x32xf32, #tpu.memory_space<vmem>>) offsets(%dma_start3A_2277 : memref<1024xi32, #tpu.memory_space<vmem>>) semaphore(%arg9 : memref<!tpu.dma_semaphore, #tpu.memory_space<semaphore_mem>>)
    %dma_wait3A_2281 = arith.constant 20480 : i32
    %dma_wait3A_2282 = tpu.memref_slice %arg5[%dma_wait3A_2281] : memref<25600xi32, #tpu.memory_space<vmem>> -> memref<1024xi32, #tpu.memory_space<vmem>>
    %dma_wait3A_2283 = arith.constant 0 : i32
    %dma_wait3A_2284 = arith.constant 0 : i32
    %dma_wait3A_2285 = tpu.memref_slice %arg3[%dma_wait3A_2283, %dma_wait3A_2284] : memref<1007616x32xf32, #tpu.memory_space<hbm>> -> memref<1007616x32xf32, #tpu.memory_space<hbm>>
    tpu.wait_indirect_dma semaphore(%arg8 : memref<!tpu.dma_semaphore, #tpu.memory_space<semaphore_mem>>) src(%dma_wait3A_2285 : memref<1007616x32xf32, #tpu.memory_space<hbm>>) dst(%arg6 : memref<1024x32xf32, #tpu.memory_space<vmem>>)
    %mul3A_2286 = arith.constant 25 : i32
    %mul3A_2287 = arith.muli %add3A, %mul3A_2286 : i32
    %add3A_2288 = arith.constant 20 : i32
    %add3A_2289 = arith.addi %mul3A_2287, %add3A_2288 : i32
    %jit3A_2290 = arith.constant 4 : i32
    %div3A_2291 = arith.divsi %add3A_2289, %jit3A_2290 : i32
    %sign3A_2292 = arith.constant 0 : i32
    %sign3A_2293 = arith.cmpi sgt, %add3A_2289, %sign3A_2292 : i32
    %sign3A_2294 = arith.extui %sign3A_2293 : i1 to i32
    %sign3A_2295 = arith.constant 0 : i32
    %sign3A_2296 = arith.cmpi slt, %add3A_2289, %sign3A_2295 : i32
    %sign3A_2297 = arith.extui %sign3A_2296 : i1 to i32
    %sign3A_2298 = arith.subi %sign3A_2294, %sign3A_2297 : i32
    %sign3A_2299 = arith.constant 0 : i32
    %sign3A_2300 = arith.cmpi sgt, %jit3A_2290, %sign3A_2299 : i32
    %sign3A_2301 = arith.extui %sign3A_2300 : i1 to i32
    %sign3A_2302 = arith.constant 0 : i32
    %sign3A_2303 = arith.cmpi slt, %jit3A_2290, %sign3A_2302 : i32
    %sign3A_2304 = arith.extui %sign3A_2303 : i1 to i32
    %sign3A_2305 = arith.subi %sign3A_2301, %sign3A_2304 : i32
    %ne3A_2306 = arith.cmpi ne, %sign3A_2298, %sign3A_2305 : i32
    %rem3A_2307 = arith.remsi %add3A_2289, %jit3A_2290 : i32
    %ne3A_2308 = arith.constant 0 : i32
    %ne3A_2309 = arith.cmpi ne, %rem3A_2307, %ne3A_2308 : i32
    %and3A_2310 = arith.andi %ne3A_2306, %ne3A_2309 : i1
    %sub3A_2311 = arith.constant 1 : i32
    %sub3A_2312 = arith.subi %div3A_2291, %sub3A_2311 : i32
    %select_n3A_2313 = arith.select %and3A_2310, %sub3A_2312, %div3A_2291 : i32
    %mul3A_2314 = arith.constant 1024 : i32
    %mul3A_2315 = arith.muli %select_n3A_2313, %mul3A_2314 : i32
    %jit3A_2316 = arith.constant 4 : i32
    %eq3A_2317 = arith.constant 0 : i32
    %eq3A_2318 = arith.cmpi eq, %jit3A_2316, %eq3A_2317 : i32
    %jit3A_2319 = arith.constant 1 : i32
    %select_n3A_2320 = arith.select %eq3A_2318, %jit3A_2319, %jit3A_2316 : i32
    %rem3A_2321 = arith.remsi %add3A_2289, %select_n3A_2320 : i32
    %ne3A_2322 = arith.constant 0 : i32
    %ne3A_2323 = arith.cmpi ne, %rem3A_2321, %ne3A_2322 : i32
    %lt3A_2324 = arith.constant 0 : i32
    %lt3A_2325 = arith.cmpi slt, %rem3A_2321, %lt3A_2324 : i32
    %lt3A_2326 = arith.constant 0 : i32
    %lt3A_2327 = arith.cmpi slt, %select_n3A_2320, %lt3A_2326 : i32
    %ne3A_2328 = arith.xori %lt3A_2325, %lt3A_2327 : i1
    %and3A_2329 = arith.andi %ne3A_2328, %ne3A_2323 : i1
    %add3A_2330 = arith.addi %rem3A_2321, %select_n3A_2320 : i32
    %select_n3A_2331 = arith.select %and3A_2329, %add3A_2330, %rem3A_2321 : i32
    %dma_start3A_2332 = arith.constant 0 : i32
    %dma_start3A_2333 = tpu.memref_slice %arg4[%mul3A_2315, %select_n3A_2331, %dma_start3A_2332] : memref<204800x4x32xf32, #tpu.memory_space<hbm>> -> memref<1024x1x32xf32, #tpu.memory_space<hbm>>
    %dma_start3A_2334 = tpu.memref_squeeze %dma_start3A_2333 : memref<1024x1x32xf32, #tpu.memory_space<hbm>> -> memref<1024x32xf32, #tpu.memory_space<hbm>>
    %dma_start3A_2335 = arith.constant 0 : i32
    %dma_start3A_2336 = tpu.memref_slice %arg4[%mul3A_2315, %select_n3A_2331, %dma_start3A_2335] : memref<204800x4x32xf32, #tpu.memory_space<hbm>> -> memref<1024x1x32xf32, #tpu.memory_space<hbm>>
    %dma_start3A_2337 = tpu.memref_squeeze %dma_start3A_2336 : memref<1024x1x32xf32, #tpu.memory_space<hbm>> -> memref<1024x32xf32, #tpu.memory_space<hbm>>
    tpu.enqueue_dma source(%arg6 : memref<1024x32xf32, #tpu.memory_space<vmem>>) target(%dma_start3A_2337 : memref<1024x32xf32, #tpu.memory_space<hbm>>) target_semaphore(%arg10 : memref<!tpu.dma_semaphore, #tpu.memory_space<semaphore_mem>>)
    %mul3A_2338 = arith.constant 25 : i32
    %mul3A_2339 = arith.muli %add3A, %mul3A_2338 : i32
    %add3A_2340 = arith.constant 20 : i32
    %add3A_2341 = arith.addi %mul3A_2339, %add3A_2340 : i32
    %jit3A_2342 = arith.constant 4 : i32
    %div3A_2343 = arith.divsi %add3A_2341, %jit3A_2342 : i32
    %sign3A_2344 = arith.constant 0 : i32
    %sign3A_2345 = arith.cmpi sgt, %add3A_2341, %sign3A_2344 : i32
    %sign3A_2346 = arith.extui %sign3A_2345 : i1 to i32
    %sign3A_2347 = arith.constant 0 : i32
    %sign3A_2348 = arith.cmpi slt, %add3A_2341, %sign3A_2347 : i32
    %sign3A_2349 = arith.extui %sign3A_2348 : i1 to i32
    %sign3A_2350 = arith.subi %sign3A_2346, %sign3A_2349 : i32
    %sign3A_2351 = arith.constant 0 : i32
    %sign3A_2352 = arith.cmpi sgt, %jit3A_2342, %sign3A_2351 : i32
    %sign3A_2353 = arith.extui %sign3A_2352 : i1 to i32
    %sign3A_2354 = arith.constant 0 : i32
    %sign3A_2355 = arith.cmpi slt, %jit3A_2342, %sign3A_2354 : i32
    %sign3A_2356 = arith.extui %sign3A_2355 : i1 to i32
    %sign3A_2357 = arith.subi %sign3A_2353, %sign3A_2356 : i32
    %ne3A_2358 = arith.cmpi ne, %sign3A_2350, %sign3A_2357 : i32
    %rem3A_2359 = arith.remsi %add3A_2341, %jit3A_2342 : i32
    %ne3A_2360 = arith.constant 0 : i32
    %ne3A_2361 = arith.cmpi ne, %rem3A_2359, %ne3A_2360 : i32
    %and3A_2362 = arith.andi %ne3A_2358, %ne3A_2361 : i1
    %sub3A_2363 = arith.constant 1 : i32
    %sub3A_2364 = arith.subi %div3A_2343, %sub3A_2363 : i32
    %select_n3A_2365 = arith.select %and3A_2362, %sub3A_2364, %div3A_2343 : i32
    %mul3A_2366 = arith.constant 1024 : i32
    %mul3A_2367 = arith.muli %select_n3A_2365, %mul3A_2366 : i32
    %jit3A_2368 = arith.constant 4 : i32
    %eq3A_2369 = arith.constant 0 : i32
    %eq3A_2370 = arith.cmpi eq, %jit3A_2368, %eq3A_2369 : i32
    %jit3A_2371 = arith.constant 1 : i32
    %select_n3A_2372 = arith.select %eq3A_2370, %jit3A_2371, %jit3A_2368 : i32
    %rem3A_2373 = arith.remsi %add3A_2341, %select_n3A_2372 : i32
    %ne3A_2374 = arith.constant 0 : i32
    %ne3A_2375 = arith.cmpi ne, %rem3A_2373, %ne3A_2374 : i32
    %lt3A_2376 = arith.constant 0 : i32
    %lt3A_2377 = arith.cmpi slt, %rem3A_2373, %lt3A_2376 : i32
    %lt3A_2378 = arith.constant 0 : i32
    %lt3A_2379 = arith.cmpi slt, %select_n3A_2372, %lt3A_2378 : i32
    %ne3A_2380 = arith.xori %lt3A_2377, %lt3A_2379 : i1
    %and3A_2381 = arith.andi %ne3A_2380, %ne3A_2375 : i1
    %add3A_2382 = arith.addi %rem3A_2373, %select_n3A_2372 : i32
    %select_n3A_2383 = arith.select %and3A_2381, %add3A_2382, %rem3A_2373 : i32
    %dma_wait3A_2384 = arith.constant 0 : i32
    %dma_wait3A_2385 = tpu.memref_slice %arg4[%mul3A_2367, %select_n3A_2383, %dma_wait3A_2384] : memref<204800x4x32xf32, #tpu.memory_space<hbm>> -> memref<1024x1x32xf32, #tpu.memory_space<hbm>>
    %dma_wait3A_2386 = tpu.memref_squeeze %dma_wait3A_2385 : memref<1024x1x32xf32, #tpu.memory_space<hbm>> -> memref<1024x32xf32, #tpu.memory_space<hbm>>
    %dma_wait3A_2387 = arith.constant 0 : i32
    %dma_wait3A_2388 = tpu.memref_slice %arg4[%mul3A_2367, %select_n3A_2383, %dma_wait3A_2387] : memref<204800x4x32xf32, #tpu.memory_space<hbm>> -> memref<1024x1x32xf32, #tpu.memory_space<hbm>>
    %dma_wait3A_2389 = tpu.memref_squeeze %dma_wait3A_2388 : memref<1024x1x32xf32, #tpu.memory_space<hbm>> -> memref<1024x32xf32, #tpu.memory_space<hbm>>
    tpu.wait_dma2 semaphore(%arg10 : memref<!tpu.dma_semaphore, #tpu.memory_space<semaphore_mem>>) src(%arg6 : memref<1024x32xf32, #tpu.memory_space<vmem>>) dst(%dma_wait3A_2389 : memref<1024x32xf32, #tpu.memory_space<hbm>>)
    %dma_start3A_2390 = arith.constant 22528 : i32
    %dma_start3A_2391 = tpu.memref_slice %arg5[%dma_start3A_2390] : memref<25600xi32, #tpu.memory_space<vmem>> -> memref<1024xi32, #tpu.memory_space<vmem>>
    %dma_start3A_2392 = arith.constant 0 : i32
    %dma_start3A_2393 = arith.constant 0 : i32
    %dma_start3A_2394 = tpu.memref_slice %arg3[%dma_start3A_2392, %dma_start3A_2393] : memref<1007616x32xf32, #tpu.memory_space<hbm>> -> memref<1007616x32xf32, #tpu.memory_space<hbm>>
    tpu.enqueue_indirect_dma source(%dma_start3A_2394 : memref<1007616x32xf32, #tpu.memory_space<hbm>>) target(%arg6 : memref<1024x32xf32, #tpu.memory_space<vmem>>) offsets(%dma_start3A_2391 : memref<1024xi32, #tpu.memory_space<vmem>>) semaphore(%arg8 : memref<!tpu.dma_semaphore, #tpu.memory_space<semaphore_mem>>)
    %dma_wait3A_2395 = arith.constant 21504 : i32
    %dma_wait3A_2396 = tpu.memref_slice %arg5[%dma_wait3A_2395] : memref<25600xi32, #tpu.memory_space<vmem>> -> memref<1024xi32, #tpu.memory_space<vmem>>
    %dma_wait3A_2397 = arith.constant 0 : i32
    %dma_wait3A_2398 = arith.constant 0 : i32
    %dma_wait3A_2399 = tpu.memref_slice %arg3[%dma_wait3A_2397, %dma_wait3A_2398] : memref<1007616x32xf32, #tpu.memory_space<hbm>> -> memref<1007616x32xf32, #tpu.memory_space<hbm>>
    tpu.wait_indirect_dma semaphore(%arg9 : memref<!tpu.dma_semaphore, #tpu.memory_space<semaphore_mem>>) src(%dma_wait3A_2399 : memref<1007616x32xf32, #tpu.memory_space<hbm>>) dst(%arg7 : memref<1024x32xf32, #tpu.memory_space<vmem>>)
    %mul3A_2400 = arith.constant 25 : i32
    %mul3A_2401 = arith.muli %add3A, %mul3A_2400 : i32
    %add3A_2402 = arith.constant 21 : i32
    %add3A_2403 = arith.addi %mul3A_2401, %add3A_2402 : i32
    %jit3A_2404 = arith.constant 4 : i32
    %div3A_2405 = arith.divsi %add3A_2403, %jit3A_2404 : i32
    %sign3A_2406 = arith.constant 0 : i32
    %sign3A_2407 = arith.cmpi sgt, %add3A_2403, %sign3A_2406 : i32
    %sign3A_2408 = arith.extui %sign3A_2407 : i1 to i32
    %sign3A_2409 = arith.constant 0 : i32
    %sign3A_2410 = arith.cmpi slt, %add3A_2403, %sign3A_2409 : i32
    %sign3A_2411 = arith.extui %sign3A_2410 : i1 to i32
    %sign3A_2412 = arith.subi %sign3A_2408, %sign3A_2411 : i32
    %sign3A_2413 = arith.constant 0 : i32
    %sign3A_2414 = arith.cmpi sgt, %jit3A_2404, %sign3A_2413 : i32
    %sign3A_2415 = arith.extui %sign3A_2414 : i1 to i32
    %sign3A_2416 = arith.constant 0 : i32
    %sign3A_2417 = arith.cmpi slt, %jit3A_2404, %sign3A_2416 : i32
    %sign3A_2418 = arith.extui %sign3A_2417 : i1 to i32
    %sign3A_2419 = arith.subi %sign3A_2415, %sign3A_2418 : i32
    %ne3A_2420 = arith.cmpi ne, %sign3A_2412, %sign3A_2419 : i32
    %rem3A_2421 = arith.remsi %add3A_2403, %jit3A_2404 : i32
    %ne3A_2422 = arith.constant 0 : i32
    %ne3A_2423 = arith.cmpi ne, %rem3A_2421, %ne3A_2422 : i32
    %and3A_2424 = arith.andi %ne3A_2420, %ne3A_2423 : i1
    %sub3A_2425 = arith.constant 1 : i32
    %sub3A_2426 = arith.subi %div3A_2405, %sub3A_2425 : i32
    %select_n3A_2427 = arith.select %and3A_2424, %sub3A_2426, %div3A_2405 : i32
    %mul3A_2428 = arith.constant 1024 : i32
    %mul3A_2429 = arith.muli %select_n3A_2427, %mul3A_2428 : i32
    %jit3A_2430 = arith.constant 4 : i32
    %eq3A_2431 = arith.constant 0 : i32
    %eq3A_2432 = arith.cmpi eq, %jit3A_2430, %eq3A_2431 : i32
    %jit3A_2433 = arith.constant 1 : i32
    %select_n3A_2434 = arith.select %eq3A_2432, %jit3A_2433, %jit3A_2430 : i32
    %rem3A_2435 = arith.remsi %add3A_2403, %select_n3A_2434 : i32
    %ne3A_2436 = arith.constant 0 : i32
    %ne3A_2437 = arith.cmpi ne, %rem3A_2435, %ne3A_2436 : i32
    %lt3A_2438 = arith.constant 0 : i32
    %lt3A_2439 = arith.cmpi slt, %rem3A_2435, %lt3A_2438 : i32
    %lt3A_2440 = arith.constant 0 : i32
    %lt3A_2441 = arith.cmpi slt, %select_n3A_2434, %lt3A_2440 : i32
    %ne3A_2442 = arith.xori %lt3A_2439, %lt3A_2441 : i1
    %and3A_2443 = arith.andi %ne3A_2442, %ne3A_2437 : i1
    %add3A_2444 = arith.addi %rem3A_2435, %select_n3A_2434 : i32
    %select_n3A_2445 = arith.select %and3A_2443, %add3A_2444, %rem3A_2435 : i32
    %dma_start3A_2446 = arith.constant 0 : i32
    %dma_start3A_2447 = tpu.memref_slice %arg4[%mul3A_2429, %select_n3A_2445, %dma_start3A_2446] : memref<204800x4x32xf32, #tpu.memory_space<hbm>> -> memref<1024x1x32xf32, #tpu.memory_space<hbm>>
    %dma_start3A_2448 = tpu.memref_squeeze %dma_start3A_2447 : memref<1024x1x32xf32, #tpu.memory_space<hbm>> -> memref<1024x32xf32, #tpu.memory_space<hbm>>
    %dma_start3A_2449 = arith.constant 0 : i32
    %dma_start3A_2450 = tpu.memref_slice %arg4[%mul3A_2429, %select_n3A_2445, %dma_start3A_2449] : memref<204800x4x32xf32, #tpu.memory_space<hbm>> -> memref<1024x1x32xf32, #tpu.memory_space<hbm>>
    %dma_start3A_2451 = tpu.memref_squeeze %dma_start3A_2450 : memref<1024x1x32xf32, #tpu.memory_space<hbm>> -> memref<1024x32xf32, #tpu.memory_space<hbm>>
    tpu.enqueue_dma source(%arg7 : memref<1024x32xf32, #tpu.memory_space<vmem>>) target(%dma_start3A_2451 : memref<1024x32xf32, #tpu.memory_space<hbm>>) target_semaphore(%arg11 : memref<!tpu.dma_semaphore, #tpu.memory_space<semaphore_mem>>)
    %mul3A_2452 = arith.constant 25 : i32
    %mul3A_2453 = arith.muli %add3A, %mul3A_2452 : i32
    %add3A_2454 = arith.constant 21 : i32
    %add3A_2455 = arith.addi %mul3A_2453, %add3A_2454 : i32
    %jit3A_2456 = arith.constant 4 : i32
    %div3A_2457 = arith.divsi %add3A_2455, %jit3A_2456 : i32
    %sign3A_2458 = arith.constant 0 : i32
    %sign3A_2459 = arith.cmpi sgt, %add3A_2455, %sign3A_2458 : i32
    %sign3A_2460 = arith.extui %sign3A_2459 : i1 to i32
    %sign3A_2461 = arith.constant 0 : i32
    %sign3A_2462 = arith.cmpi slt, %add3A_2455, %sign3A_2461 : i32
    %sign3A_2463 = arith.extui %sign3A_2462 : i1 to i32
    %sign3A_2464 = arith.subi %sign3A_2460, %sign3A_2463 : i32
    %sign3A_2465 = arith.constant 0 : i32
    %sign3A_2466 = arith.cmpi sgt, %jit3A_2456, %sign3A_2465 : i32
    %sign3A_2467 = arith.extui %sign3A_2466 : i1 to i32
    %sign3A_2468 = arith.constant 0 : i32
    %sign3A_2469 = arith.cmpi slt, %jit3A_2456, %sign3A_2468 : i32
    %sign3A_2470 = arith.extui %sign3A_2469 : i1 to i32
    %sign3A_2471 = arith.subi %sign3A_2467, %sign3A_2470 : i32
    %ne3A_2472 = arith.cmpi ne, %sign3A_2464, %sign3A_2471 : i32
    %rem3A_2473 = arith.remsi %add3A_2455, %jit3A_2456 : i32
    %ne3A_2474 = arith.constant 0 : i32
    %ne3A_2475 = arith.cmpi ne, %rem3A_2473, %ne3A_2474 : i32
    %and3A_2476 = arith.andi %ne3A_2472, %ne3A_2475 : i1
    %sub3A_2477 = arith.constant 1 : i32
    %sub3A_2478 = arith.subi %div3A_2457, %sub3A_2477 : i32
    %select_n3A_2479 = arith.select %and3A_2476, %sub3A_2478, %div3A_2457 : i32
    %mul3A_2480 = arith.constant 1024 : i32
    %mul3A_2481 = arith.muli %select_n3A_2479, %mul3A_2480 : i32
    %jit3A_2482 = arith.constant 4 : i32
    %eq3A_2483 = arith.constant 0 : i32
    %eq3A_2484 = arith.cmpi eq, %jit3A_2482, %eq3A_2483 : i32
    %jit3A_2485 = arith.constant 1 : i32
    %select_n3A_2486 = arith.select %eq3A_2484, %jit3A_2485, %jit3A_2482 : i32
    %rem3A_2487 = arith.remsi %add3A_2455, %select_n3A_2486 : i32
    %ne3A_2488 = arith.constant 0 : i32
    %ne3A_2489 = arith.cmpi ne, %rem3A_2487, %ne3A_2488 : i32
    %lt3A_2490 = arith.constant 0 : i32
    %lt3A_2491 = arith.cmpi slt, %rem3A_2487, %lt3A_2490 : i32
    %lt3A_2492 = arith.constant 0 : i32
    %lt3A_2493 = arith.cmpi slt, %select_n3A_2486, %lt3A_2492 : i32
    %ne3A_2494 = arith.xori %lt3A_2491, %lt3A_2493 : i1
    %and3A_2495 = arith.andi %ne3A_2494, %ne3A_2489 : i1
    %add3A_2496 = arith.addi %rem3A_2487, %select_n3A_2486 : i32
    %select_n3A_2497 = arith.select %and3A_2495, %add3A_2496, %rem3A_2487 : i32
    %dma_wait3A_2498 = arith.constant 0 : i32
    %dma_wait3A_2499 = tpu.memref_slice %arg4[%mul3A_2481, %select_n3A_2497, %dma_wait3A_2498] : memref<204800x4x32xf32, #tpu.memory_space<hbm>> -> memref<1024x1x32xf32, #tpu.memory_space<hbm>>
    %dma_wait3A_2500 = tpu.memref_squeeze %dma_wait3A_2499 : memref<1024x1x32xf32, #tpu.memory_space<hbm>> -> memref<1024x32xf32, #tpu.memory_space<hbm>>
    %dma_wait3A_2501 = arith.constant 0 : i32
    %dma_wait3A_2502 = tpu.memref_slice %arg4[%mul3A_2481, %select_n3A_2497, %dma_wait3A_2501] : memref<204800x4x32xf32, #tpu.memory_space<hbm>> -> memref<1024x1x32xf32, #tpu.memory_space<hbm>>
    %dma_wait3A_2503 = tpu.memref_squeeze %dma_wait3A_2502 : memref<1024x1x32xf32, #tpu.memory_space<hbm>> -> memref<1024x32xf32, #tpu.memory_space<hbm>>
    tpu.wait_dma2 semaphore(%arg11 : memref<!tpu.dma_semaphore, #tpu.memory_space<semaphore_mem>>) src(%arg7 : memref<1024x32xf32, #tpu.memory_space<vmem>>) dst(%dma_wait3A_2503 : memref<1024x32xf32, #tpu.memory_space<hbm>>)
    %dma_start3A_2504 = arith.constant 23552 : i32
    %dma_start3A_2505 = tpu.memref_slice %arg5[%dma_start3A_2504] : memref<25600xi32, #tpu.memory_space<vmem>> -> memref<1024xi32, #tpu.memory_space<vmem>>
    %dma_start3A_2506 = arith.constant 0 : i32
    %dma_start3A_2507 = arith.constant 0 : i32
    %dma_start3A_2508 = tpu.memref_slice %arg3[%dma_start3A_2506, %dma_start3A_2507] : memref<1007616x32xf32, #tpu.memory_space<hbm>> -> memref<1007616x32xf32, #tpu.memory_space<hbm>>
    tpu.enqueue_indirect_dma source(%dma_start3A_2508 : memref<1007616x32xf32, #tpu.memory_space<hbm>>) target(%arg7 : memref<1024x32xf32, #tpu.memory_space<vmem>>) offsets(%dma_start3A_2505 : memref<1024xi32, #tpu.memory_space<vmem>>) semaphore(%arg9 : memref<!tpu.dma_semaphore, #tpu.memory_space<semaphore_mem>>)
    %dma_wait3A_2509 = arith.constant 22528 : i32
    %dma_wait3A_2510 = tpu.memref_slice %arg5[%dma_wait3A_2509] : memref<25600xi32, #tpu.memory_space<vmem>> -> memref<1024xi32, #tpu.memory_space<vmem>>
    %dma_wait3A_2511 = arith.constant 0 : i32
    %dma_wait3A_2512 = arith.constant 0 : i32
    %dma_wait3A_2513 = tpu.memref_slice %arg3[%dma_wait3A_2511, %dma_wait3A_2512] : memref<1007616x32xf32, #tpu.memory_space<hbm>> -> memref<1007616x32xf32, #tpu.memory_space<hbm>>
    tpu.wait_indirect_dma semaphore(%arg8 : memref<!tpu.dma_semaphore, #tpu.memory_space<semaphore_mem>>) src(%dma_wait3A_2513 : memref<1007616x32xf32, #tpu.memory_space<hbm>>) dst(%arg6 : memref<1024x32xf32, #tpu.memory_space<vmem>>)
    %mul3A_2514 = arith.constant 25 : i32
    %mul3A_2515 = arith.muli %add3A, %mul3A_2514 : i32
    %add3A_2516 = arith.constant 22 : i32
    %add3A_2517 = arith.addi %mul3A_2515, %add3A_2516 : i32
    %jit3A_2518 = arith.constant 4 : i32
    %div3A_2519 = arith.divsi %add3A_2517, %jit3A_2518 : i32
    %sign3A_2520 = arith.constant 0 : i32
    %sign3A_2521 = arith.cmpi sgt, %add3A_2517, %sign3A_2520 : i32
    %sign3A_2522 = arith.extui %sign3A_2521 : i1 to i32
    %sign3A_2523 = arith.constant 0 : i32
    %sign3A_2524 = arith.cmpi slt, %add3A_2517, %sign3A_2523 : i32
    %sign3A_2525 = arith.extui %sign3A_2524 : i1 to i32
    %sign3A_2526 = arith.subi %sign3A_2522, %sign3A_2525 : i32
    %sign3A_2527 = arith.constant 0 : i32
    %sign3A_2528 = arith.cmpi sgt, %jit3A_2518, %sign3A_2527 : i32
    %sign3A_2529 = arith.extui %sign3A_2528 : i1 to i32
    %sign3A_2530 = arith.constant 0 : i32
    %sign3A_2531 = arith.cmpi slt, %jit3A_2518, %sign3A_2530 : i32
    %sign3A_2532 = arith.extui %sign3A_2531 : i1 to i32
    %sign3A_2533 = arith.subi %sign3A_2529, %sign3A_2532 : i32
    %ne3A_2534 = arith.cmpi ne, %sign3A_2526, %sign3A_2533 : i32
    %rem3A_2535 = arith.remsi %add3A_2517, %jit3A_2518 : i32
    %ne3A_2536 = arith.constant 0 : i32
    %ne3A_2537 = arith.cmpi ne, %rem3A_2535, %ne3A_2536 : i32
    %and3A_2538 = arith.andi %ne3A_2534, %ne3A_2537 : i1
    %sub3A_2539 = arith.constant 1 : i32
    %sub3A_2540 = arith.subi %div3A_2519, %sub3A_2539 : i32
    %select_n3A_2541 = arith.select %and3A_2538, %sub3A_2540, %div3A_2519 : i32
    %mul3A_2542 = arith.constant 1024 : i32
    %mul3A_2543 = arith.muli %select_n3A_2541, %mul3A_2542 : i32
    %jit3A_2544 = arith.constant 4 : i32
    %eq3A_2545 = arith.constant 0 : i32
    %eq3A_2546 = arith.cmpi eq, %jit3A_2544, %eq3A_2545 : i32
    %jit3A_2547 = arith.constant 1 : i32
    %select_n3A_2548 = arith.select %eq3A_2546, %jit3A_2547, %jit3A_2544 : i32
    %rem3A_2549 = arith.remsi %add3A_2517, %select_n3A_2548 : i32
    %ne3A_2550 = arith.constant 0 : i32
    %ne3A_2551 = arith.cmpi ne, %rem3A_2549, %ne3A_2550 : i32
    %lt3A_2552 = arith.constant 0 : i32
    %lt3A_2553 = arith.cmpi slt, %rem3A_2549, %lt3A_2552 : i32
    %lt3A_2554 = arith.constant 0 : i32
    %lt3A_2555 = arith.cmpi slt, %select_n3A_2548, %lt3A_2554 : i32
    %ne3A_2556 = arith.xori %lt3A_2553, %lt3A_2555 : i1
    %and3A_2557 = arith.andi %ne3A_2556, %ne3A_2551 : i1
    %add3A_2558 = arith.addi %rem3A_2549, %select_n3A_2548 : i32
    %select_n3A_2559 = arith.select %and3A_2557, %add3A_2558, %rem3A_2549 : i32
    %dma_start3A_2560 = arith.constant 0 : i32
    %dma_start3A_2561 = tpu.memref_slice %arg4[%mul3A_2543, %select_n3A_2559, %dma_start3A_2560] : memref<204800x4x32xf32, #tpu.memory_space<hbm>> -> memref<1024x1x32xf32, #tpu.memory_space<hbm>>
    %dma_start3A_2562 = tpu.memref_squeeze %dma_start3A_2561 : memref<1024x1x32xf32, #tpu.memory_space<hbm>> -> memref<1024x32xf32, #tpu.memory_space<hbm>>
    %dma_start3A_2563 = arith.constant 0 : i32
    %dma_start3A_2564 = tpu.memref_slice %arg4[%mul3A_2543, %select_n3A_2559, %dma_start3A_2563] : memref<204800x4x32xf32, #tpu.memory_space<hbm>> -> memref<1024x1x32xf32, #tpu.memory_space<hbm>>
    %dma_start3A_2565 = tpu.memref_squeeze %dma_start3A_2564 : memref<1024x1x32xf32, #tpu.memory_space<hbm>> -> memref<1024x32xf32, #tpu.memory_space<hbm>>
    tpu.enqueue_dma source(%arg6 : memref<1024x32xf32, #tpu.memory_space<vmem>>) target(%dma_start3A_2565 : memref<1024x32xf32, #tpu.memory_space<hbm>>) target_semaphore(%arg10 : memref<!tpu.dma_semaphore, #tpu.memory_space<semaphore_mem>>)
    %mul3A_2566 = arith.constant 25 : i32
    %mul3A_2567 = arith.muli %add3A, %mul3A_2566 : i32
    %add3A_2568 = arith.constant 22 : i32
    %add3A_2569 = arith.addi %mul3A_2567, %add3A_2568 : i32
    %jit3A_2570 = arith.constant 4 : i32
    %div3A_2571 = arith.divsi %add3A_2569, %jit3A_2570 : i32
    %sign3A_2572 = arith.constant 0 : i32
    %sign3A_2573 = arith.cmpi sgt, %add3A_2569, %sign3A_2572 : i32
    %sign3A_2574 = arith.extui %sign3A_2573 : i1 to i32
    %sign3A_2575 = arith.constant 0 : i32
    %sign3A_2576 = arith.cmpi slt, %add3A_2569, %sign3A_2575 : i32
    %sign3A_2577 = arith.extui %sign3A_2576 : i1 to i32
    %sign3A_2578 = arith.subi %sign3A_2574, %sign3A_2577 : i32
    %sign3A_2579 = arith.constant 0 : i32
    %sign3A_2580 = arith.cmpi sgt, %jit3A_2570, %sign3A_2579 : i32
    %sign3A_2581 = arith.extui %sign3A_2580 : i1 to i32
    %sign3A_2582 = arith.constant 0 : i32
    %sign3A_2583 = arith.cmpi slt, %jit3A_2570, %sign3A_2582 : i32
    %sign3A_2584 = arith.extui %sign3A_2583 : i1 to i32
    %sign3A_2585 = arith.subi %sign3A_2581, %sign3A_2584 : i32
    %ne3A_2586 = arith.cmpi ne, %sign3A_2578, %sign3A_2585 : i32
    %rem3A_2587 = arith.remsi %add3A_2569, %jit3A_2570 : i32
    %ne3A_2588 = arith.constant 0 : i32
    %ne3A_2589 = arith.cmpi ne, %rem3A_2587, %ne3A_2588 : i32
    %and3A_2590 = arith.andi %ne3A_2586, %ne3A_2589 : i1
    %sub3A_2591 = arith.constant 1 : i32
    %sub3A_2592 = arith.subi %div3A_2571, %sub3A_2591 : i32
    %select_n3A_2593 = arith.select %and3A_2590, %sub3A_2592, %div3A_2571 : i32
    %mul3A_2594 = arith.constant 1024 : i32
    %mul3A_2595 = arith.muli %select_n3A_2593, %mul3A_2594 : i32
    %jit3A_2596 = arith.constant 4 : i32
    %eq3A_2597 = arith.constant 0 : i32
    %eq3A_2598 = arith.cmpi eq, %jit3A_2596, %eq3A_2597 : i32
    %jit3A_2599 = arith.constant 1 : i32
    %select_n3A_2600 = arith.select %eq3A_2598, %jit3A_2599, %jit3A_2596 : i32
    %rem3A_2601 = arith.remsi %add3A_2569, %select_n3A_2600 : i32
    %ne3A_2602 = arith.constant 0 : i32
    %ne3A_2603 = arith.cmpi ne, %rem3A_2601, %ne3A_2602 : i32
    %lt3A_2604 = arith.constant 0 : i32
    %lt3A_2605 = arith.cmpi slt, %rem3A_2601, %lt3A_2604 : i32
    %lt3A_2606 = arith.constant 0 : i32
    %lt3A_2607 = arith.cmpi slt, %select_n3A_2600, %lt3A_2606 : i32
    %ne3A_2608 = arith.xori %lt3A_2605, %lt3A_2607 : i1
    %and3A_2609 = arith.andi %ne3A_2608, %ne3A_2603 : i1
    %add3A_2610 = arith.addi %rem3A_2601, %select_n3A_2600 : i32
    %select_n3A_2611 = arith.select %and3A_2609, %add3A_2610, %rem3A_2601 : i32
    %dma_wait3A_2612 = arith.constant 0 : i32
    %dma_wait3A_2613 = tpu.memref_slice %arg4[%mul3A_2595, %select_n3A_2611, %dma_wait3A_2612] : memref<204800x4x32xf32, #tpu.memory_space<hbm>> -> memref<1024x1x32xf32, #tpu.memory_space<hbm>>
    %dma_wait3A_2614 = tpu.memref_squeeze %dma_wait3A_2613 : memref<1024x1x32xf32, #tpu.memory_space<hbm>> -> memref<1024x32xf32, #tpu.memory_space<hbm>>
    %dma_wait3A_2615 = arith.constant 0 : i32
    %dma_wait3A_2616 = tpu.memref_slice %arg4[%mul3A_2595, %select_n3A_2611, %dma_wait3A_2615] : memref<204800x4x32xf32, #tpu.memory_space<hbm>> -> memref<1024x1x32xf32, #tpu.memory_space<hbm>>
    %dma_wait3A_2617 = tpu.memref_squeeze %dma_wait3A_2616 : memref<1024x1x32xf32, #tpu.memory_space<hbm>> -> memref<1024x32xf32, #tpu.memory_space<hbm>>
    tpu.wait_dma2 semaphore(%arg10 : memref<!tpu.dma_semaphore, #tpu.memory_space<semaphore_mem>>) src(%arg6 : memref<1024x32xf32, #tpu.memory_space<vmem>>) dst(%dma_wait3A_2617 : memref<1024x32xf32, #tpu.memory_space<hbm>>)
    %dma_start3A_2618 = arith.constant 24576 : i32
    %dma_start3A_2619 = tpu.memref_slice %arg5[%dma_start3A_2618] : memref<25600xi32, #tpu.memory_space<vmem>> -> memref<1024xi32, #tpu.memory_space<vmem>>
    %dma_start3A_2620 = arith.constant 0 : i32
    %dma_start3A_2621 = arith.constant 0 : i32
    %dma_start3A_2622 = tpu.memref_slice %arg3[%dma_start3A_2620, %dma_start3A_2621] : memref<1007616x32xf32, #tpu.memory_space<hbm>> -> memref<1007616x32xf32, #tpu.memory_space<hbm>>
    tpu.enqueue_indirect_dma source(%dma_start3A_2622 : memref<1007616x32xf32, #tpu.memory_space<hbm>>) target(%arg6 : memref<1024x32xf32, #tpu.memory_space<vmem>>) offsets(%dma_start3A_2619 : memref<1024xi32, #tpu.memory_space<vmem>>) semaphore(%arg8 : memref<!tpu.dma_semaphore, #tpu.memory_space<semaphore_mem>>)
    %dma_wait3A_2623 = arith.constant 23552 : i32
    %dma_wait3A_2624 = tpu.memref_slice %arg5[%dma_wait3A_2623] : memref<25600xi32, #tpu.memory_space<vmem>> -> memref<1024xi32, #tpu.memory_space<vmem>>
    %dma_wait3A_2625 = arith.constant 0 : i32
    %dma_wait3A_2626 = arith.constant 0 : i32
    %dma_wait3A_2627 = tpu.memref_slice %arg3[%dma_wait3A_2625, %dma_wait3A_2626] : memref<1007616x32xf32, #tpu.memory_space<hbm>> -> memref<1007616x32xf32, #tpu.memory_space<hbm>>
    tpu.wait_indirect_dma semaphore(%arg9 : memref<!tpu.dma_semaphore, #tpu.memory_space<semaphore_mem>>) src(%dma_wait3A_2627 : memref<1007616x32xf32, #tpu.memory_space<hbm>>) dst(%arg7 : memref<1024x32xf32, #tpu.memory_space<vmem>>)
    %mul3A_2628 = arith.constant 25 : i32
    %mul3A_2629 = arith.muli %add3A, %mul3A_2628 : i32
    %add3A_2630 = arith.constant 23 : i32
    %add3A_2631 = arith.addi %mul3A_2629, %add3A_2630 : i32
    %jit3A_2632 = arith.constant 4 : i32
    %div3A_2633 = arith.divsi %add3A_2631, %jit3A_2632 : i32
    %sign3A_2634 = arith.constant 0 : i32
    %sign3A_2635 = arith.cmpi sgt, %add3A_2631, %sign3A_2634 : i32
    %sign3A_2636 = arith.extui %sign3A_2635 : i1 to i32
    %sign3A_2637 = arith.constant 0 : i32
    %sign3A_2638 = arith.cmpi slt, %add3A_2631, %sign3A_2637 : i32
    %sign3A_2639 = arith.extui %sign3A_2638 : i1 to i32
    %sign3A_2640 = arith.subi %sign3A_2636, %sign3A_2639 : i32
    %sign3A_2641 = arith.constant 0 : i32
    %sign3A_2642 = arith.cmpi sgt, %jit3A_2632, %sign3A_2641 : i32
    %sign3A_2643 = arith.extui %sign3A_2642 : i1 to i32
    %sign3A_2644 = arith.constant 0 : i32
    %sign3A_2645 = arith.cmpi slt, %jit3A_2632, %sign3A_2644 : i32
    %sign3A_2646 = arith.extui %sign3A_2645 : i1 to i32
    %sign3A_2647 = arith.subi %sign3A_2643, %sign3A_2646 : i32
    %ne3A_2648 = arith.cmpi ne, %sign3A_2640, %sign3A_2647 : i32
    %rem3A_2649 = arith.remsi %add3A_2631, %jit3A_2632 : i32
    %ne3A_2650 = arith.constant 0 : i32
    %ne3A_2651 = arith.cmpi ne, %rem3A_2649, %ne3A_2650 : i32
    %and3A_2652 = arith.andi %ne3A_2648, %ne3A_2651 : i1
    %sub3A_2653 = arith.constant 1 : i32
    %sub3A_2654 = arith.subi %div3A_2633, %sub3A_2653 : i32
    %select_n3A_2655 = arith.select %and3A_2652, %sub3A_2654, %div3A_2633 : i32
    %mul3A_2656 = arith.constant 1024 : i32
    %mul3A_2657 = arith.muli %select_n3A_2655, %mul3A_2656 : i32
    %jit3A_2658 = arith.constant 4 : i32
    %eq3A_2659 = arith.constant 0 : i32
    %eq3A_2660 = arith.cmpi eq, %jit3A_2658, %eq3A_2659 : i32
    %jit3A_2661 = arith.constant 1 : i32
    %select_n3A_2662 = arith.select %eq3A_2660, %jit3A_2661, %jit3A_2658 : i32
    %rem3A_2663 = arith.remsi %add3A_2631, %select_n3A_2662 : i32
    %ne3A_2664 = arith.constant 0 : i32
    %ne3A_2665 = arith.cmpi ne, %rem3A_2663, %ne3A_2664 : i32
    %lt3A_2666 = arith.constant 0 : i32
    %lt3A_2667 = arith.cmpi slt, %rem3A_2663, %lt3A_2666 : i32
    %lt3A_2668 = arith.constant 0 : i32
    %lt3A_2669 = arith.cmpi slt, %select_n3A_2662, %lt3A_2668 : i32
    %ne3A_2670 = arith.xori %lt3A_2667, %lt3A_2669 : i1
    %and3A_2671 = arith.andi %ne3A_2670, %ne3A_2665 : i1
    %add3A_2672 = arith.addi %rem3A_2663, %select_n3A_2662 : i32
    %select_n3A_2673 = arith.select %and3A_2671, %add3A_2672, %rem3A_2663 : i32
    %dma_start3A_2674 = arith.constant 0 : i32
    %dma_start3A_2675 = tpu.memref_slice %arg4[%mul3A_2657, %select_n3A_2673, %dma_start3A_2674] : memref<204800x4x32xf32, #tpu.memory_space<hbm>> -> memref<1024x1x32xf32, #tpu.memory_space<hbm>>
    %dma_start3A_2676 = tpu.memref_squeeze %dma_start3A_2675 : memref<1024x1x32xf32, #tpu.memory_space<hbm>> -> memref<1024x32xf32, #tpu.memory_space<hbm>>
    %dma_start3A_2677 = arith.constant 0 : i32
    %dma_start3A_2678 = tpu.memref_slice %arg4[%mul3A_2657, %select_n3A_2673, %dma_start3A_2677] : memref<204800x4x32xf32, #tpu.memory_space<hbm>> -> memref<1024x1x32xf32, #tpu.memory_space<hbm>>
    %dma_start3A_2679 = tpu.memref_squeeze %dma_start3A_2678 : memref<1024x1x32xf32, #tpu.memory_space<hbm>> -> memref<1024x32xf32, #tpu.memory_space<hbm>>
    tpu.enqueue_dma source(%arg7 : memref<1024x32xf32, #tpu.memory_space<vmem>>) target(%dma_start3A_2679 : memref<1024x32xf32, #tpu.memory_space<hbm>>) target_semaphore(%arg11 : memref<!tpu.dma_semaphore, #tpu.memory_space<semaphore_mem>>)
    %dma_wait3A_2680 = arith.constant 24576 : i32
    %dma_wait3A_2681 = tpu.memref_slice %arg5[%dma_wait3A_2680] : memref<25600xi32, #tpu.memory_space<vmem>> -> memref<1024xi32, #tpu.memory_space<vmem>>
    %dma_wait3A_2682 = arith.constant 0 : i32
    %dma_wait3A_2683 = arith.constant 0 : i32
    %dma_wait3A_2684 = tpu.memref_slice %arg3[%dma_wait3A_2682, %dma_wait3A_2683] : memref<1007616x32xf32, #tpu.memory_space<hbm>> -> memref<1007616x32xf32, #tpu.memory_space<hbm>>
    tpu.wait_indirect_dma semaphore(%arg8 : memref<!tpu.dma_semaphore, #tpu.memory_space<semaphore_mem>>) src(%dma_wait3A_2684 : memref<1007616x32xf32, #tpu.memory_space<hbm>>) dst(%arg6 : memref<1024x32xf32, #tpu.memory_space<vmem>>)
    %mul3A_2685 = arith.constant 25 : i32
    %mul3A_2686 = arith.muli %add3A, %mul3A_2685 : i32
    %add3A_2687 = arith.constant 24 : i32
    %add3A_2688 = arith.addi %mul3A_2686, %add3A_2687 : i32
    %jit3A_2689 = arith.constant 4 : i32
    %div3A_2690 = arith.divsi %add3A_2688, %jit3A_2689 : i32
    %sign3A_2691 = arith.constant 0 : i32
    %sign3A_2692 = arith.cmpi sgt, %add3A_2688, %sign3A_2691 : i32
    %sign3A_2693 = arith.extui %sign3A_2692 : i1 to i32
    %sign3A_2694 = arith.constant 0 : i32
    %sign3A_2695 = arith.cmpi slt, %add3A_2688, %sign3A_2694 : i32
    %sign3A_2696 = arith.extui %sign3A_2695 : i1 to i32
    %sign3A_2697 = arith.subi %sign3A_2693, %sign3A_2696 : i32
    %sign3A_2698 = arith.constant 0 : i32
    %sign3A_2699 = arith.cmpi sgt, %jit3A_2689, %sign3A_2698 : i32
    %sign3A_2700 = arith.extui %sign3A_2699 : i1 to i32
    %sign3A_2701 = arith.constant 0 : i32
    %sign3A_2702 = arith.cmpi slt, %jit3A_2689, %sign3A_2701 : i32
    %sign3A_2703 = arith.extui %sign3A_2702 : i1 to i32
    %sign3A_2704 = arith.subi %sign3A_2700, %sign3A_2703 : i32
    %ne3A_2705 = arith.cmpi ne, %sign3A_2697, %sign3A_2704 : i32
    %rem3A_2706 = arith.remsi %add3A_2688, %jit3A_2689 : i32
    %ne3A_2707 = arith.constant 0 : i32
    %ne3A_2708 = arith.cmpi ne, %rem3A_2706, %ne3A_2707 : i32
    %and3A_2709 = arith.andi %ne3A_2705, %ne3A_2708 : i1
    %sub3A_2710 = arith.constant 1 : i32
    %sub3A_2711 = arith.subi %div3A_2690, %sub3A_2710 : i32
    %select_n3A_2712 = arith.select %and3A_2709, %sub3A_2711, %div3A_2690 : i32
    %mul3A_2713 = arith.constant 1024 : i32
    %mul3A_2714 = arith.muli %select_n3A_2712, %mul3A_2713 : i32
    %jit3A_2715 = arith.constant 4 : i32
    %eq3A_2716 = arith.constant 0 : i32
    %eq3A_2717 = arith.cmpi eq, %jit3A_2715, %eq3A_2716 : i32
    %jit3A_2718 = arith.constant 1 : i32
    %select_n3A_2719 = arith.select %eq3A_2717, %jit3A_2718, %jit3A_2715 : i32
    %rem3A_2720 = arith.remsi %add3A_2688, %select_n3A_2719 : i32
    %ne3A_2721 = arith.constant 0 : i32
    %ne3A_2722 = arith.cmpi ne, %rem3A_2720, %ne3A_2721 : i32
    %lt3A_2723 = arith.constant 0 : i32
    %lt3A_2724 = arith.cmpi slt, %rem3A_2720, %lt3A_2723 : i32
    %lt3A_2725 = arith.constant 0 : i32
    %lt3A_2726 = arith.cmpi slt, %select_n3A_2719, %lt3A_2725 : i32
    %ne3A_2727 = arith.xori %lt3A_2724, %lt3A_2726 : i1
    %and3A_2728 = arith.andi %ne3A_2727, %ne3A_2722 : i1
    %add3A_2729 = arith.addi %rem3A_2720, %select_n3A_2719 : i32
    %select_n3A_2730 = arith.select %and3A_2728, %add3A_2729, %rem3A_2720 : i32
    %dma_start3A_2731 = arith.constant 0 : i32
    %dma_start3A_2732 = tpu.memref_slice %arg4[%mul3A_2714, %select_n3A_2730, %dma_start3A_2731] : memref<204800x4x32xf32, #tpu.memory_space<hbm>> -> memref<1024x1x32xf32, #tpu.memory_space<hbm>>
    %dma_start3A_2733 = tpu.memref_squeeze %dma_start3A_2732 : memref<1024x1x32xf32, #tpu.memory_space<hbm>> -> memref<1024x32xf32, #tpu.memory_space<hbm>>
    %dma_start3A_2734 = arith.constant 0 : i32
    %dma_start3A_2735 = tpu.memref_slice %arg4[%mul3A_2714, %select_n3A_2730, %dma_start3A_2734] : memref<204800x4x32xf32, #tpu.memory_space<hbm>> -> memref<1024x1x32xf32, #tpu.memory_space<hbm>>
    %dma_start3A_2736 = tpu.memref_squeeze %dma_start3A_2735 : memref<1024x1x32xf32, #tpu.memory_space<hbm>> -> memref<1024x32xf32, #tpu.memory_space<hbm>>
    tpu.enqueue_dma source(%arg6 : memref<1024x32xf32, #tpu.memory_space<vmem>>) target(%dma_start3A_2736 : memref<1024x32xf32, #tpu.memory_space<hbm>>) target_semaphore(%arg10 : memref<!tpu.dma_semaphore, #tpu.memory_space<semaphore_mem>>)
    %mul3A_2737 = arith.constant 25 : i32
    %mul3A_2738 = arith.muli %add3A, %mul3A_2737 : i32
    %add3A_2739 = arith.constant 23 : i32
    %add3A_2740 = arith.addi %mul3A_2738, %add3A_2739 : i32
    %jit3A_2741 = arith.constant 4 : i32
    %div3A_2742 = arith.divsi %add3A_2740, %jit3A_2741 : i32
    %sign3A_2743 = arith.constant 0 : i32
    %sign3A_2744 = arith.cmpi sgt, %add3A_2740, %sign3A_2743 : i32
    %sign3A_2745 = arith.extui %sign3A_2744 : i1 to i32
    %sign3A_2746 = arith.constant 0 : i32
    %sign3A_2747 = arith.cmpi slt, %add3A_2740, %sign3A_2746 : i32
    %sign3A_2748 = arith.extui %sign3A_2747 : i1 to i32
    %sign3A_2749 = arith.subi %sign3A_2745, %sign3A_2748 : i32
    %sign3A_2750 = arith.constant 0 : i32
    %sign3A_2751 = arith.cmpi sgt, %jit3A_2741, %sign3A_2750 : i32
    %sign3A_2752 = arith.extui %sign3A_2751 : i1 to i32
    %sign3A_2753 = arith.constant 0 : i32
    %sign3A_2754 = arith.cmpi slt, %jit3A_2741, %sign3A_2753 : i32
    %sign3A_2755 = arith.extui %sign3A_2754 : i1 to i32
    %sign3A_2756 = arith.subi %sign3A_2752, %sign3A_2755 : i32
    %ne3A_2757 = arith.cmpi ne, %sign3A_2749, %sign3A_2756 : i32
    %rem3A_2758 = arith.remsi %add3A_2740, %jit3A_2741 : i32
    %ne3A_2759 = arith.constant 0 : i32
    %ne3A_2760 = arith.cmpi ne, %rem3A_2758, %ne3A_2759 : i32
    %and3A_2761 = arith.andi %ne3A_2757, %ne3A_2760 : i1
    %sub3A_2762 = arith.constant 1 : i32
    %sub3A_2763 = arith.subi %div3A_2742, %sub3A_2762 : i32
    %select_n3A_2764 = arith.select %and3A_2761, %sub3A_2763, %div3A_2742 : i32
    %mul3A_2765 = arith.constant 1024 : i32
    %mul3A_2766 = arith.muli %select_n3A_2764, %mul3A_2765 : i32
    %jit3A_2767 = arith.constant 4 : i32
    %eq3A_2768 = arith.constant 0 : i32
    %eq3A_2769 = arith.cmpi eq, %jit3A_2767, %eq3A_2768 : i32
    %jit3A_2770 = arith.constant 1 : i32
    %select_n3A_2771 = arith.select %eq3A_2769, %jit3A_2770, %jit3A_2767 : i32
    %rem3A_2772 = arith.remsi %add3A_2740, %select_n3A_2771 : i32
    %ne3A_2773 = arith.constant 0 : i32
    %ne3A_2774 = arith.cmpi ne, %rem3A_2772, %ne3A_2773 : i32
    %lt3A_2775 = arith.constant 0 : i32
    %lt3A_2776 = arith.cmpi slt, %rem3A_2772, %lt3A_2775 : i32
    %lt3A_2777 = arith.constant 0 : i32
    %lt3A_2778 = arith.cmpi slt, %select_n3A_2771, %lt3A_2777 : i32
    %ne3A_2779 = arith.xori %lt3A_2776, %lt3A_2778 : i1
    %and3A_2780 = arith.andi %ne3A_2779, %ne3A_2774 : i1
    %add3A_2781 = arith.addi %rem3A_2772, %select_n3A_2771 : i32
    %select_n3A_2782 = arith.select %and3A_2780, %add3A_2781, %rem3A_2772 : i32
    %dma_wait3A_2783 = arith.constant 0 : i32
    %dma_wait3A_2784 = tpu.memref_slice %arg4[%mul3A_2766, %select_n3A_2782, %dma_wait3A_2783] : memref<204800x4x32xf32, #tpu.memory_space<hbm>> -> memref<1024x1x32xf32, #tpu.memory_space<hbm>>
    %dma_wait3A_2785 = tpu.memref_squeeze %dma_wait3A_2784 : memref<1024x1x32xf32, #tpu.memory_space<hbm>> -> memref<1024x32xf32, #tpu.memory_space<hbm>>
    %dma_wait3A_2786 = arith.constant 0 : i32
    %dma_wait3A_2787 = tpu.memref_slice %arg4[%mul3A_2766, %select_n3A_2782, %dma_wait3A_2786] : memref<204800x4x32xf32, #tpu.memory_space<hbm>> -> memref<1024x1x32xf32, #tpu.memory_space<hbm>>
    %dma_wait3A_2788 = tpu.memref_squeeze %dma_wait3A_2787 : memref<1024x1x32xf32, #tpu.memory_space<hbm>> -> memref<1024x32xf32, #tpu.memory_space<hbm>>
    tpu.wait_dma2 semaphore(%arg11 : memref<!tpu.dma_semaphore, #tpu.memory_space<semaphore_mem>>) src(%arg7 : memref<1024x32xf32, #tpu.memory_space<vmem>>) dst(%dma_wait3A_2788 : memref<1024x32xf32, #tpu.memory_space<hbm>>)
    %mul3A_2789 = arith.constant 25 : i32
    %mul3A_2790 = arith.muli %add3A, %mul3A_2789 : i32
    %add3A_2791 = arith.constant 24 : i32
    %add3A_2792 = arith.addi %mul3A_2790, %add3A_2791 : i32
    %jit3A_2793 = arith.constant 4 : i32
    %div3A_2794 = arith.divsi %add3A_2792, %jit3A_2793 : i32
    %sign3A_2795 = arith.constant 0 : i32
    %sign3A_2796 = arith.cmpi sgt, %add3A_2792, %sign3A_2795 : i32
    %sign3A_2797 = arith.extui %sign3A_2796 : i1 to i32
    %sign3A_2798 = arith.constant 0 : i32
    %sign3A_2799 = arith.cmpi slt, %add3A_2792, %sign3A_2798 : i32
    %sign3A_2800 = arith.extui %sign3A_2799 : i1 to i32
    %sign3A_2801 = arith.subi %sign3A_2797, %sign3A_2800 : i32
    %sign3A_2802 = arith.constant 0 : i32
    %sign3A_2803 = arith.cmpi sgt, %jit3A_2793, %sign3A_2802 : i32
    %sign3A_2804 = arith.extui %sign3A_2803 : i1 to i32
    %sign3A_2805 = arith.constant 0 : i32
    %sign3A_2806 = arith.cmpi slt, %jit3A_2793, %sign3A_2805 : i32
    %sign3A_2807 = arith.extui %sign3A_2806 : i1 to i32
    %sign3A_2808 = arith.subi %sign3A_2804, %sign3A_2807 : i32
    %ne3A_2809 = arith.cmpi ne, %sign3A_2801, %sign3A_2808 : i32
    %rem3A_2810 = arith.remsi %add3A_2792, %jit3A_2793 : i32
    %ne3A_2811 = arith.constant 0 : i32
    %ne3A_2812 = arith.cmpi ne, %rem3A_2810, %ne3A_2811 : i32
    %and3A_2813 = arith.andi %ne3A_2809, %ne3A_2812 : i1
    %sub3A_2814 = arith.constant 1 : i32
    %sub3A_2815 = arith.subi %div3A_2794, %sub3A_2814 : i32
    %select_n3A_2816 = arith.select %and3A_2813, %sub3A_2815, %div3A_2794 : i32
    %mul3A_2817 = arith.constant 1024 : i32
    %mul3A_2818 = arith.muli %select_n3A_2816, %mul3A_2817 : i32
    %jit3A_2819 = arith.constant 4 : i32
    %eq3A_2820 = arith.constant 0 : i32
    %eq3A_2821 = arith.cmpi eq, %jit3A_2819, %eq3A_2820 : i32
    %jit3A_2822 = arith.constant 1 : i32
    %select_n3A_2823 = arith.select %eq3A_2821, %jit3A_2822, %jit3A_2819 : i32
    %rem3A_2824 = arith.remsi %add3A_2792, %select_n3A_2823 : i32
    %ne3A_2825 = arith.constant 0 : i32
    %ne3A_2826 = arith.cmpi ne, %rem3A_2824, %ne3A_2825 : i32
    %lt3A_2827 = arith.constant 0 : i32
    %lt3A_2828 = arith.cmpi slt, %rem3A_2824, %lt3A_2827 : i32
    %lt3A_2829 = arith.constant 0 : i32
    %lt3A_2830 = arith.cmpi slt, %select_n3A_2823, %lt3A_2829 : i32
    %ne3A_2831 = arith.xori %lt3A_2828, %lt3A_2830 : i1
    %and3A_2832 = arith.andi %ne3A_2831, %ne3A_2826 : i1
    %add3A_2833 = arith.addi %rem3A_2824, %select_n3A_2823 : i32
    %select_n3A_2834 = arith.select %and3A_2832, %add3A_2833, %rem3A_2824 : i32
    %dma_wait3A_2835 = arith.constant 0 : i32
    %dma_wait3A_2836 = tpu.memref_slice %arg4[%mul3A_2818, %select_n3A_2834, %dma_wait3A_2835] : memref<204800x4x32xf32, #tpu.memory_space<hbm>> -> memref<1024x1x32xf32, #tpu.memory_space<hbm>>
    %dma_wait3A_2837 = tpu.memref_squeeze %dma_wait3A_2836 : memref<1024x1x32xf32, #tpu.memory_space<hbm>> -> memref<1024x32xf32, #tpu.memory_space<hbm>>
    %dma_wait3A_2838 = arith.constant 0 : i32
    %dma_wait3A_2839 = tpu.memref_slice %arg4[%mul3A_2818, %select_n3A_2834, %dma_wait3A_2838] : memref<204800x4x32xf32, #tpu.memory_space<hbm>> -> memref<1024x1x32xf32, #tpu.memory_space<hbm>>
    %dma_wait3A_2840 = tpu.memref_squeeze %dma_wait3A_2839 : memref<1024x1x32xf32, #tpu.memory_space<hbm>> -> memref<1024x32xf32, #tpu.memory_space<hbm>>
    tpu.wait_dma2 semaphore(%arg10 : memref<!tpu.dma_semaphore, #tpu.memory_space<semaphore_mem>>) src(%arg6 : memref<1024x32xf32, #tpu.memory_space<vmem>>) dst(%dma_wait3A_2840 : memref<1024x32xf32, #tpu.memory_space<hbm>>)
    return
  }
}

module attributes {stable_mosaic.version = 14 : i64} {
  func.func @_tc_table_kernel(%arg0: i32, %arg1: memref<32x8192xf32, #tpu.memory_space<vmem>>, %arg2: memref<2048x128xf32, #tpu.memory_space<vmem>>) attributes {dimension_semantics = [#tpu.dimension_semantics<arbitrary>], iteration_bounds = array<i64: 123>, scalar_prefetch = 0 : i64, scratch_operands = 0 : i64, tpu.core_type = #tpu.core_type<tc>, window_params = [{transform_indices = @transform_0, window_bounds = array<i64: 32, 8192>}, {transform_indices = @transform_1, window_bounds = array<i64: 2048, 128>}]} {
    %get3A = arith.constant 0 : index
    %get3A_0 = arith.constant 0 : index
    %get3A_1 = vector.load %arg1[%get3A, %get3A_0] : memref<32x8192xf32, #tpu.memory_space<vmem>>, vector<32x8192xf32>
    %transpose3A = tpu.transpose %get3A_1, [1, 0] : vector<32x8192xf32> -> vector<8192x32xf32>
    %slice3A = vector.extract_strided_slice %transpose3A {offsets = [0, 0], sizes = [2048, 32], strides = [1, 1]} : vector<8192x32xf32> to vector<2048x32xf32>
    %slice3A_2 = vector.extract_strided_slice %transpose3A {offsets = [2048, 0], sizes = [2048, 32], strides = [1, 1]} : vector<8192x32xf32> to vector<2048x32xf32>
    %slice3A_3 = vector.extract_strided_slice %transpose3A {offsets = [4096, 0], sizes = [2048, 32], strides = [1, 1]} : vector<8192x32xf32> to vector<2048x32xf32>
    %slice3A_4 = vector.extract_strided_slice %transpose3A {offsets = [6144, 0], sizes = [2048, 32], strides = [1, 1]} : vector<8192x32xf32> to vector<2048x32xf32>
    %concatenate3A = tpu.concatenate %slice3A, %slice3A_2, %slice3A_3, %slice3A_4 in 1 : vector<2048x32xf32>, vector<2048x32xf32>, vector<2048x32xf32>, vector<2048x32xf32> -> vector<2048x128xf32>
    %swap3A = arith.constant 0 : index
    %swap3A_5 = arith.constant 0 : index
    %swap3A_6 = vector.load %arg2[%swap3A, %swap3A_5] : memref<2048x128xf32, #tpu.memory_space<vmem>>, vector<2048x128xf32>
    tpu.vector_store %arg2[%swap3A, %swap3A_5], %concatenate3A {strides = array<i32>} : memref<2048x128xf32, #tpu.memory_space<vmem>>, vector<2048x128xf32>,
    return
  }
  func.func @transform_0(%arg0: i32) -> (i32, i32) {
    %c0_i32 = arith.constant 0 : i32
    %c0_i32_0 = arith.constant 0 : i32
    return %c0_i32, %arg0 : i32, i32
  }
  func.func @transform_1(%arg0: i32) -> (i32, i32) {
    %c0_i32 = arith.constant 0 : i32
    %c0_i32_0 = arith.constant 0 : i32
    return %arg0, %c0_i32 : i32, i32
  }
}

module attributes {stable_mosaic.version = 14 : i64} {
  func.func @_tc_relayout_kernel(%arg0: i32, %arg1: i32, %arg2: memref<131072xf32, #tpu.memory_space<vmem>>, %arg3: memref<1x4x32x8x128xf32, #tpu.memory_space<vmem>>) attributes {dimension_semantics = [#tpu.dimension_semantics<arbitrary>, #tpu.dimension_semantics<arbitrary>], iteration_bounds = array<i64: 50, 4>, scalar_prefetch = 0 : i64, scratch_operands = 0 : i64, tpu.core_type = #tpu.core_type<tc>, window_params = [{transform_indices = @transform_0, window_bounds = array<i64: 131072>}, {transform_indices = @transform_1, window_bounds = array<i64: 1, 4, 32, 8, 128>}]} {
    %get3A = arith.constant 0 : index
    %get3A_0 = vector.load %arg2[%get3A] : memref<131072xf32, #tpu.memory_space<vmem>>, vector<131072xf32>
    %reshape3A = vector.shape_cast %get3A_0 : vector<131072xf32> to vector<1024x128xf32>
    %transpose3A = tpu.transpose %reshape3A, [1, 0] : vector<1024x128xf32> -> vector<128x1024xf32>
    %slice3A = vector.extract_strided_slice %transpose3A {offsets = [0, 0], sizes = [32, 1024], strides = [1, 1]} : vector<128x1024xf32> to vector<32x1024xf32>
    %slice3A_1 = vector.extract_strided_slice %slice3A {offsets = [0, 0], sizes = [32, 128], strides = [1, 1]} : vector<32x1024xf32> to vector<32x128xf32>
    %reshape3A_2 = vector.shape_cast %slice3A_1 : vector<32x128xf32> to vector<4x8x128xf32>
    %swap3A = arith.constant 0 : index
    %swap3A_3 = arith.constant 0 : index
    %swap3A_4 = arith.constant 0 : index
    %swap3A_5 = arith.constant 0 : index
    %swap3A_6 = arith.constant 0 : index
    %swap3A_7 = vector.load %arg3[%swap3A, %swap3A_3, %swap3A_4, %swap3A_5, %swap3A_6] : memref<1x4x32x8x128xf32, #tpu.memory_space<vmem>>, vector<1x4x1x8x128xf32>
    %swap3A_8 = vector.shape_cast %swap3A_7 : vector<1x4x1x8x128xf32> to vector<4x8x128xf32>
    %swap3A_9 = vector.shape_cast %reshape3A_2 : vector<4x8x128xf32> to vector<1x4x1x8x128xf32>
    tpu.vector_store %arg3[%swap3A, %swap3A_3, %swap3A_4, %swap3A_5, %swap3A_6], %swap3A_9 {strides = array<i32>} : memref<1x4x32x8x128xf32, #tpu.memory_space<vmem>>, vector<1x4x1x8x128xf32>,
    %slice3A_10 = vector.extract_strided_slice %slice3A {offsets = [0, 128], sizes = [32, 128], strides = [1, 1]} : vector<32x1024xf32> to vector<32x128xf32>
    %reshape3A_11 = vector.shape_cast %slice3A_10 : vector<32x128xf32> to vector<4x8x128xf32>
    %swap3A_12 = arith.constant 0 : index
    %swap3A_13 = arith.constant 0 : index
    %swap3A_14 = arith.constant 1 : index
    %swap3A_15 = arith.constant 0 : index
    %swap3A_16 = arith.constant 0 : index
    %swap3A_17 = vector.load %arg3[%swap3A_12, %swap3A_13, %swap3A_14, %swap3A_15, %swap3A_16] : memref<1x4x32x8x128xf32, #tpu.memory_space<vmem>>, vector<1x4x1x8x128xf32>
    %swap3A_18 = vector.shape_cast %swap3A_17 : vector<1x4x1x8x128xf32> to vector<4x8x128xf32>
    %swap3A_19 = vector.shape_cast %reshape3A_11 : vector<4x8x128xf32> to vector<1x4x1x8x128xf32>
    tpu.vector_store %arg3[%swap3A_12, %swap3A_13, %swap3A_14, %swap3A_15, %swap3A_16], %swap3A_19 {strides = array<i32>} : memref<1x4x32x8x128xf32, #tpu.memory_space<vmem>>, vector<1x4x1x8x128xf32>,
    %slice3A_20 = vector.extract_strided_slice %slice3A {offsets = [0, 256], sizes = [32, 128], strides = [1, 1]} : vector<32x1024xf32> to vector<32x128xf32>
    %reshape3A_21 = vector.shape_cast %slice3A_20 : vector<32x128xf32> to vector<4x8x128xf32>
    %swap3A_22 = arith.constant 0 : index
    %swap3A_23 = arith.constant 0 : index
    %swap3A_24 = arith.constant 2 : index
    %swap3A_25 = arith.constant 0 : index
    %swap3A_26 = arith.constant 0 : index
    %swap3A_27 = vector.load %arg3[%swap3A_22, %swap3A_23, %swap3A_24, %swap3A_25, %swap3A_26] : memref<1x4x32x8x128xf32, #tpu.memory_space<vmem>>, vector<1x4x1x8x128xf32>
    %swap3A_28 = vector.shape_cast %swap3A_27 : vector<1x4x1x8x128xf32> to vector<4x8x128xf32>
    %swap3A_29 = vector.shape_cast %reshape3A_21 : vector<4x8x128xf32> to vector<1x4x1x8x128xf32>
    tpu.vector_store %arg3[%swap3A_22, %swap3A_23, %swap3A_24, %swap3A_25, %swap3A_26], %swap3A_29 {strides = array<i32>} : memref<1x4x32x8x128xf32, #tpu.memory_space<vmem>>, vector<1x4x1x8x128xf32>,
    %slice3A_30 = vector.extract_strided_slice %slice3A {offsets = [0, 384], sizes = [32, 128], strides = [1, 1]} : vector<32x1024xf32> to vector<32x128xf32>
    %reshape3A_31 = vector.shape_cast %slice3A_30 : vector<32x128xf32> to vector<4x8x128xf32>
    %swap3A_32 = arith.constant 0 : index
    %swap3A_33 = arith.constant 0 : index
    %swap3A_34 = arith.constant 3 : index
    %swap3A_35 = arith.constant 0 : index
    %swap3A_36 = arith.constant 0 : index
    %swap3A_37 = vector.load %arg3[%swap3A_32, %swap3A_33, %swap3A_34, %swap3A_35, %swap3A_36] : memref<1x4x32x8x128xf32, #tpu.memory_space<vmem>>, vector<1x4x1x8x128xf32>
    %swap3A_38 = vector.shape_cast %swap3A_37 : vector<1x4x1x8x128xf32> to vector<4x8x128xf32>
    %swap3A_39 = vector.shape_cast %reshape3A_31 : vector<4x8x128xf32> to vector<1x4x1x8x128xf32>
    tpu.vector_store %arg3[%swap3A_32, %swap3A_33, %swap3A_34, %swap3A_35, %swap3A_36], %swap3A_39 {strides = array<i32>} : memref<1x4x32x8x128xf32, #tpu.memory_space<vmem>>, vector<1x4x1x8x128xf32>,
    %slice3A_40 = vector.extract_strided_slice %slice3A {offsets = [0, 512], sizes = [32, 128], strides = [1, 1]} : vector<32x1024xf32> to vector<32x128xf32>
    %reshape3A_41 = vector.shape_cast %slice3A_40 : vector<32x128xf32> to vector<4x8x128xf32>
    %swap3A_42 = arith.constant 0 : index
    %swap3A_43 = arith.constant 0 : index
    %swap3A_44 = arith.constant 4 : index
    %swap3A_45 = arith.constant 0 : index
    %swap3A_46 = arith.constant 0 : index
    %swap3A_47 = vector.load %arg3[%swap3A_42, %swap3A_43, %swap3A_44, %swap3A_45, %swap3A_46] : memref<1x4x32x8x128xf32, #tpu.memory_space<vmem>>, vector<1x4x1x8x128xf32>
    %swap3A_48 = vector.shape_cast %swap3A_47 : vector<1x4x1x8x128xf32> to vector<4x8x128xf32>
    %swap3A_49 = vector.shape_cast %reshape3A_41 : vector<4x8x128xf32> to vector<1x4x1x8x128xf32>
    tpu.vector_store %arg3[%swap3A_42, %swap3A_43, %swap3A_44, %swap3A_45, %swap3A_46], %swap3A_49 {strides = array<i32>} : memref<1x4x32x8x128xf32, #tpu.memory_space<vmem>>, vector<1x4x1x8x128xf32>,
    %slice3A_50 = vector.extract_strided_slice %slice3A {offsets = [0, 640], sizes = [32, 128], strides = [1, 1]} : vector<32x1024xf32> to vector<32x128xf32>
    %reshape3A_51 = vector.shape_cast %slice3A_50 : vector<32x128xf32> to vector<4x8x128xf32>
    %swap3A_52 = arith.constant 0 : index
    %swap3A_53 = arith.constant 0 : index
    %swap3A_54 = arith.constant 5 : index
    %swap3A_55 = arith.constant 0 : index
    %swap3A_56 = arith.constant 0 : index
    %swap3A_57 = vector.load %arg3[%swap3A_52, %swap3A_53, %swap3A_54, %swap3A_55, %swap3A_56] : memref<1x4x32x8x128xf32, #tpu.memory_space<vmem>>, vector<1x4x1x8x128xf32>
    %swap3A_58 = vector.shape_cast %swap3A_57 : vector<1x4x1x8x128xf32> to vector<4x8x128xf32>
    %swap3A_59 = vector.shape_cast %reshape3A_51 : vector<4x8x128xf32> to vector<1x4x1x8x128xf32>
    tpu.vector_store %arg3[%swap3A_52, %swap3A_53, %swap3A_54, %swap3A_55, %swap3A_56], %swap3A_59 {strides = array<i32>} : memref<1x4x32x8x128xf32, #tpu.memory_space<vmem>>, vector<1x4x1x8x128xf32>,
    %slice3A_60 = vector.extract_strided_slice %slice3A {offsets = [0, 768], sizes = [32, 128], strides = [1, 1]} : vector<32x1024xf32> to vector<32x128xf32>
    %reshape3A_61 = vector.shape_cast %slice3A_60 : vector<32x128xf32> to vector<4x8x128xf32>
    %swap3A_62 = arith.constant 0 : index
    %swap3A_63 = arith.constant 0 : index
    %swap3A_64 = arith.constant 6 : index
    %swap3A_65 = arith.constant 0 : index
    %swap3A_66 = arith.constant 0 : index
    %swap3A_67 = vector.load %arg3[%swap3A_62, %swap3A_63, %swap3A_64, %swap3A_65, %swap3A_66] : memref<1x4x32x8x128xf32, #tpu.memory_space<vmem>>, vector<1x4x1x8x128xf32>
    %swap3A_68 = vector.shape_cast %swap3A_67 : vector<1x4x1x8x128xf32> to vector<4x8x128xf32>
    %swap3A_69 = vector.shape_cast %reshape3A_61 : vector<4x8x128xf32> to vector<1x4x1x8x128xf32>
    tpu.vector_store %arg3[%swap3A_62, %swap3A_63, %swap3A_64, %swap3A_65, %swap3A_66], %swap3A_69 {strides = array<i32>} : memref<1x4x32x8x128xf32, #tpu.memory_space<vmem>>, vector<1x4x1x8x128xf32>,
    %slice3A_70 = vector.extract_strided_slice %slice3A {offsets = [0, 896], sizes = [32, 128], strides = [1, 1]} : vector<32x1024xf32> to vector<32x128xf32>
    %reshape3A_71 = vector.shape_cast %slice3A_70 : vector<32x128xf32> to vector<4x8x128xf32>
    %swap3A_72 = arith.constant 0 : index
    %swap3A_73 = arith.constant 0 : index
    %swap3A_74 = arith.constant 7 : index
    %swap3A_75 = arith.constant 0 : index
    %swap3A_76 = arith.constant 0 : index
    %swap3A_77 = vector.load %arg3[%swap3A_72, %swap3A_73, %swap3A_74, %swap3A_75, %swap3A_76] : memref<1x4x32x8x128xf32, #tpu.memory_space<vmem>>, vector<1x4x1x8x128xf32>
    %swap3A_78 = vector.shape_cast %swap3A_77 : vector<1x4x1x8x128xf32> to vector<4x8x128xf32>
    %swap3A_79 = vector.shape_cast %reshape3A_71 : vector<4x8x128xf32> to vector<1x4x1x8x128xf32>
    tpu.vector_store %arg3[%swap3A_72, %swap3A_73, %swap3A_74, %swap3A_75, %swap3A_76], %swap3A_79 {strides = array<i32>} : memref<1x4x32x8x128xf32, #tpu.memory_space<vmem>>, vector<1x4x1x8x128xf32>,
    %slice3A_80 = vector.extract_strided_slice %transpose3A {offsets = [32, 0], sizes = [32, 1024], strides = [1, 1]} : vector<128x1024xf32> to vector<32x1024xf32>
    %slice3A_81 = vector.extract_strided_slice %slice3A_80 {offsets = [0, 0], sizes = [32, 128], strides = [1, 1]} : vector<32x1024xf32> to vector<32x128xf32>
    %reshape3A_82 = vector.shape_cast %slice3A_81 : vector<32x128xf32> to vector<4x8x128xf32>
    %swap3A_83 = arith.constant 0 : index
    %swap3A_84 = arith.constant 0 : index
    %swap3A_85 = arith.constant 8 : index
    %swap3A_86 = arith.constant 0 : index
    %swap3A_87 = arith.constant 0 : index
    %swap3A_88 = vector.load %arg3[%swap3A_83, %swap3A_84, %swap3A_85, %swap3A_86, %swap3A_87] : memref<1x4x32x8x128xf32, #tpu.memory_space<vmem>>, vector<1x4x1x8x128xf32>
    %swap3A_89 = vector.shape_cast %swap3A_88 : vector<1x4x1x8x128xf32> to vector<4x8x128xf32>
    %swap3A_90 = vector.shape_cast %reshape3A_82 : vector<4x8x128xf32> to vector<1x4x1x8x128xf32>
    tpu.vector_store %arg3[%swap3A_83, %swap3A_84, %swap3A_85, %swap3A_86, %swap3A_87], %swap3A_90 {strides = array<i32>} : memref<1x4x32x8x128xf32, #tpu.memory_space<vmem>>, vector<1x4x1x8x128xf32>,
    %slice3A_91 = vector.extract_strided_slice %slice3A_80 {offsets = [0, 128], sizes = [32, 128], strides = [1, 1]} : vector<32x1024xf32> to vector<32x128xf32>
    %reshape3A_92 = vector.shape_cast %slice3A_91 : vector<32x128xf32> to vector<4x8x128xf32>
    %swap3A_93 = arith.constant 0 : index
    %swap3A_94 = arith.constant 0 : index
    %swap3A_95 = arith.constant 9 : index
    %swap3A_96 = arith.constant 0 : index
    %swap3A_97 = arith.constant 0 : index
    %swap3A_98 = vector.load %arg3[%swap3A_93, %swap3A_94, %swap3A_95, %swap3A_96, %swap3A_97] : memref<1x4x32x8x128xf32, #tpu.memory_space<vmem>>, vector<1x4x1x8x128xf32>
    %swap3A_99 = vector.shape_cast %swap3A_98 : vector<1x4x1x8x128xf32> to vector<4x8x128xf32>
    %swap3A_100 = vector.shape_cast %reshape3A_92 : vector<4x8x128xf32> to vector<1x4x1x8x128xf32>
    tpu.vector_store %arg3[%swap3A_93, %swap3A_94, %swap3A_95, %swap3A_96, %swap3A_97], %swap3A_100 {strides = array<i32>} : memref<1x4x32x8x128xf32, #tpu.memory_space<vmem>>, vector<1x4x1x8x128xf32>,
    %slice3A_101 = vector.extract_strided_slice %slice3A_80 {offsets = [0, 256], sizes = [32, 128], strides = [1, 1]} : vector<32x1024xf32> to vector<32x128xf32>
    %reshape3A_102 = vector.shape_cast %slice3A_101 : vector<32x128xf32> to vector<4x8x128xf32>
    %swap3A_103 = arith.constant 0 : index
    %swap3A_104 = arith.constant 0 : index
    %swap3A_105 = arith.constant 10 : index
    %swap3A_106 = arith.constant 0 : index
    %swap3A_107 = arith.constant 0 : index
    %swap3A_108 = vector.load %arg3[%swap3A_103, %swap3A_104, %swap3A_105, %swap3A_106, %swap3A_107] : memref<1x4x32x8x128xf32, #tpu.memory_space<vmem>>, vector<1x4x1x8x128xf32>
    %swap3A_109 = vector.shape_cast %swap3A_108 : vector<1x4x1x8x128xf32> to vector<4x8x128xf32>
    %swap3A_110 = vector.shape_cast %reshape3A_102 : vector<4x8x128xf32> to vector<1x4x1x8x128xf32>
    tpu.vector_store %arg3[%swap3A_103, %swap3A_104, %swap3A_105, %swap3A_106, %swap3A_107], %swap3A_110 {strides = array<i32>} : memref<1x4x32x8x128xf32, #tpu.memory_space<vmem>>, vector<1x4x1x8x128xf32>,
    %slice3A_111 = vector.extract_strided_slice %slice3A_80 {offsets = [0, 384], sizes = [32, 128], strides = [1, 1]} : vector<32x1024xf32> to vector<32x128xf32>
    %reshape3A_112 = vector.shape_cast %slice3A_111 : vector<32x128xf32> to vector<4x8x128xf32>
    %swap3A_113 = arith.constant 0 : index
    %swap3A_114 = arith.constant 0 : index
    %swap3A_115 = arith.constant 11 : index
    %swap3A_116 = arith.constant 0 : index
    %swap3A_117 = arith.constant 0 : index
    %swap3A_118 = vector.load %arg3[%swap3A_113, %swap3A_114, %swap3A_115, %swap3A_116, %swap3A_117] : memref<1x4x32x8x128xf32, #tpu.memory_space<vmem>>, vector<1x4x1x8x128xf32>
    %swap3A_119 = vector.shape_cast %swap3A_118 : vector<1x4x1x8x128xf32> to vector<4x8x128xf32>
    %swap3A_120 = vector.shape_cast %reshape3A_112 : vector<4x8x128xf32> to vector<1x4x1x8x128xf32>
    tpu.vector_store %arg3[%swap3A_113, %swap3A_114, %swap3A_115, %swap3A_116, %swap3A_117], %swap3A_120 {strides = array<i32>} : memref<1x4x32x8x128xf32, #tpu.memory_space<vmem>>, vector<1x4x1x8x128xf32>,
    %slice3A_121 = vector.extract_strided_slice %slice3A_80 {offsets = [0, 512], sizes = [32, 128], strides = [1, 1]} : vector<32x1024xf32> to vector<32x128xf32>
    %reshape3A_122 = vector.shape_cast %slice3A_121 : vector<32x128xf32> to vector<4x8x128xf32>
    %swap3A_123 = arith.constant 0 : index
    %swap3A_124 = arith.constant 0 : index
    %swap3A_125 = arith.constant 12 : index
    %swap3A_126 = arith.constant 0 : index
    %swap3A_127 = arith.constant 0 : index
    %swap3A_128 = vector.load %arg3[%swap3A_123, %swap3A_124, %swap3A_125, %swap3A_126, %swap3A_127] : memref<1x4x32x8x128xf32, #tpu.memory_space<vmem>>, vector<1x4x1x8x128xf32>
    %swap3A_129 = vector.shape_cast %swap3A_128 : vector<1x4x1x8x128xf32> to vector<4x8x128xf32>
    %swap3A_130 = vector.shape_cast %reshape3A_122 : vector<4x8x128xf32> to vector<1x4x1x8x128xf32>
    tpu.vector_store %arg3[%swap3A_123, %swap3A_124, %swap3A_125, %swap3A_126, %swap3A_127], %swap3A_130 {strides = array<i32>} : memref<1x4x32x8x128xf32, #tpu.memory_space<vmem>>, vector<1x4x1x8x128xf32>,
    %slice3A_131 = vector.extract_strided_slice %slice3A_80 {offsets = [0, 640], sizes = [32, 128], strides = [1, 1]} : vector<32x1024xf32> to vector<32x128xf32>
    %reshape3A_132 = vector.shape_cast %slice3A_131 : vector<32x128xf32> to vector<4x8x128xf32>
    %swap3A_133 = arith.constant 0 : index
    %swap3A_134 = arith.constant 0 : index
    %swap3A_135 = arith.constant 13 : index
    %swap3A_136 = arith.constant 0 : index
    %swap3A_137 = arith.constant 0 : index
    %swap3A_138 = vector.load %arg3[%swap3A_133, %swap3A_134, %swap3A_135, %swap3A_136, %swap3A_137] : memref<1x4x32x8x128xf32, #tpu.memory_space<vmem>>, vector<1x4x1x8x128xf32>
    %swap3A_139 = vector.shape_cast %swap3A_138 : vector<1x4x1x8x128xf32> to vector<4x8x128xf32>
    %swap3A_140 = vector.shape_cast %reshape3A_132 : vector<4x8x128xf32> to vector<1x4x1x8x128xf32>
    tpu.vector_store %arg3[%swap3A_133, %swap3A_134, %swap3A_135, %swap3A_136, %swap3A_137], %swap3A_140 {strides = array<i32>} : memref<1x4x32x8x128xf32, #tpu.memory_space<vmem>>, vector<1x4x1x8x128xf32>,
    %slice3A_141 = vector.extract_strided_slice %slice3A_80 {offsets = [0, 768], sizes = [32, 128], strides = [1, 1]} : vector<32x1024xf32> to vector<32x128xf32>
    %reshape3A_142 = vector.shape_cast %slice3A_141 : vector<32x128xf32> to vector<4x8x128xf32>
    %swap3A_143 = arith.constant 0 : index
    %swap3A_144 = arith.constant 0 : index
    %swap3A_145 = arith.constant 14 : index
    %swap3A_146 = arith.constant 0 : index
    %swap3A_147 = arith.constant 0 : index
    %swap3A_148 = vector.load %arg3[%swap3A_143, %swap3A_144, %swap3A_145, %swap3A_146, %swap3A_147] : memref<1x4x32x8x128xf32, #tpu.memory_space<vmem>>, vector<1x4x1x8x128xf32>
    %swap3A_149 = vector.shape_cast %swap3A_148 : vector<1x4x1x8x128xf32> to vector<4x8x128xf32>
    %swap3A_150 = vector.shape_cast %reshape3A_142 : vector<4x8x128xf32> to vector<1x4x1x8x128xf32>
    tpu.vector_store %arg3[%swap3A_143, %swap3A_144, %swap3A_145, %swap3A_146, %swap3A_147], %swap3A_150 {strides = array<i32>} : memref<1x4x32x8x128xf32, #tpu.memory_space<vmem>>, vector<1x4x1x8x128xf32>,
    %slice3A_151 = vector.extract_strided_slice %slice3A_80 {offsets = [0, 896], sizes = [32, 128], strides = [1, 1]} : vector<32x1024xf32> to vector<32x128xf32>
    %reshape3A_152 = vector.shape_cast %slice3A_151 : vector<32x128xf32> to vector<4x8x128xf32>
    %swap3A_153 = arith.constant 0 : index
    %swap3A_154 = arith.constant 0 : index
    %swap3A_155 = arith.constant 15 : index
    %swap3A_156 = arith.constant 0 : index
    %swap3A_157 = arith.constant 0 : index
    %swap3A_158 = vector.load %arg3[%swap3A_153, %swap3A_154, %swap3A_155, %swap3A_156, %swap3A_157] : memref<1x4x32x8x128xf32, #tpu.memory_space<vmem>>, vector<1x4x1x8x128xf32>
    %swap3A_159 = vector.shape_cast %swap3A_158 : vector<1x4x1x8x128xf32> to vector<4x8x128xf32>
    %swap3A_160 = vector.shape_cast %reshape3A_152 : vector<4x8x128xf32> to vector<1x4x1x8x128xf32>
    tpu.vector_store %arg3[%swap3A_153, %swap3A_154, %swap3A_155, %swap3A_156, %swap3A_157], %swap3A_160 {strides = array<i32>} : memref<1x4x32x8x128xf32, #tpu.memory_space<vmem>>, vector<1x4x1x8x128xf32>,
    %slice3A_161 = vector.extract_strided_slice %transpose3A {offsets = [64, 0], sizes = [32, 1024], strides = [1, 1]} : vector<128x1024xf32> to vector<32x1024xf32>
    %slice3A_162 = vector.extract_strided_slice %slice3A_161 {offsets = [0, 0], sizes = [32, 128], strides = [1, 1]} : vector<32x1024xf32> to vector<32x128xf32>
    %reshape3A_163 = vector.shape_cast %slice3A_162 : vector<32x128xf32> to vector<4x8x128xf32>
    %swap3A_164 = arith.constant 0 : index
    %swap3A_165 = arith.constant 0 : index
    %swap3A_166 = arith.constant 16 : index
    %swap3A_167 = arith.constant 0 : index
    %swap3A_168 = arith.constant 0 : index
    %swap3A_169 = vector.load %arg3[%swap3A_164, %swap3A_165, %swap3A_166, %swap3A_167, %swap3A_168] : memref<1x4x32x8x128xf32, #tpu.memory_space<vmem>>, vector<1x4x1x8x128xf32>
    %swap3A_170 = vector.shape_cast %swap3A_169 : vector<1x4x1x8x128xf32> to vector<4x8x128xf32>
    %swap3A_171 = vector.shape_cast %reshape3A_163 : vector<4x8x128xf32> to vector<1x4x1x8x128xf32>
    tpu.vector_store %arg3[%swap3A_164, %swap3A_165, %swap3A_166, %swap3A_167, %swap3A_168], %swap3A_171 {strides = array<i32>} : memref<1x4x32x8x128xf32, #tpu.memory_space<vmem>>, vector<1x4x1x8x128xf32>,
    %slice3A_172 = vector.extract_strided_slice %slice3A_161 {offsets = [0, 128], sizes = [32, 128], strides = [1, 1]} : vector<32x1024xf32> to vector<32x128xf32>
    %reshape3A_173 = vector.shape_cast %slice3A_172 : vector<32x128xf32> to vector<4x8x128xf32>
    %swap3A_174 = arith.constant 0 : index
    %swap3A_175 = arith.constant 0 : index
    %swap3A_176 = arith.constant 17 : index
    %swap3A_177 = arith.constant 0 : index
    %swap3A_178 = arith.constant 0 : index
    %swap3A_179 = vector.load %arg3[%swap3A_174, %swap3A_175, %swap3A_176, %swap3A_177, %swap3A_178] : memref<1x4x32x8x128xf32, #tpu.memory_space<vmem>>, vector<1x4x1x8x128xf32>
    %swap3A_180 = vector.shape_cast %swap3A_179 : vector<1x4x1x8x128xf32> to vector<4x8x128xf32>
    %swap3A_181 = vector.shape_cast %reshape3A_173 : vector<4x8x128xf32> to vector<1x4x1x8x128xf32>
    tpu.vector_store %arg3[%swap3A_174, %swap3A_175, %swap3A_176, %swap3A_177, %swap3A_178], %swap3A_181 {strides = array<i32>} : memref<1x4x32x8x128xf32, #tpu.memory_space<vmem>>, vector<1x4x1x8x128xf32>,
    %slice3A_182 = vector.extract_strided_slice %slice3A_161 {offsets = [0, 256], sizes = [32, 128], strides = [1, 1]} : vector<32x1024xf32> to vector<32x128xf32>
    %reshape3A_183 = vector.shape_cast %slice3A_182 : vector<32x128xf32> to vector<4x8x128xf32>
    %swap3A_184 = arith.constant 0 : index
    %swap3A_185 = arith.constant 0 : index
    %swap3A_186 = arith.constant 18 : index
    %swap3A_187 = arith.constant 0 : index
    %swap3A_188 = arith.constant 0 : index
    %swap3A_189 = vector.load %arg3[%swap3A_184, %swap3A_185, %swap3A_186, %swap3A_187, %swap3A_188] : memref<1x4x32x8x128xf32, #tpu.memory_space<vmem>>, vector<1x4x1x8x128xf32>
    %swap3A_190 = vector.shape_cast %swap3A_189 : vector<1x4x1x8x128xf32> to vector<4x8x128xf32>
    %swap3A_191 = vector.shape_cast %reshape3A_183 : vector<4x8x128xf32> to vector<1x4x1x8x128xf32>
    tpu.vector_store %arg3[%swap3A_184, %swap3A_185, %swap3A_186, %swap3A_187, %swap3A_188], %swap3A_191 {strides = array<i32>} : memref<1x4x32x8x128xf32, #tpu.memory_space<vmem>>, vector<1x4x1x8x128xf32>,
    %slice3A_192 = vector.extract_strided_slice %slice3A_161 {offsets = [0, 384], sizes = [32, 128], strides = [1, 1]} : vector<32x1024xf32> to vector<32x128xf32>
    %reshape3A_193 = vector.shape_cast %slice3A_192 : vector<32x128xf32> to vector<4x8x128xf32>
    %swap3A_194 = arith.constant 0 : index
    %swap3A_195 = arith.constant 0 : index
    %swap3A_196 = arith.constant 19 : index
    %swap3A_197 = arith.constant 0 : index
    %swap3A_198 = arith.constant 0 : index
    %swap3A_199 = vector.load %arg3[%swap3A_194, %swap3A_195, %swap3A_196, %swap3A_197, %swap3A_198] : memref<1x4x32x8x128xf32, #tpu.memory_space<vmem>>, vector<1x4x1x8x128xf32>
    %swap3A_200 = vector.shape_cast %swap3A_199 : vector<1x4x1x8x128xf32> to vector<4x8x128xf32>
    %swap3A_201 = vector.shape_cast %reshape3A_193 : vector<4x8x128xf32> to vector<1x4x1x8x128xf32>
    tpu.vector_store %arg3[%swap3A_194, %swap3A_195, %swap3A_196, %swap3A_197, %swap3A_198], %swap3A_201 {strides = array<i32>} : memref<1x4x32x8x128xf32, #tpu.memory_space<vmem>>, vector<1x4x1x8x128xf32>,
    %slice3A_202 = vector.extract_strided_slice %slice3A_161 {offsets = [0, 512], sizes = [32, 128], strides = [1, 1]} : vector<32x1024xf32> to vector<32x128xf32>
    %reshape3A_203 = vector.shape_cast %slice3A_202 : vector<32x128xf32> to vector<4x8x128xf32>
    %swap3A_204 = arith.constant 0 : index
    %swap3A_205 = arith.constant 0 : index
    %swap3A_206 = arith.constant 20 : index
    %swap3A_207 = arith.constant 0 : index
    %swap3A_208 = arith.constant 0 : index
    %swap3A_209 = vector.load %arg3[%swap3A_204, %swap3A_205, %swap3A_206, %swap3A_207, %swap3A_208] : memref<1x4x32x8x128xf32, #tpu.memory_space<vmem>>, vector<1x4x1x8x128xf32>
    %swap3A_210 = vector.shape_cast %swap3A_209 : vector<1x4x1x8x128xf32> to vector<4x8x128xf32>
    %swap3A_211 = vector.shape_cast %reshape3A_203 : vector<4x8x128xf32> to vector<1x4x1x8x128xf32>
    tpu.vector_store %arg3[%swap3A_204, %swap3A_205, %swap3A_206, %swap3A_207, %swap3A_208], %swap3A_211 {strides = array<i32>} : memref<1x4x32x8x128xf32, #tpu.memory_space<vmem>>, vector<1x4x1x8x128xf32>,
    %slice3A_212 = vector.extract_strided_slice %slice3A_161 {offsets = [0, 640], sizes = [32, 128], strides = [1, 1]} : vector<32x1024xf32> to vector<32x128xf32>
    %reshape3A_213 = vector.shape_cast %slice3A_212 : vector<32x128xf32> to vector<4x8x128xf32>
    %swap3A_214 = arith.constant 0 : index
    %swap3A_215 = arith.constant 0 : index
    %swap3A_216 = arith.constant 21 : index
    %swap3A_217 = arith.constant 0 : index
    %swap3A_218 = arith.constant 0 : index
    %swap3A_219 = vector.load %arg3[%swap3A_214, %swap3A_215, %swap3A_216, %swap3A_217, %swap3A_218] : memref<1x4x32x8x128xf32, #tpu.memory_space<vmem>>, vector<1x4x1x8x128xf32>
    %swap3A_220 = vector.shape_cast %swap3A_219 : vector<1x4x1x8x128xf32> to vector<4x8x128xf32>
    %swap3A_221 = vector.shape_cast %reshape3A_213 : vector<4x8x128xf32> to vector<1x4x1x8x128xf32>
    tpu.vector_store %arg3[%swap3A_214, %swap3A_215, %swap3A_216, %swap3A_217, %swap3A_218], %swap3A_221 {strides = array<i32>} : memref<1x4x32x8x128xf32, #tpu.memory_space<vmem>>, vector<1x4x1x8x128xf32>,
    %slice3A_222 = vector.extract_strided_slice %slice3A_161 {offsets = [0, 768], sizes = [32, 128], strides = [1, 1]} : vector<32x1024xf32> to vector<32x128xf32>
    %reshape3A_223 = vector.shape_cast %slice3A_222 : vector<32x128xf32> to vector<4x8x128xf32>
    %swap3A_224 = arith.constant 0 : index
    %swap3A_225 = arith.constant 0 : index
    %swap3A_226 = arith.constant 22 : index
    %swap3A_227 = arith.constant 0 : index
    %swap3A_228 = arith.constant 0 : index
    %swap3A_229 = vector.load %arg3[%swap3A_224, %swap3A_225, %swap3A_226, %swap3A_227, %swap3A_228] : memref<1x4x32x8x128xf32, #tpu.memory_space<vmem>>, vector<1x4x1x8x128xf32>
    %swap3A_230 = vector.shape_cast %swap3A_229 : vector<1x4x1x8x128xf32> to vector<4x8x128xf32>
    %swap3A_231 = vector.shape_cast %reshape3A_223 : vector<4x8x128xf32> to vector<1x4x1x8x128xf32>
    tpu.vector_store %arg3[%swap3A_224, %swap3A_225, %swap3A_226, %swap3A_227, %swap3A_228], %swap3A_231 {strides = array<i32>} : memref<1x4x32x8x128xf32, #tpu.memory_space<vmem>>, vector<1x4x1x8x128xf32>,
    %slice3A_232 = vector.extract_strided_slice %slice3A_161 {offsets = [0, 896], sizes = [32, 128], strides = [1, 1]} : vector<32x1024xf32> to vector<32x128xf32>
    %reshape3A_233 = vector.shape_cast %slice3A_232 : vector<32x128xf32> to vector<4x8x128xf32>
    %swap3A_234 = arith.constant 0 : index
    %swap3A_235 = arith.constant 0 : index
    %swap3A_236 = arith.constant 23 : index
    %swap3A_237 = arith.constant 0 : index
    %swap3A_238 = arith.constant 0 : index
    %swap3A_239 = vector.load %arg3[%swap3A_234, %swap3A_235, %swap3A_236, %swap3A_237, %swap3A_238] : memref<1x4x32x8x128xf32, #tpu.memory_space<vmem>>, vector<1x4x1x8x128xf32>
    %swap3A_240 = vector.shape_cast %swap3A_239 : vector<1x4x1x8x128xf32> to vector<4x8x128xf32>
    %swap3A_241 = vector.shape_cast %reshape3A_233 : vector<4x8x128xf32> to vector<1x4x1x8x128xf32>
    tpu.vector_store %arg3[%swap3A_234, %swap3A_235, %swap3A_236, %swap3A_237, %swap3A_238], %swap3A_241 {strides = array<i32>} : memref<1x4x32x8x128xf32, #tpu.memory_space<vmem>>, vector<1x4x1x8x128xf32>,
    %slice3A_242 = vector.extract_strided_slice %transpose3A {offsets = [96, 0], sizes = [32, 1024], strides = [1, 1]} : vector<128x1024xf32> to vector<32x1024xf32>
    %slice3A_243 = vector.extract_strided_slice %slice3A_242 {offsets = [0, 0], sizes = [32, 128], strides = [1, 1]} : vector<32x1024xf32> to vector<32x128xf32>
    %reshape3A_244 = vector.shape_cast %slice3A_243 : vector<32x128xf32> to vector<4x8x128xf32>
    %swap3A_245 = arith.constant 0 : index
    %swap3A_246 = arith.constant 0 : index
    %swap3A_247 = arith.constant 24 : index
    %swap3A_248 = arith.constant 0 : index
    %swap3A_249 = arith.constant 0 : index
    %swap3A_250 = vector.load %arg3[%swap3A_245, %swap3A_246, %swap3A_247, %swap3A_248, %swap3A_249] : memref<1x4x32x8x128xf32, #tpu.memory_space<vmem>>, vector<1x4x1x8x128xf32>
    %swap3A_251 = vector.shape_cast %swap3A_250 : vector<1x4x1x8x128xf32> to vector<4x8x128xf32>
    %swap3A_252 = vector.shape_cast %reshape3A_244 : vector<4x8x128xf32> to vector<1x4x1x8x128xf32>
    tpu.vector_store %arg3[%swap3A_245, %swap3A_246, %swap3A_247, %swap3A_248, %swap3A_249], %swap3A_252 {strides = array<i32>} : memref<1x4x32x8x128xf32, #tpu.memory_space<vmem>>, vector<1x4x1x8x128xf32>,
    %slice3A_253 = vector.extract_strided_slice %slice3A_242 {offsets = [0, 128], sizes = [32, 128], strides = [1, 1]} : vector<32x1024xf32> to vector<32x128xf32>
    %reshape3A_254 = vector.shape_cast %slice3A_253 : vector<32x128xf32> to vector<4x8x128xf32>
    %swap3A_255 = arith.constant 0 : index
    %swap3A_256 = arith.constant 0 : index
    %swap3A_257 = arith.constant 25 : index
    %swap3A_258 = arith.constant 0 : index
    %swap3A_259 = arith.constant 0 : index
    %swap3A_260 = vector.load %arg3[%swap3A_255, %swap3A_256, %swap3A_257, %swap3A_258, %swap3A_259] : memref<1x4x32x8x128xf32, #tpu.memory_space<vmem>>, vector<1x4x1x8x128xf32>
    %swap3A_261 = vector.shape_cast %swap3A_260 : vector<1x4x1x8x128xf32> to vector<4x8x128xf32>
    %swap3A_262 = vector.shape_cast %reshape3A_254 : vector<4x8x128xf32> to vector<1x4x1x8x128xf32>
    tpu.vector_store %arg3[%swap3A_255, %swap3A_256, %swap3A_257, %swap3A_258, %swap3A_259], %swap3A_262 {strides = array<i32>} : memref<1x4x32x8x128xf32, #tpu.memory_space<vmem>>, vector<1x4x1x8x128xf32>,
    %slice3A_263 = vector.extract_strided_slice %slice3A_242 {offsets = [0, 256], sizes = [32, 128], strides = [1, 1]} : vector<32x1024xf32> to vector<32x128xf32>
    %reshape3A_264 = vector.shape_cast %slice3A_263 : vector<32x128xf32> to vector<4x8x128xf32>
    %swap3A_265 = arith.constant 0 : index
    %swap3A_266 = arith.constant 0 : index
    %swap3A_267 = arith.constant 26 : index
    %swap3A_268 = arith.constant 0 : index
    %swap3A_269 = arith.constant 0 : index
    %swap3A_270 = vector.load %arg3[%swap3A_265, %swap3A_266, %swap3A_267, %swap3A_268, %swap3A_269] : memref<1x4x32x8x128xf32, #tpu.memory_space<vmem>>, vector<1x4x1x8x128xf32>
    %swap3A_271 = vector.shape_cast %swap3A_270 : vector<1x4x1x8x128xf32> to vector<4x8x128xf32>
    %swap3A_272 = vector.shape_cast %reshape3A_264 : vector<4x8x128xf32> to vector<1x4x1x8x128xf32>
    tpu.vector_store %arg3[%swap3A_265, %swap3A_266, %swap3A_267, %swap3A_268, %swap3A_269], %swap3A_272 {strides = array<i32>} : memref<1x4x32x8x128xf32, #tpu.memory_space<vmem>>, vector<1x4x1x8x128xf32>,
    %slice3A_273 = vector.extract_strided_slice %slice3A_242 {offsets = [0, 384], sizes = [32, 128], strides = [1, 1]} : vector<32x1024xf32> to vector<32x128xf32>
    %reshape3A_274 = vector.shape_cast %slice3A_273 : vector<32x128xf32> to vector<4x8x128xf32>
    %swap3A_275 = arith.constant 0 : index
    %swap3A_276 = arith.constant 0 : index
    %swap3A_277 = arith.constant 27 : index
    %swap3A_278 = arith.constant 0 : index
    %swap3A_279 = arith.constant 0 : index
    %swap3A_280 = vector.load %arg3[%swap3A_275, %swap3A_276, %swap3A_277, %swap3A_278, %swap3A_279] : memref<1x4x32x8x128xf32, #tpu.memory_space<vmem>>, vector<1x4x1x8x128xf32>
    %swap3A_281 = vector.shape_cast %swap3A_280 : vector<1x4x1x8x128xf32> to vector<4x8x128xf32>
    %swap3A_282 = vector.shape_cast %reshape3A_274 : vector<4x8x128xf32> to vector<1x4x1x8x128xf32>
    tpu.vector_store %arg3[%swap3A_275, %swap3A_276, %swap3A_277, %swap3A_278, %swap3A_279], %swap3A_282 {strides = array<i32>} : memref<1x4x32x8x128xf32, #tpu.memory_space<vmem>>, vector<1x4x1x8x128xf32>,
    %slice3A_283 = vector.extract_strided_slice %slice3A_242 {offsets = [0, 512], sizes = [32, 128], strides = [1, 1]} : vector<32x1024xf32> to vector<32x128xf32>
    %reshape3A_284 = vector.shape_cast %slice3A_283 : vector<32x128xf32> to vector<4x8x128xf32>
    %swap3A_285 = arith.constant 0 : index
    %swap3A_286 = arith.constant 0 : index
    %swap3A_287 = arith.constant 28 : index
    %swap3A_288 = arith.constant 0 : index
    %swap3A_289 = arith.constant 0 : index
    %swap3A_290 = vector.load %arg3[%swap3A_285, %swap3A_286, %swap3A_287, %swap3A_288, %swap3A_289] : memref<1x4x32x8x128xf32, #tpu.memory_space<vmem>>, vector<1x4x1x8x128xf32>
    %swap3A_291 = vector.shape_cast %swap3A_290 : vector<1x4x1x8x128xf32> to vector<4x8x128xf32>
    %swap3A_292 = vector.shape_cast %reshape3A_284 : vector<4x8x128xf32> to vector<1x4x1x8x128xf32>
    tpu.vector_store %arg3[%swap3A_285, %swap3A_286, %swap3A_287, %swap3A_288, %swap3A_289], %swap3A_292 {strides = array<i32>} : memref<1x4x32x8x128xf32, #tpu.memory_space<vmem>>, vector<1x4x1x8x128xf32>,
    %slice3A_293 = vector.extract_strided_slice %slice3A_242 {offsets = [0, 640], sizes = [32, 128], strides = [1, 1]} : vector<32x1024xf32> to vector<32x128xf32>
    %reshape3A_294 = vector.shape_cast %slice3A_293 : vector<32x128xf32> to vector<4x8x128xf32>
    %swap3A_295 = arith.constant 0 : index
    %swap3A_296 = arith.constant 0 : index
    %swap3A_297 = arith.constant 29 : index
    %swap3A_298 = arith.constant 0 : index
    %swap3A_299 = arith.constant 0 : index
    %swap3A_300 = vector.load %arg3[%swap3A_295, %swap3A_296, %swap3A_297, %swap3A_298, %swap3A_299] : memref<1x4x32x8x128xf32, #tpu.memory_space<vmem>>, vector<1x4x1x8x128xf32>
    %swap3A_301 = vector.shape_cast %swap3A_300 : vector<1x4x1x8x128xf32> to vector<4x8x128xf32>
    %swap3A_302 = vector.shape_cast %reshape3A_294 : vector<4x8x128xf32> to vector<1x4x1x8x128xf32>
    tpu.vector_store %arg3[%swap3A_295, %swap3A_296, %swap3A_297, %swap3A_298, %swap3A_299], %swap3A_302 {strides = array<i32>} : memref<1x4x32x8x128xf32, #tpu.memory_space<vmem>>, vector<1x4x1x8x128xf32>,
    %slice3A_303 = vector.extract_strided_slice %slice3A_242 {offsets = [0, 768], sizes = [32, 128], strides = [1, 1]} : vector<32x1024xf32> to vector<32x128xf32>
    %reshape3A_304 = vector.shape_cast %slice3A_303 : vector<32x128xf32> to vector<4x8x128xf32>
    %swap3A_305 = arith.constant 0 : index
    %swap3A_306 = arith.constant 0 : index
    %swap3A_307 = arith.constant 30 : index
    %swap3A_308 = arith.constant 0 : index
    %swap3A_309 = arith.constant 0 : index
    %swap3A_310 = vector.load %arg3[%swap3A_305, %swap3A_306, %swap3A_307, %swap3A_308, %swap3A_309] : memref<1x4x32x8x128xf32, #tpu.memory_space<vmem>>, vector<1x4x1x8x128xf32>
    %swap3A_311 = vector.shape_cast %swap3A_310 : vector<1x4x1x8x128xf32> to vector<4x8x128xf32>
    %swap3A_312 = vector.shape_cast %reshape3A_304 : vector<4x8x128xf32> to vector<1x4x1x8x128xf32>
    tpu.vector_store %arg3[%swap3A_305, %swap3A_306, %swap3A_307, %swap3A_308, %swap3A_309], %swap3A_312 {strides = array<i32>} : memref<1x4x32x8x128xf32, #tpu.memory_space<vmem>>, vector<1x4x1x8x128xf32>,
    %slice3A_313 = vector.extract_strided_slice %slice3A_242 {offsets = [0, 896], sizes = [32, 128], strides = [1, 1]} : vector<32x1024xf32> to vector<32x128xf32>
    %reshape3A_314 = vector.shape_cast %slice3A_313 : vector<32x128xf32> to vector<4x8x128xf32>
    %swap3A_315 = arith.constant 0 : index
    %swap3A_316 = arith.constant 0 : index
    %swap3A_317 = arith.constant 31 : index
    %swap3A_318 = arith.constant 0 : index
    %swap3A_319 = arith.constant 0 : index
    %swap3A_320 = vector.load %arg3[%swap3A_315, %swap3A_316, %swap3A_317, %swap3A_318, %swap3A_319] : memref<1x4x32x8x128xf32, #tpu.memory_space<vmem>>, vector<1x4x1x8x128xf32>
    %swap3A_321 = vector.shape_cast %swap3A_320 : vector<1x4x1x8x128xf32> to vector<4x8x128xf32>
    %swap3A_322 = vector.shape_cast %reshape3A_314 : vector<4x8x128xf32> to vector<1x4x1x8x128xf32>
    tpu.vector_store %arg3[%swap3A_315, %swap3A_316, %swap3A_317, %swap3A_318, %swap3A_319], %swap3A_322 {strides = array<i32>} : memref<1x4x32x8x128xf32, #tpu.memory_space<vmem>>, vector<1x4x1x8x128xf32>,
    return
  }
  func.func @transform_0(%arg0: i32, %arg1: i32) -> i32 {
    %mul3A = arith.constant 4 : i32
    %mul3A_0 = arith.muli %mul3A, %arg0 : i32
    %add3A = arith.addi %mul3A_0, %arg1 : i32
    %c0_i32 = arith.constant 0 : i32
    return %add3A : i32
  }
  func.func @transform_1(%arg0: i32, %arg1: i32) -> (i32, i32, i32, i32, i32) {
    %c0_i32 = arith.constant 0 : i32
    %c0_i32_0 = arith.constant 0 : i32
    %c0_i32_1 = arith.constant 0 : i32
    %c0_i32_2 = arith.constant 0 : i32
    return %arg0, %c0_i32, %arg1, %c0_i32_0, %c0_i32_1 : i32, i32, i32, i32, i32
  }
}

</mosaic_0001>

<sc_bundles>
// kernel: kernel.5.cloned.1.call-start
scs
__scs_entry_jumppad:
0x0: {  	(pc) =	sbr.rel $0x88, $3  }
0x1: {  	(tag) =	ssettag $0x0;
	lr =	simm.s32 $0x1  }
0x2: {  	[smem:$0x3F9F] =	sst lr;
	_ =	strace $0xD0000000  }
0x3: {  	_ = 	snop  }
0x4: {  	_ = 	snop  }
0x5: {  	_ = 	snop  }
0x6: {  	_ = 	snop  }
0x7: {  	_ = 	snop  }
__scs_overlays_trampoline_lowered:
0x8: {  	[smem:$0x3FAE] =	sst s0  }
0x9: {  	[smem:$0x3FAF] =	sst s1  }
0xa: {  	[smem:$0x3FB0] =	sst s2  }
0xb: {  	[smem:$0x3FB1] =	sst s3  }
0xc: {  	[smem:$0x3FB2] =	sst s4  }
0xd: {  	[smem:$0x3FB3] =	sst s5  }
0xe: {  	[smem:$0x3FB4] =	sst s6  }
0xf: {  	[smem:$0x3FB5] =	sst s7  }
0x10: {  	[smem:$0x3FB6] =	sst s8  }
0x11: {  	[smem:$0x3FB7] =	sst s9;
	s0 =	simm.s32 @!p0 $0x0  }
0x12: {  	s1 =	sld [smem:$0x3F9D];
	s0 =	simm.s32 @p0 $0x1  }
0x13: {  	[smem:$0x3FB8] =	sst s0;
	s0 =	simm.s32 @!p1 $0x0  }
0x14: {  	s2 =	sld [smem:$0x3F9C];
	s0 =	simm.s32 @p1 $0x1  }
0x15: {  	[smem:$0x3FB9] =	sst s0;
	s0 =	simm.s32 @!p2 $0x0  }
0x16: {  	s3 =	sld [smem:$0x3FDB];
	s0 =	simm.s32 @p2 $0x1  }
0x17: {  	s4 =	simm.s32 $0x1BF5;
	[smem:$0x3FBB] =	sst s0  }
0x18: {  	s0 =	sld [smem:$0x3F9E];
	_ =	swait.ge [sflag:s4], $0x0  }
0x19: {  	s7 =	sld [smem:$0x3F9F]  }
0x1a: {  	s8 =	sadd.s32 $0xFFFFE003, lr  }
0x1b: {  	s9 =	sadd.s32 $0xFFFFFEF7, lr;
	s5 =	simm.s32 $0xFFFFFFFF;
	p2 =	slt.u32 s8, $0xFFFFF086  }
0x1c: {  	p1 =	slt.u32 s9, $0xF7A;
	s5 =	simm.s32 @!p2 $0x0  }
0x1d: {  	s5 =	simm.s32 @p1 $0x1;
	p0 =	seq.s32 s7, s2  }
0x1e: {  	s7 =	smul.u32 @!p0 $0xF7A, s2;
	p2 =	seq.s32 @!p0 s5, $0x0  }
0x1f: {  	s9 =	smul.u32 $0xF7A, s1;
	s8 =	simm.s32 @!p0 $0x1BF5;
	p2 =	por !p2, p0  }
0x20: {  	[sflag:s8] =	ssyncset.s32 @!p0 $0xFFFFF086;
	s6 =	sadd.s32 @!p0 s3, s7;
	s7 =	simm.s32 @!p0 $0x108  }
0x21: {  	s3 =	sadd.s32 s3, s9;
	s6 =	sadd.s32 @!p0 $0x88, s6;
	s7 =	simm.s32 @p2 $0x1082  }
0x22: {  	[simem:s7], [sflag:s8] =	dma.local @!p0 [hbm:s6], $0xF7A  }
0x23: {  	s9 =	sor.u32 $0xD0000000, s2;
	s6 =	simm.s32 $0x108;
	_ =	swait.ge @!p0 [sflag:s8], $0x0  }
0x24: {  	s3 =	sadd.s32 $0x88, s3;
	s6 =	simm.s32 @!p1 $0x1082;
	[sflag:s4] =	ssyncset.s32 $0xFFFFF086  }
0x25: {  	[simem:s6], [sflag:s4] =	dma.local [hbm:s3], $0xF7A  }
0x26: {  	[smem:$0x3F9F] =	sst s1;
	(tag) =	ssettag s2;
	_ =	strace s9  }
0x27: {  	s1 =	sld [smem:$0x3FAF]  }
0x28: {  	s2 =	sld [smem:$0x3FB0]  }
0x29: {  	s4 =	sld [smem:$0x3FB2]  }
0x2a: {  	p0 =	seq.s32 s5, $0x0;
	s5 =	sld [smem:$0x3FB3]  }
0x2b: {  	s6 =	sld [smem:$0x3FB4]  }
0x2c: {  	s7 =	sld [smem:$0x3FB5]  }
0x2d: {  	s3 =	simm.s32 $0x108;
	s8 =	sld [smem:$0x3FB6]  }
0x2e: {  	s3 =	simm.s32 @!p0 $0x1082;
	s9 =	sld [smem:$0x3FB7]  }
0x2f: {  	lr =	sadd.s32 s0, s3;
	s0 =	sld [smem:$0x3FAE]  }
0x30: {  	s3 =	sld [smem:$0x3FB1]  }
0x31: {  	[smem:$0x3FBA] =	sst s10  }
0x32: {  	s10 =	sld [smem:$0x3FB8];
	_ =	sdelay $0x3  }
0x33: {  	p0 =	seq.s32 s10, $0x1;
	s10 =	sld [smem:$0x3FBA];
	_ =	sdelay $0x3  }
0x34: {  	[smem:$0x3FBA] =	sst s10  }
0x35: {  	s10 =	sld [smem:$0x3FB9];
	_ =	sdelay $0x3  }
0x36: {  	p1 =	seq.s32 s10, $0x1;
	s10 =	sld [smem:$0x3FBA];
	_ =	sdelay $0x3  }
0x37: {  	[smem:$0x3FBA] =	sst s10  }
0x38: {  	s10 =	sld [smem:$0x3FBB]  }
0x39: {  	_ = 	snop;
	(pc) =	sbr.ind lr, $3  }
0x3a: {  	_ = 	snop  }
0x3b: {  	_ = 	snop  }
0x3c: {  	p2 =	seq.s32 s10, $0x1;
	s10 =	sld [smem:$0x3FBA]  }
0x3d: {  	_ =	shalt  }
0x3e: {  	_ =	shalt  }
0x3f: {  	_ =	shalt  }
0x40: {  	_ =	shalt  }
0x41: {  	_ =	shalt  }
0x42: {  	_ =	shalt  }
0x43: {  	_ =	shalt  }
0x44: {  	_ =	shalt  }
0x45: {  	_ =	shalt  }
0x46: {  	_ =	shalt  }
0x47: {  	_ =	shalt  }
0x48: {  	_ =	shalt  }
0x49: {  	_ =	shalt  }
0x4a: {  	_ =	shalt  }
0x4b: {  	_ =	shalt  }
0x4c: {  	_ =	shalt  }
0x4d: {  	_ =	shalt  }
0x4e: {  	_ =	shalt  }
0x4f: {  	_ =	shalt  }
0x50: {  	_ =	shalt  }
0x51: {  	_ =	shalt  }
0x52: {  	_ =	shalt  }
0x53: {  	_ =	shalt  }
0x54: {  	_ =	shalt  }
0x55: {  	_ =	shalt  }
0x56: {  	_ =	shalt  }
0x57: {  	_ =	shalt  }
0x58: {  	_ =	shalt  }
0x59: {  	_ =	shalt  }
0x5a: {  	_ =	shalt  }
0x5b: {  	_ =	shalt  }
0x5c: {  	_ =	shalt  }
0x5d: {  	_ =	shalt  }
0x5e: {  	_ =	shalt  }
0x5f: {  	_ =	shalt  }
0x60: {  	_ =	shalt  }
0x61: {  	_ =	shalt  }
0x62: {  	_ =	shalt  }
0x63: {  	_ =	shalt  }
0x64: {  	_ =	shalt  }
0x65: {  	_ =	shalt  }
0x66: {  	_ =	shalt  }
0x67: {  	_ =	shalt  }
0x68: {  	_ =	shalt  }
0x69: {  	_ =	shalt  }
0x6a: {  	_ =	shalt  }
0x6b: {  	_ =	shalt  }
0x6c: {  	_ =	shalt  }
0x6d: {  	_ =	shalt  }
0x6e: {  	_ =	shalt  }
0x6f: {  	_ =	shalt  }
0x70: {  	_ =	shalt  }
0x71: {  	_ =	shalt  }
0x72: {  	_ =	shalt  }
0x73: {  	_ =	shalt  }
0x74: {  	_ =	shalt  }
0x75: {  	_ =	shalt  }
0x76: {  	_ =	shalt  }
0x77: {  	_ =	shalt  }
0x78: {  	_ =	shalt  }
0x79: {  	_ =	shalt  }
0x7a: {  	_ =	shalt  }
0x7b: {  	_ =	shalt  }
0x7c: {  	_ =	shalt  }
0x7d: {  	_ =	shalt  }
0x7e: {  	_ =	shalt  }
0x7f: {  	_ =	shalt  }
0x80: {  	_ =	shalt  }
0x81: {  	_ =	shalt  }
0x82: {  	_ =	shalt  }
0x83: {  	_ =	shalt  }
0x84: {  	_ =	shalt  }
0x85: {  	_ =	shalt  }
0x86: {  	_ =	shalt  }
0x87: {  	_ =	shalt  }
.Lfunc_end0:
.L_simem_size_0:
called_computation_lowered:
.L_overlay_start_0:
0x88: {  	s2 =	sld [smem:$0x3FD9]  }
0x89: {  	s3 =	sld [smem:$0x3FFE];
	_ =	sdelay $0x1  }
0x8a: {  	s1 =	srdreg.scid  }
0x8b: {  	s0 =	sand.u32 $0x1, s1  }
0x8c: {  	s17 =	sshll.u32 s0, $0xA;
	s2 =	sadd.s32 s3, s2  }
0x8d: {  	s2 =	sadd.s32 s2, s17  }
0x8e: {  	[smem:$0x3FC6] =	sst s2  }
0x8f: {  	_ = 	snop  }
0x90: {  	s2 =	sld [smem:$0x3FD0];
	(tm) =	ssettm $0x1  }
0x91: {  	s18 =	sld [smem:$0x3FFB];
	_ =	sdelay $0x3  }
0x92: {  	_ =	strace s18  }
0x93: {  	s3 =	sld [smem:$0x3FFC];
	_ =	sdelay $0x3  }
0x94: {  	_ =	strace s3  }
0x95: {  	s3 =	sld [smem:$0x3FFD];
	_ =	sdelay $0x3  }
0x96: {  	_ =	strace s3  }
0x97: {  	_ =	strace $0x8FFFFFFF  }
0x98: {  	s19 =	sld [smem:$0x3FDB];
	_ =	sdelay $0x1  }
0x99: {  	s4 =	simm.s32 $_scs_section_size  }
0x9a: {  	s5 =	simm.s32 $_size__tile_overlayer_lowered;
	s6 =	simm.s32 $_tile_overlayer_lowered  }
0x9b: {  	s22 =	simm.s32 $0x1BFF;
	s21 =	sshll.u32 s6, $0x1;
	s3 =	sadd.s32 s4, s19  }
0x9c: {  	s7 =	simm.s32 $0x0;
	s20 =	sshll.u32 s5, $0x1;
	s5 =	sadd.s32 s21, s3  }
0x9d: {  	[timem:s7], [sflag:s22] =	dma.local [hbm:s5], s20  }
0x9e: {  	_ =	swait.ge [sflag:s22], s20  }
0x9f: {  	s4 =	ssub.s32 $0x0, s20;
	[sflag:s22] =	ssyncset.done $0x0  }
0xa0: {  	[sflag:s22] =	ssyncadd.s32 s4;
	_ =	sdelay $0x1  }
0xa1: {  	s23 =	simm.s32 $0x1B8B  }
0xa2: {  	_ =	swait.ge [sflag:s23], $0x1  }
0xa3: {  	[sflag:s23] =	ssyncset.done $0x0  }
0xa4: {  	s25 =	simm.s32 $0x1B8E;
	s24 =	sld [smem:$0x3FFE];
	[sflag:s23] =	ssyncadd.s32 $0xFFFFFFFF  }
0xa5: {  	s26 =	simm.s32 $execute0_lowered;
	[smem:$0x3FD2] =	sst s25  }
0xa6: {  	s5 =	sshll.u32 s26, $0x1;
	_ =	strace $0x80000046;
	[dreg:$0x1] =	wrdreg $0xFFFFFFFF  }
0xa7: {  	s28 =	simm.s32 $_size_execute0_lowered;
	s3 =	sadd.s32 s3, s5;
	[dreg:$0x0] =	wrdreg $0x0  }
0xa8: {  	s5 =	sshll.u32 s28, $0x1;
	[dreg:$0x2] =	wrdreg s3  }
0xa9: {  	[dreg:$0x3] =	wrdreg s5  }
0xaa: {  	[dreg:$0x4] =	wrdreg $0xC0  }
0xab: {  	_ =	task [dreg:s7], $0x5FFFF  }
0xac: {  	[dreg:$0x1] =	wrdreg $0xFFFFFFFF  }
0xad: {  	[dreg:$0x0] =	wrdreg $0x60  }
0xae: {  	[dreg:$0x2] =	wrdreg s2  }
0xaf: {  	[dreg:$0x3] =	wrdreg s24  }
0xb0: {  	[dreg:$0x4] =	wrdreg $0x9  }
0xb1: {  	_ =	task.clear_ibuf [dreg:s7], $0x5FFFF;
	_ =	strace $0x90000046  }
0xb2: {  	s29 =	simm.s32 $0x9;
	_ =	strace $0x80000048  }
0xb3: {  	_ =	swait.ge [sflag:s29], $0x1  }
0xb4: {  	[sflag:s29] =	ssyncadd.s32 $0xFFFFFFFF  }
0xb5: {  	_ =	strace $0x90000048  }
0xb6: {  	_ =	sfence  }
0xb7: {  	s30 =	sld [smem:$0x0];
	_ =	sdelay $0x2  }
0xb8: {  	s31 =	sshll.u32 s1, $0xD;
	s1 =	sshrl.u32 s1, $0x2  }
0xb9: {  	s3 =	sand.u32 $0x4000, s31;
	s1 =	sadd.s32 s1, s30  }
0xba: {  	s0 =	sor.u32 s3, s0;
	s1 =	sshll.u32 s1, $0x11  }
0xbb: {  	s0 =	sor.u32 s1, s0  }
0xbc: {  	s0 =	sadd.s32 $0x8F2B, s0  }
0xbd: {  	[sflag:s0] =	ssyncadd.remote.s32 $0x1  }
0xbe: {  	_ =	sfence.sel $0xFFFF  }
0xbf: {  	[dreg:$0x0] =	wrdreg $0xFFFFFFFF;
	(pc) =	sbr.abs _section_cstart, $3  }
0xc0: {  	[dreg:$0x1] =	wrdreg $0xFFFFFFFF  }
0xc1: {  	_ =	task.clear_ibuf [dreg:s7], $0x2FFFF;
	_ =	strace $0x9FFFFFFF  }
0xc2: {  	(tm) =	ssettm $0x7FFFFFFF  }
0xc3: {  	_ =	shalt  }
tec
execute0_lowered:
.L_overlay_start_1:
0x0: {  	(tag) =	ssettag $0x1  }
0x1: {  	s0 =	srdreg.scid;
	s4 =	rddreg [dreg:$0x0]  }
0x2: {  	s1 =	stileid.u32;
	s2 =	rddreg [dreg:$0x1];
	s12 =	simm.s32 $0x0  }
0x3: {  	s31 =	simm.s32 $0x5;
	s5 =	sand.u32 $0x1, s0;
	s6 =	sshll.u32 s1, $0x1  }
0x4: {  	s30 =	simm.s32 $0x2000;
	s29 =	simm.s32 $0x2400;
	s0 =	sor.u32 s5, s6  }
0x5: {  	s28 =	simm.s32 $0x2800;
	p0 =	por $0x0, $0x0;
	s6 =	smul.u32 $0xC80, s0  }
0x6: {  	[smem:$0x7FF] =	sst s12;
	s1 =	sadd.s32 $0x3D8400, s2;
	s3 =	smul.u32 $0x19, s0  }
0x7: {  	s2 =	sadd.s32 $0x400, s2;
	_ =	strace $0x80000047;
	s7 =	smul.u32 $0xC8000, s0  }
0x8: {  	s5 =	ssub.s32 $0x2, s5;
	s0 =	sshll.u32 s0, $0x5;
	s4 =	sadd.s32 s4, s6  }
0x9: {  	s0 =	sor.u32 s0, s7;
	s7 =	sadd.s32 $0x1, s3;
	s10 =	sadd.s32 $0x2, s3  }
0xa: {  	s13 =	sadd.s32 $0x3, s3;
	s17 =	sadd.s32 $0x5, s3;
	s21 =	sadd.s32 $0x6, s3  }
0xb: {  	s23 =	sadd.s32 $0x7, s3;
	[dreg:$0x3] =	wrdreg s4;
	s4 =	sand.u32 $0x1FE0060, s0  }
0xc: {  	s8 =	sshll.u32 s7, $0x2;
	s6 =	sshll.u32 s7, $0xC;
	s11 =	sshll.u32 s10, $0xC  }
0xd: {  	s19 =	sshll.u32 s17, $0x2;
	s22 =	sshll.u32 s21, $0xC;
	s24 =	sshll.u32 s23, $0x2  }
0xe: {  	s9 =	sshrl.u32 s4, $0x3;
	s0 =	sand.u32 $0xC, s8;
	s6 =	sand.u32 $0x7FC000, s6  }
0xf: {  	s8 =	sshll.u32 s13, $0x2;
	s18 =	sadd.s32 $0x20000, s4;
	s7 =	sadd.s32 s1, s9  }
0x10: {  	s0 =	sadd.s32 s1, s0;
	s8 =	sand.u32 $0xC, s8;
	[dreg:$0x4] =	wrdreg s7  }
0x11: {  	s0 =	sadd.s32 s6, s0;
	s6 =	sand.u32 $0x7FC000, s11;
	s7 =	sshll.u32 s13, $0xC  }
0x12: {  	s15 =	sadd.s32 s1, s8;
	s8 =	sand.u32 $0xC, s24;
	s11 =	sadd.s32 $0xA, s3  }
0x13: {  	[dreg:$0x5] =	wrdreg s0;
	s0 =	sshll.u32 s10, $0x2;
	s14 =	sand.u32 $0x7FC000, s7  }
0x14: {  	s7 =	sand.u32 $0xC, s19;
	s26 =	sadd.s32 s1, s8;
	s8 =	sadd.s32 $0x40000, s4  }
0x15: {  	s13 =	sshll.u32 s11, $0xC;
	s19 =	sadd.s32 $0xD, s3;
	s0 =	sand.u32 $0xC, s0  }
0x16: {  	s16 =	sadd.s32 s14, s15;
	s7 =	sadd.s32 s1, s7;
	s0 =	sadd.s32 s1, s0  }
0x17: {  	s14 =	sadd.s32 $0xB, s3;
	[dreg:$0x7] =	wrdreg s16;
	s0 =	sadd.s32 s6, s0  }
0x18: {  	s6 =	sshll.u32 s17, $0xC;
	[dreg:$0x6] =	wrdreg s0;
	s0 =	sshrl.u32 s18, $0x3  }
0x19: {  	s15 =	sshll.u32 s14, $0x2;
	s6 =	sand.u32 $0x7FC000, s6;
	s0 =	sadd.s32 s1, s0  }
0x1a: {  	s20 =	sadd.s32 s6, s7;
	s6 =	sand.u32 $0x7FC000, s22;
	s7 =	sshll.u32 s23, $0xC  }
0x1b: {  	s23 =	sadd.s32 $0xE, s3;
	[dreg:$0x8] =	wrdreg s0;
	s0 =	sshll.u32 s21, $0x2  }
0x1c: {  	[dreg:$0x9] =	wrdreg s20;
	s25 =	sand.u32 $0x7FC000, s7;
	s0 =	sand.u32 $0xC, s0  }
0x1d: {  	s7 =	sadd.s32 $0x9, s3;
	s20 =	sadd.s32 $0x60000, s4;
	s0 =	sadd.s32 s1, s0  }
0x1e: {  	s21 =	sshll.u32 s19, $0x2;
	s24 =	sshll.u32 s23, $0xC;
	s0 =	sadd.s32 s6, s0  }
0x1f: {  	s9 =	sshll.u32 s7, $0x2;
	s6 =	sadd.s32 s25, s26;
	[dreg:$0xa] =	wrdreg s0  }
0x20: {  	s25 =	sadd.s32 $0xF, s3;
	[dreg:$0xb] =	wrdreg s6;
	s0 =	sshrl.u32 s8, $0x3  }
0x21: {  	s6 =	sshll.u32 s7, $0xC;
	s7 =	sand.u32 $0xC, s9;
	s8 =	sand.u32 $0xC, s15  }
0x22: {  	s26 =	sshll.u32 s25, $0x2;
	s0 =	sadd.s32 s1, s0;
	s6 =	sand.u32 $0x7FC000, s6  }
0x23: {  	s7 =	sadd.s32 s1, s7;
	s17 =	sadd.s32 s1, s8;
	s8 =	sand.u32 $0xC, s26  }
0x24: {  	[dreg:$0xc] =	wrdreg s0;
	s10 =	sadd.s32 s6, s7;
	s0 =	sshll.u32 s11, $0x2  }
0x25: {  	s6 =	sand.u32 $0x7FC000, s13;
	s7 =	sshll.u32 s14, $0xC;
	s13 =	sadd.s32 $0x11, s3  }
0x26: {  	s14 =	sadd.s32 $0x80000, s4;
	[dreg:$0xd] =	wrdreg s10;
	s0 =	sand.u32 $0xC, s0  }
0x27: {  	s16 =	sand.u32 $0x7FC000, s7;
	s7 =	sand.u32 $0xC, s21;
	s10 =	sadd.s32 s1, s8  }
0x28: {  	s15 =	sshll.u32 s13, $0x2;
	s0 =	sadd.s32 s1, s0;
	s18 =	sadd.s32 s16, s17  }
0x29: {  	s7 =	sadd.s32 s1, s7;
	s17 =	sadd.s32 $0x12, s3;
	s0 =	sadd.s32 s6, s0  }
0x2a: {  	[dreg:$0xf] =	wrdreg s18;
	s6 =	sshll.u32 s19, $0xC;
	s18 =	sshll.u32 s17, $0xC  }
0x2b: {  	s19 =	sadd.s32 $0x13, s3;
	[dreg:$0xe] =	wrdreg s0;
	s0 =	sshrl.u32 s20, $0x3  }
0x2c: {  	s6 =	sand.u32 $0x7FC000, s6;
	s20 =	sshll.u32 s19, $0x2;
	s0 =	sadd.s32 s1, s0  }
0x2d: {  	s22 =	sadd.s32 s6, s7;
	s6 =	sand.u32 $0x7FC000, s24;
	s7 =	sshll.u32 s25, $0xC  }
0x2e: {  	s8 =	sand.u32 $0xC, s20;
	s24 =	sadd.s32 $0x15, s3;
	s25 =	sadd.s32 $0xA0000, s4  }
0x2f: {  	s4 =	sadd.s32 $0xC0000, s4;
	s20 =	simm.s32 $0x4400;
	[dreg:$0x10] =	wrdreg s0  }
0x30: {  	[dreg:$0x11] =	wrdreg s22;
	s0 =	sshll.u32 s23, $0x2;
	s9 =	sand.u32 $0x7FC000, s7  }
0x31: {  	s7 =	sand.u32 $0xC, s15;
	s22 =	sadd.s32 s1, s8;
	s26 =	sshll.u32 s24, $0x2  }
0x32: {  	s8 =	sadd.s32 $0x16, s3;
	s3 =	sadd.s32 $0x17, s3;
	s15 =	sshrl.u32 s4, $0x3  }
0x33: {  	s4 =	simm.s32 $0x1;
	s0 =	sand.u32 $0xC, s0;
	s11 =	sadd.s32 s9, s10  }
0x34: {  	s7 =	sadd.s32 s1, s7;
	s9 =	sshrl.u32 s5, $0x1;
	s10 =	sshll.u32 s8, $0x2  }
0x35: {  	s0 =	sadd.s32 s1, s0;
	[dreg:$0x13] =	wrdreg s11;
	s11 =	sshll.u32 s3, $0x2  }
0x36: {  	s3 =	sshll.u32 s3, $0xC;
	s0 =	sadd.s32 s6, s0;
	s6 =	sshll.u32 s13, $0xC  }
0x37: {  	s13 =	sand.u32 $0xC, s11;
	s3 =	sand.u32 $0x7FC000, s3;
	s11 =	simm.s32 $0x2  }
0x38: {  	[dreg:$0x12] =	wrdreg s0;
	s0 =	sshrl.u32 s14, $0x3;
	s6 =	sand.u32 $0x7FC000, s6  }
0x39: {  	s0 =	sadd.s32 s1, s0;
	s16 =	sadd.s32 s6, s7;
	s6 =	sand.u32 $0x7FC000, s18  }
0x3a: {  	s7 =	sshll.u32 s19, $0xC;
	s19 =	simm.s32 $0x4800;
	[dreg:$0x14] =	wrdreg s0  }
0x3b: {  	[dreg:$0x15] =	wrdreg s16;
	s0 =	sshll.u32 s17, $0x2;
	s21 =	sand.u32 $0x7FC000, s7  }
0x3c: {  	s7 =	sand.u32 $0xC, s26;
	s16 =	ssub.s32 s5, s9;
	s17 =	sadd.s32 s1, s15  }
0x3d: {  	s5 =	simm.s32 $0xE400;
	s9 =	simm.s32 $0x80;
	s26 =	simm.s32 $0x1C00  }
0x3e: {  	s15 =	simm.s32 $0x5800;
	s0 =	sand.u32 $0xC, s0;
	s23 =	sadd.s32 s21, s22  }
0x3f: {  	s7 =	sadd.s32 s1, s7;
	[dreg:$0x1c] =	wrdreg s17;
	s18 =	smax.u32 s16, $0x1  }
0x40: {  	s21 =	simm.s32 $0x800;
	s22 =	simm.s32 $0xC00;
	[smem:$0x7FD] =	sst s26  }
0x41: {  	s26 =	simm.s32 $0x2C00;
	s17 =	simm.s32 $0x5000;
	[dreg:$0x17] =	wrdreg s23  }
0x42: {  	s16 =	simm.s32 $0x5400;
	s0 =	sadd.s32 s1, s0;
	[dreg:$0x1d] =	wrdreg s21  }
0x43: {  	[dreg:$0x1e] =	wrdreg s22;
	s23 =	simm.s32 $0x1000;
	s22 =	simm.s32 $0x3C00  }
0x44: {  	s21 =	simm.s32 $0x4000;
	p1 =	sne.s32 s18, $0x1;
	s0 =	sadd.s32 s6, s0  }
0x45: {  	s6 =	sshll.u32 s24, $0xC;
	[dreg:$0x1f] =	wrdreg s23;
	s24 =	simm.s32 $0x1400  }
0x46: {  	s23 =	simm.s32 $0x3800;
	[dreg:$0x16] =	wrdreg s0;
	s0 =	sshrl.u32 s25, $0x3  }
0x47: {  	s6 =	sand.u32 $0x7FC000, s6;
	[smem:$0x7FB] =	sst s24;
	s25 =	simm.s32 $0x1800  }
0x48: {  	s24 =	simm.s32 $0x3400;
	s0 =	sadd.s32 s1, s0;
	[smem:$0x7FC] =	sst s25  }
0x49: {  	s7 =	sadd.s32 s6, s7;
	s6 =	sshll.u32 s8, $0xC;
	[dreg:$0x18] =	wrdreg s0  }
0x4a: {  	s8 =	simm.s32 $0x400;
	s25 =	simm.s32 $0x3000;
	[dreg:$0x19] =	wrdreg s7  }
0x4b: {  	s0 =	sand.u32 $0xC, s10;
	s6 =	sand.u32 $0x7FC000, s6;
	s7 =	simm.s32 $0x3  }
.Ltmp0:
0x4c: {  	s10 =	simm.s32 $0x4;
	s0 =	sadd.s32 s1, s0;
	(pc) =	sbr.rel @!p1 .LBB2_3-.Ltmp0, $4  }
0x4d: {  	s0 =	sadd.s32 s6, s0;
	s6 =	sadd.s32 s1, s13;
	s1 =	sadd.s32 $0xFFFFFFFF, s18  }
0x4e: {  	s18 =	simm.s32 $0x4C00;
	s13 =	simm.s32 $0x6000;
	[dreg:$0x1a] =	wrdreg s0  }
0x4f: {  	s14 =	sadd.s32 s3, s6;
	s3 =	simm.s32 $0x6400;
	s0 =	rddreg [dreg:$0x3]  }
0x50: {  	s6 =	simm.s32 $0x20;
	[dreg:$0x1b] =	wrdreg s14;
	s14 =	simm.s32 $0x5C00  }
0x51: {  	[tilespmem:s12], [sflag:$0x5] =	stream.linear.gather [hbm4b:s0+s12], $0x6400, $0x38;
	[tilespmem:$0x16400] =	vst v63  }
0x52: {  	_ =	swait.ge [sflag:s31], $0x6400  }
0x53: {  	[sflag:s31] =	ssyncset.done $0x0  }
0x54: {  	[sflag:s31] =	ssyncadd.s32 $0xFFFF9C00  }
0x55: {  	[tilespmem:s3], [sflag:$0x1] =	stream.indirect.gather [hbm4b:s2+s8], $0x20, s12, s8, $0xb8;
	[tilespmem:$0x16400] =	vst v63  }
0x56: {  	_ = 	snop  }
0x57: {  	[tilespmem:s5], [sflag:$0x2] =	stream.indirect.gather [hbm4b:s2+s8], $0x20, s8, s8, $0xb8;
	[tilespmem:$0x16400] =	vst v63  }
0x58: {  	_ =	swait.ge [sflag:s4], $0x8000  }
0x59: {  	[sflag:s4] =	ssyncset.done $0x0  }
0x5a: {  	s0 =	rddreg [dreg:$0x4];
	[sflag:s4] =	ssyncadd.s32 $0xFFFF8000  }
0x5b: {  	[hbm4b:s0+s6] =	stream.strided.scatter [tilespmem:s3], [sflag:$0x3], $0x8000, s9, s6, $0x38;
	[tilespmem:$0x16400] =	vst v63  }
0x5c: {  	_ =	swait.ge [sflag:s7], $0x8000  }
0x5d: {  	[sflag:s7] =	ssyncset.done $0x0  }
0x5e: {  	s0 =	rddreg [dreg:$0x1d];
	[sflag:s7] =	ssyncadd.s32 $0xFFFF8000  }
0x5f: {  	[tilespmem:s3], [sflag:$0x1] =	stream.indirect.gather [hbm4b:s2+s8], $0x20, s0, s8, $0xb8;
	[tilespmem:$0x16400] =	vst v63  }
0x60: {  	_ =	swait.ge [sflag:s11], $0x8000  }
0x61: {  	[sflag:s11] =	ssyncset.done $0x0  }
0x62: {  	s0 =	rddreg [dreg:$0x5];
	[sflag:s11] =	ssyncadd.s32 $0xFFFF8000  }
0x63: {  	[hbm4b:s0+s6] =	stream.strided.scatter [tilespmem:s5], [sflag:$0x4], $0x8000, s9, s6, $0x38;
	[tilespmem:$0x16400] =	vst v63  }
0x64: {  	_ =	swait.ge [sflag:s10], $0x8000  }
0x65: {  	[sflag:s10] =	ssyncset.done $0x0  }
0x66: {  	s0 =	rddreg [dreg:$0x1e];
	[sflag:s10] =	ssyncadd.s32 $0xFFFF8000  }
0x67: {  	[tilespmem:s5], [sflag:$0x2] =	stream.indirect.gather [hbm4b:s2+s8], $0x20, s0, s8, $0xb8;
	[tilespmem:$0x16400] =	vst v63  }
0x68: {  	_ =	swait.ge [sflag:s4], $0x8000  }
0x69: {  	[sflag:s4] =	ssyncset.done $0x0  }
0x6a: {  	s0 =	rddreg [dreg:$0x6];
	[sflag:s4] =	ssyncadd.s32 $0xFFFF8000  }
0x6b: {  	[hbm4b:s0+s6] =	stream.strided.scatter [tilespmem:s3], [sflag:$0x3], $0x8000, s9, s6, $0x38;
	[tilespmem:$0x16400] =	vst v63  }
0x6c: {  	_ =	swait.ge [sflag:s7], $0x8000  }
0x6d: {  	[sflag:s7] =	ssyncset.done $0x0  }
0x6e: {  	s0 =	rddreg [dreg:$0x1f];
	[sflag:s7] =	ssyncadd.s32 $0xFFFF8000  }
0x6f: {  	[tilespmem:s3], [sflag:$0x1] =	stream.indirect.gather [hbm4b:s2+s8], $0x20, s0, s8, $0xb8;
	[tilespmem:$0x16400] =	vst v63  }
0x70: {  	_ =	swait.ge [sflag:s11], $0x8000  }
0x71: {  	[sflag:s11] =	ssyncset.done $0x0  }
0x72: {  	s0 =	rddreg [dreg:$0x7];
	[sflag:s11] =	ssyncadd.s32 $0xFFFF8000  }
0x73: {  	[hbm4b:s0+s6] =	stream.strided.scatter [tilespmem:s5], [sflag:$0x4], $0x8000, s9, s6, $0x38;
	[tilespmem:$0x16400] =	vst v63  }
0x74: {  	_ =	swait.ge [sflag:s10], $0x8000  }
0x75: {  	s0 =	sld [smem:$0x7FB]  }
0x76: {  	[sflag:s10] =	ssyncset.done $0x0  }
0x77: {  	[sflag:s10] =	ssyncadd.s32 $0xFFFF8000  }
0x78: {  	[tilespmem:s5], [sflag:$0x2] =	stream.indirect.gather [hbm4b:s2+s8], $0x20, s0, s8, $0xb8;
	[tilespmem:$0x16400] =	vst v63  }
0x79: {  	_ =	swait.ge [sflag:s4], $0x8000  }
0x7a: {  	[sflag:s4] =	ssyncset.done $0x0  }
0x7b: {  	s0 =	rddreg [dreg:$0x8];
	[sflag:s4] =	ssyncadd.s32 $0xFFFF8000  }
0x7c: {  	[hbm4b:s0+s6] =	stream.strided.scatter [tilespmem:s3], [sflag:$0x3], $0x8000, s9, s6, $0x38;
	[tilespmem:$0x16400] =	vst v63  }
0x7d: {  	_ =	swait.ge [sflag:s7], $0x8000  }
0x7e: {  	s0 =	sld [smem:$0x7FC]  }
0x7f: {  	[sflag:s7] =	ssyncset.done $0x0  }
0x80: {  	[sflag:s7] =	ssyncadd.s32 $0xFFFF8000  }
0x81: {  	[tilespmem:s3], [sflag:$0x1] =	stream.indirect.gather [hbm4b:s2+s8], $0x20, s0, s8, $0xb8;
	[tilespmem:$0x16400] =	vst v63  }
0x82: {  	_ =	swait.ge [sflag:s11], $0x8000  }
0x83: {  	[sflag:s11] =	ssyncset.done $0x0  }
0x84: {  	s0 =	rddreg [dreg:$0x9];
	[sflag:s11] =	ssyncadd.s32 $0xFFFF8000  }
0x85: {  	[hbm4b:s0+s6] =	stream.strided.scatter [tilespmem:s5], [sflag:$0x4], $0x8000, s9, s6, $0x38;
	[tilespmem:$0x16400] =	vst v63  }
0x86: {  	_ =	swait.ge [sflag:s10], $0x8000  }
0x87: {  	s0 =	sld [smem:$0x7FD]  }
0x88: {  	[sflag:s10] =	ssyncset.done $0x0  }
0x89: {  	[sflag:s10] =	ssyncadd.s32 $0xFFFF8000  }
0x8a: {  	[tilespmem:s5], [sflag:$0x2] =	stream.indirect.gather [hbm4b:s2+s8], $0x20, s0, s8, $0xb8;
	[tilespmem:$0x16400] =	vst v63  }
0x8b: {  	_ =	swait.ge [sflag:s4], $0x8000  }
0x8c: {  	[sflag:s4] =	ssyncset.done $0x0  }
0x8d: {  	s0 =	rddreg [dreg:$0xa];
	[sflag:s4] =	ssyncadd.s32 $0xFFFF8000  }
0x8e: {  	[hbm4b:s0+s6] =	stream.strided.scatter [tilespmem:s3], [sflag:$0x3], $0x8000, s9, s6, $0x38;
	[tilespmem:$0x16400] =	vst v63  }
0x8f: {  	_ =	swait.ge [sflag:s7], $0x8000  }
0x90: {  	[sflag:s7] =	ssyncset.done $0x0  }
0x91: {  	[sflag:s7] =	ssyncadd.s32 $0xFFFF8000  }
0x92: {  	[tilespmem:s3], [sflag:$0x1] =	stream.indirect.gather [hbm4b:s2+s8], $0x20, s30, s8, $0xb8;
	[tilespmem:$0x16400] =	vst v63  }
0x93: {  	_ =	swait.ge [sflag:s11], $0x8000  }
0x94: {  	[sflag:s11] =	ssyncset.done $0x0  }
0x95: {  	s0 =	rddreg [dreg:$0xb];
	[sflag:s11] =	ssyncadd.s32 $0xFFFF8000  }
0x96: {  	[hbm4b:s0+s6] =	stream.strided.scatter [tilespmem:s5], [sflag:$0x4], $0x8000, s9, s6, $0x38;
	[tilespmem:$0x16400] =	vst v63  }
0x97: {  	_ =	swait.ge [sflag:s10], $0x8000  }
0x98: {  	[sflag:s10] =	ssyncset.done $0x0  }
0x99: {  	[sflag:s10] =	ssyncadd.s32 $0xFFFF8000  }
0x9a: {  	[tilespmem:s5], [sflag:$0x2] =	stream.indirect.gather [hbm4b:s2+s8], $0x20, s29, s8, $0xb8;
	[tilespmem:$0x16400] =	vst v63  }
0x9b: {  	_ =	swait.ge [sflag:s4], $0x8000  }
0x9c: {  	[sflag:s4] =	ssyncset.done $0x0  }
0x9d: {  	s0 =	rddreg [dreg:$0xc];
	[sflag:s4] =	ssyncadd.s32 $0xFFFF8000  }
0x9e: {  	[hbm4b:s0+s6] =	stream.strided.scatter [tilespmem:s3], [sflag:$0x3], $0x8000, s9, s6, $0x38;
	[tilespmem:$0x16400] =	vst v63  }
0x9f: {  	_ =	swait.ge [sflag:s7], $0x8000  }
0xa0: {  	[sflag:s7] =	ssyncset.done $0x0  }
0xa1: {  	[sflag:s7] =	ssyncadd.s32 $0xFFFF8000  }
0xa2: {  	[tilespmem:s3], [sflag:$0x1] =	stream.indirect.gather [hbm4b:s2+s8], $0x20, s28, s8, $0xb8;
	[tilespmem:$0x16400] =	vst v63  }
0xa3: {  	_ =	swait.ge [sflag:s11], $0x8000  }
0xa4: {  	[sflag:s11] =	ssyncset.done $0x0  }
0xa5: {  	s0 =	rddreg [dreg:$0xd];
	[sflag:s11] =	ssyncadd.s32 $0xFFFF8000  }
0xa6: {  	[hbm4b:s0+s6] =	stream.strided.scatter [tilespmem:s5], [sflag:$0x4], $0x8000, s9, s6, $0x38;
	[tilespmem:$0x16400] =	vst v63  }
0xa7: {  	_ =	swait.ge [sflag:s10], $0x8000  }
0xa8: {  	[sflag:s10] =	ssyncset.done $0x0  }
0xa9: {  	[sflag:s10] =	ssyncadd.s32 $0xFFFF8000  }
0xaa: {  	[tilespmem:s5], [sflag:$0x2] =	stream.indirect.gather [hbm4b:s2+s8], $0x20, s26, s8, $0xb8;
	[tilespmem:$0x16400] =	vst v63  }
0xab: {  	_ =	swait.ge [sflag:s4], $0x8000  }
0xac: {  	[sflag:s4] =	ssyncset.done $0x0  }
0xad: {  	s0 =	rddreg [dreg:$0xe];
	[sflag:s4] =	ssyncadd.s32 $0xFFFF8000  }
0xae: {  	[hbm4b:s0+s6] =	stream.strided.scatter [tilespmem:s3], [sflag:$0x3], $0x8000, s9, s6, $0x38;
	[tilespmem:$0x16400] =	vst v63  }
0xaf: {  	_ =	swait.ge [sflag:s7], $0x8000  }
0xb0: {  	[sflag:s7] =	ssyncset.done $0x0  }
0xb1: {  	[sflag:s7] =	ssyncadd.s32 $0xFFFF8000  }
0xb2: {  	[tilespmem:s3], [sflag:$0x1] =	stream.indirect.gather [hbm4b:s2+s8], $0x20, s25, s8, $0xb8;
	[tilespmem:$0x16400] =	vst v63  }
0xb3: {  	_ =	swait.ge [sflag:s11], $0x8000  }
0xb4: {  	[sflag:s11] =	ssyncset.done $0x0  }
0xb5: {  	s0 =	rddreg [dreg:$0xf];
	[sflag:s11] =	ssyncadd.s32 $0xFFFF8000  }
0xb6: {  	[hbm4b:s0+s6] =	stream.strided.scatter [tilespmem:s5], [sflag:$0x4], $0x8000, s9, s6, $0x38;
	[tilespmem:$0x16400] =	vst v63  }
0xb7: {  	_ =	swait.ge [sflag:s10], $0x8000  }
0xb8: {  	[sflag:s10] =	ssyncset.done $0x0  }
0xb9: {  	[sflag:s10] =	ssyncadd.s32 $0xFFFF8000  }
0xba: {  	[tilespmem:s5], [sflag:$0x2] =	stream.indirect.gather [hbm4b:s2+s8], $0x20, s24, s8, $0xb8;
	[tilespmem:$0x16400] =	vst v63  }
0xbb: {  	_ =	swait.ge [sflag:s4], $0x8000  }
0xbc: {  	[sflag:s4] =	ssyncset.done $0x0  }
0xbd: {  	s0 =	rddreg [dreg:$0x10];
	[sflag:s4] =	ssyncadd.s32 $0xFFFF8000  }
0xbe: {  	[hbm4b:s0+s6] =	stream.strided.scatter [tilespmem:s3], [sflag:$0x3], $0x8000, s9, s6, $0x38;
	[tilespmem:$0x16400] =	vst v63  }
0xbf: {  	_ =	swait.ge [sflag:s7], $0x8000  }
0xc0: {  	[sflag:s7] =	ssyncset.done $0x0  }
0xc1: {  	[sflag:s7] =	ssyncadd.s32 $0xFFFF8000  }
0xc2: {  	[tilespmem:s3], [sflag:$0x1] =	stream.indirect.gather [hbm4b:s2+s8], $0x20, s23, s8, $0xb8;
	[tilespmem:$0x16400] =	vst v63  }
0xc3: {  	_ =	swait.ge [sflag:s11], $0x8000  }
0xc4: {  	[sflag:s11] =	ssyncset.done $0x0  }
0xc5: {  	s0 =	rddreg [dreg:$0x11];
	[sflag:s11] =	ssyncadd.s32 $0xFFFF8000  }
0xc6: {  	[hbm4b:s0+s6] =	stream.strided.scatter [tilespmem:s5], [sflag:$0x4], $0x8000, s9, s6, $0x38;
	[tilespmem:$0x16400] =	vst v63  }
0xc7: {  	_ =	swait.ge [sflag:s10], $0x8000  }
0xc8: {  	[sflag:s10] =	ssyncset.done $0x0  }
0xc9: {  	[sflag:s10] =	ssyncadd.s32 $0xFFFF8000  }
0xca: {  	[tilespmem:s5], [sflag:$0x2] =	stream.indirect.gather [hbm4b:s2+s8], $0x20, s22, s8, $0xb8;
	[tilespmem:$0x16400] =	vst v63  }
0xcb: {  	_ =	swait.ge [sflag:s4], $0x8000  }
0xcc: {  	[sflag:s4] =	ssyncset.done $0x0  }
0xcd: {  	s0 =	rddreg [dreg:$0x12];
	[sflag:s4] =	ssyncadd.s32 $0xFFFF8000  }
0xce: {  	[hbm4b:s0+s6] =	stream.strided.scatter [tilespmem:s3], [sflag:$0x3], $0x8000, s9, s6, $0x38;
	[tilespmem:$0x16400] =	vst v63  }
0xcf: {  	_ =	swait.ge [sflag:s7], $0x8000  }
0xd0: {  	[sflag:s7] =	ssyncset.done $0x0  }
0xd1: {  	[sflag:s7] =	ssyncadd.s32 $0xFFFF8000  }
0xd2: {  	[tilespmem:s3], [sflag:$0x1] =	stream.indirect.gather [hbm4b:s2+s8], $0x20, s21, s8, $0xb8;
	[tilespmem:$0x16400] =	vst v63  }
0xd3: {  	_ =	swait.ge [sflag:s11], $0x8000  }
0xd4: {  	[sflag:s11] =	ssyncset.done $0x0  }
0xd5: {  	s0 =	rddreg [dreg:$0x13];
	[sflag:s11] =	ssyncadd.s32 $0xFFFF8000  }
0xd6: {  	[hbm4b:s0+s6] =	stream.strided.scatter [tilespmem:s5], [sflag:$0x4], $0x8000, s9, s6, $0x38;
	[tilespmem:$0x16400] =	vst v63  }
0xd7: {  	_ =	swait.ge [sflag:s10], $0x8000  }
0xd8: {  	[sflag:s10] =	ssyncset.done $0x0  }
0xd9: {  	[sflag:s10] =	ssyncadd.s32 $0xFFFF8000  }
0xda: {  	[tilespmem:s5], [sflag:$0x2] =	stream.indirect.gather [hbm4b:s2+s8], $0x20, s20, s8, $0xb8;
	[tilespmem:$0x16400] =	vst v63  }
0xdb: {  	_ =	swait.ge [sflag:s4], $0x8000  }
0xdc: {  	[sflag:s4] =	ssyncset.done $0x0  }
0xdd: {  	s0 =	rddreg [dreg:$0x14];
	[sflag:s4] =	ssyncadd.s32 $0xFFFF8000  }
0xde: {  	[hbm4b:s0+s6] =	stream.strided.scatter [tilespmem:s3], [sflag:$0x3], $0x8000, s9, s6, $0x38;
	[tilespmem:$0x16400] =	vst v63  }
0xdf: {  	_ =	swait.ge [sflag:s7], $0x8000  }
0xe0: {  	[sflag:s7] =	ssyncset.done $0x0  }
0xe1: {  	[sflag:s7] =	ssyncadd.s32 $0xFFFF8000  }
0xe2: {  	[tilespmem:s3], [sflag:$0x1] =	stream.indirect.gather [hbm4b:s2+s8], $0x20, s19, s8, $0xb8;
	[tilespmem:$0x16400] =	vst v63  }
0xe3: {  	_ =	swait.ge [sflag:s11], $0x8000  }
0xe4: {  	[sflag:s11] =	ssyncset.done $0x0  }
0xe5: {  	s0 =	rddreg [dreg:$0x15];
	[sflag:s11] =	ssyncadd.s32 $0xFFFF8000  }
0xe6: {  	[hbm4b:s0+s6] =	stream.strided.scatter [tilespmem:s5], [sflag:$0x4], $0x8000, s9, s6, $0x38;
	[tilespmem:$0x16400] =	vst v63  }
0xe7: {  	_ =	swait.ge [sflag:s10], $0x8000  }
0xe8: {  	[sflag:s10] =	ssyncset.done $0x0  }
0xe9: {  	[sflag:s10] =	ssyncadd.s32 $0xFFFF8000  }
0xea: {  	[tilespmem:s5], [sflag:$0x2] =	stream.indirect.gather [hbm4b:s2+s8], $0x20, s18, s8, $0xb8;
	[tilespmem:$0x16400] =	vst v63  }
0xeb: {  	_ =	swait.ge [sflag:s4], $0x8000  }
0xec: {  	[sflag:s4] =	ssyncset.done $0x0  }
0xed: {  	s0 =	rddreg [dreg:$0x16];
	[sflag:s4] =	ssyncadd.s32 $0xFFFF8000  }
0xee: {  	[hbm4b:s0+s6] =	stream.strided.scatter [tilespmem:s3], [sflag:$0x3], $0x8000, s9, s6, $0x38;
	[tilespmem:$0x16400] =	vst v63  }
0xef: {  	_ =	swait.ge [sflag:s7], $0x8000  }
0xf0: {  	[sflag:s7] =	ssyncset.done $0x0  }
0xf1: {  	[sflag:s7] =	ssyncadd.s32 $0xFFFF8000  }
0xf2: {  	[tilespmem:s3], [sflag:$0x1] =	stream.indirect.gather [hbm4b:s2+s8], $0x20, s17, s8, $0xb8;
	[tilespmem:$0x16400] =	vst v63  }
0xf3: {  	_ =	swait.ge [sflag:s11], $0x8000  }
0xf4: {  	[sflag:s11] =	ssyncset.done $0x0  }
0xf5: {  	s0 =	rddreg [dreg:$0x17];
	[sflag:s11] =	ssyncadd.s32 $0xFFFF8000  }
0xf6: {  	[hbm4b:s0+s6] =	stream.strided.scatter [tilespmem:s5], [sflag:$0x4], $0x8000, s9, s6, $0x38;
	[tilespmem:$0x16400] =	vst v63  }
0xf7: {  	_ =	swait.ge [sflag:s10], $0x8000  }
0xf8: {  	[sflag:s10] =	ssyncset.done $0x0  }
0xf9: {  	[sflag:s10] =	ssyncadd.s32 $0xFFFF8000  }
0xfa: {  	[tilespmem:s5], [sflag:$0x2] =	stream.indirect.gather [hbm4b:s2+s8], $0x20, s16, s8, $0xb8;
	[tilespmem:$0x16400] =	vst v63  }
0xfb: {  	_ =	swait.ge [sflag:s4], $0x8000  }
0xfc: {  	[sflag:s4] =	ssyncset.done $0x0  }
0xfd: {  	s0 =	rddreg [dreg:$0x18];
	[sflag:s4] =	ssyncadd.s32 $0xFFFF8000  }
0xfe: {  	[hbm4b:s0+s6] =	stream.strided.scatter [tilespmem:s3], [sflag:$0x3], $0x8000, s9, s6, $0x38;
	[tilespmem:$0x16400] =	vst v63  }
0xff: {  	_ =	swait.ge [sflag:s7], $0x8000  }
0x100: {  	[sflag:s7] =	ssyncset.done $0x0  }
0x101: {  	[sflag:s7] =	ssyncadd.s32 $0xFFFF8000  }
0x102: {  	[tilespmem:s3], [sflag:$0x1] =	stream.indirect.gather [hbm4b:s2+s8], $0x20, s15, s8, $0xb8;
	[tilespmem:$0x16400] =	vst v63  }
0x103: {  	_ =	swait.ge [sflag:s11], $0x8000  }
0x104: {  	[sflag:s11] =	ssyncset.done $0x0  }
0x105: {  	s0 =	rddreg [dreg:$0x19];
	[sflag:s11] =	ssyncadd.s32 $0xFFFF8000  }
0x106: {  	[hbm4b:s0+s6] =	stream.strided.scatter [tilespmem:s5], [sflag:$0x4], $0x8000, s9, s6, $0x38;
	[tilespmem:$0x16400] =	vst v63  }
0x107: {  	_ =	swait.ge [sflag:s10], $0x8000  }
0x108: {  	[sflag:s10] =	ssyncset.done $0x0  }
0x109: {  	[sflag:s10] =	ssyncadd.s32 $0xFFFF8000  }
0x10a: {  	[tilespmem:s5], [sflag:$0x2] =	stream.indirect.gather [hbm4b:s2+s8], $0x20, s14, s8, $0xb8;
	[tilespmem:$0x16400] =	vst v63  }
0x10b: {  	_ =	swait.ge [sflag:s4], $0x8000  }
0x10c: {  	[sflag:s4] =	ssyncset.done $0x0  }
0x10d: {  	s0 =	rddreg [dreg:$0x1a];
	[sflag:s4] =	ssyncadd.s32 $0xFFFF8000  }
0x10e: {  	[hbm4b:s0+s6] =	stream.strided.scatter [tilespmem:s3], [sflag:$0x3], $0x8000, s9, s6, $0x38;
	[tilespmem:$0x16400] =	vst v63  }
0x10f: {  	_ =	swait.ge [sflag:s7], $0x8000  }
0x110: {  	[sflag:s7] =	ssyncset.done $0x0  }
0x111: {  	[sflag:s7] =	ssyncadd.s32 $0xFFFF8000  }
0x112: {  	[tilespmem:s3], [sflag:$0x1] =	stream.indirect.gather [hbm4b:s2+s8], $0x20, s13, s8, $0xb8;
	[tilespmem:$0x16400] =	vst v63  }
0x113: {  	_ =	swait.ge [sflag:s11], $0x8000  }
0x114: {  	[sflag:s11] =	ssyncset.done $0x0  }
0x115: {  	s0 =	rddreg [dreg:$0x1b];
	[sflag:s11] =	ssyncadd.s32 $0xFFFF8000  }
0x116: {  	[hbm4b:s0+s6] =	stream.strided.scatter [tilespmem:s5], [sflag:$0x4], $0x8000, s9, s6, $0x38;
	[tilespmem:$0x16400] =	vst v63  }
0x117: {  	_ =	swait.ge [sflag:s4], $0x8000  }
0x118: {  	[sflag:s4] =	ssyncset.done $0x0  }
0x119: {  	p1 =	sne.s32 s1, $0x1;
	s0 =	rddreg [dreg:$0x1c];
	[sflag:s4] =	ssyncadd.s32 $0xFFFF8000  }
0x11a: {  	[hbm4b:s0+s6] =	stream.strided.scatter [tilespmem:s3], [sflag:$0x3], $0x8000, s9, s6, $0x38;
	[tilespmem:$0x16400] =	vst v63  }
.Ltmp1:
0x11b: {  	_ =	swait.ge [sflag:s10], $0x8000;
	(pc) =	sbr.rel @!p1 .LBB2_3-.Ltmp1, $4  }
0x11c: {  	[sflag:s10] =	ssyncset.done $0x0  }
0x11d: {  	[sflag:s10] =	ssyncadd.s32 $0xFFFF8000  }
0x11e: {  	s1 =	sadd.s32 $0xFFFFFFFF, s1;
	_ =	swait.ge [sflag:s7], $0x8000  }
0x11f: {  	p0 =	por $0x1, $0x1;
	s0 =	rddreg [dreg:$0x3];
	[sflag:s7] =	ssyncset.done $0x0  }
.LBB2_2:
0x120: {  	[sflag:s7] =	ssyncadd.s32 $0xFFFF8000  }
0x121: {  	[tilespmem:s12], [sflag:$0x5] =	stream.linear.gather [hbm4b:s0+s12], $0x6400, $0x38;
	[tilespmem:$0x16400] =	vst v63  }
0x122: {  	_ =	swait.ge [sflag:s31], $0x6400  }
0x123: {  	[sflag:s31] =	ssyncset.done $0x0  }
0x124: {  	[sflag:s31] =	ssyncadd.s32 $0xFFFF9C00  }
0x125: {  	[tilespmem:s3], [sflag:$0x1] =	stream.indirect.gather [hbm4b:s2+s8], $0x20, s12, s8, $0xb8;
	[tilespmem:$0x16400] =	vst v63  }
0x126: {  	_ = 	snop  }
0x127: {  	[tilespmem:s5], [sflag:$0x2] =	stream.indirect.gather [hbm4b:s2+s8], $0x20, s8, s8, $0xb8;
	[tilespmem:$0x16400] =	vst v63  }
0x128: {  	_ =	swait.ge [sflag:s4], $0x8000  }
0x129: {  	[sflag:s4] =	ssyncset.done $0x0  }
0x12a: {  	s0 =	rddreg [dreg:$0x4];
	[sflag:s4] =	ssyncadd.s32 $0xFFFF8000  }
0x12b: {  	[hbm4b:s0+s6] =	stream.strided.scatter [tilespmem:s3], [sflag:$0x3], $0x8000, s9, s6, $0x38;
	[tilespmem:$0x16400] =	vst v63  }
0x12c: {  	_ =	swait.ge [sflag:s7], $0x8000  }
0x12d: {  	[sflag:s7] =	ssyncset.done $0x0  }
0x12e: {  	s0 =	rddreg [dreg:$0x1d];
	[sflag:s7] =	ssyncadd.s32 $0xFFFF8000  }
0x12f: {  	[tilespmem:s3], [sflag:$0x1] =	stream.indirect.gather [hbm4b:s2+s8], $0x20, s0, s8, $0xb8;
	[tilespmem:$0x16400] =	vst v63  }
0x130: {  	_ =	swait.ge [sflag:s11], $0x8000  }
0x131: {  	[sflag:s11] =	ssyncset.done $0x0  }
0x132: {  	s0 =	rddreg [dreg:$0x5];
	[sflag:s11] =	ssyncadd.s32 $0xFFFF8000  }
0x133: {  	[hbm4b:s0+s6] =	stream.strided.scatter [tilespmem:s5], [sflag:$0x4], $0x8000, s9, s6, $0x38;
	[tilespmem:$0x16400] =	vst v63  }
0x134: {  	_ =	swait.ge [sflag:s10], $0x8000  }
0x135: {  	[sflag:s10] =	ssyncset.done $0x0  }
0x136: {  	s0 =	rddreg [dreg:$0x1e];
	[sflag:s10] =	ssyncadd.s32 $0xFFFF8000  }
0x137: {  	[tilespmem:s5], [sflag:$0x2] =	stream.indirect.gather [hbm4b:s2+s8], $0x20, s0, s8, $0xb8;
	[tilespmem:$0x16400] =	vst v63  }
0x138: {  	_ =	swait.ge [sflag:s4], $0x8000  }
0x139: {  	[sflag:s4] =	ssyncset.done $0x0  }
0x13a: {  	s0 =	rddreg [dreg:$0x6];
	[sflag:s4] =	ssyncadd.s32 $0xFFFF8000  }
0x13b: {  	[hbm4b:s0+s6] =	stream.strided.scatter [tilespmem:s3], [sflag:$0x3], $0x8000, s9, s6, $0x38;
	[tilespmem:$0x16400] =	vst v63  }
0x13c: {  	_ =	swait.ge [sflag:s7], $0x8000  }
0x13d: {  	[sflag:s7] =	ssyncset.done $0x0  }
0x13e: {  	s0 =	rddreg [dreg:$0x1f];
	[sflag:s7] =	ssyncadd.s32 $0xFFFF8000  }
0x13f: {  	[tilespmem:s3], [sflag:$0x1] =	stream.indirect.gather [hbm4b:s2+s8], $0x20, s0, s8, $0xb8;
	[tilespmem:$0x16400] =	vst v63  }
0x140: {  	_ =	swait.ge [sflag:s11], $0x8000  }
0x141: {  	[sflag:s11] =	ssyncset.done $0x0  }
0x142: {  	s0 =	rddreg [dreg:$0x7];
	[sflag:s11] =	ssyncadd.s32 $0xFFFF8000  }
0x143: {  	[hbm4b:s0+s6] =	stream.strided.scatter [tilespmem:s5], [sflag:$0x4], $0x8000, s9, s6, $0x38;
	[tilespmem:$0x16400] =	vst v63  }
0x144: {  	_ =	swait.ge [sflag:s10], $0x8000  }
0x145: {  	s0 =	sld [smem:$0x7FB]  }
0x146: {  	[sflag:s10] =	ssyncset.done $0x0  }
0x147: {  	[sflag:s10] =	ssyncadd.s32 $0xFFFF8000  }
0x148: {  	[tilespmem:s5], [sflag:$0x2] =	stream.indirect.gather [hbm4b:s2+s8], $0x20, s0, s8, $0xb8;
	[tilespmem:$0x16400] =	vst v63  }
0x149: {  	_ =	swait.ge [sflag:s4], $0x8000  }
0x14a: {  	[sflag:s4] =	ssyncset.done $0x0  }
0x14b: {  	s0 =	rddreg [dreg:$0x8];
	[sflag:s4] =	ssyncadd.s32 $0xFFFF8000  }
0x14c: {  	[hbm4b:s0+s6] =	stream.strided.scatter [tilespmem:s3], [sflag:$0x3], $0x8000, s9, s6, $0x38;
	[tilespmem:$0x16400] =	vst v63  }
0x14d: {  	_ =	swait.ge [sflag:s7], $0x8000  }
0x14e: {  	s0 =	sld [smem:$0x7FC]  }
0x14f: {  	[sflag:s7] =	ssyncset.done $0x0  }
0x150: {  	[sflag:s7] =	ssyncadd.s32 $0xFFFF8000  }
0x151: {  	[tilespmem:s3], [sflag:$0x1] =	stream.indirect.gather [hbm4b:s2+s8], $0x20, s0, s8, $0xb8;
	[tilespmem:$0x16400] =	vst v63  }
0x152: {  	_ =	swait.ge [sflag:s11], $0x8000  }
0x153: {  	[sflag:s11] =	ssyncset.done $0x0  }
0x154: {  	s0 =	rddreg [dreg:$0x9];
	[sflag:s11] =	ssyncadd.s32 $0xFFFF8000  }
0x155: {  	[hbm4b:s0+s6] =	stream.strided.scatter [tilespmem:s5], [sflag:$0x4], $0x8000, s9, s6, $0x38;
	[tilespmem:$0x16400] =	vst v63  }
0x156: {  	_ =	swait.ge [sflag:s10], $0x8000  }
0x157: {  	s0 =	sld [smem:$0x7FD]  }
0x158: {  	[sflag:s10] =	ssyncset.done $0x0  }
0x159: {  	[sflag:s10] =	ssyncadd.s32 $0xFFFF8000  }
0x15a: {  	[tilespmem:s5], [sflag:$0x2] =	stream.indirect.gather [hbm4b:s2+s8], $0x20, s0, s8, $0xb8;
	[tilespmem:$0x16400] =	vst v63  }
0x15b: {  	_ =	swait.ge [sflag:s4], $0x8000  }
0x15c: {  	[sflag:s4] =	ssyncset.done $0x0  }
0x15d: {  	s0 =	rddreg [dreg:$0xa];
	[sflag:s4] =	ssyncadd.s32 $0xFFFF8000  }
0x15e: {  	[hbm4b:s0+s6] =	stream.strided.scatter [tilespmem:s3], [sflag:$0x3], $0x8000, s9, s6, $0x38;
	[tilespmem:$0x16400] =	vst v63  }
0x15f: {  	_ =	swait.ge [sflag:s7], $0x8000  }
0x160: {  	[sflag:s7] =	ssyncset.done $0x0  }
0x161: {  	[sflag:s7] =	ssyncadd.s32 $0xFFFF8000  }
0x162: {  	[tilespmem:s3], [sflag:$0x1] =	stream.indirect.gather [hbm4b:s2+s8], $0x20, s30, s8, $0xb8;
	[tilespmem:$0x16400] =	vst v63  }
0x163: {  	_ =	swait.ge [sflag:s11], $0x8000  }
0x164: {  	[sflag:s11] =	ssyncset.done $0x0  }
0x165: {  	s0 =	rddreg [dreg:$0xb];
	[sflag:s11] =	ssyncadd.s32 $0xFFFF8000  }
0x166: {  	[hbm4b:s0+s6] =	stream.strided.scatter [tilespmem:s5], [sflag:$0x4], $0x8000, s9, s6, $0x38;
	[tilespmem:$0x16400] =	vst v63  }
0x167: {  	_ =	swait.ge [sflag:s10], $0x8000  }
0x168: {  	[sflag:s10] =	ssyncset.done $0x0  }
0x169: {  	[sflag:s10] =	ssyncadd.s32 $0xFFFF8000  }
0x16a: {  	[tilespmem:s5], [sflag:$0x2] =	stream.indirect.gather [hbm4b:s2+s8], $0x20, s29, s8, $0xb8;
	[tilespmem:$0x16400] =	vst v63  }
0x16b: {  	_ =	swait.ge [sflag:s4], $0x8000  }
0x16c: {  	[sflag:s4] =	ssyncset.done $0x0  }
0x16d: {  	s0 =	rddreg [dreg:$0xc];
	[sflag:s4] =	ssyncadd.s32 $0xFFFF8000  }
0x16e: {  	[hbm4b:s0+s6] =	stream.strided.scatter [tilespmem:s3], [sflag:$0x3], $0x8000, s9, s6, $0x38;
	[tilespmem:$0x16400] =	vst v63  }
0x16f: {  	_ =	swait.ge [sflag:s7], $0x8000  }
0x170: {  	[sflag:s7] =	ssyncset.done $0x0  }
0x171: {  	[sflag:s7] =	ssyncadd.s32 $0xFFFF8000  }
0x172: {  	[tilespmem:s3], [sflag:$0x1] =	stream.indirect.gather [hbm4b:s2+s8], $0x20, s28, s8, $0xb8;
	[tilespmem:$0x16400] =	vst v63  }
0x173: {  	_ =	swait.ge [sflag:s11], $0x8000  }
0x174: {  	[sflag:s11] =	ssyncset.done $0x0  }
0x175: {  	s0 =	rddreg [dreg:$0xd];
	[sflag:s11] =	ssyncadd.s32 $0xFFFF8000  }
0x176: {  	[hbm4b:s0+s6] =	stream.strided.scatter [tilespmem:s5], [sflag:$0x4], $0x8000, s9, s6, $0x38;
	[tilespmem:$0x16400] =	vst v63  }
0x177: {  	_ =	swait.ge [sflag:s10], $0x8000  }
0x178: {  	[sflag:s10] =	ssyncset.done $0x0  }
0x179: {  	[sflag:s10] =	ssyncadd.s32 $0xFFFF8000  }
0x17a: {  	[tilespmem:s5], [sflag:$0x2] =	stream.indirect.gather [hbm4b:s2+s8], $0x20, s26, s8, $0xb8;
	[tilespmem:$0x16400] =	vst v63  }
0x17b: {  	_ =	swait.ge [sflag:s4], $0x8000  }
0x17c: {  	[sflag:s4] =	ssyncset.done $0x0  }
0x17d: {  	s0 =	rddreg [dreg:$0xe];
	[sflag:s4] =	ssyncadd.s32 $0xFFFF8000  }
0x17e: {  	[hbm4b:s0+s6] =	stream.strided.scatter [tilespmem:s3], [sflag:$0x3], $0x8000, s9, s6, $0x38;
	[tilespmem:$0x16400] =	vst v63  }
0x17f: {  	_ =	swait.ge [sflag:s7], $0x8000  }
0x180: {  	[sflag:s7] =	ssyncset.done $0x0  }
0x181: {  	[sflag:s7] =	ssyncadd.s32 $0xFFFF8000  }
0x182: {  	[tilespmem:s3], [sflag:$0x1] =	stream.indirect.gather [hbm4b:s2+s8], $0x20, s25, s8, $0xb8;
	[tilespmem:$0x16400] =	vst v63  }
0x183: {  	_ =	swait.ge [sflag:s11], $0x8000  }
0x184: {  	[sflag:s11] =	ssyncset.done $0x0  }
0x185: {  	s0 =	rddreg [dreg:$0xf];
	[sflag:s11] =	ssyncadd.s32 $0xFFFF8000  }
0x186: {  	[hbm4b:s0+s6] =	stream.strided.scatter [tilespmem:s5], [sflag:$0x4], $0x8000, s9, s6, $0x38;
	[tilespmem:$0x16400] =	vst v63  }
0x187: {  	_ =	swait.ge [sflag:s10], $0x8000  }
0x188: {  	[sflag:s10] =	ssyncset.done $0x0  }
0x189: {  	[sflag:s10] =	ssyncadd.s32 $0xFFFF8000  }
0x18a: {  	[tilespmem:s5], [sflag:$0x2] =	stream.indirect.gather [hbm4b:s2+s8], $0x20, s24, s8, $0xb8;
	[tilespmem:$0x16400] =	vst v63  }
0x18b: {  	_ =	swait.ge [sflag:s4], $0x8000  }
0x18c: {  	[sflag:s4] =	ssyncset.done $0x0  }
0x18d: {  	s0 =	rddreg [dreg:$0x10];
	[sflag:s4] =	ssyncadd.s32 $0xFFFF8000  }
0x18e: {  	[hbm4b:s0+s6] =	stream.strided.scatter [tilespmem:s3], [sflag:$0x3], $0x8000, s9, s6, $0x38;
	[tilespmem:$0x16400] =	vst v63  }
0x18f: {  	_ =	swait.ge [sflag:s7], $0x8000  }
0x190: {  	[sflag:s7] =	ssyncset.done $0x0  }
0x191: {  	[sflag:s7] =	ssyncadd.s32 $0xFFFF8000  }
0x192: {  	[tilespmem:s3], [sflag:$0x1] =	stream.indirect.gather [hbm4b:s2+s8], $0x20, s23, s8, $0xb8;
	[tilespmem:$0x16400] =	vst v63  }
0x193: {  	_ =	swait.ge [sflag:s11], $0x8000  }
0x194: {  	[sflag:s11] =	ssyncset.done $0x0  }
0x195: {  	s0 =	rddreg [dreg:$0x11];
	[sflag:s11] =	ssyncadd.s32 $0xFFFF8000  }
0x196: {  	[hbm4b:s0+s6] =	stream.strided.scatter [tilespmem:s5], [sflag:$0x4], $0x8000, s9, s6, $0x38;
	[tilespmem:$0x16400] =	vst v63  }
0x197: {  	_ =	swait.ge [sflag:s10], $0x8000  }
0x198: {  	[sflag:s10] =	ssyncset.done $0x0  }
0x199: {  	[sflag:s10] =	ssyncadd.s32 $0xFFFF8000  }
0x19a: {  	[tilespmem:s5], [sflag:$0x2] =	stream.indirect.gather [hbm4b:s2+s8], $0x20, s22, s8, $0xb8;
	[tilespmem:$0x16400] =	vst v63  }
0x19b: {  	_ =	swait.ge [sflag:s4], $0x8000  }
0x19c: {  	[sflag:s4] =	ssyncset.done $0x0  }
0x19d: {  	s0 =	rddreg [dreg:$0x12];
	[sflag:s4] =	ssyncadd.s32 $0xFFFF8000  }
0x19e: {  	[hbm4b:s0+s6] =	stream.strided.scatter [tilespmem:s3], [sflag:$0x3], $0x8000, s9, s6, $0x38;
	[tilespmem:$0x16400] =	vst v63  }
0x19f: {  	_ =	swait.ge [sflag:s7], $0x8000  }
0x1a0: {  	[sflag:s7] =	ssyncset.done $0x0  }
0x1a1: {  	[sflag:s7] =	ssyncadd.s32 $0xFFFF8000  }
0x1a2: {  	[tilespmem:s3], [sflag:$0x1] =	stream.indirect.gather [hbm4b:s2+s8], $0x20, s21, s8, $0xb8;
	[tilespmem:$0x16400] =	vst v63  }
0x1a3: {  	_ =	swait.ge [sflag:s11], $0x8000  }
0x1a4: {  	[sflag:s11] =	ssyncset.done $0x0  }
0x1a5: {  	s0 =	rddreg [dreg:$0x13];
	[sflag:s11] =	ssyncadd.s32 $0xFFFF8000  }
0x1a6: {  	[hbm4b:s0+s6] =	stream.strided.scatter [tilespmem:s5], [sflag:$0x4], $0x8000, s9, s6, $0x38;
	[tilespmem:$0x16400] =	vst v63  }
0x1a7: {  	_ =	swait.ge [sflag:s10], $0x8000  }
0x1a8: {  	[sflag:s10] =	ssyncset.done $0x0  }
0x1a9: {  	[sflag:s10] =	ssyncadd.s32 $0xFFFF8000  }
0x1aa: {  	[tilespmem:s5], [sflag:$0x2] =	stream.indirect.gather [hbm4b:s2+s8], $0x20, s20, s8, $0xb8;
	[tilespmem:$0x16400] =	vst v63  }
0x1ab: {  	_ =	swait.ge [sflag:s4], $0x8000  }
0x1ac: {  	[sflag:s4] =	ssyncset.done $0x0  }
0x1ad: {  	s0 =	rddreg [dreg:$0x14];
	[sflag:s4] =	ssyncadd.s32 $0xFFFF8000  }
0x1ae: {  	[hbm4b:s0+s6] =	stream.strided.scatter [tilespmem:s3], [sflag:$0x3], $0x8000, s9, s6, $0x38;
	[tilespmem:$0x16400] =	vst v63  }
0x1af: {  	_ =	swait.ge [sflag:s7], $0x8000  }
0x1b0: {  	[sflag:s7] =	ssyncset.done $0x0  }
0x1b1: {  	[sflag:s7] =	ssyncadd.s32 $0xFFFF8000  }
0x1b2: {  	[tilespmem:s3], [sflag:$0x1] =	stream.indirect.gather [hbm4b:s2+s8], $0x20, s19, s8, $0xb8;
	[tilespmem:$0x16400] =	vst v63  }
0x1b3: {  	_ =	swait.ge [sflag:s11], $0x8000  }
0x1b4: {  	[sflag:s11] =	ssyncset.done $0x0  }
0x1b5: {  	s0 =	rddreg [dreg:$0x15];
	[sflag:s11] =	ssyncadd.s32 $0xFFFF8000  }
0x1b6: {  	[hbm4b:s0+s6] =	stream.strided.scatter [tilespmem:s5], [sflag:$0x4], $0x8000, s9, s6, $0x38;
	[tilespmem:$0x16400] =	vst v63  }
0x1b7: {  	_ =	swait.ge [sflag:s10], $0x8000  }
0x1b8: {  	[sflag:s10] =	ssyncset.done $0x0  }
0x1b9: {  	[sflag:s10] =	ssyncadd.s32 $0xFFFF8000  }
0x1ba: {  	[tilespmem:s5], [sflag:$0x2] =	stream.indirect.gather [hbm4b:s2+s8], $0x20, s18, s8, $0xb8;
	[tilespmem:$0x16400] =	vst v63  }
0x1bb: {  	_ =	swait.ge [sflag:s4], $0x8000  }
0x1bc: {  	[sflag:s4] =	ssyncset.done $0x0  }
0x1bd: {  	s0 =	rddreg [dreg:$0x16];
	[sflag:s4] =	ssyncadd.s32 $0xFFFF8000  }
0x1be: {  	[hbm4b:s0+s6] =	stream.strided.scatter [tilespmem:s3], [sflag:$0x3], $0x8000, s9, s6, $0x38;
	[tilespmem:$0x16400] =	vst v63  }
0x1bf: {  	_ =	swait.ge [sflag:s7], $0x8000  }
0x1c0: {  	[sflag:s7] =	ssyncset.done $0x0  }
0x1c1: {  	[sflag:s7] =	ssyncadd.s32 $0xFFFF8000  }
0x1c2: {  	[tilespmem:s3], [sflag:$0x1] =	stream.indirect.gather [hbm4b:s2+s8], $0x20, s17, s8, $0xb8;
	[tilespmem:$0x16400] =	vst v63  }
0x1c3: {  	_ =	swait.ge [sflag:s11], $0x8000  }
0x1c4: {  	[sflag:s11] =	ssyncset.done $0x0  }
0x1c5: {  	s0 =	rddreg [dreg:$0x17];
	[sflag:s11] =	ssyncadd.s32 $0xFFFF8000  }
0x1c6: {  	[hbm4b:s0+s6] =	stream.strided.scatter [tilespmem:s5], [sflag:$0x4], $0x8000, s9, s6, $0x38;
	[tilespmem:$0x16400] =	vst v63  }
0x1c7: {  	_ =	swait.ge [sflag:s10], $0x8000  }
0x1c8: {  	[sflag:s10] =	ssyncset.done $0x0  }
0x1c9: {  	[sflag:s10] =	ssyncadd.s32 $0xFFFF8000  }
0x1ca: {  	[tilespmem:s5], [sflag:$0x2] =	stream.indirect.gather [hbm4b:s2+s8], $0x20, s16, s8, $0xb8;
	[tilespmem:$0x16400] =	vst v63  }
0x1cb: {  	_ =	swait.ge [sflag:s4], $0x8000  }
0x1cc: {  	[sflag:s4] =	ssyncset.done $0x0  }
0x1cd: {  	s0 =	rddreg [dreg:$0x18];
	[sflag:s4] =	ssyncadd.s32 $0xFFFF8000  }
0x1ce: {  	[hbm4b:s0+s6] =	stream.strided.scatter [tilespmem:s3], [sflag:$0x3], $0x8000, s9, s6, $0x38;
	[tilespmem:$0x16400] =	vst v63  }
0x1cf: {  	_ =	swait.ge [sflag:s7], $0x8000  }
0x1d0: {  	[sflag:s7] =	ssyncset.done $0x0  }
0x1d1: {  	[sflag:s7] =	ssyncadd.s32 $0xFFFF8000  }
0x1d2: {  	[tilespmem:s3], [sflag:$0x1] =	stream.indirect.gather [hbm4b:s2+s8], $0x20, s15, s8, $0xb8;
	[tilespmem:$0x16400] =	vst v63  }
0x1d3: {  	_ =	swait.ge [sflag:s11], $0x8000  }
0x1d4: {  	[sflag:s11] =	ssyncset.done $0x0  }
0x1d5: {  	s0 =	rddreg [dreg:$0x19];
	[sflag:s11] =	ssyncadd.s32 $0xFFFF8000  }
0x1d6: {  	[hbm4b:s0+s6] =	stream.strided.scatter [tilespmem:s5], [sflag:$0x4], $0x8000, s9, s6, $0x38;
	[tilespmem:$0x16400] =	vst v63  }
0x1d7: {  	_ =	swait.ge [sflag:s10], $0x8000  }
0x1d8: {  	[sflag:s10] =	ssyncset.done $0x0  }
0x1d9: {  	[sflag:s10] =	ssyncadd.s32 $0xFFFF8000  }
0x1da: {  	[tilespmem:s5], [sflag:$0x2] =	stream.indirect.gather [hbm4b:s2+s8], $0x20, s14, s8, $0xb8;
	[tilespmem:$0x16400] =	vst v63  }
0x1db: {  	_ =	swait.ge [sflag:s4], $0x8000  }
0x1dc: {  	[sflag:s4] =	ssyncset.done $0x0  }
0x1dd: {  	s0 =	rddreg [dreg:$0x1a];
	[sflag:s4] =	ssyncadd.s32 $0xFFFF8000  }
0x1de: {  	[hbm4b:s0+s6] =	stream.strided.scatter [tilespmem:s3], [sflag:$0x3], $0x8000, s9, s6, $0x38;
	[tilespmem:$0x16400] =	vst v63  }
0x1df: {  	_ =	swait.ge [sflag:s7], $0x8000  }
0x1e0: {  	[sflag:s7] =	ssyncset.done $0x0  }
0x1e1: {  	[sflag:s7] =	ssyncadd.s32 $0xFFFF8000  }
0x1e2: {  	[tilespmem:s3], [sflag:$0x1] =	stream.indirect.gather [hbm4b:s2+s8], $0x20, s13, s8, $0xb8;
	[tilespmem:$0x16400] =	vst v63  }
0x1e3: {  	_ =	swait.ge [sflag:s11], $0x8000  }
0x1e4: {  	[sflag:s11] =	ssyncset.done $0x0  }
0x1e5: {  	s0 =	rddreg [dreg:$0x1b];
	[sflag:s11] =	ssyncadd.s32 $0xFFFF8000  }
0x1e6: {  	[hbm4b:s0+s6] =	stream.strided.scatter [tilespmem:s5], [sflag:$0x4], $0x8000, s9, s6, $0x38;
	[tilespmem:$0x16400] =	vst v63  }
0x1e7: {  	_ =	swait.ge [sflag:s4], $0x8000  }
0x1e8: {  	[sflag:s4] =	ssyncset.done $0x0  }
0x1e9: {  	p1 =	sne.s32 s1, $0x1;
	s0 =	rddreg [dreg:$0x1c];
	[sflag:s4] =	ssyncadd.s32 $0xFFFF8000  }
0x1ea: {  	[hbm4b:s0+s6] =	stream.strided.scatter [tilespmem:s3], [sflag:$0x3], $0x8000, s9, s6, $0x38;
	[tilespmem:$0x16400] =	vst v63  }
.Ltmp2:
0x1eb: {  	_ =	swait.ge [sflag:s10], $0x8000;
	(pc) =	sbr.rel @p1 .LBB2_2-.Ltmp2, $4  }
0x1ec: {  	[sflag:s10] =	ssyncset.done $0x0  }
0x1ed: {  	[sflag:s10] =	ssyncadd.s32 $0xFFFF8000  }
0x1ee: {  	_ =	swait.ge [sflag:s7], $0x8000  }
0x1ef: {  	s1 =	sadd.s32 $0xFFFFFFFF, s1;
	s0 =	rddreg [dreg:$0x3];
	[sflag:s7] =	ssyncset.done $0x0  }
.LBB2_3:
0x1f0: {  	[sflag:s7] =	ssyncadd.s32 @p0 $0xFFFF8000  }
0x1f1: {  	[tilespmem:s12], [sflag:$0x5] =	stream.linear.gather [hbm4b:s0+s12], $0x6400, $0x38;
	[tilespmem:$0x16400] =	vst v63  }
0x1f2: {  	_ =	swait.ge [sflag:s31], $0x6400  }
0x1f3: {  	[sflag:s31] =	ssyncset.done $0x0  }
0x1f4: {  	[sflag:s31] =	ssyncadd.s32 $0xFFFF9C00  }
0x1f5: {  	[tilespmem:s3], [sflag:$0x1] =	stream.indirect.gather [hbm4b:s2+s8], $0x20, s12, s8, $0xb8;
	[tilespmem:$0x16400] =	vst v63  }
0x1f6: {  	_ = 	snop  }
0x1f7: {  	[tilespmem:s5], [sflag:$0x2] =	stream.indirect.gather [hbm4b:s2+s8], $0x20, s8, s8, $0xb8;
	[tilespmem:$0x16400] =	vst v63  }
0x1f8: {  	_ =	swait.ge [sflag:s4], $0x8000  }
0x1f9: {  	[sflag:s4] =	ssyncset.done $0x0  }
0x1fa: {  	s12 =	rddreg [dreg:$0x4];
	[sflag:s4] =	ssyncadd.s32 $0xFFFF8000  }
0x1fb: {  	[hbm4b:s12+s6] =	stream.strided.scatter [tilespmem:s3], [sflag:$0x3], $0x8000, s9, s6, $0x38;
	[tilespmem:$0x16400] =	vst v63  }
0x1fc: {  	_ =	swait.ge [sflag:s7], $0x8000  }
0x1fd: {  	[sflag:s7] =	ssyncset.done $0x0  }
0x1fe: {  	s31 =	rddreg [dreg:$0x1d];
	[sflag:s7] =	ssyncadd.s32 $0xFFFF8000  }
0x1ff: {  	[tilespmem:s3], [sflag:$0x1] =	stream.indirect.gather [hbm4b:s2+s8], $0x20, s31, s8, $0xb8;
	[tilespmem:$0x16400] =	vst v63  }
0x200: {  	_ =	swait.ge [sflag:s11], $0x8000  }
0x201: {  	[sflag:s11] =	ssyncset.done $0x0  }
0x202: {  	s1 =	rddreg [dreg:$0x5];
	[sflag:s11] =	ssyncadd.s32 $0xFFFF8000  }
0x203: {  	[hbm4b:s1+s6] =	stream.strided.scatter [tilespmem:s5], [sflag:$0x4], $0x8000, s9, s6, $0x38;
	[tilespmem:$0x16400] =	vst v63  }
0x204: {  	_ =	swait.ge [sflag:s10], $0x8000  }
0x205: {  	[sflag:s10] =	ssyncset.done $0x0  }
0x206: {  	s12 =	rddreg [dreg:$0x1e];
	[sflag:s10] =	ssyncadd.s32 $0xFFFF8000  }
0x207: {  	[tilespmem:s5], [sflag:$0x2] =	stream.indirect.gather [hbm4b:s2+s8], $0x20, s12, s8, $0xb8;
	[tilespmem:$0x16400] =	vst v63  }
0x208: {  	_ =	swait.ge [sflag:s4], $0x8000  }
0x209: {  	[sflag:s4] =	ssyncset.done $0x0  }
0x20a: {  	s31 =	rddreg [dreg:$0x6];
	[sflag:s4] =	ssyncadd.s32 $0xFFFF8000  }
0x20b: {  	[hbm4b:s31+s6] =	stream.strided.scatter [tilespmem:s3], [sflag:$0x3], $0x8000, s9, s6, $0x38;
	[tilespmem:$0x16400] =	vst v63  }
0x20c: {  	_ =	swait.ge [sflag:s7], $0x8000  }
0x20d: {  	[sflag:s7] =	ssyncset.done $0x0  }
0x20e: {  	s1 =	rddreg [dreg:$0x1f];
	[sflag:s7] =	ssyncadd.s32 $0xFFFF8000  }
0x20f: {  	[tilespmem:s3], [sflag:$0x1] =	stream.indirect.gather [hbm4b:s2+s8], $0x20, s1, s8, $0xb8;
	[tilespmem:$0x16400] =	vst v63  }
0x210: {  	_ =	swait.ge [sflag:s11], $0x8000  }
0x211: {  	[sflag:s11] =	ssyncset.done $0x0  }
0x212: {  	s12 =	rddreg [dreg:$0x7];
	[sflag:s11] =	ssyncadd.s32 $0xFFFF8000  }
0x213: {  	[hbm4b:s12+s6] =	stream.strided.scatter [tilespmem:s5], [sflag:$0x4], $0x8000, s9, s6, $0x38;
	[tilespmem:$0x16400] =	vst v63  }
0x214: {  	_ =	swait.ge [sflag:s10], $0x8000  }
0x215: {  	s31 =	sld [smem:$0x7FB]  }
0x216: {  	[sflag:s10] =	ssyncset.done $0x0  }
0x217: {  	[sflag:s10] =	ssyncadd.s32 $0xFFFF8000  }
0x218: {  	[tilespmem:s5], [sflag:$0x2] =	stream.indirect.gather [hbm4b:s2+s8], $0x20, s31, s8, $0xb8;
	[tilespmem:$0x16400] =	vst v63  }
0x219: {  	_ =	swait.ge [sflag:s4], $0x8000  }
0x21a: {  	[sflag:s4] =	ssyncset.done $0x0  }
0x21b: {  	s1 =	rddreg [dreg:$0x8];
	[sflag:s4] =	ssyncadd.s32 $0xFFFF8000  }
0x21c: {  	[hbm4b:s1+s6] =	stream.strided.scatter [tilespmem:s3], [sflag:$0x3], $0x8000, s9, s6, $0x38;
	[tilespmem:$0x16400] =	vst v63  }
0x21d: {  	_ =	swait.ge [sflag:s7], $0x8000  }
0x21e: {  	s12 =	sld [smem:$0x7FC]  }
0x21f: {  	[sflag:s7] =	ssyncset.done $0x0  }
0x220: {  	[sflag:s7] =	ssyncadd.s32 $0xFFFF8000  }
0x221: {  	[tilespmem:s3], [sflag:$0x1] =	stream.indirect.gather [hbm4b:s2+s8], $0x20, s12, s8, $0xb8;
	[tilespmem:$0x16400] =	vst v63  }
0x222: {  	_ =	swait.ge [sflag:s11], $0x8000  }
0x223: {  	[sflag:s11] =	ssyncset.done $0x0  }
0x224: {  	s31 =	rddreg [dreg:$0x9];
	[sflag:s11] =	ssyncadd.s32 $0xFFFF8000  }
0x225: {  	[hbm4b:s31+s6] =	stream.strided.scatter [tilespmem:s5], [sflag:$0x4], $0x8000, s9, s6, $0x38;
	[tilespmem:$0x16400] =	vst v63  }
0x226: {  	_ =	swait.ge [sflag:s10], $0x8000  }
0x227: {  	s1 =	sld [smem:$0x7FD]  }
0x228: {  	[sflag:s10] =	ssyncset.done $0x0  }
0x229: {  	[sflag:s10] =	ssyncadd.s32 $0xFFFF8000  }
0x22a: {  	[tilespmem:s5], [sflag:$0x2] =	stream.indirect.gather [hbm4b:s2+s8], $0x20, s1, s8, $0xb8;
	[tilespmem:$0x16400] =	vst v63  }
0x22b: {  	_ =	swait.ge [sflag:s4], $0x8000  }
0x22c: {  	[sflag:s4] =	ssyncset.done $0x0  }
0x22d: {  	s12 =	rddreg [dreg:$0xa];
	[sflag:s4] =	ssyncadd.s32 $0xFFFF8000  }
0x22e: {  	[hbm4b:s12+s6] =	stream.strided.scatter [tilespmem:s3], [sflag:$0x3], $0x8000, s9, s6, $0x38;
	[tilespmem:$0x16400] =	vst v63  }
0x22f: {  	_ =	swait.ge [sflag:s7], $0x8000  }
0x230: {  	[sflag:s7] =	ssyncset.done $0x0  }
0x231: {  	[sflag:s7] =	ssyncadd.s32 $0xFFFF8000  }
0x232: {  	[tilespmem:s3], [sflag:$0x1] =	stream.indirect.gather [hbm4b:s2+s8], $0x20, s30, s8, $0xb8;
	[tilespmem:$0x16400] =	vst v63  }
0x233: {  	_ =	swait.ge [sflag:s11], $0x8000  }
0x234: {  	[sflag:s11] =	ssyncset.done $0x0  }
0x235: {  	s31 =	rddreg [dreg:$0xb];
	[sflag:s11] =	ssyncadd.s32 $0xFFFF8000  }
0x236: {  	[hbm4b:s31+s6] =	stream.strided.scatter [tilespmem:s5], [sflag:$0x4], $0x8000, s9, s6, $0x38;
	[tilespmem:$0x16400] =	vst v63  }
0x237: {  	_ =	swait.ge [sflag:s10], $0x8000  }
0x238: {  	[sflag:s10] =	ssyncset.done $0x0  }
0x239: {  	[sflag:s10] =	ssyncadd.s32 $0xFFFF8000  }
0x23a: {  	[tilespmem:s5], [sflag:$0x2] =	stream.indirect.gather [hbm4b:s2+s8], $0x20, s29, s8, $0xb8;
	[tilespmem:$0x16400] =	vst v63  }
0x23b: {  	_ =	swait.ge [sflag:s4], $0x8000  }
0x23c: {  	[sflag:s4] =	ssyncset.done $0x0  }
0x23d: {  	s1 =	rddreg [dreg:$0xc];
	[sflag:s4] =	ssyncadd.s32 $0xFFFF8000  }
0x23e: {  	[hbm4b:s1+s6] =	stream.strided.scatter [tilespmem:s3], [sflag:$0x3], $0x8000, s9, s6, $0x38;
	[tilespmem:$0x16400] =	vst v63  }
0x23f: {  	_ =	swait.ge [sflag:s7], $0x8000  }
0x240: {  	[sflag:s7] =	ssyncset.done $0x0  }
0x241: {  	[sflag:s7] =	ssyncadd.s32 $0xFFFF8000  }
0x242: {  	[tilespmem:s3], [sflag:$0x1] =	stream.indirect.gather [hbm4b:s2+s8], $0x20, s28, s8, $0xb8;
	[tilespmem:$0x16400] =	vst v63  }
0x243: {  	_ =	swait.ge [sflag:s11], $0x8000  }
0x244: {  	[sflag:s11] =	ssyncset.done $0x0  }
0x245: {  	s12 =	rddreg [dreg:$0xd];
	[sflag:s11] =	ssyncadd.s32 $0xFFFF8000  }
0x246: {  	[hbm4b:s12+s6] =	stream.strided.scatter [tilespmem:s5], [sflag:$0x4], $0x8000, s9, s6, $0x38;
	[tilespmem:$0x16400] =	vst v63  }
0x247: {  	_ =	swait.ge [sflag:s10], $0x8000  }
0x248: {  	[sflag:s10] =	ssyncset.done $0x0  }
0x249: {  	[sflag:s10] =	ssyncadd.s32 $0xFFFF8000  }
0x24a: {  	[tilespmem:s5], [sflag:$0x2] =	stream.indirect.gather [hbm4b:s2+s8], $0x20, s26, s8, $0xb8;
	[tilespmem:$0x16400] =	vst v63  }
0x24b: {  	_ =	swait.ge [sflag:s4], $0x8000  }
0x24c: {  	[sflag:s4] =	ssyncset.done $0x0  }
0x24d: {  	s28 =	rddreg [dreg:$0xe];
	[sflag:s4] =	ssyncadd.s32 $0xFFFF8000  }
0x24e: {  	[hbm4b:s28+s6] =	stream.strided.scatter [tilespmem:s3], [sflag:$0x3], $0x8000, s9, s6, $0x38;
	[tilespmem:$0x16400] =	vst v63  }
0x24f: {  	_ =	swait.ge [sflag:s7], $0x8000  }
0x250: {  	[sflag:s7] =	ssyncset.done $0x0  }
0x251: {  	[sflag:s7] =	ssyncadd.s32 $0xFFFF8000  }
0x252: {  	[tilespmem:s3], [sflag:$0x1] =	stream.indirect.gather [hbm4b:s2+s8], $0x20, s25, s8, $0xb8;
	[tilespmem:$0x16400] =	vst v63  }
0x253: {  	_ =	swait.ge [sflag:s11], $0x8000  }
0x254: {  	[sflag:s11] =	ssyncset.done $0x0  }
0x255: {  	s29 =	rddreg [dreg:$0xf];
	[sflag:s11] =	ssyncadd.s32 $0xFFFF8000  }
0x256: {  	[hbm4b:s29+s6] =	stream.strided.scatter [tilespmem:s5], [sflag:$0x4], $0x8000, s9, s6, $0x38;
	[tilespmem:$0x16400] =	vst v63  }
0x257: {  	_ =	swait.ge [sflag:s10], $0x8000  }
0x258: {  	[sflag:s10] =	ssyncset.done $0x0  }
0x259: {  	[sflag:s10] =	ssyncadd.s32 $0xFFFF8000  }
0x25a: {  	[tilespmem:s5], [sflag:$0x2] =	stream.indirect.gather [hbm4b:s2+s8], $0x20, s24, s8, $0xb8;
	[tilespmem:$0x16400] =	vst v63  }
0x25b: {  	_ =	swait.ge [sflag:s4], $0x8000  }
0x25c: {  	[sflag:s4] =	ssyncset.done $0x0  }
0x25d: {  	s30 =	rddreg [dreg:$0x10];
	[sflag:s4] =	ssyncadd.s32 $0xFFFF8000  }
0x25e: {  	[hbm4b:s30+s6] =	stream.strided.scatter [tilespmem:s3], [sflag:$0x3], $0x8000, s9, s6, $0x38;
	[tilespmem:$0x16400] =	vst v63  }
0x25f: {  	_ =	swait.ge [sflag:s7], $0x8000  }
0x260: {  	[sflag:s7] =	ssyncset.done $0x0  }
0x261: {  	[sflag:s7] =	ssyncadd.s32 $0xFFFF8000  }
0x262: {  	[tilespmem:s3], [sflag:$0x1] =	stream.indirect.gather [hbm4b:s2+s8], $0x20, s23, s8, $0xb8;
	[tilespmem:$0x16400] =	vst v63  }
0x263: {  	_ =	swait.ge [sflag:s11], $0x8000  }
0x264: {  	[sflag:s11] =	ssyncset.done $0x0  }
0x265: {  	s31 =	rddreg [dreg:$0x11];
	[sflag:s11] =	ssyncadd.s32 $0xFFFF8000  }
0x266: {  	[hbm4b:s31+s6] =	stream.strided.scatter [tilespmem:s5], [sflag:$0x4], $0x8000, s9, s6, $0x38;
	[tilespmem:$0x16400] =	vst v63  }
0x267: {  	_ =	swait.ge [sflag:s10], $0x8000  }
0x268: {  	[sflag:s10] =	ssyncset.done $0x0  }
0x269: {  	[sflag:s10] =	ssyncadd.s32 $0xFFFF8000  }
0x26a: {  	[tilespmem:s5], [sflag:$0x2] =	stream.indirect.gather [hbm4b:s2+s8], $0x20, s22, s8, $0xb8;
	[tilespmem:$0x16400] =	vst v63  }
0x26b: {  	_ =	swait.ge [sflag:s4], $0x8000  }
0x26c: {  	[sflag:s4] =	ssyncset.done $0x0  }
0x26d: {  	s1 =	rddreg [dreg:$0x12];
	[sflag:s4] =	ssyncadd.s32 $0xFFFF8000  }
0x26e: {  	[hbm4b:s1+s6] =	stream.strided.scatter [tilespmem:s3], [sflag:$0x3], $0x8000, s9, s6, $0x38;
	[tilespmem:$0x16400] =	vst v63  }
0x26f: {  	_ =	swait.ge [sflag:s7], $0x8000  }
0x270: {  	[sflag:s7] =	ssyncset.done $0x0  }
0x271: {  	[sflag:s7] =	ssyncadd.s32 $0xFFFF8000  }
0x272: {  	[tilespmem:s3], [sflag:$0x1] =	stream.indirect.gather [hbm4b:s2+s8], $0x20, s21, s8, $0xb8;
	[tilespmem:$0x16400] =	vst v63  }
0x273: {  	_ =	swait.ge [sflag:s11], $0x8000  }
0x274: {  	[sflag:s11] =	ssyncset.done $0x0  }
0x275: {  	s12 =	rddreg [dreg:$0x13];
	[sflag:s11] =	ssyncadd.s32 $0xFFFF8000  }
0x276: {  	[hbm4b:s12+s6] =	stream.strided.scatter [tilespmem:s5], [sflag:$0x4], $0x8000, s9, s6, $0x38;
	[tilespmem:$0x16400] =	vst v63  }
0x277: {  	_ =	swait.ge [sflag:s10], $0x8000  }
0x278: {  	[sflag:s10] =	ssyncset.done $0x0  }
0x279: {  	[sflag:s10] =	ssyncadd.s32 $0xFFFF8000  }
0x27a: {  	[tilespmem:s5], [sflag:$0x2] =	stream.indirect.gather [hbm4b:s2+s8], $0x20, s20, s8, $0xb8;
	[tilespmem:$0x16400] =	vst v63  }
0x27b: {  	_ =	swait.ge [sflag:s4], $0x8000  }
0x27c: {  	[sflag:s4] =	ssyncset.done $0x0  }
0x27d: {  	s21 =	rddreg [dreg:$0x14];
	[sflag:s4] =	ssyncadd.s32 $0xFFFF8000  }
0x27e: {  	[hbm4b:s21+s6] =	stream.strided.scatter [tilespmem:s3], [sflag:$0x3], $0x8000, s9, s6, $0x38;
	[tilespmem:$0x16400] =	vst v63  }
0x27f: {  	_ =	swait.ge [sflag:s7], $0x8000  }
0x280: {  	[sflag:s7] =	ssyncset.done $0x0  }
0x281: {  	[sflag:s7] =	ssyncadd.s32 $0xFFFF8000  }
0x282: {  	[tilespmem:s3], [sflag:$0x1] =	stream.indirect.gather [hbm4b:s2+s8], $0x20, s19, s8, $0xb8;
	[tilespmem:$0x16400] =	vst v63  }
0x283: {  	_ =	swait.ge [sflag:s11], $0x8000  }
0x284: {  	[sflag:s11] =	ssyncset.done $0x0  }
0x285: {  	s22 =	rddreg [dreg:$0x15];
	[sflag:s11] =	ssyncadd.s32 $0xFFFF8000  }
0x286: {  	[hbm4b:s22+s6] =	stream.strided.scatter [tilespmem:s5], [sflag:$0x4], $0x8000, s9, s6, $0x38;
	[tilespmem:$0x16400] =	vst v63  }
0x287: {  	_ =	swait.ge [sflag:s10], $0x8000  }
0x288: {  	[sflag:s10] =	ssyncset.done $0x0  }
0x289: {  	[sflag:s10] =	ssyncadd.s32 $0xFFFF8000  }
0x28a: {  	[tilespmem:s5], [sflag:$0x2] =	stream.indirect.gather [hbm4b:s2+s8], $0x20, s18, s8, $0xb8;
	[tilespmem:$0x16400] =	vst v63  }
0x28b: {  	_ =	swait.ge [sflag:s4], $0x8000  }
0x28c: {  	[sflag:s4] =	ssyncset.done $0x0  }
0x28d: {  	s23 =	rddreg [dreg:$0x16];
	[sflag:s4] =	ssyncadd.s32 $0xFFFF8000  }
0x28e: {  	[hbm4b:s23+s6] =	stream.strided.scatter [tilespmem:s3], [sflag:$0x3], $0x8000, s9, s6, $0x38;
	[tilespmem:$0x16400] =	vst v63  }
0x28f: {  	_ =	swait.ge [sflag:s7], $0x8000  }
0x290: {  	[sflag:s7] =	ssyncset.done $0x0  }
0x291: {  	[sflag:s7] =	ssyncadd.s32 $0xFFFF8000  }
0x292: {  	[tilespmem:s3], [sflag:$0x1] =	stream.indirect.gather [hbm4b:s2+s8], $0x20, s17, s8, $0xb8;
	[tilespmem:$0x16400] =	vst v63  }
0x293: {  	_ =	swait.ge [sflag:s11], $0x8000  }
0x294: {  	[sflag:s11] =	ssyncset.done $0x0  }
0x295: {  	s24 =	rddreg [dreg:$0x17];
	[sflag:s11] =	ssyncadd.s32 $0xFFFF8000  }
0x296: {  	[hbm4b:s24+s6] =	stream.strided.scatter [tilespmem:s5], [sflag:$0x4], $0x8000, s9, s6, $0x38;
	[tilespmem:$0x16400] =	vst v63  }
0x297: {  	_ =	swait.ge [sflag:s10], $0x8000  }
0x298: {  	[sflag:s10] =	ssyncset.done $0x0  }
0x299: {  	[sflag:s10] =	ssyncadd.s32 $0xFFFF8000  }
0x29a: {  	[tilespmem:s5], [sflag:$0x2] =	stream.indirect.gather [hbm4b:s2+s8], $0x20, s16, s8, $0xb8;
	[tilespmem:$0x16400] =	vst v63  }
0x29b: {  	_ =	swait.ge [sflag:s4], $0x8000  }
0x29c: {  	[sflag:s4] =	ssyncset.done $0x0  }
0x29d: {  	s25 =	rddreg [dreg:$0x18];
	[sflag:s4] =	ssyncadd.s32 $0xFFFF8000  }
0x29e: {  	[hbm4b:s25+s6] =	stream.strided.scatter [tilespmem:s3], [sflag:$0x3], $0x8000, s9, s6, $0x38;
	[tilespmem:$0x16400] =	vst v63  }
0x29f: {  	_ =	swait.ge [sflag:s7], $0x8000  }
0x2a0: {  	[sflag:s7] =	ssyncset.done $0x0  }
0x2a1: {  	[sflag:s7] =	ssyncadd.s32 $0xFFFF8000  }
0x2a2: {  	[tilespmem:s3], [sflag:$0x1] =	stream.indirect.gather [hbm4b:s2+s8], $0x20, s15, s8, $0xb8;
	[tilespmem:$0x16400] =	vst v63  }
0x2a3: {  	_ =	swait.ge [sflag:s11], $0x8000  }
0x2a4: {  	[sflag:s11] =	ssyncset.done $0x0  }
0x2a5: {  	s26 =	rddreg [dreg:$0x19];
	[sflag:s11] =	ssyncadd.s32 $0xFFFF8000  }
0x2a6: {  	[hbm4b:s26+s6] =	stream.strided.scatter [tilespmem:s5], [sflag:$0x4], $0x8000, s9, s6, $0x38;
	[tilespmem:$0x16400] =	vst v63  }
0x2a7: {  	_ =	swait.ge [sflag:s10], $0x8000  }
0x2a8: {  	[sflag:s10] =	ssyncset.done $0x0  }
0x2a9: {  	[sflag:s10] =	ssyncadd.s32 $0xFFFF8000  }
0x2aa: {  	[tilespmem:s5], [sflag:$0x2] =	stream.indirect.gather [hbm4b:s2+s8], $0x20, s14, s8, $0xb8;
	[tilespmem:$0x16400] =	vst v63  }
0x2ab: {  	_ =	swait.ge [sflag:s4], $0x8000  }
0x2ac: {  	[sflag:s4] =	ssyncset.done $0x0  }
0x2ad: {  	s28 =	rddreg [dreg:$0x1a];
	[sflag:s4] =	ssyncadd.s32 $0xFFFF8000  }
0x2ae: {  	[hbm4b:s28+s6] =	stream.strided.scatter [tilespmem:s3], [sflag:$0x3], $0x8000, s9, s6, $0x38;
	[tilespmem:$0x16400] =	vst v63  }
0x2af: {  	_ =	swait.ge [sflag:s7], $0x8000  }
0x2b0: {  	[sflag:s7] =	ssyncset.done $0x0  }
0x2b1: {  	[sflag:s7] =	ssyncadd.s32 $0xFFFF8000  }
0x2b2: {  	[tilespmem:s3], [sflag:$0x1] =	stream.indirect.gather [hbm4b:s2+s8], $0x20, s13, s8, $0xb8;
	[tilespmem:$0x16400] =	vst v63  }
0x2b3: {  	_ =	swait.ge [sflag:s11], $0x8000  }
0x2b4: {  	[sflag:s11] =	ssyncset.done $0x0  }
0x2b5: {  	s29 =	rddreg [dreg:$0x1b];
	[sflag:s11] =	ssyncadd.s32 $0xFFFF8000  }
0x2b6: {  	[hbm4b:s29+s6] =	stream.strided.scatter [tilespmem:s5], [sflag:$0x4], $0x8000, s9, s6, $0x38;
	[tilespmem:$0x16400] =	vst v63  }
0x2b7: {  	_ =	swait.ge [sflag:s4], $0x8000  }
0x2b8: {  	[sflag:s4] =	ssyncset.done $0x0  }
0x2b9: {  	s30 =	rddreg [dreg:$0x1c];
	[sflag:s4] =	ssyncadd.s32 $0xFFFF8000  }
0x2ba: {  	[hbm4b:s30+s6] =	stream.strided.scatter [tilespmem:s3], [sflag:$0x3], $0x8000, s9, s6, $0x38;
	[tilespmem:$0x16400] =	vst v63  }
0x2bb: {  	_ =	swait.ge [sflag:s10], $0x8000  }
0x2bc: {  	[sflag:s10] =	ssyncset.done $0x0  }
0x2bd: {  	[sflag:s10] =	ssyncadd.s32 $0xFFFF8000  }
0x2be: {  	_ =	swait.ge [sflag:s7], $0x8000  }
0x2bf: {  	[sflag:s7] =	ssyncset.done $0x0  }
0x2c0: {  	[sflag:s7] =	ssyncadd.s32 $0xFFFF8000  }
0x2c1: {  	_ =	sfence.sel $0x180000  }
0x2c2: {  	[bflag:$0x0] =	sbarrier.arrive $0xFFFF  }
0x2c3: {  	_ =	strace $0x90000047  }
0x2c4: {  	s31 =	stileid.u32;
	[bflag:$0x2] =	sbarrier.arrive $0xFFFF  }
0x2c5: {  	p0 =	sne.s32 s31, $0x0;
	s0 =	rddreg [dreg:$0x2]  }
0x2c6: {  	s0 =	sadd.s32 @!p0 $0x100000, s0  }
0x2c7: {  	[sflag:s0] =	ssyncadd.tile.s32 @!p0 $0x1;
	_ =	shalt  }
.Lfunc_end2:
_tile_overlayer_lowered:
.L_overlay_start_2:
0x2c8: {  	(tag) =	ssettag $0x2  }
0x2c9: {  	s0 =	rddreg [dreg:$0x0];
	s2 =	stileid.u32  }
0x2ca: {  	s1 =	rddreg [dreg:$0x1];
	p0 =	sne.s32 s2, $0x0  }
0x2cb: {  	s3 =	rddreg [dreg:$0x2];
	[bflag:$0x3] =	sbarrier.arrive $0xFFFF;
	s2 =	simm.s32 @!p0 $0x1C05  }
0x2cc: {  	[timem:s3], [sflag:s2] =	dma.local @!p0 [hbm:s0], s1  }
0x2cd: {  	s0 =	simm.s32 @!p0 $0x5  }
0x2ce: {  	_ =	swait.ge @!p0 [sflag:s0], s1  }
0x2cf: {  	s1 =	ssub.s32 @!p0 $0x0, s1;
	[sflag:s0] =	ssyncset.done @!p0 $0x0  }
0x2d0: {  	[sflag:s0] =	ssyncadd.s32 @!p0 s1  }
0x2d1: {  	[bflag:$0x3] =	sbarrier.arrive $0xFFFF  }
0x2d2: {  	_ =	shalt  }

</sc_bundles>
